<compile_context>
chip_gen: v7x
topology: tpu7x:2x2x1
jax: 0.10.2.dev20260603
libtpu: 0.0.44.dev20260713+nightly
codegen_flags: <defaults>
</compile_context>

<pallas_src>
import functools

import jax
import jax.numpy as jnp
from jax import lax
from jax.experimental import pallas as pl
from jax.experimental.pallas import tpu as pltpu
from jax.experimental.pallas import tpu_sc as plsc

N_EXPERTS = 8
D_MODEL = 1024
EXPERT_FF = 512
TOP_K = 2
T_STEPS = 4
N_TOK = 2048
BETA = 0.9
V_TH = 1.0

N_PAIRS = N_TOK * TOP_K
PB = 256
NBMAX = N_PAIRS // PB + N_EXPERTS - 1
P_PAD = NBMAX * PB

NW = 32
S_ROWS = T_STEPS * N_TOK
S_PER_W = S_ROWS // NW
S_CHUNK = 32
C_ROWS = T_STEPS * N_TOK
C_PER_W = C_ROWS // NW
C_CHUNK = 16


@functools.lru_cache(maxsize=None)
def _sc_kernels():
    mesh = plsc.VectorSubcoreMesh(
        core_axis_name="c", subcore_axis_name="s", num_cores=2,
        num_subcores=16)

    @functools.partial(
        pl.kernel,
        out_type=jax.ShapeDtypeStruct((T_STEPS * P_PAD, D_MODEL),
                                      jnp.float32),
        mesh=mesh,
        scratch_types=[
            [pltpu.VMEM((S_CHUNK,), jnp.int32)] * 2,
            [pltpu.VMEM((S_CHUNK,), jnp.int32)] * 2,
            [pltpu.VMEM((S_CHUNK, D_MODEL), jnp.float32)] * 2,
            [pltpu.SemaphoreType.DMA] * 2,
            [pltpu.SemaphoreType.DMA] * 2,
            [pltpu.SemaphoreType.DMA] * 2,
        ],
    )
    def sc_dispatch(x_hbm, sidx0_hbm, sidx1_hbm, out_hbm, i0_v, i1_v,
                    rows_v, lsem, s0sem, s1sem):
        wid = lax.axis_index("s") * 2 + lax.axis_index("c")
        base = wid * S_PER_W
        n_chunks = S_PER_W // S_CHUNK
        ld = [None, None]
        sc0 = [None, None]
        sc1 = [None, None]
        for c in range(n_chunks):
            b = c % 2
            o = base + c * S_CHUNK
            if sc0[b] is not None:
                sc0[b].wait()
                sc1[b].wait()
            pltpu.sync_copy(sidx0_hbm.at[pl.ds(o, S_CHUNK)], i0_v[b])
            pltpu.sync_copy(sidx1_hbm.at[pl.ds(o, S_CHUNK)], i1_v[b])
            ld[b] = pltpu.async_copy(
                x_hbm.at[pl.ds(o, S_CHUNK)], rows_v[b], lsem[b])
            if c > 0:
                p = 1 - b
                ld[p].wait()
                sc0[p] = pltpu.async_copy(
                    rows_v[p], out_hbm.at[i0_v[p]], s0sem[p])
                sc1[p] = pltpu.async_copy(
                    rows_v[p], out_hbm.at[i1_v[p]], s1sem[p])
        bl = (n_chunks - 1) % 2
        ld[bl].wait()
        pltpu.async_copy(rows_v[bl], out_hbm.at[i0_v[bl]], s0sem[bl]).wait()
        pltpu.async_copy(rows_v[bl], out_hbm.at[i1_v[bl]], s1sem[bl]).wait()
        if sc0[1 - bl] is not None:
            sc0[1 - bl].wait()
            sc1[1 - bl].wait()

    @functools.partial(
        pl.kernel,
        out_type=jax.ShapeDtypeStruct((2 * C_ROWS, D_MODEL), jnp.float32),
        mesh=mesh,
        scratch_types=[
            [pltpu.VMEM((2 * C_CHUNK,), jnp.int32)] * 2,
            [pltpu.VMEM((2 * C_CHUNK, D_MODEL), jnp.float32)] * 2,
            [pltpu.SemaphoreType.DMA] * 2,
            [pltpu.SemaphoreType.DMA] * 2,
        ],
    )
    def sc_combine(y_hbm, cidx_hbm, out_hbm, idx_v, rows_v, gsem, wsem):
        wid = lax.axis_index("s") * 2 + lax.axis_index("c")
        chunk = 2 * C_CHUNK
        base = wid * 2 * C_PER_W
        n_chunks = C_PER_W // C_CHUNK
        gd = [None, None]
        wd = [None, None]
        for c in range(n_chunks):
            b = c % 2
            o = base + c * chunk
            if wd[b] is not None:
                wd[b].wait()
            pltpu.sync_copy(cidx_hbm.at[pl.ds(o, chunk)], idx_v[b])
            gd[b] = pltpu.async_copy(y_hbm.at[idx_v[b]], rows_v[b], gsem[b])
            if c > 0:
                gd[1 - b].wait()
                wd[1 - b] = pltpu.async_copy(
                    rows_v[1 - b],
                    out_hbm.at[pl.ds(base + (c - 1) * chunk, chunk)],
                    wsem[1 - b])
        bl = (n_chunks - 1) % 2
        gd[bl].wait()
        pltpu.sync_copy(
            rows_v[bl],
            out_hbm.at[pl.ds(base + (n_chunks - 1) * chunk, chunk)])
        if wd[1 - bl] is not None:
            wd[1 - bl].wait()

    return sc_dispatch, sc_combine


def _add_body(ya_ref, yb_ref, w_ref, out_ref):
    w0 = w_ref[:, 0][:, None]
    w1 = w_ref[:, 1][:, None]
    out_ref[...] = ya_ref[0] * w0 + yb_ref[0] * w1


def _ffn_body(meta_ref, xg_ref, wup_ref, wdn_ref, y_ref, s_scratch):
    j = pl.program_id(0)
    ln = meta_ref[1, j]

    @pl.when(ln > 0)
    def _():
        xf = xg_ref[...].reshape(T_STEPS * PB, D_MODEL)
        h = lax.dot_general(
            xf, wup_ref[0], (((1,), (1,)), ((), ())),
            preferred_element_type=jnp.float32)

        v = jnp.zeros((PB, EXPERT_FF), jnp.float32)
        for t in range(T_STEPS):
            v = BETA * v + h[t * PB:(t + 1) * PB, :]
            s = (v >= V_TH).astype(jnp.float32)
            v = v - s * V_TH
            s_scratch[t * PB:(t + 1) * PB, :] = s

        o = lax.dot_general(
            s_scratch[...], wdn_ref[0], (((1,), (1,)), ((), ())),
            preferred_element_type=jnp.float32)

        v2 = jnp.zeros((PB, D_MODEL), jnp.float32)
        for t in range(T_STEPS):
            v2 = BETA * v2 + o[t * PB:(t + 1) * PB, :]
            s2 = (v2 >= V_TH).astype(jnp.float32)
            v2 = v2 - s2 * V_TH
            y_ref[t] = s2


def _routing_metadata(expert_indices):
    e_flat = expert_indices.reshape(-1).astype(jnp.int32)
    oh = (e_flat[:, None] ==
          jnp.arange(N_EXPERTS, dtype=jnp.int32)[None, :]).astype(jnp.int32)
    csum = jnp.cumsum(oh, axis=0)
    counts = csum[-1]
    local_rank = jnp.sum(oh * (csum - oh), axis=1)

    blocks_per_e = (counts + PB - 1) // PB
    blk_start = jnp.concatenate(
        [jnp.zeros((1,), jnp.int32),
         jnp.cumsum(blocks_per_e).astype(jnp.int32)])
    blk_start_p = jnp.sum(oh * blk_start[None, :N_EXPERTS], axis=1)
    slotp = blk_start_p * PB + local_rank

    n_blocks = blk_start[N_EXPERTS]
    j = jnp.arange(NBMAX, dtype=jnp.int32)
    j_eff = jnp.minimum(j, n_blocks - 1)
    blk_e = jnp.clip(
        jnp.searchsorted(blk_start, j_eff, side='right').astype(jnp.int32)
        - 1, 0, N_EXPERTS - 1)
    blk_len = jnp.clip(counts[blk_e] - (j_eff - blk_start[blk_e]) * PB,
                       0, PB)
    blk_len = jnp.where(j < n_blocks, blk_len, 0)
    meta = jnp.stack([blk_e, blk_len])

    tt = jnp.arange(T_STEPS, dtype=jnp.int32)[:, None] * P_PAD
    sidx0 = (tt + slotp[0::TOP_K][None, :]).reshape(-1)
    sidx1 = (tt + slotp[1::TOP_K][None, :]).reshape(-1)
    cidx = jnp.concatenate([sidx0, sidx1])
    return sidx0, sidx1, cidx, meta


def kernel(x, expert_indices, expert_weights, W_up, W_down):
    T, N, D = x.shape
    sidx0, sidx1, cidx, meta = _routing_metadata(expert_indices)

    sc_dispatch, sc_combine = _sc_kernels()
    xg = sc_dispatch(x.reshape(T * N, D), sidx0, sidx1)
    xg = xg.reshape(T_STEPS, P_PAD, D)

    grid_spec = pltpu.PrefetchScalarGridSpec(
        num_scalar_prefetch=1,
        grid=(NBMAX,),
        in_specs=[
            pl.BlockSpec((T_STEPS, PB, D_MODEL), lambda j, m: (0, j, 0)),
            pl.BlockSpec((1, EXPERT_FF, D_MODEL), lambda j, m: (m[0, j], 0, 0)),
            pl.BlockSpec((1, D_MODEL, EXPERT_FF), lambda j, m: (m[0, j], 0, 0)),
        ],
        out_specs=pl.BlockSpec((T_STEPS, PB, D_MODEL), lambda j, m: (0, j, 0)),
        scratch_shapes=[pltpu.VMEM((T_STEPS * PB, EXPERT_FF), jnp.float32)],
    )
    y = pl.pallas_call(
        _ffn_body,
        grid_spec=grid_spec,
        out_shape=jax.ShapeDtypeStruct((T_STEPS, P_PAD, D_MODEL), jnp.float32),
    )(meta, xg, W_up, W_down)

    y2 = sc_combine(y.reshape(T_STEPS * P_PAD, D), cidx)
    y2 = y2.reshape(2, C_ROWS, D)
    w_c = jnp.broadcast_to(expert_weights[None], (T_STEPS, N, TOP_K))
    w_c = w_c.reshape(C_ROWS, TOP_K)

    add_rows = 512
    out = pl.pallas_call(
        _add_body,
        grid=(C_ROWS // add_rows,),
        in_specs=[
            pl.BlockSpec((1, add_rows, D_MODEL), lambda i: (0, i, 0)),
            pl.BlockSpec((1, add_rows, D_MODEL), lambda i: (1, i, 0)),
            pl.BlockSpec((add_rows, TOP_K), lambda i: (i, 0)),
        ],
        out_specs=pl.BlockSpec((add_rows, D_MODEL), lambda i: (i, 0)),
        out_shape=jax.ShapeDtypeStruct((C_ROWS, D_MODEL), jnp.float32),
    )(y2, y2, w_c)
    return out.reshape(T, N, D)

# --- scband reference (transcript-rebuilt; emitter-appended) ---
"""Pipeline reference for scband-spiking-expert-group-25262997636016 (READ-ONLY COPY).

The authoritative reference and input builder live on the scoring server;
editing this copy changes nothing except your own understanding.
"""

import jax, jax.numpy as jnp
import numpy as np

N_EXPERTS = 8
D_MODEL = 1024
D_FF = 4096
EXPERT_FF = D_FF // N_EXPERTS
TOP_K = 2
T_STEPS = 4
N_TOK = 2048
BETA = 0.9
V_TH = 1.0


def spike_fn(u):
    return (u >= 0.0).astype(u.dtype)


def lif(x):
    # x: (T, ..., dim). LIF dynamics: v <- beta*v + I; spike = H(v - vth); soft reset.
    def step(v, xt):
        v = BETA * v + xt
        s = spike_fn(v - V_TH)
        v = v - s * V_TH
        return v, s
    _, spikes = jax.lax.scan(step, jnp.zeros_like(x[0]), x)
    return spikes


def setup_inputs(seed: int = 0) -> dict:
    key = jax.random.key(seed)
    k1, k2, k3, k4, k5 = jax.random.split(key, 5)
    x = jax.random.normal(k1, (T_STEPS, N_TOK, D_MODEL), dtype=jnp.float32)
    expert_indices = jax.random.randint(k2, (N_TOK, TOP_K), 0, N_EXPERTS)
    expert_weights = jax.random.uniform(k3, (N_TOK, TOP_K), dtype=jnp.float32)
    expert_weights = expert_weights / jnp.sum(expert_weights, axis=-1, keepdims=True)
    # per-expert Linear weights (torch nn.Linear stores (out, in))
    W_up = jax.random.normal(k4, (N_EXPERTS, EXPERT_FF, D_MODEL), dtype=jnp.float32) * 0.02
    W_down = jax.random.normal(k5, (N_EXPERTS, D_MODEL, EXPERT_FF), dtype=jnp.float32) * 0.02
    return {"x": x, "expert_indices": expert_indices, "expert_weights": expert_weights,
            "W_up": W_up, "W_down": W_down}


def reference(x, expert_indices, expert_weights, W_up, W_down):
    T, N, D = x.shape
    E = W_up.shape[0]
    top_k = expert_indices.shape[1]
    output = jnp.zeros_like(x)
    for e in range(E):
        mask = jnp.zeros((N,), dtype=x.dtype)
        for k in range(top_k):
            is_e = (expert_indices[:, k] == e).astype(x.dtype)
            mask = mask + is_e * expert_weights[:, k]
        # dense dispatch: tokens with mask==0 contribute exactly zero, identical math
        h = jnp.einsum('tnd,fd->tnf', x, W_up[e])
        h = lif(h)
        o = jnp.einsum('tnf,df->tnd', h, W_down[e])
        o = lif(o)
        output = output + o * mask[None, :, None]
    return output

if __name__ == "__main__":
    import jax
    _d = setup_inputs()
    print(jax.jit(kernel)(*tuple(_d.values())))

</pallas_src>

<mosaic_0001>
#map = affine_map<(d0, d1) -> (0, 0)>
#map1 = affine_map<(d0, d1) -> (0)>
module attributes {stable_mosaic.version = 14 : i64} {
  func.func @sc_combine(%arg0: i32, %arg1: i32, %arg2: memref<23552x1024xf32, #tpu.memory_space<hbm>>, %arg3: memref<16384xi32, #tpu.memory_space<hbm>>, %arg4: memref<16384x1024xf32, #tpu.memory_space<hbm>>, %arg5: memref<32xi32, #tpu.memory_space<vmem>>, %arg6: memref<32xi32, #tpu.memory_space<vmem>>, %arg7: memref<32x1024xf32, #tpu.memory_space<vmem>>, %arg8: memref<32x1024xf32, #tpu.memory_space<vmem>>, %arg9: memref<!tpu.dma_semaphore, #tpu.memory_space<semaphore_mem>>, %arg10: memref<!tpu.dma_semaphore, #tpu.memory_space<semaphore_mem>>, %arg11: memref<!tpu.dma_semaphore, #tpu.memory_space<semaphore_mem>>, %arg12: memref<!tpu.dma_semaphore, #tpu.memory_space<semaphore_mem>>) attributes {dimension_semantics = [#tpu.dimension_semantics<core_parallel>, #tpu.dimension_semantics<subcore_parallel>], iteration_bounds = array<i64: 2, 16>, scalar_prefetch = 0 : i64, scratch_operands = 8 : i64, tpu.core_type = #tpu.core_type<sc_vector_subcore>, window_params = [{transform_indices = #map}, {transform_indices = #map1}, {transform_indices = #map}]} {
    %mul3A = arith.constant 2 : i32
    %mul3A_0 = arith.muli %arg1, %mul3A : i32
    %add3A = arith.addi %mul3A_0, %arg0 : i32
    %mul3A_1 = arith.constant 2 : i32
    %mul3A_2 = arith.muli %add3A, %mul3A_1 : i32
    %mul3A_3 = arith.constant 256 : i32
    %mul3A_4 = arith.muli %mul3A_2, %mul3A_3 : i32
    %add3A_5 = arith.constant 0 : i32
    %add3A_6 = arith.addi %mul3A_4, %add3A_5 : i32
    "tpu.region"() ({
      %run_scoped3A = tpu.sem_alloc : memref<!tpu.dma_semaphore, #tpu.memory_space<semaphore_mem>>
      %dma_start3A_283 = tpu.memref_slice %arg3[%add3A_6] : memref<16384xi32, #tpu.memory_space<hbm>> -> memref<32xi32, #tpu.memory_space<hbm>>
      %dma_start3A_284 = tpu.memref_slice %arg3[%add3A_6] : memref<16384xi32, #tpu.memory_space<hbm>> -> memref<32xi32, #tpu.memory_space<hbm>>
      tpu.enqueue_dma source(%dma_start3A_284 : memref<32xi32, #tpu.memory_space<hbm>>) target(%arg5 : memref<32xi32, #tpu.memory_space<vmem>>) target_semaphore(%run_scoped3A : memref<!tpu.dma_semaphore, #tpu.memory_space<semaphore_mem>>)
      %dma_wait3A_285 = tpu.memref_slice %arg3[%add3A_6] : memref<16384xi32, #tpu.memory_space<hbm>> -> memref<32xi32, #tpu.memory_space<hbm>>
      %dma_wait3A_286 = tpu.memref_slice %arg3[%add3A_6] : memref<16384xi32, #tpu.memory_space<hbm>> -> memref<32xi32, #tpu.memory_space<hbm>>
      tpu.wait_dma2 semaphore(%run_scoped3A : memref<!tpu.dma_semaphore, #tpu.memory_space<semaphore_mem>>) src(%dma_wait3A_286 : memref<32xi32, #tpu.memory_space<hbm>>) dst(%arg5 : memref<32xi32, #tpu.memory_space<vmem>>)
      tpu.yield
    }) : () -> ()
    %dma_start3A = arith.constant 0 : i32
    %dma_start3A_7 = arith.constant 0 : i32
    %dma_start3A_8 = tpu.memref_slice %arg2[%dma_start3A, %dma_start3A_7] : memref<23552x1024xf32, #tpu.memory_space<hbm>> -> memref<23552x1024xf32, #tpu.memory_space<hbm>>
    tpu.enqueue_indirect_dma source(%dma_start3A_8 : memref<23552x1024xf32, #tpu.memory_space<hbm>>) target(%arg7 : memref<32x1024xf32, #tpu.memory_space<vmem>>) offsets(%arg5 : memref<32xi32, #tpu.memory_space<vmem>>) semaphore(%arg9 : memref<!tpu.dma_semaphore, #tpu.memory_space<semaphore_mem>>)
    %add3A_9 = arith.constant 32 : i32
    %add3A_10 = arith.addi %mul3A_4, %add3A_9 : i32
    "tpu.region"() ({
      %run_scoped3A = tpu.sem_alloc : memref<!tpu.dma_semaphore, #tpu.memory_space<semaphore_mem>>
      %dma_start3A_283 = tpu.memref_slice %arg3[%add3A_10] : memref<16384xi32, #tpu.memory_space<hbm>> -> memref<32xi32, #tpu.memory_space<hbm>>
      %dma_start3A_284 = tpu.memref_slice %arg3[%add3A_10] : memref<16384xi32, #tpu.memory_space<hbm>> -> memref<32xi32, #tpu.memory_space<hbm>>
      tpu.enqueue_dma source(%dma_start3A_284 : memref<32xi32, #tpu.memory_space<hbm>>) target(%arg6 : memref<32xi32, #tpu.memory_space<vmem>>) target_semaphore(%run_scoped3A : memref<!tpu.dma_semaphore, #tpu.memory_space<semaphore_mem>>)
      %dma_wait3A_285 = tpu.memref_slice %arg3[%add3A_10] : memref<16384xi32, #tpu.memory_space<hbm>> -> memref<32xi32, #tpu.memory_space<hbm>>
      %dma_wait3A_286 = tpu.memref_slice %arg3[%add3A_10] : memref<16384xi32, #tpu.memory_space<hbm>> -> memref<32xi32, #tpu.memory_space<hbm>>
      tpu.wait_dma2 semaphore(%run_scoped3A : memref<!tpu.dma_semaphore, #tpu.memory_space<semaphore_mem>>) src(%dma_wait3A_286 : memref<32xi32, #tpu.memory_space<hbm>>) dst(%arg6 : memref<32xi32, #tpu.memory_space<vmem>>)
      tpu.yield
    }) : () -> ()
    %dma_start3A_11 = arith.constant 0 : i32
    %dma_start3A_12 = arith.constant 0 : i32
    %dma_start3A_13 = tpu.memref_slice %arg2[%dma_start3A_11, %dma_start3A_12] : memref<23552x1024xf32, #tpu.memory_space<hbm>> -> memref<23552x1024xf32, #tpu.memory_space<hbm>>
    tpu.enqueue_indirect_dma source(%dma_start3A_13 : memref<23552x1024xf32, #tpu.memory_space<hbm>>) target(%arg8 : memref<32x1024xf32, #tpu.memory_space<vmem>>) offsets(%arg6 : memref<32xi32, #tpu.memory_space<vmem>>) semaphore(%arg10 : memref<!tpu.dma_semaphore, #tpu.memory_space<semaphore_mem>>)
    %dma_wait3A = arith.constant 0 : i32
    %dma_wait3A_14 = arith.constant 0 : i32
    %dma_wait3A_15 = tpu.memref_slice %arg2[%dma_wait3A, %dma_wait3A_14] : memref<23552x1024xf32, #tpu.memory_space<hbm>> -> memref<23552x1024xf32, #tpu.memory_space<hbm>>
    tpu.wait_indirect_dma semaphore(%arg9 : memref<!tpu.dma_semaphore, #tpu.memory_space<semaphore_mem>>) src(%dma_wait3A_15 : memref<23552x1024xf32, #tpu.memory_space<hbm>>) dst(%arg7 : memref<32x1024xf32, #tpu.memory_space<vmem>>)
    %add3A_16 = arith.constant 0 : i32
    %add3A_17 = arith.addi %mul3A_4, %add3A_16 : i32
    %dma_start3A_18 = arith.constant 0 : i32
    %dma_start3A_19 = tpu.memref_slice %arg4[%add3A_17, %dma_start3A_18] : memref<16384x1024xf32, #tpu.memory_space<hbm>> -> memref<32x1024xf32, #tpu.memory_space<hbm>>
    %dma_start3A_20 = arith.constant 0 : i32
    %dma_start3A_21 = tpu.memref_slice %arg4[%add3A_17, %dma_start3A_20] : memref<16384x1024xf32, #tpu.memory_space<hbm>> -> memref<32x1024xf32, #tpu.memory_space<hbm>>
    tpu.enqueue_dma source(%arg7 : memref<32x1024xf32, #tpu.memory_space<vmem>>) target(%dma_start3A_21 : memref<32x1024xf32, #tpu.memory_space<hbm>>) target_semaphore(%arg11 : memref<!tpu.dma_semaphore, #tpu.memory_space<semaphore_mem>>)
    %add3A_22 = arith.constant 64 : i32
    %add3A_23 = arith.addi %mul3A_4, %add3A_22 : i32
    %dma_wait3A_24 = arith.constant 0 : i32
    %dma_wait3A_25 = tpu.memref_slice %arg4[%add3A_17, %dma_wait3A_24] : memref<16384x1024xf32, #tpu.memory_space<hbm>> -> memref<32x1024xf32, #tpu.memory_space<hbm>>
    %dma_wait3A_26 = arith.constant 0 : i32
    %dma_wait3A_27 = tpu.memref_slice %arg4[%add3A_17, %dma_wait3A_26] : memref<16384x1024xf32, #tpu.memory_space<hbm>> -> memref<32x1024xf32, #tpu.memory_space<hbm>>
    tpu.wait_dma2 semaphore(%arg11 : memref<!tpu.dma_semaphore, #tpu.memory_space<semaphore_mem>>) src(%arg7 : memref<32x1024xf32, #tpu.memory_space<vmem>>) dst(%dma_wait3A_27 : memref<32x1024xf32, #tpu.memory_space<hbm>>)
    "tpu.region"() ({
      %run_scoped3A = tpu.sem_alloc : memref<!tpu.dma_semaphore, #tpu.memory_space<semaphore_mem>>
      %dma_start3A_283 = tpu.memref_slice %arg3[%add3A_23] : memref<16384xi32, #tpu.memory_space<hbm>> -> memref<32xi32, #tpu.memory_space<hbm>>
      %dma_start3A_284 = tpu.memref_slice %arg3[%add3A_23] : memref<16384xi32, #tpu.memory_space<hbm>> -> memref<32xi32, #tpu.memory_space<hbm>>
      tpu.enqueue_dma source(%dma_start3A_284 : memref<32xi32, #tpu.memory_space<hbm>>) target(%arg5 : memref<32xi32, #tpu.memory_space<vmem>>) target_semaphore(%run_scoped3A : memref<!tpu.dma_semaphore, #tpu.memory_space<semaphore_mem>>)
      %dma_wait3A_285 = tpu.memref_slice %arg3[%add3A_23] : memref<16384xi32, #tpu.memory_space<hbm>> -> memref<32xi32, #tpu.memory_space<hbm>>
      %dma_wait3A_286 = tpu.memref_slice %arg3[%add3A_23] : memref<16384xi32, #tpu.memory_space<hbm>> -> memref<32xi32, #tpu.memory_space<hbm>>
      tpu.wait_dma2 semaphore(%run_scoped3A : memref<!tpu.dma_semaphore, #tpu.memory_space<semaphore_mem>>) src(%dma_wait3A_286 : memref<32xi32, #tpu.memory_space<hbm>>) dst(%arg5 : memref<32xi32, #tpu.memory_space<vmem>>)
      tpu.yield
    }) : () -> ()
    %dma_start3A_28 = arith.constant 0 : i32
    %dma_start3A_29 = arith.constant 0 : i32
    %dma_start3A_30 = tpu.memref_slice %arg2[%dma_start3A_28, %dma_start3A_29] : memref<23552x1024xf32, #tpu.memory_space<hbm>> -> memref<23552x1024xf32, #tpu.memory_space<hbm>>
    tpu.enqueue_indirect_dma source(%dma_start3A_30 : memref<23552x1024xf32, #tpu.memory_space<hbm>>) target(%arg7 : memref<32x1024xf32, #tpu.memory_space<vmem>>) offsets(%arg5 : memref<32xi32, #tpu.memory_space<vmem>>) semaphore(%arg9 : memref<!tpu.dma_semaphore, #tpu.memory_space<semaphore_mem>>)
    %dma_wait3A_31 = arith.constant 0 : i32
    %dma_wait3A_32 = arith.constant 0 : i32
    %dma_wait3A_33 = tpu.memref_slice %arg2[%dma_wait3A_31, %dma_wait3A_32] : memref<23552x1024xf32, #tpu.memory_space<hbm>> -> memref<23552x1024xf32, #tpu.memory_space<hbm>>
    tpu.wait_indirect_dma semaphore(%arg10 : memref<!tpu.dma_semaphore, #tpu.memory_space<semaphore_mem>>) src(%dma_wait3A_33 : memref<23552x1024xf32, #tpu.memory_space<hbm>>) dst(%arg8 : memref<32x1024xf32, #tpu.memory_space<vmem>>)
    %add3A_34 = arith.constant 32 : i32
    %add3A_35 = arith.addi %mul3A_4, %add3A_34 : i32
    %dma_start3A_36 = arith.constant 0 : i32
    %dma_start3A_37 = tpu.memref_slice %arg4[%add3A_35, %dma_start3A_36] : memref<16384x1024xf32, #tpu.memory_space<hbm>> -> memref<32x1024xf32, #tpu.memory_space<hbm>>
    %dma_start3A_38 = arith.constant 0 : i32
    %dma_start3A_39 = tpu.memref_slice %arg4[%add3A_35, %dma_start3A_38] : memref<16384x1024xf32, #tpu.memory_space<hbm>> -> memref<32x1024xf32, #tpu.memory_space<hbm>>
    tpu.enqueue_dma source(%arg8 : memref<32x1024xf32, #tpu.memory_space<vmem>>) target(%dma_start3A_39 : memref<32x1024xf32, #tpu.memory_space<hbm>>) target_semaphore(%arg12 : memref<!tpu.dma_semaphore, #tpu.memory_space<semaphore_mem>>)
    %add3A_40 = arith.constant 96 : i32
    %add3A_41 = arith.addi %mul3A_4, %add3A_40 : i32
    %dma_wait3A_42 = arith.constant 0 : i32
    %dma_wait3A_43 = tpu.memref_slice %arg4[%add3A_35, %dma_wait3A_42] : memref<16384x1024xf32, #tpu.memory_space<hbm>> -> memref<32x1024xf32, #tpu.memory_space<hbm>>
    %dma_wait3A_44 = arith.constant 0 : i32
    %dma_wait3A_45 = tpu.memref_slice %arg4[%add3A_35, %dma_wait3A_44] : memref<16384x1024xf32, #tpu.memory_space<hbm>> -> memref<32x1024xf32, #tpu.memory_space<hbm>>
    tpu.wait_dma2 semaphore(%arg12 : memref<!tpu.dma_semaphore, #tpu.memory_space<semaphore_mem>>) src(%arg8 : memref<32x1024xf32, #tpu.memory_space<vmem>>) dst(%dma_wait3A_45 : memref<32x1024xf32, #tpu.memory_space<hbm>>)
    "tpu.region"() ({
      %run_scoped3A = tpu.sem_alloc : memref<!tpu.dma_semaphore, #tpu.memory_space<semaphore_mem>>
      %dma_start3A_283 = tpu.memref_slice %arg3[%add3A_41] : memref<16384xi32, #tpu.memory_space<hbm>> -> memref<32xi32, #tpu.memory_space<hbm>>
      %dma_start3A_284 = tpu.memref_slice %arg3[%add3A_41] : memref<16384xi32, #tpu.memory_space<hbm>> -> memref<32xi32, #tpu.memory_space<hbm>>
      tpu.enqueue_dma source(%dma_start3A_284 : memref<32xi32, #tpu.memory_space<hbm>>) target(%arg6 : memref<32xi32, #tpu.memory_space<vmem>>) target_semaphore(%run_scoped3A : memref<!tpu.dma_semaphore, #tpu.memory_space<semaphore_mem>>)
      %dma_wait3A_285 = tpu.memref_slice %arg3[%add3A_41] : memref<16384xi32, #tpu.memory_space<hbm>> -> memref<32xi32, #tpu.memory_space<hbm>>
      %dma_wait3A_286 = tpu.memref_slice %arg3[%add3A_41] : memref<16384xi32, #tpu.memory_space<hbm>> -> memref<32xi32, #tpu.memory_space<hbm>>
      tpu.wait_dma2 semaphore(%run_scoped3A : memref<!tpu.dma_semaphore, #tpu.memory_space<semaphore_mem>>) src(%dma_wait3A_286 : memref<32xi32, #tpu.memory_space<hbm>>) dst(%arg6 : memref<32xi32, #tpu.memory_space<vmem>>)
      tpu.yield
    }) : () -> ()
    %dma_start3A_46 = arith.constant 0 : i32
    %dma_start3A_47 = arith.constant 0 : i32
    %dma_start3A_48 = tpu.memref_slice %arg2[%dma_start3A_46, %dma_start3A_47] : memref<23552x1024xf32, #tpu.memory_space<hbm>> -> memref<23552x1024xf32, #tpu.memory_space<hbm>>
    tpu.enqueue_indirect_dma source(%dma_start3A_48 : memref<23552x1024xf32, #tpu.memory_space<hbm>>) target(%arg8 : memref<32x1024xf32, #tpu.memory_space<vmem>>) offsets(%arg6 : memref<32xi32, #tpu.memory_space<vmem>>) semaphore(%arg10 : memref<!tpu.dma_semaphore, #tpu.memory_space<semaphore_mem>>)
    %dma_wait3A_49 = arith.constant 0 : i32
    %dma_wait3A_50 = arith.constant 0 : i32
    %dma_wait3A_51 = tpu.memref_slice %arg2[%dma_wait3A_49, %dma_wait3A_50] : memref<23552x1024xf32, #tpu.memory_space<hbm>> -> memref<23552x1024xf32, #tpu.memory_space<hbm>>
    tpu.wait_indirect_dma semaphore(%arg9 : memref<!tpu.dma_semaphore, #tpu.memory_space<semaphore_mem>>) src(%dma_wait3A_51 : memref<23552x1024xf32, #tpu.memory_space<hbm>>) dst(%arg7 : memref<32x1024xf32, #tpu.memory_space<vmem>>)
    %add3A_52 = arith.constant 64 : i32
    %add3A_53 = arith.addi %mul3A_4, %add3A_52 : i32
    %dma_start3A_54 = arith.constant 0 : i32
    %dma_start3A_55 = tpu.memref_slice %arg4[%add3A_53, %dma_start3A_54] : memref<16384x1024xf32, #tpu.memory_space<hbm>> -> memref<32x1024xf32, #tpu.memory_space<hbm>>
    %dma_start3A_56 = arith.constant 0 : i32
    %dma_start3A_57 = tpu.memref_slice %arg4[%add3A_53, %dma_start3A_56] : memref<16384x1024xf32, #tpu.memory_space<hbm>> -> memref<32x1024xf32, #tpu.memory_space<hbm>>
    tpu.enqueue_dma source(%arg7 : memref<32x1024xf32, #tpu.memory_space<vmem>>) target(%dma_start3A_57 : memref<32x1024xf32, #tpu.memory_space<hbm>>) target_semaphore(%arg11 : memref<!tpu.dma_semaphore, #tpu.memory_space<semaphore_mem>>)
    %add3A_58 = arith.constant 128 : i32
    %add3A_59 = arith.addi %mul3A_4, %add3A_58 : i32
    %dma_wait3A_60 = arith.constant 0 : i32
    %dma_wait3A_61 = tpu.memref_slice %arg4[%add3A_53, %dma_wait3A_60] : memref<16384x1024xf32, #tpu.memory_space<hbm>> -> memref<32x1024xf32, #tpu.memory_space<hbm>>
    %dma_wait3A_62 = arith.constant 0 : i32
    %dma_wait3A_63 = tpu.memref_slice %arg4[%add3A_53, %dma_wait3A_62] : memref<16384x1024xf32, #tpu.memory_space<hbm>> -> memref<32x1024xf32, #tpu.memory_space<hbm>>
    tpu.wait_dma2 semaphore(%arg11 : memref<!tpu.dma_semaphore, #tpu.memory_space<semaphore_mem>>) src(%arg7 : memref<32x1024xf32, #tpu.memory_space<vmem>>) dst(%dma_wait3A_63 : memref<32x1024xf32, #tpu.memory_space<hbm>>)
    "tpu.region"() ({
      %run_scoped3A = tpu.sem_alloc : memref<!tpu.dma_semaphore, #tpu.memory_space<semaphore_mem>>
      %dma_start3A_283 = tpu.memref_slice %arg3[%add3A_59] : memref<16384xi32, #tpu.memory_space<hbm>> -> memref<32xi32, #tpu.memory_space<hbm>>
      %dma_start3A_284 = tpu.memref_slice %arg3[%add3A_59] : memref<16384xi32, #tpu.memory_space<hbm>> -> memref<32xi32, #tpu.memory_space<hbm>>
      tpu.enqueue_dma source(%dma_start3A_284 : memref<32xi32, #tpu.memory_space<hbm>>) target(%arg5 : memref<32xi32, #tpu.memory_space<vmem>>) target_semaphore(%run_scoped3A : memref<!tpu.dma_semaphore, #tpu.memory_space<semaphore_mem>>)
      %dma_wait3A_285 = tpu.memref_slice %arg3[%add3A_59] : memref<16384xi32, #tpu.memory_space<hbm>> -> memref<32xi32, #tpu.memory_space<hbm>>
      %dma_wait3A_286 = tpu.memref_slice %arg3[%add3A_59] : memref<16384xi32, #tpu.memory_space<hbm>> -> memref<32xi32, #tpu.memory_space<hbm>>
      tpu.wait_dma2 semaphore(%run_scoped3A : memref<!tpu.dma_semaphore, #tpu.memory_space<semaphore_mem>>) src(%dma_wait3A_286 : memref<32xi32, #tpu.memory_space<hbm>>) dst(%arg5 : memref<32xi32, #tpu.memory_space<vmem>>)
      tpu.yield
    }) : () -> ()
    %dma_start3A_64 = arith.constant 0 : i32
    %dma_start3A_65 = arith.constant 0 : i32
    %dma_start3A_66 = tpu.memref_slice %arg2[%dma_start3A_64, %dma_start3A_65] : memref<23552x1024xf32, #tpu.memory_space<hbm>> -> memref<23552x1024xf32, #tpu.memory_space<hbm>>
    tpu.enqueue_indirect_dma source(%dma_start3A_66 : memref<23552x1024xf32, #tpu.memory_space<hbm>>) target(%arg7 : memref<32x1024xf32, #tpu.memory_space<vmem>>) offsets(%arg5 : memref<32xi32, #tpu.memory_space<vmem>>) semaphore(%arg9 : memref<!tpu.dma_semaphore, #tpu.memory_space<semaphore_mem>>)
    %dma_wait3A_67 = arith.constant 0 : i32
    %dma_wait3A_68 = arith.constant 0 : i32
    %dma_wait3A_69 = tpu.memref_slice %arg2[%dma_wait3A_67, %dma_wait3A_68] : memref<23552x1024xf32, #tpu.memory_space<hbm>> -> memref<23552x1024xf32, #tpu.memory_space<hbm>>
    tpu.wait_indirect_dma semaphore(%arg10 : memref<!tpu.dma_semaphore, #tpu.memory_space<semaphore_mem>>) src(%dma_wait3A_69 : memref<23552x1024xf32, #tpu.memory_space<hbm>>) dst(%arg8 : memref<32x1024xf32, #tpu.memory_space<vmem>>)
    %add3A_70 = arith.constant 96 : i32
    %add3A_71 = arith.addi %mul3A_4, %add3A_70 : i32
    %dma_start3A_72 = arith.constant 0 : i32
    %dma_start3A_73 = tpu.memref_slice %arg4[%add3A_71, %dma_start3A_72] : memref<16384x1024xf32, #tpu.memory_space<hbm>> -> memref<32x1024xf32, #tpu.memory_space<hbm>>
    %dma_start3A_74 = arith.constant 0 : i32
    %dma_start3A_75 = tpu.memref_slice %arg4[%add3A_71, %dma_start3A_74] : memref<16384x1024xf32, #tpu.memory_space<hbm>> -> memref<32x1024xf32, #tpu.memory_space<hbm>>
    tpu.enqueue_dma source(%arg8 : memref<32x1024xf32, #tpu.memory_space<vmem>>) target(%dma_start3A_75 : memref<32x1024xf32, #tpu.memory_space<hbm>>) target_semaphore(%arg12 : memref<!tpu.dma_semaphore, #tpu.memory_space<semaphore_mem>>)
    %add3A_76 = arith.constant 160 : i32
    %add3A_77 = arith.addi %mul3A_4, %add3A_76 : i32
    %dma_wait3A_78 = arith.constant 0 : i32
    %dma_wait3A_79 = tpu.memref_slice %arg4[%add3A_71, %dma_wait3A_78] : memref<16384x1024xf32, #tpu.memory_space<hbm>> -> memref<32x1024xf32, #tpu.memory_space<hbm>>
    %dma_wait3A_80 = arith.constant 0 : i32
    %dma_wait3A_81 = tpu.memref_slice %arg4[%add3A_71, %dma_wait3A_80] : memref<16384x1024xf32, #tpu.memory_space<hbm>> -> memref<32x1024xf32, #tpu.memory_space<hbm>>
    tpu.wait_dma2 semaphore(%arg12 : memref<!tpu.dma_semaphore, #tpu.memory_space<semaphore_mem>>) src(%arg8 : memref<32x1024xf32, #tpu.memory_space<vmem>>) dst(%dma_wait3A_81 : memref<32x1024xf32, #tpu.memory_space<hbm>>)
    "tpu.region"() ({
      %run_scoped3A = tpu.sem_alloc : memref<!tpu.dma_semaphore, #tpu.memory_space<semaphore_mem>>
      %dma_start3A_283 = tpu.memref_slice %arg3[%add3A_77] : memref<16384xi32, #tpu.memory_space<hbm>> -> memref<32xi32, #tpu.memory_space<hbm>>
      %dma_start3A_284 = tpu.memref_slice %arg3[%add3A_77] : memref<16384xi32, #tpu.memory_space<hbm>> -> memref<32xi32, #tpu.memory_space<hbm>>
      tpu.enqueue_dma source(%dma_start3A_284 : memref<32xi32, #tpu.memory_space<hbm>>) target(%arg6 : memref<32xi32, #tpu.memory_space<vmem>>) target_semaphore(%run_scoped3A : memref<!tpu.dma_semaphore, #tpu.memory_space<semaphore_mem>>)
      %dma_wait3A_285 = tpu.memref_slice %arg3[%add3A_77] : memref<16384xi32, #tpu.memory_space<hbm>> -> memref<32xi32, #tpu.memory_space<hbm>>
      %dma_wait3A_286 = tpu.memref_slice %arg3[%add3A_77] : memref<16384xi32, #tpu.memory_space<hbm>> -> memref<32xi32, #tpu.memory_space<hbm>>
      tpu.wait_dma2 semaphore(%run_scoped3A : memref<!tpu.dma_semaphore, #tpu.memory_space<semaphore_mem>>) src(%dma_wait3A_286 : memref<32xi32, #tpu.memory_space<hbm>>) dst(%arg6 : memref<32xi32, #tpu.memory_space<vmem>>)
      tpu.yield
    }) : () -> ()
    %dma_start3A_82 = arith.constant 0 : i32
    %dma_start3A_83 = arith.constant 0 : i32
    %dma_start3A_84 = tpu.memref_slice %arg2[%dma_start3A_82, %dma_start3A_83] : memref<23552x1024xf32, #tpu.memory_space<hbm>> -> memref<23552x1024xf32, #tpu.memory_space<hbm>>
    tpu.enqueue_indirect_dma source(%dma_start3A_84 : memref<23552x1024xf32, #tpu.memory_space<hbm>>) target(%arg8 : memref<32x1024xf32, #tpu.memory_space<vmem>>) offsets(%arg6 : memref<32xi32, #tpu.memory_space<vmem>>) semaphore(%arg10 : memref<!tpu.dma_semaphore, #tpu.memory_space<semaphore_mem>>)
    %dma_wait3A_85 = arith.constant 0 : i32
    %dma_wait3A_86 = arith.constant 0 : i32
    %dma_wait3A_87 = tpu.memref_slice %arg2[%dma_wait3A_85, %dma_wait3A_86] : memref<23552x1024xf32, #tpu.memory_space<hbm>> -> memref<23552x1024xf32, #tpu.memory_space<hbm>>
    tpu.wait_indirect_dma semaphore(%arg9 : memref<!tpu.dma_semaphore, #tpu.memory_space<semaphore_mem>>) src(%dma_wait3A_87 : memref<23552x1024xf32, #tpu.memory_space<hbm>>) dst(%arg7 : memref<32x1024xf32, #tpu.memory_space<vmem>>)
    %add3A_88 = arith.constant 128 : i32
    %add3A_89 = arith.addi %mul3A_4, %add3A_88 : i32
    %dma_start3A_90 = arith.constant 0 : i32
    %dma_start3A_91 = tpu.memref_slice %arg4[%add3A_89, %dma_start3A_90] : memref<16384x1024xf32, #tpu.memory_space<hbm>> -> memref<32x1024xf32, #tpu.memory_space<hbm>>
    %dma_start3A_92 = arith.constant 0 : i32
    %dma_start3A_93 = tpu.memref_slice %arg4[%add3A_89, %dma_start3A_92] : memref<16384x1024xf32, #tpu.memory_space<hbm>> -> memref<32x1024xf32, #tpu.memory_space<hbm>>
    tpu.enqueue_dma source(%arg7 : memref<32x1024xf32, #tpu.memory_space<vmem>>) target(%dma_start3A_93 : memref<32x1024xf32, #tpu.memory_space<hbm>>) target_semaphore(%arg11 : memref<!tpu.dma_semaphore, #tpu.memory_space<semaphore_mem>>)
    %add3A_94 = arith.constant 192 : i32
    %add3A_95 = arith.addi %mul3A_4, %add3A_94 : i32
    %dma_wait3A_96 = arith.constant 0 : i32
    %dma_wait3A_97 = tpu.memref_slice %arg4[%add3A_89, %dma_wait3A_96] : memref<16384x1024xf32, #tpu.memory_space<hbm>> -> memref<32x1024xf32, #tpu.memory_space<hbm>>
    %dma_wait3A_98 = arith.constant 0 : i32
    %dma_wait3A_99 = tpu.memref_slice %arg4[%add3A_89, %dma_wait3A_98] : memref<16384x1024xf32, #tpu.memory_space<hbm>> -> memref<32x1024xf32, #tpu.memory_space<hbm>>
    tpu.wait_dma2 semaphore(%arg11 : memref<!tpu.dma_semaphore, #tpu.memory_space<semaphore_mem>>) src(%arg7 : memref<32x1024xf32, #tpu.memory_space<vmem>>) dst(%dma_wait3A_99 : memref<32x1024xf32, #tpu.memory_space<hbm>>)
    "tpu.region"() ({
      %run_scoped3A = tpu.sem_alloc : memref<!tpu.dma_semaphore, #tpu.memory_space<semaphore_mem>>
      %dma_start3A_283 = tpu.memref_slice %arg3[%add3A_95] : memref<16384xi32, #tpu.memory_space<hbm>> -> memref<32xi32, #tpu.memory_space<hbm>>
      %dma_start3A_284 = tpu.memref_slice %arg3[%add3A_95] : memref<16384xi32, #tpu.memory_space<hbm>> -> memref<32xi32, #tpu.memory_space<hbm>>
      tpu.enqueue_dma source(%dma_start3A_284 : memref<32xi32, #tpu.memory_space<hbm>>) target(%arg5 : memref<32xi32, #tpu.memory_space<vmem>>) target_semaphore(%run_scoped3A : memref<!tpu.dma_semaphore, #tpu.memory_space<semaphore_mem>>)
      %dma_wait3A_285 = tpu.memref_slice %arg3[%add3A_95] : memref<16384xi32, #tpu.memory_space<hbm>> -> memref<32xi32, #tpu.memory_space<hbm>>
      %dma_wait3A_286 = tpu.memref_slice %arg3[%add3A_95] : memref<16384xi32, #tpu.memory_space<hbm>> -> memref<32xi32, #tpu.memory_space<hbm>>
      tpu.wait_dma2 semaphore(%run_scoped3A : memref<!tpu.dma_semaphore, #tpu.memory_space<semaphore_mem>>) src(%dma_wait3A_286 : memref<32xi32, #tpu.memory_space<hbm>>) dst(%arg5 : memref<32xi32, #tpu.memory_space<vmem>>)
      tpu.yield
    }) : () -> ()
    %dma_start3A_100 = arith.constant 0 : i32
    %dma_start3A_101 = arith.constant 0 : i32
    %dma_start3A_102 = tpu.memref_slice %arg2[%dma_start3A_100, %dma_start3A_101] : memref<23552x1024xf32, #tpu.memory_space<hbm>> -> memref<23552x1024xf32, #tpu.memory_space<hbm>>
    tpu.enqueue_indirect_dma source(%dma_start3A_102 : memref<23552x1024xf32, #tpu.memory_space<hbm>>) target(%arg7 : memref<32x1024xf32, #tpu.memory_space<vmem>>) offsets(%arg5 : memref<32xi32, #tpu.memory_space<vmem>>) semaphore(%arg9 : memref<!tpu.dma_semaphore, #tpu.memory_space<semaphore_mem>>)
    %dma_wait3A_103 = arith.constant 0 : i32
    %dma_wait3A_104 = arith.constant 0 : i32
    %dma_wait3A_105 = tpu.memref_slice %arg2[%dma_wait3A_103, %dma_wait3A_104] : memref<23552x1024xf32, #tpu.memory_space<hbm>> -> memref<23552x1024xf32, #tpu.memory_space<hbm>>
    tpu.wait_indirect_dma semaphore(%arg10 : memref<!tpu.dma_semaphore, #tpu.memory_space<semaphore_mem>>) src(%dma_wait3A_105 : memref<23552x1024xf32, #tpu.memory_space<hbm>>) dst(%arg8 : memref<32x1024xf32, #tpu.memory_space<vmem>>)
    %add3A_106 = arith.constant 160 : i32
    %add3A_107 = arith.addi %mul3A_4, %add3A_106 : i32
    %dma_start3A_108 = arith.constant 0 : i32
    %dma_start3A_109 = tpu.memref_slice %arg4[%add3A_107, %dma_start3A_108] : memref<16384x1024xf32, #tpu.memory_space<hbm>> -> memref<32x1024xf32, #tpu.memory_space<hbm>>
    %dma_start3A_110 = arith.constant 0 : i32
    %dma_start3A_111 = tpu.memref_slice %arg4[%add3A_107, %dma_start3A_110] : memref<16384x1024xf32, #tpu.memory_space<hbm>> -> memref<32x1024xf32, #tpu.memory_space<hbm>>
    tpu.enqueue_dma source(%arg8 : memref<32x1024xf32, #tpu.memory_space<vmem>>) target(%dma_start3A_111 : memref<32x1024xf32, #tpu.memory_space<hbm>>) target_semaphore(%arg12 : memref<!tpu.dma_semaphore, #tpu.memory_space<semaphore_mem>>)
    %add3A_112 = arith.constant 224 : i32
    %add3A_113 = arith.addi %mul3A_4, %add3A_112 : i32
    %dma_wait3A_114 = arith.constant 0 : i32
    %dma_wait3A_115 = tpu.memref_slice %arg4[%add3A_107, %dma_wait3A_114] : memref<16384x1024xf32, #tpu.memory_space<hbm>> -> memref<32x1024xf32, #tpu.memory_space<hbm>>
    %dma_wait3A_116 = arith.constant 0 : i32
    %dma_wait3A_117 = tpu.memref_slice %arg4[%add3A_107, %dma_wait3A_116] : memref<16384x1024xf32, #tpu.memory_space<hbm>> -> memref<32x1024xf32, #tpu.memory_space<hbm>>
    tpu.wait_dma2 semaphore(%arg12 : memref<!tpu.dma_semaphore, #tpu.memory_space<semaphore_mem>>) src(%arg8 : memref<32x1024xf32, #tpu.memory_space<vmem>>) dst(%dma_wait3A_117 : memref<32x1024xf32, #tpu.memory_space<hbm>>)
    "tpu.region"() ({
      %run_scoped3A = tpu.sem_alloc : memref<!tpu.dma_semaphore, #tpu.memory_space<semaphore_mem>>
      %dma_start3A_283 = tpu.memref_slice %arg3[%add3A_113] : memref<16384xi32, #tpu.memory_space<hbm>> -> memref<32xi32, #tpu.memory_space<hbm>>
      %dma_start3A_284 = tpu.memref_slice %arg3[%add3A_113] : memref<16384xi32, #tpu.memory_space<hbm>> -> memref<32xi32, #tpu.memory_space<hbm>>
      tpu.enqueue_dma source(%dma_start3A_284 : memref<32xi32, #tpu.memory_space<hbm>>) target(%arg6 : memref<32xi32, #tpu.memory_space<vmem>>) target_semaphore(%run_scoped3A : memref<!tpu.dma_semaphore, #tpu.memory_space<semaphore_mem>>)
      %dma_wait3A_285 = tpu.memref_slice %arg3[%add3A_113] : memref<16384xi32, #tpu.memory_space<hbm>> -> memref<32xi32, #tpu.memory_space<hbm>>
      %dma_wait3A_286 = tpu.memref_slice %arg3[%add3A_113] : memref<16384xi32, #tpu.memory_space<hbm>> -> memref<32xi32, #tpu.memory_space<hbm>>
      tpu.wait_dma2 semaphore(%run_scoped3A : memref<!tpu.dma_semaphore, #tpu.memory_space<semaphore_mem>>) src(%dma_wait3A_286 : memref<32xi32, #tpu.memory_space<hbm>>) dst(%arg6 : memref<32xi32, #tpu.memory_space<vmem>>)
      tpu.yield
    }) : () -> ()
    %dma_start3A_118 = arith.constant 0 : i32
    %dma_start3A_119 = arith.constant 0 : i32
    %dma_start3A_120 = tpu.memref_slice %arg2[%dma_start3A_118, %dma_start3A_119] : memref<23552x1024xf32, #tpu.memory_space<hbm>> -> memref<23552x1024xf32, #tpu.memory_space<hbm>>
    tpu.enqueue_indirect_dma source(%dma_start3A_120 : memref<23552x1024xf32, #tpu.memory_space<hbm>>) target(%arg8 : memref<32x1024xf32, #tpu.memory_space<vmem>>) offsets(%arg6 : memref<32xi32, #tpu.memory_space<vmem>>) semaphore(%arg10 : memref<!tpu.dma_semaphore, #tpu.memory_space<semaphore_mem>>)
    %dma_wait3A_121 = arith.constant 0 : i32
    %dma_wait3A_122 = arith.constant 0 : i32
    %dma_wait3A_123 = tpu.memref_slice %arg2[%dma_wait3A_121, %dma_wait3A_122] : memref<23552x1024xf32, #tpu.memory_space<hbm>> -> memref<23552x1024xf32, #tpu.memory_space<hbm>>
    tpu.wait_indirect_dma semaphore(%arg9 : memref<!tpu.dma_semaphore, #tpu.memory_space<semaphore_mem>>) src(%dma_wait3A_123 : memref<23552x1024xf32, #tpu.memory_space<hbm>>) dst(%arg7 : memref<32x1024xf32, #tpu.memory_space<vmem>>)
    %add3A_124 = arith.constant 192 : i32
    %add3A_125 = arith.addi %mul3A_4, %add3A_124 : i32
    %dma_start3A_126 = arith.constant 0 : i32
    %dma_start3A_127 = tpu.memref_slice %arg4[%add3A_125, %dma_start3A_126] : memref<16384x1024xf32, #tpu.memory_space<hbm>> -> memref<32x1024xf32, #tpu.memory_space<hbm>>
    %dma_start3A_128 = arith.constant 0 : i32
    %dma_start3A_129 = tpu.memref_slice %arg4[%add3A_125, %dma_start3A_128] : memref<16384x1024xf32, #tpu.memory_space<hbm>> -> memref<32x1024xf32, #tpu.memory_space<hbm>>
    tpu.enqueue_dma source(%arg7 : memref<32x1024xf32, #tpu.memory_space<vmem>>) target(%dma_start3A_129 : memref<32x1024xf32, #tpu.memory_space<hbm>>) target_semaphore(%arg11 : memref<!tpu.dma_semaphore, #tpu.memory_space<semaphore_mem>>)
    %add3A_130 = arith.constant 256 : i32
    %add3A_131 = arith.addi %mul3A_4, %add3A_130 : i32
    %dma_wait3A_132 = arith.constant 0 : i32
    %dma_wait3A_133 = tpu.memref_slice %arg4[%add3A_125, %dma_wait3A_132] : memref<16384x1024xf32, #tpu.memory_space<hbm>> -> memref<32x1024xf32, #tpu.memory_space<hbm>>
    %dma_wait3A_134 = arith.constant 0 : i32
    %dma_wait3A_135 = tpu.memref_slice %arg4[%add3A_125, %dma_wait3A_134] : memref<16384x1024xf32, #tpu.memory_space<hbm>> -> memref<32x1024xf32, #tpu.memory_space<hbm>>
    tpu.wait_dma2 semaphore(%arg11 : memref<!tpu.dma_semaphore, #tpu.memory_space<semaphore_mem>>) src(%arg7 : memref<32x1024xf32, #tpu.memory_space<vmem>>) dst(%dma_wait3A_135 : memref<32x1024xf32, #tpu.memory_space<hbm>>)
    "tpu.region"() ({
      %run_scoped3A = tpu.sem_alloc : memref<!tpu.dma_semaphore, #tpu.memory_space<semaphore_mem>>
      %dma_start3A_283 = tpu.memref_slice %arg3[%add3A_131] : memref<16384xi32, #tpu.memory_space<hbm>> -> memref<32xi32, #tpu.memory_space<hbm>>
      %dma_start3A_284 = tpu.memref_slice %arg3[%add3A_131] : memref<16384xi32, #tpu.memory_space<hbm>> -> memref<32xi32, #tpu.memory_space<hbm>>
      tpu.enqueue_dma source(%dma_start3A_284 : memref<32xi32, #tpu.memory_space<hbm>>) target(%arg5 : memref<32xi32, #tpu.memory_space<vmem>>) target_semaphore(%run_scoped3A : memref<!tpu.dma_semaphore, #tpu.memory_space<semaphore_mem>>)
      %dma_wait3A_285 = tpu.memref_slice %arg3[%add3A_131] : memref<16384xi32, #tpu.memory_space<hbm>> -> memref<32xi32, #tpu.memory_space<hbm>>
      %dma_wait3A_286 = tpu.memref_slice %arg3[%add3A_131] : memref<16384xi32, #tpu.memory_space<hbm>> -> memref<32xi32, #tpu.memory_space<hbm>>
      tpu.wait_dma2 semaphore(%run_scoped3A : memref<!tpu.dma_semaphore, #tpu.memory_space<semaphore_mem>>) src(%dma_wait3A_286 : memref<32xi32, #tpu.memory_space<hbm>>) dst(%arg5 : memref<32xi32, #tpu.memory_space<vmem>>)
      tpu.yield
    }) : () -> ()
    %dma_start3A_136 = arith.constant 0 : i32
    %dma_start3A_137 = arith.constant 0 : i32
    %dma_start3A_138 = tpu.memref_slice %arg2[%dma_start3A_136, %dma_start3A_137] : memref<23552x1024xf32, #tpu.memory_space<hbm>> -> memref<23552x1024xf32, #tpu.memory_space<hbm>>
    tpu.enqueue_indirect_dma source(%dma_start3A_138 : memref<23552x1024xf32, #tpu.memory_space<hbm>>) target(%arg7 : memref<32x1024xf32, #tpu.memory_space<vmem>>) offsets(%arg5 : memref<32xi32, #tpu.memory_space<vmem>>) semaphore(%arg9 : memref<!tpu.dma_semaphore, #tpu.memory_space<semaphore_mem>>)
    %dma_wait3A_139 = arith.constant 0 : i32
    %dma_wait3A_140 = arith.constant 0 : i32
    %dma_wait3A_141 = tpu.memref_slice %arg2[%dma_wait3A_139, %dma_wait3A_140] : memref<23552x1024xf32, #tpu.memory_space<hbm>> -> memref<23552x1024xf32, #tpu.memory_space<hbm>>
    tpu.wait_indirect_dma semaphore(%arg10 : memref<!tpu.dma_semaphore, #tpu.memory_space<semaphore_mem>>) src(%dma_wait3A_141 : memref<23552x1024xf32, #tpu.memory_space<hbm>>) dst(%arg8 : memref<32x1024xf32, #tpu.memory_space<vmem>>)
    %add3A_142 = arith.constant 224 : i32
    %add3A_143 = arith.addi %mul3A_4, %add3A_142 : i32
    %dma_start3A_144 = arith.constant 0 : i32
    %dma_start3A_145 = tpu.memref_slice %arg4[%add3A_143, %dma_start3A_144] : memref<16384x1024xf32, #tpu.memory_space<hbm>> -> memref<32x1024xf32, #tpu.memory_space<hbm>>
    %dma_start3A_146 = arith.constant 0 : i32
    %dma_start3A_147 = tpu.memref_slice %arg4[%add3A_143, %dma_start3A_146] : memref<16384x1024xf32, #tpu.memory_space<hbm>> -> memref<32x1024xf32, #tpu.memory_space<hbm>>
    tpu.enqueue_dma source(%arg8 : memref<32x1024xf32, #tpu.memory_space<vmem>>) target(%dma_start3A_147 : memref<32x1024xf32, #tpu.memory_space<hbm>>) target_semaphore(%arg12 : memref<!tpu.dma_semaphore, #tpu.memory_space<semaphore_mem>>)
    %add3A_148 = arith.constant 288 : i32
    %add3A_149 = arith.addi %mul3A_4, %add3A_148 : i32
    %dma_wait3A_150 = arith.constant 0 : i32
    %dma_wait3A_151 = tpu.memref_slice %arg4[%add3A_143, %dma_wait3A_150] : memref<16384x1024xf32, #tpu.memory_space<hbm>> -> memref<32x1024xf32, #tpu.memory_space<hbm>>
    %dma_wait3A_152 = arith.constant 0 : i32
    %dma_wait3A_153 = tpu.memref_slice %arg4[%add3A_143, %dma_wait3A_152] : memref<16384x1024xf32, #tpu.memory_space<hbm>> -> memref<32x1024xf32, #tpu.memory_space<hbm>>
    tpu.wait_dma2 semaphore(%arg12 : memref<!tpu.dma_semaphore, #tpu.memory_space<semaphore_mem>>) src(%arg8 : memref<32x1024xf32, #tpu.memory_space<vmem>>) dst(%dma_wait3A_153 : memref<32x1024xf32, #tpu.memory_space<hbm>>)
    "tpu.region"() ({
      %run_scoped3A = tpu.sem_alloc : memref<!tpu.dma_semaphore, #tpu.memory_space<semaphore_mem>>
      %dma_start3A_283 = tpu.memref_slice %arg3[%add3A_149] : memref<16384xi32, #tpu.memory_space<hbm>> -> memref<32xi32, #tpu.memory_space<hbm>>
      %dma_start3A_284 = tpu.memref_slice %arg3[%add3A_149] : memref<16384xi32, #tpu.memory_space<hbm>> -> memref<32xi32, #tpu.memory_space<hbm>>
      tpu.enqueue_dma source(%dma_start3A_284 : memref<32xi32, #tpu.memory_space<hbm>>) target(%arg6 : memref<32xi32, #tpu.memory_space<vmem>>) target_semaphore(%run_scoped3A : memref<!tpu.dma_semaphore, #tpu.memory_space<semaphore_mem>>)
      %dma_wait3A_285 = tpu.memref_slice %arg3[%add3A_149] : memref<16384xi32, #tpu.memory_space<hbm>> -> memref<32xi32, #tpu.memory_space<hbm>>
      %dma_wait3A_286 = tpu.memref_slice %arg3[%add3A_149] : memref<16384xi32, #tpu.memory_space<hbm>> -> memref<32xi32, #tpu.memory_space<hbm>>
      tpu.wait_dma2 semaphore(%run_scoped3A : memref<!tpu.dma_semaphore, #tpu.memory_space<semaphore_mem>>) src(%dma_wait3A_286 : memref<32xi32, #tpu.memory_space<hbm>>) dst(%arg6 : memref<32xi32, #tpu.memory_space<vmem>>)
      tpu.yield
    }) : () -> ()
    %dma_start3A_154 = arith.constant 0 : i32
    %dma_start3A_155 = arith.constant 0 : i32
    %dma_start3A_156 = tpu.memref_slice %arg2[%dma_start3A_154, %dma_start3A_155] : memref<23552x1024xf32, #tpu.memory_space<hbm>> -> memref<23552x1024xf32, #tpu.memory_space<hbm>>
    tpu.enqueue_indirect_dma source(%dma_start3A_156 : memref<23552x1024xf32, #tpu.memory_space<hbm>>) target(%arg8 : memref<32x1024xf32, #tpu.memory_space<vmem>>) offsets(%arg6 : memref<32xi32, #tpu.memory_space<vmem>>) semaphore(%arg10 : memref<!tpu.dma_semaphore, #tpu.memory_space<semaphore_mem>>)
    %dma_wait3A_157 = arith.constant 0 : i32
    %dma_wait3A_158 = arith.constant 0 : i32
    %dma_wait3A_159 = tpu.memref_slice %arg2[%dma_wait3A_157, %dma_wait3A_158] : memref<23552x1024xf32, #tpu.memory_space<hbm>> -> memref<23552x1024xf32, #tpu.memory_space<hbm>>
    tpu.wait_indirect_dma semaphore(%arg9 : memref<!tpu.dma_semaphore, #tpu.memory_space<semaphore_mem>>) src(%dma_wait3A_159 : memref<23552x1024xf32, #tpu.memory_space<hbm>>) dst(%arg7 : memref<32x1024xf32, #tpu.memory_space<vmem>>)
    %add3A_160 = arith.constant 256 : i32
    %add3A_161 = arith.addi %mul3A_4, %add3A_160 : i32
    %dma_start3A_162 = arith.constant 0 : i32
    %dma_start3A_163 = tpu.memref_slice %arg4[%add3A_161, %dma_start3A_162] : memref<16384x1024xf32, #tpu.memory_space<hbm>> -> memref<32x1024xf32, #tpu.memory_space<hbm>>
    %dma_start3A_164 = arith.constant 0 : i32
    %dma_start3A_165 = tpu.memref_slice %arg4[%add3A_161, %dma_start3A_164] : memref<16384x1024xf32, #tpu.memory_space<hbm>> -> memref<32x1024xf32, #tpu.memory_space<hbm>>
    tpu.enqueue_dma source(%arg7 : memref<32x1024xf32, #tpu.memory_space<vmem>>) target(%dma_start3A_165 : memref<32x1024xf32, #tpu.memory_space<hbm>>) target_semaphore(%arg11 : memref<!tpu.dma_semaphore, #tpu.memory_space<semaphore_mem>>)
    %add3A_166 = arith.constant 320 : i32
    %add3A_167 = arith.addi %mul3A_4, %add3A_166 : i32
    %dma_wait3A_168 = arith.constant 0 : i32
    %dma_wait3A_169 = tpu.memref_slice %arg4[%add3A_161, %dma_wait3A_168] : memref<16384x1024xf32, #tpu.memory_space<hbm>> -> memref<32x1024xf32, #tpu.memory_space<hbm>>
    %dma_wait3A_170 = arith.constant 0 : i32
    %dma_wait3A_171 = tpu.memref_slice %arg4[%add3A_161, %dma_wait3A_170] : memref<16384x1024xf32, #tpu.memory_space<hbm>> -> memref<32x1024xf32, #tpu.memory_space<hbm>>
    tpu.wait_dma2 semaphore(%arg11 : memref<!tpu.dma_semaphore, #tpu.memory_space<semaphore_mem>>) src(%arg7 : memref<32x1024xf32, #tpu.memory_space<vmem>>) dst(%dma_wait3A_171 : memref<32x1024xf32, #tpu.memory_space<hbm>>)
    "tpu.region"() ({
      %run_scoped3A = tpu.sem_alloc : memref<!tpu.dma_semaphore, #tpu.memory_space<semaphore_mem>>
      %dma_start3A_283 = tpu.memref_slice %arg3[%add3A_167] : memref<16384xi32, #tpu.memory_space<hbm>> -> memref<32xi32, #tpu.memory_space<hbm>>
      %dma_start3A_284 = tpu.memref_slice %arg3[%add3A_167] : memref<16384xi32, #tpu.memory_space<hbm>> -> memref<32xi32, #tpu.memory_space<hbm>>
      tpu.enqueue_dma source(%dma_start3A_284 : memref<32xi32, #tpu.memory_space<hbm>>) target(%arg5 : memref<32xi32, #tpu.memory_space<vmem>>) target_semaphore(%run_scoped3A : memref<!tpu.dma_semaphore, #tpu.memory_space<semaphore_mem>>)
      %dma_wait3A_285 = tpu.memref_slice %arg3[%add3A_167] : memref<16384xi32, #tpu.memory_space<hbm>> -> memref<32xi32, #tpu.memory_space<hbm>>
      %dma_wait3A_286 = tpu.memref_slice %arg3[%add3A_167] : memref<16384xi32, #tpu.memory_space<hbm>> -> memref<32xi32, #tpu.memory_space<hbm>>
      tpu.wait_dma2 semaphore(%run_scoped3A : memref<!tpu.dma_semaphore, #tpu.memory_space<semaphore_mem>>) src(%dma_wait3A_286 : memref<32xi32, #tpu.memory_space<hbm>>) dst(%arg5 : memref<32xi32, #tpu.memory_space<vmem>>)
      tpu.yield
    }) : () -> ()
    %dma_start3A_172 = arith.constant 0 : i32
    %dma_start3A_173 = arith.constant 0 : i32
    %dma_start3A_174 = tpu.memref_slice %arg2[%dma_start3A_172, %dma_start3A_173] : memref<23552x1024xf32, #tpu.memory_space<hbm>> -> memref<23552x1024xf32, #tpu.memory_space<hbm>>
    tpu.enqueue_indirect_dma source(%dma_start3A_174 : memref<23552x1024xf32, #tpu.memory_space<hbm>>) target(%arg7 : memref<32x1024xf32, #tpu.memory_space<vmem>>) offsets(%arg5 : memref<32xi32, #tpu.memory_space<vmem>>) semaphore(%arg9 : memref<!tpu.dma_semaphore, #tpu.memory_space<semaphore_mem>>)
    %dma_wait3A_175 = arith.constant 0 : i32
    %dma_wait3A_176 = arith.constant 0 : i32
    %dma_wait3A_177 = tpu.memref_slice %arg2[%dma_wait3A_175, %dma_wait3A_176] : memref<23552x1024xf32, #tpu.memory_space<hbm>> -> memref<23552x1024xf32, #tpu.memory_space<hbm>>
    tpu.wait_indirect_dma semaphore(%arg10 : memref<!tpu.dma_semaphore, #tpu.memory_space<semaphore_mem>>) src(%dma_wait3A_177 : memref<23552x1024xf32, #tpu.memory_space<hbm>>) dst(%arg8 : memref<32x1024xf32, #tpu.memory_space<vmem>>)
    %add3A_178 = arith.constant 288 : i32
    %add3A_179 = arith.addi %mul3A_4, %add3A_178 : i32
    %dma_start3A_180 = arith.constant 0 : i32
    %dma_start3A_181 = tpu.memref_slice %arg4[%add3A_179, %dma_start3A_180] : memref<16384x1024xf32, #tpu.memory_space<hbm>> -> memref<32x1024xf32, #tpu.memory_space<hbm>>
    %dma_start3A_182 = arith.constant 0 : i32
    %dma_start3A_183 = tpu.memref_slice %arg4[%add3A_179, %dma_start3A_182] : memref<16384x1024xf32, #tpu.memory_space<hbm>> -> memref<32x1024xf32, #tpu.memory_space<hbm>>
    tpu.enqueue_dma source(%arg8 : memref<32x1024xf32, #tpu.memory_space<vmem>>) target(%dma_start3A_183 : memref<32x1024xf32, #tpu.memory_space<hbm>>) target_semaphore(%arg12 : memref<!tpu.dma_semaphore, #tpu.memory_space<semaphore_mem>>)
    %add3A_184 = arith.constant 352 : i32
    %add3A_185 = arith.addi %mul3A_4, %add3A_184 : i32
    %dma_wait3A_186 = arith.constant 0 : i32
    %dma_wait3A_187 = tpu.memref_slice %arg4[%add3A_179, %dma_wait3A_186] : memref<16384x1024xf32, #tpu.memory_space<hbm>> -> memref<32x1024xf32, #tpu.memory_space<hbm>>
    %dma_wait3A_188 = arith.constant 0 : i32
    %dma_wait3A_189 = tpu.memref_slice %arg4[%add3A_179, %dma_wait3A_188] : memref<16384x1024xf32, #tpu.memory_space<hbm>> -> memref<32x1024xf32, #tpu.memory_space<hbm>>
    tpu.wait_dma2 semaphore(%arg12 : memref<!tpu.dma_semaphore, #tpu.memory_space<semaphore_mem>>) src(%arg8 : memref<32x1024xf32, #tpu.memory_space<vmem>>) dst(%dma_wait3A_189 : memref<32x1024xf32, #tpu.memory_space<hbm>>)
    "tpu.region"() ({
      %run_scoped3A = tpu.sem_alloc : memref<!tpu.dma_semaphore, #tpu.memory_space<semaphore_mem>>
      %dma_start3A_283 = tpu.memref_slice %arg3[%add3A_185] : memref<16384xi32, #tpu.memory_space<hbm>> -> memref<32xi32, #tpu.memory_space<hbm>>
      %dma_start3A_284 = tpu.memref_slice %arg3[%add3A_185] : memref<16384xi32, #tpu.memory_space<hbm>> -> memref<32xi32, #tpu.memory_space<hbm>>
      tpu.enqueue_dma source(%dma_start3A_284 : memref<32xi32, #tpu.memory_space<hbm>>) target(%arg6 : memref<32xi32, #tpu.memory_space<vmem>>) target_semaphore(%run_scoped3A : memref<!tpu.dma_semaphore, #tpu.memory_space<semaphore_mem>>)
      %dma_wait3A_285 = tpu.memref_slice %arg3[%add3A_185] : memref<16384xi32, #tpu.memory_space<hbm>> -> memref<32xi32, #tpu.memory_space<hbm>>
      %dma_wait3A_286 = tpu.memref_slice %arg3[%add3A_185] : memref<16384xi32, #tpu.memory_space<hbm>> -> memref<32xi32, #tpu.memory_space<hbm>>
      tpu.wait_dma2 semaphore(%run_scoped3A : memref<!tpu.dma_semaphore, #tpu.memory_space<semaphore_mem>>) src(%dma_wait3A_286 : memref<32xi32, #tpu.memory_space<hbm>>) dst(%arg6 : memref<32xi32, #tpu.memory_space<vmem>>)
      tpu.yield
    }) : () -> ()
    %dma_start3A_190 = arith.constant 0 : i32
    %dma_start3A_191 = arith.constant 0 : i32
    %dma_start3A_192 = tpu.memref_slice %arg2[%dma_start3A_190, %dma_start3A_191] : memref<23552x1024xf32, #tpu.memory_space<hbm>> -> memref<23552x1024xf32, #tpu.memory_space<hbm>>
    tpu.enqueue_indirect_dma source(%dma_start3A_192 : memref<23552x1024xf32, #tpu.memory_space<hbm>>) target(%arg8 : memref<32x1024xf32, #tpu.memory_space<vmem>>) offsets(%arg6 : memref<32xi32, #tpu.memory_space<vmem>>) semaphore(%arg10 : memref<!tpu.dma_semaphore, #tpu.memory_space<semaphore_mem>>)
    %dma_wait3A_193 = arith.constant 0 : i32
    %dma_wait3A_194 = arith.constant 0 : i32
    %dma_wait3A_195 = tpu.memref_slice %arg2[%dma_wait3A_193, %dma_wait3A_194] : memref<23552x1024xf32, #tpu.memory_space<hbm>> -> memref<23552x1024xf32, #tpu.memory_space<hbm>>
    tpu.wait_indirect_dma semaphore(%arg9 : memref<!tpu.dma_semaphore, #tpu.memory_space<semaphore_mem>>) src(%dma_wait3A_195 : memref<23552x1024xf32, #tpu.memory_space<hbm>>) dst(%arg7 : memref<32x1024xf32, #tpu.memory_space<vmem>>)
    %add3A_196 = arith.constant 320 : i32
    %add3A_197 = arith.addi %mul3A_4, %add3A_196 : i32
    %dma_start3A_198 = arith.constant 0 : i32
    %dma_start3A_199 = tpu.memref_slice %arg4[%add3A_197, %dma_start3A_198] : memref<16384x1024xf32, #tpu.memory_space<hbm>> -> memref<32x1024xf32, #tpu.memory_space<hbm>>
    %dma_start3A_200 = arith.constant 0 : i32
    %dma_start3A_201 = tpu.memref_slice %arg4[%add3A_197, %dma_start3A_200] : memref<16384x1024xf32, #tpu.memory_space<hbm>> -> memref<32x1024xf32, #tpu.memory_space<hbm>>
    tpu.enqueue_dma source(%arg7 : memref<32x1024xf32, #tpu.memory_space<vmem>>) target(%dma_start3A_201 : memref<32x1024xf32, #tpu.memory_space<hbm>>) target_semaphore(%arg11 : memref<!tpu.dma_semaphore, #tpu.memory_space<semaphore_mem>>)
    %add3A_202 = arith.constant 384 : i32
    %add3A_203 = arith.addi %mul3A_4, %add3A_202 : i32
    %dma_wait3A_204 = arith.constant 0 : i32
    %dma_wait3A_205 = tpu.memref_slice %arg4[%add3A_197, %dma_wait3A_204] : memref<16384x1024xf32, #tpu.memory_space<hbm>> -> memref<32x1024xf32, #tpu.memory_space<hbm>>
    %dma_wait3A_206 = arith.constant 0 : i32
    %dma_wait3A_207 = tpu.memref_slice %arg4[%add3A_197, %dma_wait3A_206] : memref<16384x1024xf32, #tpu.memory_space<hbm>> -> memref<32x1024xf32, #tpu.memory_space<hbm>>
    tpu.wait_dma2 semaphore(%arg11 : memref<!tpu.dma_semaphore, #tpu.memory_space<semaphore_mem>>) src(%arg7 : memref<32x1024xf32, #tpu.memory_space<vmem>>) dst(%dma_wait3A_207 : memref<32x1024xf32, #tpu.memory_space<hbm>>)
    "tpu.region"() ({
      %run_scoped3A = tpu.sem_alloc : memref<!tpu.dma_semaphore, #tpu.memory_space<semaphore_mem>>
      %dma_start3A_283 = tpu.memref_slice %arg3[%add3A_203] : memref<16384xi32, #tpu.memory_space<hbm>> -> memref<32xi32, #tpu.memory_space<hbm>>
      %dma_start3A_284 = tpu.memref_slice %arg3[%add3A_203] : memref<16384xi32, #tpu.memory_space<hbm>> -> memref<32xi32, #tpu.memory_space<hbm>>
      tpu.enqueue_dma source(%dma_start3A_284 : memref<32xi32, #tpu.memory_space<hbm>>) target(%arg5 : memref<32xi32, #tpu.memory_space<vmem>>) target_semaphore(%run_scoped3A : memref<!tpu.dma_semaphore, #tpu.memory_space<semaphore_mem>>)
      %dma_wait3A_285 = tpu.memref_slice %arg3[%add3A_203] : memref<16384xi32, #tpu.memory_space<hbm>> -> memref<32xi32, #tpu.memory_space<hbm>>
      %dma_wait3A_286 = tpu.memref_slice %arg3[%add3A_203] : memref<16384xi32, #tpu.memory_space<hbm>> -> memref<32xi32, #tpu.memory_space<hbm>>
      tpu.wait_dma2 semaphore(%run_scoped3A : memref<!tpu.dma_semaphore, #tpu.memory_space<semaphore_mem>>) src(%dma_wait3A_286 : memref<32xi32, #tpu.memory_space<hbm>>) dst(%arg5 : memref<32xi32, #tpu.memory_space<vmem>>)
      tpu.yield
    }) : () -> ()
    %dma_start3A_208 = arith.constant 0 : i32
    %dma_start3A_209 = arith.constant 0 : i32
    %dma_start3A_210 = tpu.memref_slice %arg2[%dma_start3A_208, %dma_start3A_209] : memref<23552x1024xf32, #tpu.memory_space<hbm>> -> memref<23552x1024xf32, #tpu.memory_space<hbm>>
    tpu.enqueue_indirect_dma source(%dma_start3A_210 : memref<23552x1024xf32, #tpu.memory_space<hbm>>) target(%arg7 : memref<32x1024xf32, #tpu.memory_space<vmem>>) offsets(%arg5 : memref<32xi32, #tpu.memory_space<vmem>>) semaphore(%arg9 : memref<!tpu.dma_semaphore, #tpu.memory_space<semaphore_mem>>)
    %dma_wait3A_211 = arith.constant 0 : i32
    %dma_wait3A_212 = arith.constant 0 : i32
    %dma_wait3A_213 = tpu.memref_slice %arg2[%dma_wait3A_211, %dma_wait3A_212] : memref<23552x1024xf32, #tpu.memory_space<hbm>> -> memref<23552x1024xf32, #tpu.memory_space<hbm>>
    tpu.wait_indirect_dma semaphore(%arg10 : memref<!tpu.dma_semaphore, #tpu.memory_space<semaphore_mem>>) src(%dma_wait3A_213 : memref<23552x1024xf32, #tpu.memory_space<hbm>>) dst(%arg8 : memref<32x1024xf32, #tpu.memory_space<vmem>>)
    %add3A_214 = arith.constant 352 : i32
    %add3A_215 = arith.addi %mul3A_4, %add3A_214 : i32
    %dma_start3A_216 = arith.constant 0 : i32
    %dma_start3A_217 = tpu.memref_slice %arg4[%add3A_215, %dma_start3A_216] : memref<16384x1024xf32, #tpu.memory_space<hbm>> -> memref<32x1024xf32, #tpu.memory_space<hbm>>
    %dma_start3A_218 = arith.constant 0 : i32
    %dma_start3A_219 = tpu.memref_slice %arg4[%add3A_215, %dma_start3A_218] : memref<16384x1024xf32, #tpu.memory_space<hbm>> -> memref<32x1024xf32, #tpu.memory_space<hbm>>
    tpu.enqueue_dma source(%arg8 : memref<32x1024xf32, #tpu.memory_space<vmem>>) target(%dma_start3A_219 : memref<32x1024xf32, #tpu.memory_space<hbm>>) target_semaphore(%arg12 : memref<!tpu.dma_semaphore, #tpu.memory_space<semaphore_mem>>)
    %add3A_220 = arith.constant 416 : i32
    %add3A_221 = arith.addi %mul3A_4, %add3A_220 : i32
    %dma_wait3A_222 = arith.constant 0 : i32
    %dma_wait3A_223 = tpu.memref_slice %arg4[%add3A_215, %dma_wait3A_222] : memref<16384x1024xf32, #tpu.memory_space<hbm>> -> memref<32x1024xf32, #tpu.memory_space<hbm>>
    %dma_wait3A_224 = arith.constant 0 : i32
    %dma_wait3A_225 = tpu.memref_slice %arg4[%add3A_215, %dma_wait3A_224] : memref<16384x1024xf32, #tpu.memory_space<hbm>> -> memref<32x1024xf32, #tpu.memory_space<hbm>>
    tpu.wait_dma2 semaphore(%arg12 : memref<!tpu.dma_semaphore, #tpu.memory_space<semaphore_mem>>) src(%arg8 : memref<32x1024xf32, #tpu.memory_space<vmem>>) dst(%dma_wait3A_225 : memref<32x1024xf32, #tpu.memory_space<hbm>>)
    "tpu.region"() ({
      %run_scoped3A = tpu.sem_alloc : memref<!tpu.dma_semaphore, #tpu.memory_space<semaphore_mem>>
      %dma_start3A_283 = tpu.memref_slice %arg3[%add3A_221] : memref<16384xi32, #tpu.memory_space<hbm>> -> memref<32xi32, #tpu.memory_space<hbm>>
      %dma_start3A_284 = tpu.memref_slice %arg3[%add3A_221] : memref<16384xi32, #tpu.memory_space<hbm>> -> memref<32xi32, #tpu.memory_space<hbm>>
      tpu.enqueue_dma source(%dma_start3A_284 : memref<32xi32, #tpu.memory_space<hbm>>) target(%arg6 : memref<32xi32, #tpu.memory_space<vmem>>) target_semaphore(%run_scoped3A : memref<!tpu.dma_semaphore, #tpu.memory_space<semaphore_mem>>)
      %dma_wait3A_285 = tpu.memref_slice %arg3[%add3A_221] : memref<16384xi32, #tpu.memory_space<hbm>> -> memref<32xi32, #tpu.memory_space<hbm>>
      %dma_wait3A_286 = tpu.memref_slice %arg3[%add3A_221] : memref<16384xi32, #tpu.memory_space<hbm>> -> memref<32xi32, #tpu.memory_space<hbm>>
      tpu.wait_dma2 semaphore(%run_scoped3A : memref<!tpu.dma_semaphore, #tpu.memory_space<semaphore_mem>>) src(%dma_wait3A_286 : memref<32xi32, #tpu.memory_space<hbm>>) dst(%arg6 : memref<32xi32, #tpu.memory_space<vmem>>)
      tpu.yield
    }) : () -> ()
    %dma_start3A_226 = arith.constant 0 : i32
    %dma_start3A_227 = arith.constant 0 : i32
    %dma_start3A_228 = tpu.memref_slice %arg2[%dma_start3A_226, %dma_start3A_227] : memref<23552x1024xf32, #tpu.memory_space<hbm>> -> memref<23552x1024xf32, #tpu.memory_space<hbm>>
    tpu.enqueue_indirect_dma source(%dma_start3A_228 : memref<23552x1024xf32, #tpu.memory_space<hbm>>) target(%arg8 : memref<32x1024xf32, #tpu.memory_space<vmem>>) offsets(%arg6 : memref<32xi32, #tpu.memory_space<vmem>>) semaphore(%arg10 : memref<!tpu.dma_semaphore, #tpu.memory_space<semaphore_mem>>)
    %dma_wait3A_229 = arith.constant 0 : i32
    %dma_wait3A_230 = arith.constant 0 : i32
    %dma_wait3A_231 = tpu.memref_slice %arg2[%dma_wait3A_229, %dma_wait3A_230] : memref<23552x1024xf32, #tpu.memory_space<hbm>> -> memref<23552x1024xf32, #tpu.memory_space<hbm>>
    tpu.wait_indirect_dma semaphore(%arg9 : memref<!tpu.dma_semaphore, #tpu.memory_space<semaphore_mem>>) src(%dma_wait3A_231 : memref<23552x1024xf32, #tpu.memory_space<hbm>>) dst(%arg7 : memref<32x1024xf32, #tpu.memory_space<vmem>>)
    %add3A_232 = arith.constant 384 : i32
    %add3A_233 = arith.addi %mul3A_4, %add3A_232 : i32
    %dma_start3A_234 = arith.constant 0 : i32
    %dma_start3A_235 = tpu.memref_slice %arg4[%add3A_233, %dma_start3A_234] : memref<16384x1024xf32, #tpu.memory_space<hbm>> -> memref<32x1024xf32, #tpu.memory_space<hbm>>
    %dma_start3A_236 = arith.constant 0 : i32
    %dma_start3A_237 = tpu.memref_slice %arg4[%add3A_233, %dma_start3A_236] : memref<16384x1024xf32, #tpu.memory_space<hbm>> -> memref<32x1024xf32, #tpu.memory_space<hbm>>
    tpu.enqueue_dma source(%arg7 : memref<32x1024xf32, #tpu.memory_space<vmem>>) target(%dma_start3A_237 : memref<32x1024xf32, #tpu.memory_space<hbm>>) target_semaphore(%arg11 : memref<!tpu.dma_semaphore, #tpu.memory_space<semaphore_mem>>)
    %add3A_238 = arith.constant 448 : i32
    %add3A_239 = arith.addi %mul3A_4, %add3A_238 : i32
    %dma_wait3A_240 = arith.constant 0 : i32
    %dma_wait3A_241 = tpu.memref_slice %arg4[%add3A_233, %dma_wait3A_240] : memref<16384x1024xf32, #tpu.memory_space<hbm>> -> memref<32x1024xf32, #tpu.memory_space<hbm>>
    %dma_wait3A_242 = arith.constant 0 : i32
    %dma_wait3A_243 = tpu.memref_slice %arg4[%add3A_233, %dma_wait3A_242] : memref<16384x1024xf32, #tpu.memory_space<hbm>> -> memref<32x1024xf32, #tpu.memory_space<hbm>>
    tpu.wait_dma2 semaphore(%arg11 : memref<!tpu.dma_semaphore, #tpu.memory_space<semaphore_mem>>) src(%arg7 : memref<32x1024xf32, #tpu.memory_space<vmem>>) dst(%dma_wait3A_243 : memref<32x1024xf32, #tpu.memory_space<hbm>>)
    "tpu.region"() ({
      %run_scoped3A = tpu.sem_alloc : memref<!tpu.dma_semaphore, #tpu.memory_space<semaphore_mem>>
      %dma_start3A_283 = tpu.memref_slice %arg3[%add3A_239] : memref<16384xi32, #tpu.memory_space<hbm>> -> memref<32xi32, #tpu.memory_space<hbm>>
      %dma_start3A_284 = tpu.memref_slice %arg3[%add3A_239] : memref<16384xi32, #tpu.memory_space<hbm>> -> memref<32xi32, #tpu.memory_space<hbm>>
      tpu.enqueue_dma source(%dma_start3A_284 : memref<32xi32, #tpu.memory_space<hbm>>) target(%arg5 : memref<32xi32, #tpu.memory_space<vmem>>) target_semaphore(%run_scoped3A : memref<!tpu.dma_semaphore, #tpu.memory_space<semaphore_mem>>)
      %dma_wait3A_285 = tpu.memref_slice %arg3[%add3A_239] : memref<16384xi32, #tpu.memory_space<hbm>> -> memref<32xi32, #tpu.memory_space<hbm>>
      %dma_wait3A_286 = tpu.memref_slice %arg3[%add3A_239] : memref<16384xi32, #tpu.memory_space<hbm>> -> memref<32xi32, #tpu.memory_space<hbm>>
      tpu.wait_dma2 semaphore(%run_scoped3A : memref<!tpu.dma_semaphore, #tpu.memory_space<semaphore_mem>>) src(%dma_wait3A_286 : memref<32xi32, #tpu.memory_space<hbm>>) dst(%arg5 : memref<32xi32, #tpu.memory_space<vmem>>)
      tpu.yield
    }) : () -> ()
    %dma_start3A_244 = arith.constant 0 : i32
    %dma_start3A_245 = arith.constant 0 : i32
    %dma_start3A_246 = tpu.memref_slice %arg2[%dma_start3A_244, %dma_start3A_245] : memref<23552x1024xf32, #tpu.memory_space<hbm>> -> memref<23552x1024xf32, #tpu.memory_space<hbm>>
    tpu.enqueue_indirect_dma source(%dma_start3A_246 : memref<23552x1024xf32, #tpu.memory_space<hbm>>) target(%arg7 : memref<32x1024xf32, #tpu.memory_space<vmem>>) offsets(%arg5 : memref<32xi32, #tpu.memory_space<vmem>>) semaphore(%arg9 : memref<!tpu.dma_semaphore, #tpu.memory_space<semaphore_mem>>)
    %dma_wait3A_247 = arith.constant 0 : i32
    %dma_wait3A_248 = arith.constant 0 : i32
    %dma_wait3A_249 = tpu.memref_slice %arg2[%dma_wait3A_247, %dma_wait3A_248] : memref<23552x1024xf32, #tpu.memory_space<hbm>> -> memref<23552x1024xf32, #tpu.memory_space<hbm>>
    tpu.wait_indirect_dma semaphore(%arg10 : memref<!tpu.dma_semaphore, #tpu.memory_space<semaphore_mem>>) src(%dma_wait3A_249 : memref<23552x1024xf32, #tpu.memory_space<hbm>>) dst(%arg8 : memref<32x1024xf32, #tpu.memory_space<vmem>>)
    %add3A_250 = arith.constant 416 : i32
    %add3A_251 = arith.addi %mul3A_4, %add3A_250 : i32
    %dma_start3A_252 = arith.constant 0 : i32
    %dma_start3A_253 = tpu.memref_slice %arg4[%add3A_251, %dma_start3A_252] : memref<16384x1024xf32, #tpu.memory_space<hbm>> -> memref<32x1024xf32, #tpu.memory_space<hbm>>
    %dma_start3A_254 = arith.constant 0 : i32
    %dma_start3A_255 = tpu.memref_slice %arg4[%add3A_251, %dma_start3A_254] : memref<16384x1024xf32, #tpu.memory_space<hbm>> -> memref<32x1024xf32, #tpu.memory_space<hbm>>
    tpu.enqueue_dma source(%arg8 : memref<32x1024xf32, #tpu.memory_space<vmem>>) target(%dma_start3A_255 : memref<32x1024xf32, #tpu.memory_space<hbm>>) target_semaphore(%arg12 : memref<!tpu.dma_semaphore, #tpu.memory_space<semaphore_mem>>)
    %add3A_256 = arith.constant 480 : i32
    %add3A_257 = arith.addi %mul3A_4, %add3A_256 : i32
    %dma_wait3A_258 = arith.constant 0 : i32
    %dma_wait3A_259 = tpu.memref_slice %arg4[%add3A_251, %dma_wait3A_258] : memref<16384x1024xf32, #tpu.memory_space<hbm>> -> memref<32x1024xf32, #tpu.memory_space<hbm>>
    %dma_wait3A_260 = arith.constant 0 : i32
    %dma_wait3A_261 = tpu.memref_slice %arg4[%add3A_251, %dma_wait3A_260] : memref<16384x1024xf32, #tpu.memory_space<hbm>> -> memref<32x1024xf32, #tpu.memory_space<hbm>>
    tpu.wait_dma2 semaphore(%arg12 : memref<!tpu.dma_semaphore, #tpu.memory_space<semaphore_mem>>) src(%arg8 : memref<32x1024xf32, #tpu.memory_space<vmem>>) dst(%dma_wait3A_261 : memref<32x1024xf32, #tpu.memory_space<hbm>>)
    "tpu.region"() ({
      %run_scoped3A = tpu.sem_alloc : memref<!tpu.dma_semaphore, #tpu.memory_space<semaphore_mem>>
      %dma_start3A_283 = tpu.memref_slice %arg3[%add3A_257] : memref<16384xi32, #tpu.memory_space<hbm>> -> memref<32xi32, #tpu.memory_space<hbm>>
      %dma_start3A_284 = tpu.memref_slice %arg3[%add3A_257] : memref<16384xi32, #tpu.memory_space<hbm>> -> memref<32xi32, #tpu.memory_space<hbm>>
      tpu.enqueue_dma source(%dma_start3A_284 : memref<32xi32, #tpu.memory_space<hbm>>) target(%arg6 : memref<32xi32, #tpu.memory_space<vmem>>) target_semaphore(%run_scoped3A : memref<!tpu.dma_semaphore, #tpu.memory_space<semaphore_mem>>)
      %dma_wait3A_285 = tpu.memref_slice %arg3[%add3A_257] : memref<16384xi32, #tpu.memory_space<hbm>> -> memref<32xi32, #tpu.memory_space<hbm>>
      %dma_wait3A_286 = tpu.memref_slice %arg3[%add3A_257] : memref<16384xi32, #tpu.memory_space<hbm>> -> memref<32xi32, #tpu.memory_space<hbm>>
      tpu.wait_dma2 semaphore(%run_scoped3A : memref<!tpu.dma_semaphore, #tpu.memory_space<semaphore_mem>>) src(%dma_wait3A_286 : memref<32xi32, #tpu.memory_space<hbm>>) dst(%arg6 : memref<32xi32, #tpu.memory_space<vmem>>)
      tpu.yield
    }) : () -> ()
    %dma_start3A_262 = arith.constant 0 : i32
    %dma_start3A_263 = arith.constant 0 : i32
    %dma_start3A_264 = tpu.memref_slice %arg2[%dma_start3A_262, %dma_start3A_263] : memref<23552x1024xf32, #tpu.memory_space<hbm>> -> memref<23552x1024xf32, #tpu.memory_space<hbm>>
    tpu.enqueue_indirect_dma source(%dma_start3A_264 : memref<23552x1024xf32, #tpu.memory_space<hbm>>) target(%arg8 : memref<32x1024xf32, #tpu.memory_space<vmem>>) offsets(%arg6 : memref<32xi32, #tpu.memory_space<vmem>>) semaphore(%arg10 : memref<!tpu.dma_semaphore, #tpu.memory_space<semaphore_mem>>)
    %dma_wait3A_265 = arith.constant 0 : i32
    %dma_wait3A_266 = arith.constant 0 : i32
    %dma_wait3A_267 = tpu.memref_slice %arg2[%dma_wait3A_265, %dma_wait3A_266] : memref<23552x1024xf32, #tpu.memory_space<hbm>> -> memref<23552x1024xf32, #tpu.memory_space<hbm>>
    tpu.wait_indirect_dma semaphore(%arg9 : memref<!tpu.dma_semaphore, #tpu.memory_space<semaphore_mem>>) src(%dma_wait3A_267 : memref<23552x1024xf32, #tpu.memory_space<hbm>>) dst(%arg7 : memref<32x1024xf32, #tpu.memory_space<vmem>>)
    %add3A_268 = arith.constant 448 : i32
    %add3A_269 = arith.addi %mul3A_4, %add3A_268 : i32
    %dma_start3A_270 = arith.constant 0 : i32
    %dma_start3A_271 = tpu.memref_slice %arg4[%add3A_269, %dma_start3A_270] : memref<16384x1024xf32, #tpu.memory_space<hbm>> -> memref<32x1024xf32, #tpu.memory_space<hbm>>
    %dma_start3A_272 = arith.constant 0 : i32
    %dma_start3A_273 = tpu.memref_slice %arg4[%add3A_269, %dma_start3A_272] : memref<16384x1024xf32, #tpu.memory_space<hbm>> -> memref<32x1024xf32, #tpu.memory_space<hbm>>
    tpu.enqueue_dma source(%arg7 : memref<32x1024xf32, #tpu.memory_space<vmem>>) target(%dma_start3A_273 : memref<32x1024xf32, #tpu.memory_space<hbm>>) target_semaphore(%arg11 : memref<!tpu.dma_semaphore, #tpu.memory_space<semaphore_mem>>)
    %dma_wait3A_274 = arith.constant 0 : i32
    %dma_wait3A_275 = arith.constant 0 : i32
    %dma_wait3A_276 = tpu.memref_slice %arg2[%dma_wait3A_274, %dma_wait3A_275] : memref<23552x1024xf32, #tpu.memory_space<hbm>> -> memref<23552x1024xf32, #tpu.memory_space<hbm>>
    tpu.wait_indirect_dma semaphore(%arg10 : memref<!tpu.dma_semaphore, #tpu.memory_space<semaphore_mem>>) src(%dma_wait3A_276 : memref<23552x1024xf32, #tpu.memory_space<hbm>>) dst(%arg8 : memref<32x1024xf32, #tpu.memory_space<vmem>>)
    %add3A_277 = arith.constant 480 : i32
    %add3A_278 = arith.addi %mul3A_4, %add3A_277 : i32
    "tpu.region"() ({
      %run_scoped3A = tpu.sem_alloc : memref<!tpu.dma_semaphore, #tpu.memory_space<semaphore_mem>>
      %dma_start3A_283 = arith.constant 0 : i32
      %dma_start3A_284 = tpu.memref_slice %arg4[%add3A_278, %dma_start3A_283] : memref<16384x1024xf32, #tpu.memory_space<hbm>> -> memref<32x1024xf32, #tpu.memory_space<hbm>>
      %dma_start3A_285 = arith.constant 0 : i32
      %dma_start3A_286 = tpu.memref_slice %arg4[%add3A_278, %dma_start3A_285] : memref<16384x1024xf32, #tpu.memory_space<hbm>> -> memref<32x1024xf32, #tpu.memory_space<hbm>>
      tpu.enqueue_dma source(%arg8 : memref<32x1024xf32, #tpu.memory_space<vmem>>) target(%dma_start3A_286 : memref<32x1024xf32, #tpu.memory_space<hbm>>) target_semaphore(%run_scoped3A : memref<!tpu.dma_semaphore, #tpu.memory_space<semaphore_mem>>)
      %dma_wait3A_287 = arith.constant 0 : i32
      %dma_wait3A_288 = tpu.memref_slice %arg4[%add3A_278, %dma_wait3A_287] : memref<16384x1024xf32, #tpu.memory_space<hbm>> -> memref<32x1024xf32, #tpu.memory_space<hbm>>
      %dma_wait3A_289 = arith.constant 0 : i32
      %dma_wait3A_290 = tpu.memref_slice %arg4[%add3A_278, %dma_wait3A_289] : memref<16384x1024xf32, #tpu.memory_space<hbm>> -> memref<32x1024xf32, #tpu.memory_space<hbm>>
      tpu.wait_dma2 semaphore(%run_scoped3A : memref<!tpu.dma_semaphore, #tpu.memory_space<semaphore_mem>>) src(%arg8 : memref<32x1024xf32, #tpu.memory_space<vmem>>) dst(%dma_wait3A_290 : memref<32x1024xf32, #tpu.memory_space<hbm>>)
      tpu.yield
    }) : () -> ()
    %dma_wait3A_279 = arith.constant 0 : i32
    %dma_wait3A_280 = tpu.memref_slice %arg4[%add3A_269, %dma_wait3A_279] : memref<16384x1024xf32, #tpu.memory_space<hbm>> -> memref<32x1024xf32, #tpu.memory_space<hbm>>
    %dma_wait3A_281 = arith.constant 0 : i32
    %dma_wait3A_282 = tpu.memref_slice %arg4[%add3A_269, %dma_wait3A_281] : memref<16384x1024xf32, #tpu.memory_space<hbm>> -> memref<32x1024xf32, #tpu.memory_space<hbm>>
    tpu.wait_dma2 semaphore(%arg11 : memref<!tpu.dma_semaphore, #tpu.memory_space<semaphore_mem>>) src(%arg7 : memref<32x1024xf32, #tpu.memory_space<vmem>>) dst(%dma_wait3A_282 : memref<32x1024xf32, #tpu.memory_space<hbm>>)
    return
  }
}

#map = affine_map<(d0, d1) -> (0, 0)>
#map1 = affine_map<(d0, d1) -> (0)>
module attributes {stable_mosaic.version = 14 : i64} {
  func.func @sc_dispatch(%arg0: i32, %arg1: i32, %arg2: memref<8192x1024xf32, #tpu.memory_space<hbm>>, %arg3: memref<8192xi32, #tpu.memory_space<hbm>>, %arg4: memref<8192xi32, #tpu.memory_space<hbm>>, %arg5: memref<23552x1024xf32, #tpu.memory_space<hbm>>, %arg6: memref<32xi32, #tpu.memory_space<vmem>>, %arg7: memref<32xi32, #tpu.memory_space<vmem>>, %arg8: memref<32xi32, #tpu.memory_space<vmem>>, %arg9: memref<32xi32, #tpu.memory_space<vmem>>, %arg10: memref<32x1024xf32, #tpu.memory_space<vmem>>, %arg11: memref<32x1024xf32, #tpu.memory_space<vmem>>, %arg12: memref<!tpu.dma_semaphore, #tpu.memory_space<semaphore_mem>>, %arg13: memref<!tpu.dma_semaphore, #tpu.memory_space<semaphore_mem>>, %arg14: memref<!tpu.dma_semaphore, #tpu.memory_space<semaphore_mem>>, %arg15: memref<!tpu.dma_semaphore, #tpu.memory_space<semaphore_mem>>, %arg16: memref<!tpu.dma_semaphore, #tpu.memory_space<semaphore_mem>>, %arg17: memref<!tpu.dma_semaphore, #tpu.memory_space<semaphore_mem>>) attributes {dimension_semantics = [#tpu.dimension_semantics<core_parallel>, #tpu.dimension_semantics<subcore_parallel>], iteration_bounds = array<i64: 2, 16>, scalar_prefetch = 0 : i64, scratch_operands = 12 : i64, tpu.core_type = #tpu.core_type<sc_vector_subcore>, window_params = [{transform_indices = #map}, {transform_indices = #map1}, {transform_indices = #map1}, {transform_indices = #map}]} {
    %mul3A = arith.constant 2 : i32
    %mul3A_0 = arith.muli %arg1, %mul3A : i32
    %add3A = arith.addi %mul3A_0, %arg0 : i32
    %mul3A_1 = arith.constant 256 : i32
    %mul3A_2 = arith.muli %add3A, %mul3A_1 : i32
    %add3A_3 = arith.constant 0 : i32
    %add3A_4 = arith.addi %mul3A_2, %add3A_3 : i32
    "tpu.region"() ({
      %run_scoped3A = tpu.sem_alloc : memref<!tpu.dma_semaphore, #tpu.memory_space<semaphore_mem>>
      %dma_start3A_177 = tpu.memref_slice %arg3[%add3A_4] : memref<8192xi32, #tpu.memory_space<hbm>> -> memref<32xi32, #tpu.memory_space<hbm>>
      %dma_start3A_178 = tpu.memref_slice %arg3[%add3A_4] : memref<8192xi32, #tpu.memory_space<hbm>> -> memref<32xi32, #tpu.memory_space<hbm>>
      tpu.enqueue_dma source(%dma_start3A_178 : memref<32xi32, #tpu.memory_space<hbm>>) target(%arg6 : memref<32xi32, #tpu.memory_space<vmem>>) target_semaphore(%run_scoped3A : memref<!tpu.dma_semaphore, #tpu.memory_space<semaphore_mem>>)
      %dma_wait3A_179 = tpu.memref_slice %arg3[%add3A_4] : memref<8192xi32, #tpu.memory_space<hbm>> -> memref<32xi32, #tpu.memory_space<hbm>>
      %dma_wait3A_180 = tpu.memref_slice %arg3[%add3A_4] : memref<8192xi32, #tpu.memory_space<hbm>> -> memref<32xi32, #tpu.memory_space<hbm>>
      tpu.wait_dma2 semaphore(%run_scoped3A : memref<!tpu.dma_semaphore, #tpu.memory_space<semaphore_mem>>) src(%dma_wait3A_180 : memref<32xi32, #tpu.memory_space<hbm>>) dst(%arg6 : memref<32xi32, #tpu.memory_space<vmem>>)
      tpu.yield
    }) : () -> ()
    "tpu.region"() ({
      %run_scoped3A = tpu.sem_alloc : memref<!tpu.dma_semaphore, #tpu.memory_space<semaphore_mem>>
      %dma_start3A_177 = tpu.memref_slice %arg4[%add3A_4] : memref<8192xi32, #tpu.memory_space<hbm>> -> memref<32xi32, #tpu.memory_space<hbm>>
      %dma_start3A_178 = tpu.memref_slice %arg4[%add3A_4] : memref<8192xi32, #tpu.memory_space<hbm>> -> memref<32xi32, #tpu.memory_space<hbm>>
      tpu.enqueue_dma source(%dma_start3A_178 : memref<32xi32, #tpu.memory_space<hbm>>) target(%arg8 : memref<32xi32, #tpu.memory_space<vmem>>) target_semaphore(%run_scoped3A : memref<!tpu.dma_semaphore, #tpu.memory_space<semaphore_mem>>)
      %dma_wait3A_179 = tpu.memref_slice %arg4[%add3A_4] : memref<8192xi32, #tpu.memory_space<hbm>> -> memref<32xi32, #tpu.memory_space<hbm>>
      %dma_wait3A_180 = tpu.memref_slice %arg4[%add3A_4] : memref<8192xi32, #tpu.memory_space<hbm>> -> memref<32xi32, #tpu.memory_space<hbm>>
      tpu.wait_dma2 semaphore(%run_scoped3A : memref<!tpu.dma_semaphore, #tpu.memory_space<semaphore_mem>>) src(%dma_wait3A_180 : memref<32xi32, #tpu.memory_space<hbm>>) dst(%arg8 : memref<32xi32, #tpu.memory_space<vmem>>)
      tpu.yield
    }) : () -> ()
    %dma_start3A = arith.constant 0 : i32
    %dma_start3A_5 = tpu.memref_slice %arg2[%add3A_4, %dma_start3A] : memref<8192x1024xf32, #tpu.memory_space<hbm>> -> memref<32x1024xf32, #tpu.memory_space<hbm>>
    %dma_start3A_6 = arith.constant 0 : i32
    %dma_start3A_7 = tpu.memref_slice %arg2[%add3A_4, %dma_start3A_6] : memref<8192x1024xf32, #tpu.memory_space<hbm>> -> memref<32x1024xf32, #tpu.memory_space<hbm>>
    tpu.enqueue_dma source(%dma_start3A_7 : memref<32x1024xf32, #tpu.memory_space<hbm>>) target(%arg10 : memref<32x1024xf32, #tpu.memory_space<vmem>>) target_semaphore(%arg12 : memref<!tpu.dma_semaphore, #tpu.memory_space<semaphore_mem>>)
    %add3A_8 = arith.constant 32 : i32
    %add3A_9 = arith.addi %mul3A_2, %add3A_8 : i32
    "tpu.region"() ({
      %run_scoped3A = tpu.sem_alloc : memref<!tpu.dma_semaphore, #tpu.memory_space<semaphore_mem>>
      %dma_start3A_177 = tpu.memref_slice %arg3[%add3A_9] : memref<8192xi32, #tpu.memory_space<hbm>> -> memref<32xi32, #tpu.memory_space<hbm>>
      %dma_start3A_178 = tpu.memref_slice %arg3[%add3A_9] : memref<8192xi32, #tpu.memory_space<hbm>> -> memref<32xi32, #tpu.memory_space<hbm>>
      tpu.enqueue_dma source(%dma_start3A_178 : memref<32xi32, #tpu.memory_space<hbm>>) target(%arg7 : memref<32xi32, #tpu.memory_space<vmem>>) target_semaphore(%run_scoped3A : memref<!tpu.dma_semaphore, #tpu.memory_space<semaphore_mem>>)
      %dma_wait3A_179 = tpu.memref_slice %arg3[%add3A_9] : memref<8192xi32, #tpu.memory_space<hbm>> -> memref<32xi32, #tpu.memory_space<hbm>>
      %dma_wait3A_180 = tpu.memref_slice %arg3[%add3A_9] : memref<8192xi32, #tpu.memory_space<hbm>> -> memref<32xi32, #tpu.memory_space<hbm>>
      tpu.wait_dma2 semaphore(%run_scoped3A : memref<!tpu.dma_semaphore, #tpu.memory_space<semaphore_mem>>) src(%dma_wait3A_180 : memref<32xi32, #tpu.memory_space<hbm>>) dst(%arg7 : memref<32xi32, #tpu.memory_space<vmem>>)
      tpu.yield
    }) : () -> ()
    "tpu.region"() ({
      %run_scoped3A = tpu.sem_alloc : memref<!tpu.dma_semaphore, #tpu.memory_space<semaphore_mem>>
      %dma_start3A_177 = tpu.memref_slice %arg4[%add3A_9] : memref<8192xi32, #tpu.memory_space<hbm>> -> memref<32xi32, #tpu.memory_space<hbm>>
      %dma_start3A_178 = tpu.memref_slice %arg4[%add3A_9] : memref<8192xi32, #tpu.memory_space<hbm>> -> memref<32xi32, #tpu.memory_space<hbm>>
      tpu.enqueue_dma source(%dma_start3A_178 : memref<32xi32, #tpu.memory_space<hbm>>) target(%arg9 : memref<32xi32, #tpu.memory_space<vmem>>) target_semaphore(%run_scoped3A : memref<!tpu.dma_semaphore, #tpu.memory_space<semaphore_mem>>)
      %dma_wait3A_179 = tpu.memref_slice %arg4[%add3A_9] : memref<8192xi32, #tpu.memory_space<hbm>> -> memref<32xi32, #tpu.memory_space<hbm>>
      %dma_wait3A_180 = tpu.memref_slice %arg4[%add3A_9] : memref<8192xi32, #tpu.memory_space<hbm>> -> memref<32xi32, #tpu.memory_space<hbm>>
      tpu.wait_dma2 semaphore(%run_scoped3A : memref<!tpu.dma_semaphore, #tpu.memory_space<semaphore_mem>>) src(%dma_wait3A_180 : memref<32xi32, #tpu.memory_space<hbm>>) dst(%arg9 : memref<32xi32, #tpu.memory_space<vmem>>)
      tpu.yield
    }) : () -> ()
    %dma_start3A_10 = arith.constant 0 : i32
    %dma_start3A_11 = tpu.memref_slice %arg2[%add3A_9, %dma_start3A_10] : memref<8192x1024xf32, #tpu.memory_space<hbm>> -> memref<32x1024xf32, #tpu.memory_space<hbm>>
    %dma_start3A_12 = arith.constant 0 : i32
    %dma_start3A_13 = tpu.memref_slice %arg2[%add3A_9, %dma_start3A_12] : memref<8192x1024xf32, #tpu.memory_space<hbm>> -> memref<32x1024xf32, #tpu.memory_space<hbm>>
    tpu.enqueue_dma source(%dma_start3A_13 : memref<32x1024xf32, #tpu.memory_space<hbm>>) target(%arg11 : memref<32x1024xf32, #tpu.memory_space<vmem>>) target_semaphore(%arg13 : memref<!tpu.dma_semaphore, #tpu.memory_space<semaphore_mem>>)
    %dma_wait3A = arith.constant 0 : i32
    %dma_wait3A_14 = tpu.memref_slice %arg2[%add3A_4, %dma_wait3A] : memref<8192x1024xf32, #tpu.memory_space<hbm>> -> memref<32x1024xf32, #tpu.memory_space<hbm>>
    %dma_wait3A_15 = arith.constant 0 : i32
    %dma_wait3A_16 = tpu.memref_slice %arg2[%add3A_4, %dma_wait3A_15] : memref<8192x1024xf32, #tpu.memory_space<hbm>> -> memref<32x1024xf32, #tpu.memory_space<hbm>>
    tpu.wait_dma2 semaphore(%arg12 : memref<!tpu.dma_semaphore, #tpu.memory_space<semaphore_mem>>) src(%dma_wait3A_16 : memref<32x1024xf32, #tpu.memory_space<hbm>>) dst(%arg10 : memref<32x1024xf32, #tpu.memory_space<vmem>>)
    %dma_start3A_17 = arith.constant 0 : i32
    %dma_start3A_18 = arith.constant 0 : i32
    %dma_start3A_19 = tpu.memref_slice %arg5[%dma_start3A_17, %dma_start3A_18] : memref<23552x1024xf32, #tpu.memory_space<hbm>> -> memref<23552x1024xf32, #tpu.memory_space<hbm>>
    tpu.enqueue_indirect_dma source(%arg10 : memref<32x1024xf32, #tpu.memory_space<vmem>>) target(%dma_start3A_19 : memref<23552x1024xf32, #tpu.memory_space<hbm>>) offsets(%arg6 : memref<32xi32, #tpu.memory_space<vmem>>) semaphore(%arg14 : memref<!tpu.dma_semaphore, #tpu.memory_space<semaphore_mem>>)
    %dma_start3A_20 = arith.constant 0 : i32
    %dma_start3A_21 = arith.constant 0 : i32
    %dma_start3A_22 = tpu.memref_slice %arg5[%dma_start3A_20, %dma_start3A_21] : memref<23552x1024xf32, #tpu.memory_space<hbm>> -> memref<23552x1024xf32, #tpu.memory_space<hbm>>
    tpu.enqueue_indirect_dma source(%arg10 : memref<32x1024xf32, #tpu.memory_space<vmem>>) target(%dma_start3A_22 : memref<23552x1024xf32, #tpu.memory_space<hbm>>) offsets(%arg8 : memref<32xi32, #tpu.memory_space<vmem>>) semaphore(%arg16 : memref<!tpu.dma_semaphore, #tpu.memory_space<semaphore_mem>>)
    %add3A_23 = arith.constant 64 : i32
    %add3A_24 = arith.addi %mul3A_2, %add3A_23 : i32
    %dma_wait3A_25 = arith.constant 0 : i32
    %dma_wait3A_26 = arith.constant 0 : i32
    %dma_wait3A_27 = tpu.memref_slice %arg5[%dma_wait3A_25, %dma_wait3A_26] : memref<23552x1024xf32, #tpu.memory_space<hbm>> -> memref<23552x1024xf32, #tpu.memory_space<hbm>>
    tpu.wait_indirect_dma semaphore(%arg14 : memref<!tpu.dma_semaphore, #tpu.memory_space<semaphore_mem>>) src(%arg10 : memref<32x1024xf32, #tpu.memory_space<vmem>>) dst(%dma_wait3A_27 : memref<23552x1024xf32, #tpu.memory_space<hbm>>)
    %dma_wait3A_28 = arith.constant 0 : i32
    %dma_wait3A_29 = arith.constant 0 : i32
    %dma_wait3A_30 = tpu.memref_slice %arg5[%dma_wait3A_28, %dma_wait3A_29] : memref<23552x1024xf32, #tpu.memory_space<hbm>> -> memref<23552x1024xf32, #tpu.memory_space<hbm>>
    tpu.wait_indirect_dma semaphore(%arg16 : memref<!tpu.dma_semaphore, #tpu.memory_space<semaphore_mem>>) src(%arg10 : memref<32x1024xf32, #tpu.memory_space<vmem>>) dst(%dma_wait3A_30 : memref<23552x1024xf32, #tpu.memory_space<hbm>>)
    "tpu.region"() ({
      %run_scoped3A = tpu.sem_alloc : memref<!tpu.dma_semaphore, #tpu.memory_space<semaphore_mem>>
      %dma_start3A_177 = tpu.memref_slice %arg3[%add3A_24] : memref<8192xi32, #tpu.memory_space<hbm>> -> memref<32xi32, #tpu.memory_space<hbm>>
      %dma_start3A_178 = tpu.memref_slice %arg3[%add3A_24] : memref<8192xi32, #tpu.memory_space<hbm>> -> memref<32xi32, #tpu.memory_space<hbm>>
      tpu.enqueue_dma source(%dma_start3A_178 : memref<32xi32, #tpu.memory_space<hbm>>) target(%arg6 : memref<32xi32, #tpu.memory_space<vmem>>) target_semaphore(%run_scoped3A : memref<!tpu.dma_semaphore, #tpu.memory_space<semaphore_mem>>)
      %dma_wait3A_179 = tpu.memref_slice %arg3[%add3A_24] : memref<8192xi32, #tpu.memory_space<hbm>> -> memref<32xi32, #tpu.memory_space<hbm>>
      %dma_wait3A_180 = tpu.memref_slice %arg3[%add3A_24] : memref<8192xi32, #tpu.memory_space<hbm>> -> memref<32xi32, #tpu.memory_space<hbm>>
      tpu.wait_dma2 semaphore(%run_scoped3A : memref<!tpu.dma_semaphore, #tpu.memory_space<semaphore_mem>>) src(%dma_wait3A_180 : memref<32xi32, #tpu.memory_space<hbm>>) dst(%arg6 : memref<32xi32, #tpu.memory_space<vmem>>)
      tpu.yield
    }) : () -> ()
    "tpu.region"() ({
      %run_scoped3A = tpu.sem_alloc : memref<!tpu.dma_semaphore, #tpu.memory_space<semaphore_mem>>
      %dma_start3A_177 = tpu.memref_slice %arg4[%add3A_24] : memref<8192xi32, #tpu.memory_space<hbm>> -> memref<32xi32, #tpu.memory_space<hbm>>
      %dma_start3A_178 = tpu.memref_slice %arg4[%add3A_24] : memref<8192xi32, #tpu.memory_space<hbm>> -> memref<32xi32, #tpu.memory_space<hbm>>
      tpu.enqueue_dma source(%dma_start3A_178 : memref<32xi32, #tpu.memory_space<hbm>>) target(%arg8 : memref<32xi32, #tpu.memory_space<vmem>>) target_semaphore(%run_scoped3A : memref<!tpu.dma_semaphore, #tpu.memory_space<semaphore_mem>>)
      %dma_wait3A_179 = tpu.memref_slice %arg4[%add3A_24] : memref<8192xi32, #tpu.memory_space<hbm>> -> memref<32xi32, #tpu.memory_space<hbm>>
      %dma_wait3A_180 = tpu.memref_slice %arg4[%add3A_24] : memref<8192xi32, #tpu.memory_space<hbm>> -> memref<32xi32, #tpu.memory_space<hbm>>
      tpu.wait_dma2 semaphore(%run_scoped3A : memref<!tpu.dma_semaphore, #tpu.memory_space<semaphore_mem>>) src(%dma_wait3A_180 : memref<32xi32, #tpu.memory_space<hbm>>) dst(%arg8 : memref<32xi32, #tpu.memory_space<vmem>>)
      tpu.yield
    }) : () -> ()
    %dma_start3A_31 = arith.constant 0 : i32
    %dma_start3A_32 = tpu.memref_slice %arg2[%add3A_24, %dma_start3A_31] : memref<8192x1024xf32, #tpu.memory_space<hbm>> -> memref<32x1024xf32, #tpu.memory_space<hbm>>
    %dma_start3A_33 = arith.constant 0 : i32
    %dma_start3A_34 = tpu.memref_slice %arg2[%add3A_24, %dma_start3A_33] : memref<8192x1024xf32, #tpu.memory_space<hbm>> -> memref<32x1024xf32, #tpu.memory_space<hbm>>
    tpu.enqueue_dma source(%dma_start3A_34 : memref<32x1024xf32, #tpu.memory_space<hbm>>) target(%arg10 : memref<32x1024xf32, #tpu.memory_space<vmem>>) target_semaphore(%arg12 : memref<!tpu.dma_semaphore, #tpu.memory_space<semaphore_mem>>)
    %dma_wait3A_35 = arith.constant 0 : i32
    %dma_wait3A_36 = tpu.memref_slice %arg2[%add3A_9, %dma_wait3A_35] : memref<8192x1024xf32, #tpu.memory_space<hbm>> -> memref<32x1024xf32, #tpu.memory_space<hbm>>
    %dma_wait3A_37 = arith.constant 0 : i32
    %dma_wait3A_38 = tpu.memref_slice %arg2[%add3A_9, %dma_wait3A_37] : memref<8192x1024xf32, #tpu.memory_space<hbm>> -> memref<32x1024xf32, #tpu.memory_space<hbm>>
    tpu.wait_dma2 semaphore(%arg13 : memref<!tpu.dma_semaphore, #tpu.memory_space<semaphore_mem>>) src(%dma_wait3A_38 : memref<32x1024xf32, #tpu.memory_space<hbm>>) dst(%arg11 : memref<32x1024xf32, #tpu.memory_space<vmem>>)
    %dma_start3A_39 = arith.constant 0 : i32
    %dma_start3A_40 = arith.constant 0 : i32
    %dma_start3A_41 = tpu.memref_slice %arg5[%dma_start3A_39, %dma_start3A_40] : memref<23552x1024xf32, #tpu.memory_space<hbm>> -> memref<23552x1024xf32, #tpu.memory_space<hbm>>
    tpu.enqueue_indirect_dma source(%arg11 : memref<32x1024xf32, #tpu.memory_space<vmem>>) target(%dma_start3A_41 : memref<23552x1024xf32, #tpu.memory_space<hbm>>) offsets(%arg7 : memref<32xi32, #tpu.memory_space<vmem>>) semaphore(%arg15 : memref<!tpu.dma_semaphore, #tpu.memory_space<semaphore_mem>>)
    %dma_start3A_42 = arith.constant 0 : i32
    %dma_start3A_43 = arith.constant 0 : i32
    %dma_start3A_44 = tpu.memref_slice %arg5[%dma_start3A_42, %dma_start3A_43] : memref<23552x1024xf32, #tpu.memory_space<hbm>> -> memref<23552x1024xf32, #tpu.memory_space<hbm>>
    tpu.enqueue_indirect_dma source(%arg11 : memref<32x1024xf32, #tpu.memory_space<vmem>>) target(%dma_start3A_44 : memref<23552x1024xf32, #tpu.memory_space<hbm>>) offsets(%arg9 : memref<32xi32, #tpu.memory_space<vmem>>) semaphore(%arg17 : memref<!tpu.dma_semaphore, #tpu.memory_space<semaphore_mem>>)
    %add3A_45 = arith.constant 96 : i32
    %add3A_46 = arith.addi %mul3A_2, %add3A_45 : i32
    %dma_wait3A_47 = arith.constant 0 : i32
    %dma_wait3A_48 = arith.constant 0 : i32
    %dma_wait3A_49 = tpu.memref_slice %arg5[%dma_wait3A_47, %dma_wait3A_48] : memref<23552x1024xf32, #tpu.memory_space<hbm>> -> memref<23552x1024xf32, #tpu.memory_space<hbm>>
    tpu.wait_indirect_dma semaphore(%arg15 : memref<!tpu.dma_semaphore, #tpu.memory_space<semaphore_mem>>) src(%arg11 : memref<32x1024xf32, #tpu.memory_space<vmem>>) dst(%dma_wait3A_49 : memref<23552x1024xf32, #tpu.memory_space<hbm>>)
    %dma_wait3A_50 = arith.constant 0 : i32
    %dma_wait3A_51 = arith.constant 0 : i32
    %dma_wait3A_52 = tpu.memref_slice %arg5[%dma_wait3A_50, %dma_wait3A_51] : memref<23552x1024xf32, #tpu.memory_space<hbm>> -> memref<23552x1024xf32, #tpu.memory_space<hbm>>
    tpu.wait_indirect_dma semaphore(%arg17 : memref<!tpu.dma_semaphore, #tpu.memory_space<semaphore_mem>>) src(%arg11 : memref<32x1024xf32, #tpu.memory_space<vmem>>) dst(%dma_wait3A_52 : memref<23552x1024xf32, #tpu.memory_space<hbm>>)
    "tpu.region"() ({
      %run_scoped3A = tpu.sem_alloc : memref<!tpu.dma_semaphore, #tpu.memory_space<semaphore_mem>>
      %dma_start3A_177 = tpu.memref_slice %arg3[%add3A_46] : memref<8192xi32, #tpu.memory_space<hbm>> -> memref<32xi32, #tpu.memory_space<hbm>>
      %dma_start3A_178 = tpu.memref_slice %arg3[%add3A_46] : memref<8192xi32, #tpu.memory_space<hbm>> -> memref<32xi32, #tpu.memory_space<hbm>>
      tpu.enqueue_dma source(%dma_start3A_178 : memref<32xi32, #tpu.memory_space<hbm>>) target(%arg7 : memref<32xi32, #tpu.memory_space<vmem>>) target_semaphore(%run_scoped3A : memref<!tpu.dma_semaphore, #tpu.memory_space<semaphore_mem>>)
      %dma_wait3A_179 = tpu.memref_slice %arg3[%add3A_46] : memref<8192xi32, #tpu.memory_space<hbm>> -> memref<32xi32, #tpu.memory_space<hbm>>
      %dma_wait3A_180 = tpu.memref_slice %arg3[%add3A_46] : memref<8192xi32, #tpu.memory_space<hbm>> -> memref<32xi32, #tpu.memory_space<hbm>>
      tpu.wait_dma2 semaphore(%run_scoped3A : memref<!tpu.dma_semaphore, #tpu.memory_space<semaphore_mem>>) src(%dma_wait3A_180 : memref<32xi32, #tpu.memory_space<hbm>>) dst(%arg7 : memref<32xi32, #tpu.memory_space<vmem>>)
      tpu.yield
    }) : () -> ()
    "tpu.region"() ({
      %run_scoped3A = tpu.sem_alloc : memref<!tpu.dma_semaphore, #tpu.memory_space<semaphore_mem>>
      %dma_start3A_177 = tpu.memref_slice %arg4[%add3A_46] : memref<8192xi32, #tpu.memory_space<hbm>> -> memref<32xi32, #tpu.memory_space<hbm>>
      %dma_start3A_178 = tpu.memref_slice %arg4[%add3A_46] : memref<8192xi32, #tpu.memory_space<hbm>> -> memref<32xi32, #tpu.memory_space<hbm>>
      tpu.enqueue_dma source(%dma_start3A_178 : memref<32xi32, #tpu.memory_space<hbm>>) target(%arg9 : memref<32xi32, #tpu.memory_space<vmem>>) target_semaphore(%run_scoped3A : memref<!tpu.dma_semaphore, #tpu.memory_space<semaphore_mem>>)
      %dma_wait3A_179 = tpu.memref_slice %arg4[%add3A_46] : memref<8192xi32, #tpu.memory_space<hbm>> -> memref<32xi32, #tpu.memory_space<hbm>>
      %dma_wait3A_180 = tpu.memref_slice %arg4[%add3A_46] : memref<8192xi32, #tpu.memory_space<hbm>> -> memref<32xi32, #tpu.memory_space<hbm>>
      tpu.wait_dma2 semaphore(%run_scoped3A : memref<!tpu.dma_semaphore, #tpu.memory_space<semaphore_mem>>) src(%dma_wait3A_180 : memref<32xi32, #tpu.memory_space<hbm>>) dst(%arg9 : memref<32xi32, #tpu.memory_space<vmem>>)
      tpu.yield
    }) : () -> ()
    %dma_start3A_53 = arith.constant 0 : i32
    %dma_start3A_54 = tpu.memref_slice %arg2[%add3A_46, %dma_start3A_53] : memref<8192x1024xf32, #tpu.memory_space<hbm>> -> memref<32x1024xf32, #tpu.memory_space<hbm>>
    %dma_start3A_55 = arith.constant 0 : i32
    %dma_start3A_56 = tpu.memref_slice %arg2[%add3A_46, %dma_start3A_55] : memref<8192x1024xf32, #tpu.memory_space<hbm>> -> memref<32x1024xf32, #tpu.memory_space<hbm>>
    tpu.enqueue_dma source(%dma_start3A_56 : memref<32x1024xf32, #tpu.memory_space<hbm>>) target(%arg11 : memref<32x1024xf32, #tpu.memory_space<vmem>>) target_semaphore(%arg13 : memref<!tpu.dma_semaphore, #tpu.memory_space<semaphore_mem>>)
    %dma_wait3A_57 = arith.constant 0 : i32
    %dma_wait3A_58 = tpu.memref_slice %arg2[%add3A_24, %dma_wait3A_57] : memref<8192x1024xf32, #tpu.memory_space<hbm>> -> memref<32x1024xf32, #tpu.memory_space<hbm>>
    %dma_wait3A_59 = arith.constant 0 : i32
    %dma_wait3A_60 = tpu.memref_slice %arg2[%add3A_24, %dma_wait3A_59] : memref<8192x1024xf32, #tpu.memory_space<hbm>> -> memref<32x1024xf32, #tpu.memory_space<hbm>>
    tpu.wait_dma2 semaphore(%arg12 : memref<!tpu.dma_semaphore, #tpu.memory_space<semaphore_mem>>) src(%dma_wait3A_60 : memref<32x1024xf32, #tpu.memory_space<hbm>>) dst(%arg10 : memref<32x1024xf32, #tpu.memory_space<vmem>>)
    %dma_start3A_61 = arith.constant 0 : i32
    %dma_start3A_62 = arith.constant 0 : i32
    %dma_start3A_63 = tpu.memref_slice %arg5[%dma_start3A_61, %dma_start3A_62] : memref<23552x1024xf32, #tpu.memory_space<hbm>> -> memref<23552x1024xf32, #tpu.memory_space<hbm>>
    tpu.enqueue_indirect_dma source(%arg10 : memref<32x1024xf32, #tpu.memory_space<vmem>>) target(%dma_start3A_63 : memref<23552x1024xf32, #tpu.memory_space<hbm>>) offsets(%arg6 : memref<32xi32, #tpu.memory_space<vmem>>) semaphore(%arg14 : memref<!tpu.dma_semaphore, #tpu.memory_space<semaphore_mem>>)
    %dma_start3A_64 = arith.constant 0 : i32
    %dma_start3A_65 = arith.constant 0 : i32
    %dma_start3A_66 = tpu.memref_slice %arg5[%dma_start3A_64, %dma_start3A_65] : memref<23552x1024xf32, #tpu.memory_space<hbm>> -> memref<23552x1024xf32, #tpu.memory_space<hbm>>
    tpu.enqueue_indirect_dma source(%arg10 : memref<32x1024xf32, #tpu.memory_space<vmem>>) target(%dma_start3A_66 : memref<23552x1024xf32, #tpu.memory_space<hbm>>) offsets(%arg8 : memref<32xi32, #tpu.memory_space<vmem>>) semaphore(%arg16 : memref<!tpu.dma_semaphore, #tpu.memory_space<semaphore_mem>>)
    %add3A_67 = arith.constant 128 : i32
    %add3A_68 = arith.addi %mul3A_2, %add3A_67 : i32
    %dma_wait3A_69 = arith.constant 0 : i32
    %dma_wait3A_70 = arith.constant 0 : i32
    %dma_wait3A_71 = tpu.memref_slice %arg5[%dma_wait3A_69, %dma_wait3A_70] : memref<23552x1024xf32, #tpu.memory_space<hbm>> -> memref<23552x1024xf32, #tpu.memory_space<hbm>>
    tpu.wait_indirect_dma semaphore(%arg14 : memref<!tpu.dma_semaphore, #tpu.memory_space<semaphore_mem>>) src(%arg10 : memref<32x1024xf32, #tpu.memory_space<vmem>>) dst(%dma_wait3A_71 : memref<23552x1024xf32, #tpu.memory_space<hbm>>)
    %dma_wait3A_72 = arith.constant 0 : i32
    %dma_wait3A_73 = arith.constant 0 : i32
    %dma_wait3A_74 = tpu.memref_slice %arg5[%dma_wait3A_72, %dma_wait3A_73] : memref<23552x1024xf32, #tpu.memory_space<hbm>> -> memref<23552x1024xf32, #tpu.memory_space<hbm>>
    tpu.wait_indirect_dma semaphore(%arg16 : memref<!tpu.dma_semaphore, #tpu.memory_space<semaphore_mem>>) src(%arg10 : memref<32x1024xf32, #tpu.memory_space<vmem>>) dst(%dma_wait3A_74 : memref<23552x1024xf32, #tpu.memory_space<hbm>>)
    "tpu.region"() ({
      %run_scoped3A = tpu.sem_alloc : memref<!tpu.dma_semaphore, #tpu.memory_space<semaphore_mem>>
      %dma_start3A_177 = tpu.memref_slice %arg3[%add3A_68] : memref<8192xi32, #tpu.memory_space<hbm>> -> memref<32xi32, #tpu.memory_space<hbm>>
      %dma_start3A_178 = tpu.memref_slice %arg3[%add3A_68] : memref<8192xi32, #tpu.memory_space<hbm>> -> memref<32xi32, #tpu.memory_space<hbm>>
      tpu.enqueue_dma source(%dma_start3A_178 : memref<32xi32, #tpu.memory_space<hbm>>) target(%arg6 : memref<32xi32, #tpu.memory_space<vmem>>) target_semaphore(%run_scoped3A : memref<!tpu.dma_semaphore, #tpu.memory_space<semaphore_mem>>)
      %dma_wait3A_179 = tpu.memref_slice %arg3[%add3A_68] : memref<8192xi32, #tpu.memory_space<hbm>> -> memref<32xi32, #tpu.memory_space<hbm>>
      %dma_wait3A_180 = tpu.memref_slice %arg3[%add3A_68] : memref<8192xi32, #tpu.memory_space<hbm>> -> memref<32xi32, #tpu.memory_space<hbm>>
      tpu.wait_dma2 semaphore(%run_scoped3A : memref<!tpu.dma_semaphore, #tpu.memory_space<semaphore_mem>>) src(%dma_wait3A_180 : memref<32xi32, #tpu.memory_space<hbm>>) dst(%arg6 : memref<32xi32, #tpu.memory_space<vmem>>)
      tpu.yield
    }) : () -> ()
    "tpu.region"() ({
      %run_scoped3A = tpu.sem_alloc : memref<!tpu.dma_semaphore, #tpu.memory_space<semaphore_mem>>
      %dma_start3A_177 = tpu.memref_slice %arg4[%add3A_68] : memref<8192xi32, #tpu.memory_space<hbm>> -> memref<32xi32, #tpu.memory_space<hbm>>
      %dma_start3A_178 = tpu.memref_slice %arg4[%add3A_68] : memref<8192xi32, #tpu.memory_space<hbm>> -> memref<32xi32, #tpu.memory_space<hbm>>
      tpu.enqueue_dma source(%dma_start3A_178 : memref<32xi32, #tpu.memory_space<hbm>>) target(%arg8 : memref<32xi32, #tpu.memory_space<vmem>>) target_semaphore(%run_scoped3A : memref<!tpu.dma_semaphore, #tpu.memory_space<semaphore_mem>>)
      %dma_wait3A_179 = tpu.memref_slice %arg4[%add3A_68] : memref<8192xi32, #tpu.memory_space<hbm>> -> memref<32xi32, #tpu.memory_space<hbm>>
      %dma_wait3A_180 = tpu.memref_slice %arg4[%add3A_68] : memref<8192xi32, #tpu.memory_space<hbm>> -> memref<32xi32, #tpu.memory_space<hbm>>
      tpu.wait_dma2 semaphore(%run_scoped3A : memref<!tpu.dma_semaphore, #tpu.memory_space<semaphore_mem>>) src(%dma_wait3A_180 : memref<32xi32, #tpu.memory_space<hbm>>) dst(%arg8 : memref<32xi32, #tpu.memory_space<vmem>>)
      tpu.yield
    }) : () -> ()
    %dma_start3A_75 = arith.constant 0 : i32
    %dma_start3A_76 = tpu.memref_slice %arg2[%add3A_68, %dma_start3A_75] : memref<8192x1024xf32, #tpu.memory_space<hbm>> -> memref<32x1024xf32, #tpu.memory_space<hbm>>
    %dma_start3A_77 = arith.constant 0 : i32
    %dma_start3A_78 = tpu.memref_slice %arg2[%add3A_68, %dma_start3A_77] : memref<8192x1024xf32, #tpu.memory_space<hbm>> -> memref<32x1024xf32, #tpu.memory_space<hbm>>
    tpu.enqueue_dma source(%dma_start3A_78 : memref<32x1024xf32, #tpu.memory_space<hbm>>) target(%arg10 : memref<32x1024xf32, #tpu.memory_space<vmem>>) target_semaphore(%arg12 : memref<!tpu.dma_semaphore, #tpu.memory_space<semaphore_mem>>)
    %dma_wait3A_79 = arith.constant 0 : i32
    %dma_wait3A_80 = tpu.memref_slice %arg2[%add3A_46, %dma_wait3A_79] : memref<8192x1024xf32, #tpu.memory_space<hbm>> -> memref<32x1024xf32, #tpu.memory_space<hbm>>
    %dma_wait3A_81 = arith.constant 0 : i32
    %dma_wait3A_82 = tpu.memref_slice %arg2[%add3A_46, %dma_wait3A_81] : memref<8192x1024xf32, #tpu.memory_space<hbm>> -> memref<32x1024xf32, #tpu.memory_space<hbm>>
    tpu.wait_dma2 semaphore(%arg13 : memref<!tpu.dma_semaphore, #tpu.memory_space<semaphore_mem>>) src(%dma_wait3A_82 : memref<32x1024xf32, #tpu.memory_space<hbm>>) dst(%arg11 : memref<32x1024xf32, #tpu.memory_space<vmem>>)
    %dma_start3A_83 = arith.constant 0 : i32
    %dma_start3A_84 = arith.constant 0 : i32
    %dma_start3A_85 = tpu.memref_slice %arg5[%dma_start3A_83, %dma_start3A_84] : memref<23552x1024xf32, #tpu.memory_space<hbm>> -> memref<23552x1024xf32, #tpu.memory_space<hbm>>
    tpu.enqueue_indirect_dma source(%arg11 : memref<32x1024xf32, #tpu.memory_space<vmem>>) target(%dma_start3A_85 : memref<23552x1024xf32, #tpu.memory_space<hbm>>) offsets(%arg7 : memref<32xi32, #tpu.memory_space<vmem>>) semaphore(%arg15 : memref<!tpu.dma_semaphore, #tpu.memory_space<semaphore_mem>>)
    %dma_start3A_86 = arith.constant 0 : i32
    %dma_start3A_87 = arith.constant 0 : i32
    %dma_start3A_88 = tpu.memref_slice %arg5[%dma_start3A_86, %dma_start3A_87] : memref<23552x1024xf32, #tpu.memory_space<hbm>> -> memref<23552x1024xf32, #tpu.memory_space<hbm>>
    tpu.enqueue_indirect_dma source(%arg11 : memref<32x1024xf32, #tpu.memory_space<vmem>>) target(%dma_start3A_88 : memref<23552x1024xf32, #tpu.memory_space<hbm>>) offsets(%arg9 : memref<32xi32, #tpu.memory_space<vmem>>) semaphore(%arg17 : memref<!tpu.dma_semaphore, #tpu.memory_space<semaphore_mem>>)
    %add3A_89 = arith.constant 160 : i32
    %add3A_90 = arith.addi %mul3A_2, %add3A_89 : i32
    %dma_wait3A_91 = arith.constant 0 : i32
    %dma_wait3A_92 = arith.constant 0 : i32
    %dma_wait3A_93 = tpu.memref_slice %arg5[%dma_wait3A_91, %dma_wait3A_92] : memref<23552x1024xf32, #tpu.memory_space<hbm>> -> memref<23552x1024xf32, #tpu.memory_space<hbm>>
    tpu.wait_indirect_dma semaphore(%arg15 : memref<!tpu.dma_semaphore, #tpu.memory_space<semaphore_mem>>) src(%arg11 : memref<32x1024xf32, #tpu.memory_space<vmem>>) dst(%dma_wait3A_93 : memref<23552x1024xf32, #tpu.memory_space<hbm>>)
    %dma_wait3A_94 = arith.constant 0 : i32
    %dma_wait3A_95 = arith.constant 0 : i32
    %dma_wait3A_96 = tpu.memref_slice %arg5[%dma_wait3A_94, %dma_wait3A_95] : memref<23552x1024xf32, #tpu.memory_space<hbm>> -> memref<23552x1024xf32, #tpu.memory_space<hbm>>
    tpu.wait_indirect_dma semaphore(%arg17 : memref<!tpu.dma_semaphore, #tpu.memory_space<semaphore_mem>>) src(%arg11 : memref<32x1024xf32, #tpu.memory_space<vmem>>) dst(%dma_wait3A_96 : memref<23552x1024xf32, #tpu.memory_space<hbm>>)
    "tpu.region"() ({
      %run_scoped3A = tpu.sem_alloc : memref<!tpu.dma_semaphore, #tpu.memory_space<semaphore_mem>>
      %dma_start3A_177 = tpu.memref_slice %arg3[%add3A_90] : memref<8192xi32, #tpu.memory_space<hbm>> -> memref<32xi32, #tpu.memory_space<hbm>>
      %dma_start3A_178 = tpu.memref_slice %arg3[%add3A_90] : memref<8192xi32, #tpu.memory_space<hbm>> -> memref<32xi32, #tpu.memory_space<hbm>>
      tpu.enqueue_dma source(%dma_start3A_178 : memref<32xi32, #tpu.memory_space<hbm>>) target(%arg7 : memref<32xi32, #tpu.memory_space<vmem>>) target_semaphore(%run_scoped3A : memref<!tpu.dma_semaphore, #tpu.memory_space<semaphore_mem>>)
      %dma_wait3A_179 = tpu.memref_slice %arg3[%add3A_90] : memref<8192xi32, #tpu.memory_space<hbm>> -> memref<32xi32, #tpu.memory_space<hbm>>
      %dma_wait3A_180 = tpu.memref_slice %arg3[%add3A_90] : memref<8192xi32, #tpu.memory_space<hbm>> -> memref<32xi32, #tpu.memory_space<hbm>>
      tpu.wait_dma2 semaphore(%run_scoped3A : memref<!tpu.dma_semaphore, #tpu.memory_space<semaphore_mem>>) src(%dma_wait3A_180 : memref<32xi32, #tpu.memory_space<hbm>>) dst(%arg7 : memref<32xi32, #tpu.memory_space<vmem>>)
      tpu.yield
    }) : () -> ()
    "tpu.region"() ({
      %run_scoped3A = tpu.sem_alloc : memref<!tpu.dma_semaphore, #tpu.memory_space<semaphore_mem>>
      %dma_start3A_177 = tpu.memref_slice %arg4[%add3A_90] : memref<8192xi32, #tpu.memory_space<hbm>> -> memref<32xi32, #tpu.memory_space<hbm>>
      %dma_start3A_178 = tpu.memref_slice %arg4[%add3A_90] : memref<8192xi32, #tpu.memory_space<hbm>> -> memref<32xi32, #tpu.memory_space<hbm>>
      tpu.enqueue_dma source(%dma_start3A_178 : memref<32xi32, #tpu.memory_space<hbm>>) target(%arg9 : memref<32xi32, #tpu.memory_space<vmem>>) target_semaphore(%run_scoped3A : memref<!tpu.dma_semaphore, #tpu.memory_space<semaphore_mem>>)
      %dma_wait3A_179 = tpu.memref_slice %arg4[%add3A_90] : memref<8192xi32, #tpu.memory_space<hbm>> -> memref<32xi32, #tpu.memory_space<hbm>>
      %dma_wait3A_180 = tpu.memref_slice %arg4[%add3A_90] : memref<8192xi32, #tpu.memory_space<hbm>> -> memref<32xi32, #tpu.memory_space<hbm>>
      tpu.wait_dma2 semaphore(%run_scoped3A : memref<!tpu.dma_semaphore, #tpu.memory_space<semaphore_mem>>) src(%dma_wait3A_180 : memref<32xi32, #tpu.memory_space<hbm>>) dst(%arg9 : memref<32xi32, #tpu.memory_space<vmem>>)
      tpu.yield
    }) : () -> ()
    %dma_start3A_97 = arith.constant 0 : i32
    %dma_start3A_98 = tpu.memref_slice %arg2[%add3A_90, %dma_start3A_97] : memref<8192x1024xf32, #tpu.memory_space<hbm>> -> memref<32x1024xf32, #tpu.memory_space<hbm>>
    %dma_start3A_99 = arith.constant 0 : i32
    %dma_start3A_100 = tpu.memref_slice %arg2[%add3A_90, %dma_start3A_99] : memref<8192x1024xf32, #tpu.memory_space<hbm>> -> memref<32x1024xf32, #tpu.memory_space<hbm>>
    tpu.enqueue_dma source(%dma_start3A_100 : memref<32x1024xf32, #tpu.memory_space<hbm>>) target(%arg11 : memref<32x1024xf32, #tpu.memory_space<vmem>>) target_semaphore(%arg13 : memref<!tpu.dma_semaphore, #tpu.memory_space<semaphore_mem>>)
    %dma_wait3A_101 = arith.constant 0 : i32
    %dma_wait3A_102 = tpu.memref_slice %arg2[%add3A_68, %dma_wait3A_101] : memref<8192x1024xf32, #tpu.memory_space<hbm>> -> memref<32x1024xf32, #tpu.memory_space<hbm>>
    %dma_wait3A_103 = arith.constant 0 : i32
    %dma_wait3A_104 = tpu.memref_slice %arg2[%add3A_68, %dma_wait3A_103] : memref<8192x1024xf32, #tpu.memory_space<hbm>> -> memref<32x1024xf32, #tpu.memory_space<hbm>>
    tpu.wait_dma2 semaphore(%arg12 : memref<!tpu.dma_semaphore, #tpu.memory_space<semaphore_mem>>) src(%dma_wait3A_104 : memref<32x1024xf32, #tpu.memory_space<hbm>>) dst(%arg10 : memref<32x1024xf32, #tpu.memory_space<vmem>>)
    %dma_start3A_105 = arith.constant 0 : i32
    %dma_start3A_106 = arith.constant 0 : i32
    %dma_start3A_107 = tpu.memref_slice %arg5[%dma_start3A_105, %dma_start3A_106] : memref<23552x1024xf32, #tpu.memory_space<hbm>> -> memref<23552x1024xf32, #tpu.memory_space<hbm>>
    tpu.enqueue_indirect_dma source(%arg10 : memref<32x1024xf32, #tpu.memory_space<vmem>>) target(%dma_start3A_107 : memref<23552x1024xf32, #tpu.memory_space<hbm>>) offsets(%arg6 : memref<32xi32, #tpu.memory_space<vmem>>) semaphore(%arg14 : memref<!tpu.dma_semaphore, #tpu.memory_space<semaphore_mem>>)
    %dma_start3A_108 = arith.constant 0 : i32
    %dma_start3A_109 = arith.constant 0 : i32
    %dma_start3A_110 = tpu.memref_slice %arg5[%dma_start3A_108, %dma_start3A_109] : memref<23552x1024xf32, #tpu.memory_space<hbm>> -> memref<23552x1024xf32, #tpu.memory_space<hbm>>
    tpu.enqueue_indirect_dma source(%arg10 : memref<32x1024xf32, #tpu.memory_space<vmem>>) target(%dma_start3A_110 : memref<23552x1024xf32, #tpu.memory_space<hbm>>) offsets(%arg8 : memref<32xi32, #tpu.memory_space<vmem>>) semaphore(%arg16 : memref<!tpu.dma_semaphore, #tpu.memory_space<semaphore_mem>>)
    %add3A_111 = arith.constant 192 : i32
    %add3A_112 = arith.addi %mul3A_2, %add3A_111 : i32
    %dma_wait3A_113 = arith.constant 0 : i32
    %dma_wait3A_114 = arith.constant 0 : i32
    %dma_wait3A_115 = tpu.memref_slice %arg5[%dma_wait3A_113, %dma_wait3A_114] : memref<23552x1024xf32, #tpu.memory_space<hbm>> -> memref<23552x1024xf32, #tpu.memory_space<hbm>>
    tpu.wait_indirect_dma semaphore(%arg14 : memref<!tpu.dma_semaphore, #tpu.memory_space<semaphore_mem>>) src(%arg10 : memref<32x1024xf32, #tpu.memory_space<vmem>>) dst(%dma_wait3A_115 : memref<23552x1024xf32, #tpu.memory_space<hbm>>)
    %dma_wait3A_116 = arith.constant 0 : i32
    %dma_wait3A_117 = arith.constant 0 : i32
    %dma_wait3A_118 = tpu.memref_slice %arg5[%dma_wait3A_116, %dma_wait3A_117] : memref<23552x1024xf32, #tpu.memory_space<hbm>> -> memref<23552x1024xf32, #tpu.memory_space<hbm>>
    tpu.wait_indirect_dma semaphore(%arg16 : memref<!tpu.dma_semaphore, #tpu.memory_space<semaphore_mem>>) src(%arg10 : memref<32x1024xf32, #tpu.memory_space<vmem>>) dst(%dma_wait3A_118 : memref<23552x1024xf32, #tpu.memory_space<hbm>>)
    "tpu.region"() ({
      %run_scoped3A = tpu.sem_alloc : memref<!tpu.dma_semaphore, #tpu.memory_space<semaphore_mem>>
      %dma_start3A_177 = tpu.memref_slice %arg3[%add3A_112] : memref<8192xi32, #tpu.memory_space<hbm>> -> memref<32xi32, #tpu.memory_space<hbm>>
      %dma_start3A_178 = tpu.memref_slice %arg3[%add3A_112] : memref<8192xi32, #tpu.memory_space<hbm>> -> memref<32xi32, #tpu.memory_space<hbm>>
      tpu.enqueue_dma source(%dma_start3A_178 : memref<32xi32, #tpu.memory_space<hbm>>) target(%arg6 : memref<32xi32, #tpu.memory_space<vmem>>) target_semaphore(%run_scoped3A : memref<!tpu.dma_semaphore, #tpu.memory_space<semaphore_mem>>)
      %dma_wait3A_179 = tpu.memref_slice %arg3[%add3A_112] : memref<8192xi32, #tpu.memory_space<hbm>> -> memref<32xi32, #tpu.memory_space<hbm>>
      %dma_wait3A_180 = tpu.memref_slice %arg3[%add3A_112] : memref<8192xi32, #tpu.memory_space<hbm>> -> memref<32xi32, #tpu.memory_space<hbm>>
      tpu.wait_dma2 semaphore(%run_scoped3A : memref<!tpu.dma_semaphore, #tpu.memory_space<semaphore_mem>>) src(%dma_wait3A_180 : memref<32xi32, #tpu.memory_space<hbm>>) dst(%arg6 : memref<32xi32, #tpu.memory_space<vmem>>)
      tpu.yield
    }) : () -> ()
    "tpu.region"() ({
      %run_scoped3A = tpu.sem_alloc : memref<!tpu.dma_semaphore, #tpu.memory_space<semaphore_mem>>
      %dma_start3A_177 = tpu.memref_slice %arg4[%add3A_112] : memref<8192xi32, #tpu.memory_space<hbm>> -> memref<32xi32, #tpu.memory_space<hbm>>
      %dma_start3A_178 = tpu.memref_slice %arg4[%add3A_112] : memref<8192xi32, #tpu.memory_space<hbm>> -> memref<32xi32, #tpu.memory_space<hbm>>
      tpu.enqueue_dma source(%dma_start3A_178 : memref<32xi32, #tpu.memory_space<hbm>>) target(%arg8 : memref<32xi32, #tpu.memory_space<vmem>>) target_semaphore(%run_scoped3A : memref<!tpu.dma_semaphore, #tpu.memory_space<semaphore_mem>>)
      %dma_wait3A_179 = tpu.memref_slice %arg4[%add3A_112] : memref<8192xi32, #tpu.memory_space<hbm>> -> memref<32xi32, #tpu.memory_space<hbm>>
      %dma_wait3A_180 = tpu.memref_slice %arg4[%add3A_112] : memref<8192xi32, #tpu.memory_space<hbm>> -> memref<32xi32, #tpu.memory_space<hbm>>
      tpu.wait_dma2 semaphore(%run_scoped3A : memref<!tpu.dma_semaphore, #tpu.memory_space<semaphore_mem>>) src(%dma_wait3A_180 : memref<32xi32, #tpu.memory_space<hbm>>) dst(%arg8 : memref<32xi32, #tpu.memory_space<vmem>>)
      tpu.yield
    }) : () -> ()
    %dma_start3A_119 = arith.constant 0 : i32
    %dma_start3A_120 = tpu.memref_slice %arg2[%add3A_112, %dma_start3A_119] : memref<8192x1024xf32, #tpu.memory_space<hbm>> -> memref<32x1024xf32, #tpu.memory_space<hbm>>
    %dma_start3A_121 = arith.constant 0 : i32
    %dma_start3A_122 = tpu.memref_slice %arg2[%add3A_112, %dma_start3A_121] : memref<8192x1024xf32, #tpu.memory_space<hbm>> -> memref<32x1024xf32, #tpu.memory_space<hbm>>
    tpu.enqueue_dma source(%dma_start3A_122 : memref<32x1024xf32, #tpu.memory_space<hbm>>) target(%arg10 : memref<32x1024xf32, #tpu.memory_space<vmem>>) target_semaphore(%arg12 : memref<!tpu.dma_semaphore, #tpu.memory_space<semaphore_mem>>)
    %dma_wait3A_123 = arith.constant 0 : i32
    %dma_wait3A_124 = tpu.memref_slice %arg2[%add3A_90, %dma_wait3A_123] : memref<8192x1024xf32, #tpu.memory_space<hbm>> -> memref<32x1024xf32, #tpu.memory_space<hbm>>
    %dma_wait3A_125 = arith.constant 0 : i32
    %dma_wait3A_126 = tpu.memref_slice %arg2[%add3A_90, %dma_wait3A_125] : memref<8192x1024xf32, #tpu.memory_space<hbm>> -> memref<32x1024xf32, #tpu.memory_space<hbm>>
    tpu.wait_dma2 semaphore(%arg13 : memref<!tpu.dma_semaphore, #tpu.memory_space<semaphore_mem>>) src(%dma_wait3A_126 : memref<32x1024xf32, #tpu.memory_space<hbm>>) dst(%arg11 : memref<32x1024xf32, #tpu.memory_space<vmem>>)
    %dma_start3A_127 = arith.constant 0 : i32
    %dma_start3A_128 = arith.constant 0 : i32
    %dma_start3A_129 = tpu.memref_slice %arg5[%dma_start3A_127, %dma_start3A_128] : memref<23552x1024xf32, #tpu.memory_space<hbm>> -> memref<23552x1024xf32, #tpu.memory_space<hbm>>
    tpu.enqueue_indirect_dma source(%arg11 : memref<32x1024xf32, #tpu.memory_space<vmem>>) target(%dma_start3A_129 : memref<23552x1024xf32, #tpu.memory_space<hbm>>) offsets(%arg7 : memref<32xi32, #tpu.memory_space<vmem>>) semaphore(%arg15 : memref<!tpu.dma_semaphore, #tpu.memory_space<semaphore_mem>>)
    %dma_start3A_130 = arith.constant 0 : i32
    %dma_start3A_131 = arith.constant 0 : i32
    %dma_start3A_132 = tpu.memref_slice %arg5[%dma_start3A_130, %dma_start3A_131] : memref<23552x1024xf32, #tpu.memory_space<hbm>> -> memref<23552x1024xf32, #tpu.memory_space<hbm>>
    tpu.enqueue_indirect_dma source(%arg11 : memref<32x1024xf32, #tpu.memory_space<vmem>>) target(%dma_start3A_132 : memref<23552x1024xf32, #tpu.memory_space<hbm>>) offsets(%arg9 : memref<32xi32, #tpu.memory_space<vmem>>) semaphore(%arg17 : memref<!tpu.dma_semaphore, #tpu.memory_space<semaphore_mem>>)
    %add3A_133 = arith.constant 224 : i32
    %add3A_134 = arith.addi %mul3A_2, %add3A_133 : i32
    %dma_wait3A_135 = arith.constant 0 : i32
    %dma_wait3A_136 = arith.constant 0 : i32
    %dma_wait3A_137 = tpu.memref_slice %arg5[%dma_wait3A_135, %dma_wait3A_136] : memref<23552x1024xf32, #tpu.memory_space<hbm>> -> memref<23552x1024xf32, #tpu.memory_space<hbm>>
    tpu.wait_indirect_dma semaphore(%arg15 : memref<!tpu.dma_semaphore, #tpu.memory_space<semaphore_mem>>) src(%arg11 : memref<32x1024xf32, #tpu.memory_space<vmem>>) dst(%dma_wait3A_137 : memref<23552x1024xf32, #tpu.memory_space<hbm>>)
    %dma_wait3A_138 = arith.constant 0 : i32
    %dma_wait3A_139 = arith.constant 0 : i32
    %dma_wait3A_140 = tpu.memref_slice %arg5[%dma_wait3A_138, %dma_wait3A_139] : memref<23552x1024xf32, #tpu.memory_space<hbm>> -> memref<23552x1024xf32, #tpu.memory_space<hbm>>
    tpu.wait_indirect_dma semaphore(%arg17 : memref<!tpu.dma_semaphore, #tpu.memory_space<semaphore_mem>>) src(%arg11 : memref<32x1024xf32, #tpu.memory_space<vmem>>) dst(%dma_wait3A_140 : memref<23552x1024xf32, #tpu.memory_space<hbm>>)
    "tpu.region"() ({
      %run_scoped3A = tpu.sem_alloc : memref<!tpu.dma_semaphore, #tpu.memory_space<semaphore_mem>>
      %dma_start3A_177 = tpu.memref_slice %arg3[%add3A_134] : memref<8192xi32, #tpu.memory_space<hbm>> -> memref<32xi32, #tpu.memory_space<hbm>>
      %dma_start3A_178 = tpu.memref_slice %arg3[%add3A_134] : memref<8192xi32, #tpu.memory_space<hbm>> -> memref<32xi32, #tpu.memory_space<hbm>>
      tpu.enqueue_dma source(%dma_start3A_178 : memref<32xi32, #tpu.memory_space<hbm>>) target(%arg7 : memref<32xi32, #tpu.memory_space<vmem>>) target_semaphore(%run_scoped3A : memref<!tpu.dma_semaphore, #tpu.memory_space<semaphore_mem>>)
      %dma_wait3A_179 = tpu.memref_slice %arg3[%add3A_134] : memref<8192xi32, #tpu.memory_space<hbm>> -> memref<32xi32, #tpu.memory_space<hbm>>
      %dma_wait3A_180 = tpu.memref_slice %arg3[%add3A_134] : memref<8192xi32, #tpu.memory_space<hbm>> -> memref<32xi32, #tpu.memory_space<hbm>>
      tpu.wait_dma2 semaphore(%run_scoped3A : memref<!tpu.dma_semaphore, #tpu.memory_space<semaphore_mem>>) src(%dma_wait3A_180 : memref<32xi32, #tpu.memory_space<hbm>>) dst(%arg7 : memref<32xi32, #tpu.memory_space<vmem>>)
      tpu.yield
    }) : () -> ()
    "tpu.region"() ({
      %run_scoped3A = tpu.sem_alloc : memref<!tpu.dma_semaphore, #tpu.memory_space<semaphore_mem>>
      %dma_start3A_177 = tpu.memref_slice %arg4[%add3A_134] : memref<8192xi32, #tpu.memory_space<hbm>> -> memref<32xi32, #tpu.memory_space<hbm>>
      %dma_start3A_178 = tpu.memref_slice %arg4[%add3A_134] : memref<8192xi32, #tpu.memory_space<hbm>> -> memref<32xi32, #tpu.memory_space<hbm>>
      tpu.enqueue_dma source(%dma_start3A_178 : memref<32xi32, #tpu.memory_space<hbm>>) target(%arg9 : memref<32xi32, #tpu.memory_space<vmem>>) target_semaphore(%run_scoped3A : memref<!tpu.dma_semaphore, #tpu.memory_space<semaphore_mem>>)
      %dma_wait3A_179 = tpu.memref_slice %arg4[%add3A_134] : memref<8192xi32, #tpu.memory_space<hbm>> -> memref<32xi32, #tpu.memory_space<hbm>>
      %dma_wait3A_180 = tpu.memref_slice %arg4[%add3A_134] : memref<8192xi32, #tpu.memory_space<hbm>> -> memref<32xi32, #tpu.memory_space<hbm>>
      tpu.wait_dma2 semaphore(%run_scoped3A : memref<!tpu.dma_semaphore, #tpu.memory_space<semaphore_mem>>) src(%dma_wait3A_180 : memref<32xi32, #tpu.memory_space<hbm>>) dst(%arg9 : memref<32xi32, #tpu.memory_space<vmem>>)
      tpu.yield
    }) : () -> ()
    %dma_start3A_141 = arith.constant 0 : i32
    %dma_start3A_142 = tpu.memref_slice %arg2[%add3A_134, %dma_start3A_141] : memref<8192x1024xf32, #tpu.memory_space<hbm>> -> memref<32x1024xf32, #tpu.memory_space<hbm>>
    %dma_start3A_143 = arith.constant 0 : i32
    %dma_start3A_144 = tpu.memref_slice %arg2[%add3A_134, %dma_start3A_143] : memref<8192x1024xf32, #tpu.memory_space<hbm>> -> memref<32x1024xf32, #tpu.memory_space<hbm>>
    tpu.enqueue_dma source(%dma_start3A_144 : memref<32x1024xf32, #tpu.memory_space<hbm>>) target(%arg11 : memref<32x1024xf32, #tpu.memory_space<vmem>>) target_semaphore(%arg13 : memref<!tpu.dma_semaphore, #tpu.memory_space<semaphore_mem>>)
    %dma_wait3A_145 = arith.constant 0 : i32
    %dma_wait3A_146 = tpu.memref_slice %arg2[%add3A_112, %dma_wait3A_145] : memref<8192x1024xf32, #tpu.memory_space<hbm>> -> memref<32x1024xf32, #tpu.memory_space<hbm>>
    %dma_wait3A_147 = arith.constant 0 : i32
    %dma_wait3A_148 = tpu.memref_slice %arg2[%add3A_112, %dma_wait3A_147] : memref<8192x1024xf32, #tpu.memory_space<hbm>> -> memref<32x1024xf32, #tpu.memory_space<hbm>>
    tpu.wait_dma2 semaphore(%arg12 : memref<!tpu.dma_semaphore, #tpu.memory_space<semaphore_mem>>) src(%dma_wait3A_148 : memref<32x1024xf32, #tpu.memory_space<hbm>>) dst(%arg10 : memref<32x1024xf32, #tpu.memory_space<vmem>>)
    %dma_start3A_149 = arith.constant 0 : i32
    %dma_start3A_150 = arith.constant 0 : i32
    %dma_start3A_151 = tpu.memref_slice %arg5[%dma_start3A_149, %dma_start3A_150] : memref<23552x1024xf32, #tpu.memory_space<hbm>> -> memref<23552x1024xf32, #tpu.memory_space<hbm>>
    tpu.enqueue_indirect_dma source(%arg10 : memref<32x1024xf32, #tpu.memory_space<vmem>>) target(%dma_start3A_151 : memref<23552x1024xf32, #tpu.memory_space<hbm>>) offsets(%arg6 : memref<32xi32, #tpu.memory_space<vmem>>) semaphore(%arg14 : memref<!tpu.dma_semaphore, #tpu.memory_space<semaphore_mem>>)
    %dma_start3A_152 = arith.constant 0 : i32
    %dma_start3A_153 = arith.constant 0 : i32
    %dma_start3A_154 = tpu.memref_slice %arg5[%dma_start3A_152, %dma_start3A_153] : memref<23552x1024xf32, #tpu.memory_space<hbm>> -> memref<23552x1024xf32, #tpu.memory_space<hbm>>
    tpu.enqueue_indirect_dma source(%arg10 : memref<32x1024xf32, #tpu.memory_space<vmem>>) target(%dma_start3A_154 : memref<23552x1024xf32, #tpu.memory_space<hbm>>) offsets(%arg8 : memref<32xi32, #tpu.memory_space<vmem>>) semaphore(%arg16 : memref<!tpu.dma_semaphore, #tpu.memory_space<semaphore_mem>>)
    %dma_wait3A_155 = arith.constant 0 : i32
    %dma_wait3A_156 = tpu.memref_slice %arg2[%add3A_134, %dma_wait3A_155] : memref<8192x1024xf32, #tpu.memory_space<hbm>> -> memref<32x1024xf32, #tpu.memory_space<hbm>>
    %dma_wait3A_157 = arith.constant 0 : i32
    %dma_wait3A_158 = tpu.memref_slice %arg2[%add3A_134, %dma_wait3A_157] : memref<8192x1024xf32, #tpu.memory_space<hbm>> -> memref<32x1024xf32, #tpu.memory_space<hbm>>
    tpu.wait_dma2 semaphore(%arg13 : memref<!tpu.dma_semaphore, #tpu.memory_space<semaphore_mem>>) src(%dma_wait3A_158 : memref<32x1024xf32, #tpu.memory_space<hbm>>) dst(%arg11 : memref<32x1024xf32, #tpu.memory_space<vmem>>)
    %dma_start3A_159 = arith.constant 0 : i32
    %dma_start3A_160 = arith.constant 0 : i32
    %dma_start3A_161 = tpu.memref_slice %arg5[%dma_start3A_159, %dma_start3A_160] : memref<23552x1024xf32, #tpu.memory_space<hbm>> -> memref<23552x1024xf32, #tpu.memory_space<hbm>>
    tpu.enqueue_indirect_dma source(%arg11 : memref<32x1024xf32, #tpu.memory_space<vmem>>) target(%dma_start3A_161 : memref<23552x1024xf32, #tpu.memory_space<hbm>>) offsets(%arg7 : memref<32xi32, #tpu.memory_space<vmem>>) semaphore(%arg15 : memref<!tpu.dma_semaphore, #tpu.memory_space<semaphore_mem>>)
    %dma_wait3A_162 = arith.constant 0 : i32
    %dma_wait3A_163 = arith.constant 0 : i32
    %dma_wait3A_164 = tpu.memref_slice %arg5[%dma_wait3A_162, %dma_wait3A_163] : memref<23552x1024xf32, #tpu.memory_space<hbm>> -> memref<23552x1024xf32, #tpu.memory_space<hbm>>
    tpu.wait_indirect_dma semaphore(%arg15 : memref<!tpu.dma_semaphore, #tpu.memory_space<semaphore_mem>>) src(%arg11 : memref<32x1024xf32, #tpu.memory_space<vmem>>) dst(%dma_wait3A_164 : memref<23552x1024xf32, #tpu.memory_space<hbm>>)
    %dma_start3A_165 = arith.constant 0 : i32
    %dma_start3A_166 = arith.constant 0 : i32
    %dma_start3A_167 = tpu.memref_slice %arg5[%dma_start3A_165, %dma_start3A_166] : memref<23552x1024xf32, #tpu.memory_space<hbm>> -> memref<23552x1024xf32, #tpu.memory_space<hbm>>
    tpu.enqueue_indirect_dma source(%arg11 : memref<32x1024xf32, #tpu.memory_space<vmem>>) target(%dma_start3A_167 : memref<23552x1024xf32, #tpu.memory_space<hbm>>) offsets(%arg9 : memref<32xi32, #tpu.memory_space<vmem>>) semaphore(%arg17 : memref<!tpu.dma_semaphore, #tpu.memory_space<semaphore_mem>>)
    %dma_wait3A_168 = arith.constant 0 : i32
    %dma_wait3A_169 = arith.constant 0 : i32
    %dma_wait3A_170 = tpu.memref_slice %arg5[%dma_wait3A_168, %dma_wait3A_169] : memref<23552x1024xf32, #tpu.memory_space<hbm>> -> memref<23552x1024xf32, #tpu.memory_space<hbm>>
    tpu.wait_indirect_dma semaphore(%arg17 : memref<!tpu.dma_semaphore, #tpu.memory_space<semaphore_mem>>) src(%arg11 : memref<32x1024xf32, #tpu.memory_space<vmem>>) dst(%dma_wait3A_170 : memref<23552x1024xf32, #tpu.memory_space<hbm>>)
    %dma_wait3A_171 = arith.constant 0 : i32
    %dma_wait3A_172 = arith.constant 0 : i32
    %dma_wait3A_173 = tpu.memref_slice %arg5[%dma_wait3A_171, %dma_wait3A_172] : memref<23552x1024xf32, #tpu.memory_space<hbm>> -> memref<23552x1024xf32, #tpu.memory_space<hbm>>
    tpu.wait_indirect_dma semaphore(%arg14 : memref<!tpu.dma_semaphore, #tpu.memory_space<semaphore_mem>>) src(%arg10 : memref<32x1024xf32, #tpu.memory_space<vmem>>) dst(%dma_wait3A_173 : memref<23552x1024xf32, #tpu.memory_space<hbm>>)
    %dma_wait3A_174 = arith.constant 0 : i32
    %dma_wait3A_175 = arith.constant 0 : i32
    %dma_wait3A_176 = tpu.memref_slice %arg5[%dma_wait3A_174, %dma_wait3A_175] : memref<23552x1024xf32, #tpu.memory_space<hbm>> -> memref<23552x1024xf32, #tpu.memory_space<hbm>>
    tpu.wait_indirect_dma semaphore(%arg16 : memref<!tpu.dma_semaphore, #tpu.memory_space<semaphore_mem>>) src(%arg10 : memref<32x1024xf32, #tpu.memory_space<vmem>>) dst(%dma_wait3A_176 : memref<23552x1024xf32, #tpu.memory_space<hbm>>)
    return
  }
}

module attributes {stable_mosaic.version = 14 : i64} {
  func.func @_ffn_body(%arg0: i32, %arg1: memref<2x23xi32, #tpu.memory_space<smem>>, %arg2: memref<4x256x1024xf32, #tpu.memory_space<vmem>>, %arg3: memref<1x512x1024xf32, #tpu.memory_space<vmem>>, %arg4: memref<1x1024x512xf32, #tpu.memory_space<vmem>>, %arg5: memref<4x256x1024xf32, #tpu.memory_space<vmem>>, %arg6: memref<1024x512xf32, #tpu.memory_space<vmem>>) attributes {dimension_semantics = [#tpu.dimension_semantics<arbitrary>], iteration_bounds = array<i64: 23>, scalar_prefetch = 1 : i64, scratch_operands = 1 : i64, tpu.core_type = #tpu.core_type<tc>, window_params = [{transform_indices = @transform_0, window_bounds = array<i64: 4, 256, 1024>}, {transform_indices = @transform_1, window_bounds = array<i64: 1, 512, 1024>}, {transform_indices = @transform_2, window_bounds = array<i64: 1, 1024, 512>}, {transform_indices = @transform_3, window_bounds = array<i64: 4, 256, 1024>}]} {
    %get3A = arith.constant 1 : index
    %get3A_0 = arith.index_cast %arg0 : i32 to index
    %get3A_1 = memref.load %arg1[%get3A, %get3A_0] : memref<2x23xi32, #tpu.memory_space<smem>>
    %gt3A = arith.constant 0 : i32
    %gt3A_2 = arith.cmpi sgt, %get3A_1, %gt3A : i32
    %convert_element_type3A = arith.extui %gt3A_2 : i1 to i32
    %cond3A = arith.constant 0 : i32
    %cond3A_3 = arith.cmpi ne, %convert_element_type3A, %cond3A : i32
    scf.if %cond3A_3 {
      %get3A_4 = arith.constant 0 : index
      %get3A_5 = arith.constant 0 : index
      %get3A_6 = arith.constant 0 : index
      %get3A_7 = vector.load %arg2[%get3A_4, %get3A_5, %get3A_6] : memref<4x256x1024xf32, #tpu.memory_space<vmem>>, vector<4x256x1024xf32>
      %reshape3A = vector.shape_cast %get3A_7 : vector<4x256x1024xf32> to vector<1024x1024xf32>
      %get3A_8 = arith.constant 0 : index
      %get3A_9 = arith.constant 0 : index
      %get3A_10 = arith.constant 0 : index
      %get3A_11 = vector.load %arg3[%get3A_8, %get3A_9, %get3A_10] : memref<1x512x1024xf32, #tpu.memory_space<vmem>>, vector<1x512x1024xf32>
      %get3A_12 = vector.shape_cast %get3A_11 : vector<1x512x1024xf32> to vector<512x1024xf32>
      %dot_general3A = arith.constant dense<0.000000e+00> : vector<1024x512xf32>
      %dot_general3A_13 = tpu.matmul %reshape3A, %get3A_12, %dot_general3A {dimension_numbers = #tpu.dot_dimension_numbers<[1], [1], [0], [0], [0, 0, 1, 0], [], []>, transpose_lhs_hint = false} : vector<1024x1024xf32>, vector<512x1024xf32>, vector<1024x512xf32> -> vector<1024x512xf32>
      %broadcast_in_dim3A = arith.constant 0.000000e+00 : f32
      %broadcast_in_dim3A_14 = vector.broadcast %broadcast_in_dim3A : f32 to vector<256x512xf32>
      %mul3A = arith.constant 0.899999976 : f32
      %mul3A_15 = vector.broadcast %mul3A : f32 to vector<256x512xf32>
      %mul3A_16 = arith.mulf %mul3A_15, %broadcast_in_dim3A_14 : vector<256x512xf32>
      %slice3A = vector.extract_strided_slice %dot_general3A_13 {offsets = [0, 0], sizes = [256, 512], strides = [1, 1]} : vector<1024x512xf32> to vector<256x512xf32>
      %add3A = arith.addf %mul3A_16, %slice3A : vector<256x512xf32>
      %ge3A = arith.constant 1.000000e+00 : f32
      %ge3A_17 = vector.broadcast %ge3A : f32 to vector<256x512xf32>
      %ge3A_18 = arith.cmpf oge, %add3A, %ge3A_17 : vector<256x512xf32>
      %convert_element_type3A_19 = arith.extui %ge3A_18 : vector<256x512xi1> to vector<256x512xi32>
      %convert_element_type3A_20 = arith.sitofp %convert_element_type3A_19 : vector<256x512xi32> to vector<256x512xf32>
      %mul3A_21 = arith.constant 1.000000e+00 : f32
      %mul3A_22 = vector.broadcast %mul3A_21 : f32 to vector<256x512xf32>
      %mul3A_23 = arith.mulf %convert_element_type3A_20, %mul3A_22 : vector<256x512xf32>
      %sub3A = arith.subf %add3A, %mul3A_23 : vector<256x512xf32>
      %swap3A = arith.constant 0 : index
      %swap3A_24 = arith.constant 0 : index
      %swap3A_25 = vector.load %arg6[%swap3A, %swap3A_24] : memref<1024x512xf32, #tpu.memory_space<vmem>>, vector<256x512xf32>
      tpu.vector_store %arg6[%swap3A, %swap3A_24], %convert_element_type3A_20 {strides = array<i32>} : memref<1024x512xf32, #tpu.memory_space<vmem>>, vector<256x512xf32>,
      %mul3A_26 = arith.constant 0.899999976 : f32
      %mul3A_27 = vector.broadcast %mul3A_26 : f32 to vector<256x512xf32>
      %mul3A_28 = arith.mulf %mul3A_27, %sub3A : vector<256x512xf32>
      %slice3A_29 = vector.extract_strided_slice %dot_general3A_13 {offsets = [256, 0], sizes = [256, 512], strides = [1, 1]} : vector<1024x512xf32> to vector<256x512xf32>
      %add3A_30 = arith.addf %mul3A_28, %slice3A_29 : vector<256x512xf32>
      %ge3A_31 = arith.constant 1.000000e+00 : f32
      %ge3A_32 = vector.broadcast %ge3A_31 : f32 to vector<256x512xf32>
      %ge3A_33 = arith.cmpf oge, %add3A_30, %ge3A_32 : vector<256x512xf32>
      %convert_element_type3A_34 = arith.extui %ge3A_33 : vector<256x512xi1> to vector<256x512xi32>
      %convert_element_type3A_35 = arith.sitofp %convert_element_type3A_34 : vector<256x512xi32> to vector<256x512xf32>
      %mul3A_36 = arith.constant 1.000000e+00 : f32
      %mul3A_37 = vector.broadcast %mul3A_36 : f32 to vector<256x512xf32>
      %mul3A_38 = arith.mulf %convert_element_type3A_35, %mul3A_37 : vector<256x512xf32>
      %sub3A_39 = arith.subf %add3A_30, %mul3A_38 : vector<256x512xf32>
      %swap3A_40 = arith.constant 256 : index
      %swap3A_41 = arith.constant 0 : index
      %swap3A_42 = vector.load %arg6[%swap3A_40, %swap3A_41] : memref<1024x512xf32, #tpu.memory_space<vmem>>, vector<256x512xf32>
      tpu.vector_store %arg6[%swap3A_40, %swap3A_41], %convert_element_type3A_35 {strides = array<i32>} : memref<1024x512xf32, #tpu.memory_space<vmem>>, vector<256x512xf32>,
      %mul3A_43 = arith.constant 0.899999976 : f32
      %mul3A_44 = vector.broadcast %mul3A_43 : f32 to vector<256x512xf32>
      %mul3A_45 = arith.mulf %mul3A_44, %sub3A_39 : vector<256x512xf32>
      %slice3A_46 = vector.extract_strided_slice %dot_general3A_13 {offsets = [512, 0], sizes = [256, 512], strides = [1, 1]} : vector<1024x512xf32> to vector<256x512xf32>
      %add3A_47 = arith.addf %mul3A_45, %slice3A_46 : vector<256x512xf32>
      %ge3A_48 = arith.constant 1.000000e+00 : f32
      %ge3A_49 = vector.broadcast %ge3A_48 : f32 to vector<256x512xf32>
      %ge3A_50 = arith.cmpf oge, %add3A_47, %ge3A_49 : vector<256x512xf32>
      %convert_element_type3A_51 = arith.extui %ge3A_50 : vector<256x512xi1> to vector<256x512xi32>
      %convert_element_type3A_52 = arith.sitofp %convert_element_type3A_51 : vector<256x512xi32> to vector<256x512xf32>
      %mul3A_53 = arith.constant 1.000000e+00 : f32
      %mul3A_54 = vector.broadcast %mul3A_53 : f32 to vector<256x512xf32>
      %mul3A_55 = arith.mulf %convert_element_type3A_52, %mul3A_54 : vector<256x512xf32>
      %sub3A_56 = arith.subf %add3A_47, %mul3A_55 : vector<256x512xf32>
      %swap3A_57 = arith.constant 512 : index
      %swap3A_58 = arith.constant 0 : index
      %swap3A_59 = vector.load %arg6[%swap3A_57, %swap3A_58] : memref<1024x512xf32, #tpu.memory_space<vmem>>, vector<256x512xf32>
      tpu.vector_store %arg6[%swap3A_57, %swap3A_58], %convert_element_type3A_52 {strides = array<i32>} : memref<1024x512xf32, #tpu.memory_space<vmem>>, vector<256x512xf32>,
      %mul3A_60 = arith.constant 0.899999976 : f32
      %mul3A_61 = vector.broadcast %mul3A_60 : f32 to vector<256x512xf32>
      %mul3A_62 = arith.mulf %mul3A_61, %sub3A_56 : vector<256x512xf32>
      %slice3A_63 = vector.extract_strided_slice %dot_general3A_13 {offsets = [768, 0], sizes = [256, 512], strides = [1, 1]} : vector<1024x512xf32> to vector<256x512xf32>
      %add3A_64 = arith.addf %mul3A_62, %slice3A_63 : vector<256x512xf32>
      %ge3A_65 = arith.constant 1.000000e+00 : f32
      %ge3A_66 = vector.broadcast %ge3A_65 : f32 to vector<256x512xf32>
      %ge3A_67 = arith.cmpf oge, %add3A_64, %ge3A_66 : vector<256x512xf32>
      %convert_element_type3A_68 = arith.extui %ge3A_67 : vector<256x512xi1> to vector<256x512xi32>
      %convert_element_type3A_69 = arith.sitofp %convert_element_type3A_68 : vector<256x512xi32> to vector<256x512xf32>
      %swap3A_70 = arith.constant 768 : index
      %swap3A_71 = arith.constant 0 : index
      %swap3A_72 = vector.load %arg6[%swap3A_70, %swap3A_71] : memref<1024x512xf32, #tpu.memory_space<vmem>>, vector<256x512xf32>
      tpu.vector_store %arg6[%swap3A_70, %swap3A_71], %convert_element_type3A_69 {strides = array<i32>} : memref<1024x512xf32, #tpu.memory_space<vmem>>, vector<256x512xf32>,
      %get3A_73 = arith.constant 0 : index
      %get3A_74 = arith.constant 0 : index
      %get3A_75 = vector.load %arg6[%get3A_73, %get3A_74] : memref<1024x512xf32, #tpu.memory_space<vmem>>, vector<1024x512xf32>
      %get3A_76 = arith.constant 0 : index
      %get3A_77 = arith.constant 0 : index
      %get3A_78 = arith.constant 0 : index
      %get3A_79 = vector.load %arg4[%get3A_76, %get3A_77, %get3A_78] : memref<1x1024x512xf32, #tpu.memory_space<vmem>>, vector<1x1024x512xf32>
      %get3A_80 = vector.shape_cast %get3A_79 : vector<1x1024x512xf32> to vector<1024x512xf32>
      %dot_general3A_81 = arith.constant dense<0.000000e+00> : vector<1024x1024xf32>
      %dot_general3A_82 = tpu.matmul %get3A_75, %get3A_80, %dot_general3A_81 {dimension_numbers = #tpu.dot_dimension_numbers<[1], [1], [0], [0], [0, 0, 1, 0], [], []>, transpose_lhs_hint = false} : vector<1024x512xf32>, vector<1024x512xf32>, vector<1024x1024xf32> -> vector<1024x1024xf32>
      %broadcast_in_dim3A_83 = arith.constant 0.000000e+00 : f32
      %broadcast_in_dim3A_84 = vector.broadcast %broadcast_in_dim3A_83 : f32 to vector<256x1024xf32>
      %mul3A_85 = arith.constant 0.899999976 : f32
      %mul3A_86 = vector.broadcast %mul3A_85 : f32 to vector<256x1024xf32>
      %mul3A_87 = arith.mulf %mul3A_86, %broadcast_in_dim3A_84 : vector<256x1024xf32>
      %slice3A_88 = vector.extract_strided_slice %dot_general3A_82 {offsets = [0, 0], sizes = [256, 1024], strides = [1, 1]} : vector<1024x1024xf32> to vector<256x1024xf32>
      %add3A_89 = arith.addf %mul3A_87, %slice3A_88 : vector<256x1024xf32>
      %ge3A_90 = arith.constant 1.000000e+00 : f32
      %ge3A_91 = vector.broadcast %ge3A_90 : f32 to vector<256x1024xf32>
      %ge3A_92 = arith.cmpf oge, %add3A_89, %ge3A_91 : vector<256x1024xf32>
      %convert_element_type3A_93 = arith.extui %ge3A_92 : vector<256x1024xi1> to vector<256x1024xi32>
      %convert_element_type3A_94 = arith.sitofp %convert_element_type3A_93 : vector<256x1024xi32> to vector<256x1024xf32>
      %mul3A_95 = arith.constant 1.000000e+00 : f32
      %mul3A_96 = vector.broadcast %mul3A_95 : f32 to vector<256x1024xf32>
      %mul3A_97 = arith.mulf %convert_element_type3A_94, %mul3A_96 : vector<256x1024xf32>
      %sub3A_98 = arith.subf %add3A_89, %mul3A_97 : vector<256x1024xf32>
      %swap3A_99 = arith.constant 0 : index
      %swap3A_100 = arith.constant 0 : index
      %swap3A_101 = arith.constant 0 : index
      %swap3A_102 = vector.load %arg5[%swap3A_99, %swap3A_100, %swap3A_101] : memref<4x256x1024xf32, #tpu.memory_space<vmem>>, vector<1x256x1024xf32>
      %swap3A_103 = vector.shape_cast %swap3A_102 : vector<1x256x1024xf32> to vector<256x1024xf32>
      %swap3A_104 = vector.shape_cast %convert_element_type3A_94 : vector<256x1024xf32> to vector<1x256x1024xf32>
      tpu.vector_store %arg5[%swap3A_99, %swap3A_100, %swap3A_101], %swap3A_104 {strides = array<i32>} : memref<4x256x1024xf32, #tpu.memory_space<vmem>>, vector<1x256x1024xf32>,
      %mul3A_105 = arith.constant 0.899999976 : f32
      %mul3A_106 = vector.broadcast %mul3A_105 : f32 to vector<256x1024xf32>
      %mul3A_107 = arith.mulf %mul3A_106, %sub3A_98 : vector<256x1024xf32>
      %slice3A_108 = vector.extract_strided_slice %dot_general3A_82 {offsets = [256, 0], sizes = [256, 1024], strides = [1, 1]} : vector<1024x1024xf32> to vector<256x1024xf32>
      %add3A_109 = arith.addf %mul3A_107, %slice3A_108 : vector<256x1024xf32>
      %ge3A_110 = arith.constant 1.000000e+00 : f32
      %ge3A_111 = vector.broadcast %ge3A_110 : f32 to vector<256x1024xf32>
      %ge3A_112 = arith.cmpf oge, %add3A_109, %ge3A_111 : vector<256x1024xf32>
      %convert_element_type3A_113 = arith.extui %ge3A_112 : vector<256x1024xi1> to vector<256x1024xi32>
      %convert_element_type3A_114 = arith.sitofp %convert_element_type3A_113 : vector<256x1024xi32> to vector<256x1024xf32>
      %mul3A_115 = arith.constant 1.000000e+00 : f32
      %mul3A_116 = vector.broadcast %mul3A_115 : f32 to vector<256x1024xf32>
      %mul3A_117 = arith.mulf %convert_element_type3A_114, %mul3A_116 : vector<256x1024xf32>
      %sub3A_118 = arith.subf %add3A_109, %mul3A_117 : vector<256x1024xf32>
      %swap3A_119 = arith.constant 1 : index
      %swap3A_120 = arith.constant 0 : index
      %swap3A_121 = arith.constant 0 : index
      %swap3A_122 = vector.load %arg5[%swap3A_119, %swap3A_120, %swap3A_121] : memref<4x256x1024xf32, #tpu.memory_space<vmem>>, vector<1x256x1024xf32>
      %swap3A_123 = vector.shape_cast %swap3A_122 : vector<1x256x1024xf32> to vector<256x1024xf32>
      %swap3A_124 = vector.shape_cast %convert_element_type3A_114 : vector<256x1024xf32> to vector<1x256x1024xf32>
      tpu.vector_store %arg5[%swap3A_119, %swap3A_120, %swap3A_121], %swap3A_124 {strides = array<i32>} : memref<4x256x1024xf32, #tpu.memory_space<vmem>>, vector<1x256x1024xf32>,
      %mul3A_125 = arith.constant 0.899999976 : f32
      %mul3A_126 = vector.broadcast %mul3A_125 : f32 to vector<256x1024xf32>
      %mul3A_127 = arith.mulf %mul3A_126, %sub3A_118 : vector<256x1024xf32>
      %slice3A_128 = vector.extract_strided_slice %dot_general3A_82 {offsets = [512, 0], sizes = [256, 1024], strides = [1, 1]} : vector<1024x1024xf32> to vector<256x1024xf32>
      %add3A_129 = arith.addf %mul3A_127, %slice3A_128 : vector<256x1024xf32>
      %ge3A_130 = arith.constant 1.000000e+00 : f32
      %ge3A_131 = vector.broadcast %ge3A_130 : f32 to vector<256x1024xf32>
      %ge3A_132 = arith.cmpf oge, %add3A_129, %ge3A_131 : vector<256x1024xf32>
      %convert_element_type3A_133 = arith.extui %ge3A_132 : vector<256x1024xi1> to vector<256x1024xi32>
      %convert_element_type3A_134 = arith.sitofp %convert_element_type3A_133 : vector<256x1024xi32> to vector<256x1024xf32>
      %mul3A_135 = arith.constant 1.000000e+00 : f32
      %mul3A_136 = vector.broadcast %mul3A_135 : f32 to vector<256x1024xf32>
      %mul3A_137 = arith.mulf %convert_element_type3A_134, %mul3A_136 : vector<256x1024xf32>
      %sub3A_138 = arith.subf %add3A_129, %mul3A_137 : vector<256x1024xf32>
      %swap3A_139 = arith.constant 2 : index
      %swap3A_140 = arith.constant 0 : index
      %swap3A_141 = arith.constant 0 : index
      %swap3A_142 = vector.load %arg5[%swap3A_139, %swap3A_140, %swap3A_141] : memref<4x256x1024xf32, #tpu.memory_space<vmem>>, vector<1x256x1024xf32>
      %swap3A_143 = vector.shape_cast %swap3A_142 : vector<1x256x1024xf32> to vector<256x1024xf32>
      %swap3A_144 = vector.shape_cast %convert_element_type3A_134 : vector<256x1024xf32> to vector<1x256x1024xf32>
      tpu.vector_store %arg5[%swap3A_139, %swap3A_140, %swap3A_141], %swap3A_144 {strides = array<i32>} : memref<4x256x1024xf32, #tpu.memory_space<vmem>>, vector<1x256x1024xf32>,
      %mul3A_145 = arith.constant 0.899999976 : f32
      %mul3A_146 = vector.broadcast %mul3A_145 : f32 to vector<256x1024xf32>
      %mul3A_147 = arith.mulf %mul3A_146, %sub3A_138 : vector<256x1024xf32>
      %slice3A_148 = vector.extract_strided_slice %dot_general3A_82 {offsets = [768, 0], sizes = [256, 1024], strides = [1, 1]} : vector<1024x1024xf32> to vector<256x1024xf32>
      %add3A_149 = arith.addf %mul3A_147, %slice3A_148 : vector<256x1024xf32>
      %ge3A_150 = arith.constant 1.000000e+00 : f32
      %ge3A_151 = vector.broadcast %ge3A_150 : f32 to vector<256x1024xf32>
      %ge3A_152 = arith.cmpf oge, %add3A_149, %ge3A_151 : vector<256x1024xf32>
      %convert_element_type3A_153 = arith.extui %ge3A_152 : vector<256x1024xi1> to vector<256x1024xi32>
      %convert_element_type3A_154 = arith.sitofp %convert_element_type3A_153 : vector<256x1024xi32> to vector<256x1024xf32>
      %swap3A_155 = arith.constant 3 : index
      %swap3A_156 = arith.constant 0 : index
      %swap3A_157 = arith.constant 0 : index
      %swap3A_158 = vector.load %arg5[%swap3A_155, %swap3A_156, %swap3A_157] : memref<4x256x1024xf32, #tpu.memory_space<vmem>>, vector<1x256x1024xf32>
      %swap3A_159 = vector.shape_cast %swap3A_158 : vector<1x256x1024xf32> to vector<256x1024xf32>
      %swap3A_160 = vector.shape_cast %convert_element_type3A_154 : vector<256x1024xf32> to vector<1x256x1024xf32>
      tpu.vector_store %arg5[%swap3A_155, %swap3A_156, %swap3A_157], %swap3A_160 {strides = array<i32>} : memref<4x256x1024xf32, #tpu.memory_space<vmem>>, vector<1x256x1024xf32>,
    } else {
    }
    return
  }
  func.func @transform_0(%arg0: i32, %arg1: memref<2x23xi32, #tpu.memory_space<smem>>) -> (i32, i32, i32) {
    %c0_i32 = arith.constant 0 : i32
    %c0_i32_0 = arith.constant 0 : i32
    %c0_i32_1 = arith.constant 0 : i32
    return %c0_i32, %arg0, %c0_i32_0 : i32, i32, i32
  }
  func.func @transform_1(%arg0: i32, %arg1: memref<2x23xi32, #tpu.memory_space<smem>>) -> (i32, i32, i32) {
    %get3A = arith.constant 0 : index
    %get3A_0 = arith.index_cast %arg0 : i32 to index
    %get3A_1 = memref.load %arg1[%get3A, %get3A_0] : memref<2x23xi32, #tpu.memory_space<smem>>
    %c0_i32 = arith.constant 0 : i32
    %c0_i32_2 = arith.constant 0 : i32
    %c0_i32_3 = arith.constant 0 : i32
    return %get3A_1, %c0_i32, %c0_i32_2 : i32, i32, i32
  }
  func.func @transform_2(%arg0: i32, %arg1: memref<2x23xi32, #tpu.memory_space<smem>>) -> (i32, i32, i32) {
    %get3A = arith.constant 0 : index
    %get3A_0 = arith.index_cast %arg0 : i32 to index
    %get3A_1 = memref.load %arg1[%get3A, %get3A_0] : memref<2x23xi32, #tpu.memory_space<smem>>
    %c0_i32 = arith.constant 0 : i32
    %c0_i32_2 = arith.constant 0 : i32
    %c0_i32_3 = arith.constant 0 : i32
    return %get3A_1, %c0_i32, %c0_i32_2 : i32, i32, i32
  }
  func.func @transform_3(%arg0: i32, %arg1: memref<2x23xi32, #tpu.memory_space<smem>>) -> (i32, i32, i32) {
    %c0_i32 = arith.constant 0 : i32
    %c0_i32_0 = arith.constant 0 : i32
    %c0_i32_1 = arith.constant 0 : i32
    return %c0_i32, %arg0, %c0_i32_0 : i32, i32, i32
  }
}

module attributes {stable_mosaic.version = 14 : i64} {
  func.func @_add_body(%arg0: i32, %arg1: memref<1x512x1024xf32, #tpu.memory_space<vmem>>, %arg2: memref<1x512x1024xf32, #tpu.memory_space<vmem>>, %arg3: memref<512x2xf32, #tpu.memory_space<vmem>>, %arg4: memref<512x1024xf32, #tpu.memory_space<vmem>>) attributes {dimension_semantics = [#tpu.dimension_semantics<arbitrary>], iteration_bounds = array<i64: 16>, scalar_prefetch = 0 : i64, scratch_operands = 0 : i64, tpu.core_type = #tpu.core_type<tc>, window_params = [{transform_indices = @transform_0, window_bounds = array<i64: 1, 512, 1024>}, {transform_indices = @transform_1, window_bounds = array<i64: 1, 512, 1024>}, {transform_indices = @transform_2, window_bounds = array<i64: 512, 2>}, {transform_indices = @transform_3, window_bounds = array<i64: 512, 1024>}]} {
    %get3A = arith.constant 0 : index
    %get3A_0 = arith.constant 0 : index
    %get3A_1 = vector.load %arg3[%get3A, %get3A_0] : memref<512x2xf32, #tpu.memory_space<vmem>>, vector<512x1xf32>
    %get3A_2 = vector.shape_cast %get3A_1 : vector<512x1xf32> to vector<512xf32>
    %broadcast_in_dim3A = vector.shape_cast %get3A_2 : vector<512xf32> to vector<512x1xf32>
    %get3A_3 = arith.constant 0 : index
    %get3A_4 = arith.constant 1 : index
    %get3A_5 = vector.load %arg3[%get3A_3, %get3A_4] : memref<512x2xf32, #tpu.memory_space<vmem>>, vector<512x1xf32>
    %get3A_6 = vector.shape_cast %get3A_5 : vector<512x1xf32> to vector<512xf32>
    %broadcast_in_dim3A_7 = vector.shape_cast %get3A_6 : vector<512xf32> to vector<512x1xf32>
    %get3A_8 = arith.constant 0 : index
    %get3A_9 = arith.constant 0 : index
    %get3A_10 = arith.constant 0 : index
    %get3A_11 = vector.load %arg1[%get3A_8, %get3A_9, %get3A_10] : memref<1x512x1024xf32, #tpu.memory_space<vmem>>, vector<1x512x1024xf32>
    %get3A_12 = vector.shape_cast %get3A_11 : vector<1x512x1024xf32> to vector<512x1024xf32>
    %mul3A = vector.broadcast %broadcast_in_dim3A : vector<512x1xf32> to vector<512x1024xf32>
    %mul3A_13 = arith.mulf %get3A_12, %mul3A : vector<512x1024xf32>
    %get3A_14 = arith.constant 0 : index
    %get3A_15 = arith.constant 0 : index
    %get3A_16 = arith.constant 0 : index
    %get3A_17 = vector.load %arg2[%get3A_14, %get3A_15, %get3A_16] : memref<1x512x1024xf32, #tpu.memory_space<vmem>>, vector<1x512x1024xf32>
    %get3A_18 = vector.shape_cast %get3A_17 : vector<1x512x1024xf32> to vector<512x1024xf32>
    %mul3A_19 = vector.broadcast %broadcast_in_dim3A_7 : vector<512x1xf32> to vector<512x1024xf32>
    %mul3A_20 = arith.mulf %get3A_18, %mul3A_19 : vector<512x1024xf32>
    %add3A = arith.addf %mul3A_13, %mul3A_20 : vector<512x1024xf32>
    %swap3A = arith.constant 0 : index
    %swap3A_21 = arith.constant 0 : index
    %swap3A_22 = vector.load %arg4[%swap3A, %swap3A_21] : memref<512x1024xf32, #tpu.memory_space<vmem>>, vector<512x1024xf32>
    tpu.vector_store %arg4[%swap3A, %swap3A_21], %add3A {strides = array<i32>} : memref<512x1024xf32, #tpu.memory_space<vmem>>, vector<512x1024xf32>,
    return
  }
  func.func @transform_0(%arg0: i32) -> (i32, i32, i32) {
    %c0_i32 = arith.constant 0 : i32
    %c0_i32_0 = arith.constant 0 : i32
    %c0_i32_1 = arith.constant 0 : i32
    return %c0_i32, %arg0, %c0_i32_0 : i32, i32, i32
  }
  func.func @transform_1(%arg0: i32) -> (i32, i32, i32) {
    %c1_i32 = arith.constant 1 : i32
    %c0_i32 = arith.constant 0 : i32
    %c0_i32_0 = arith.constant 0 : i32
    return %c1_i32, %arg0, %c0_i32 : i32, i32, i32
  }
  func.func @transform_2(%arg0: i32) -> (i32, i32) {
    %c0_i32 = arith.constant 0 : i32
    %c0_i32_0 = arith.constant 0 : i32
    return %arg0, %c0_i32 : i32, i32
  }
  func.func @transform_3(%arg0: i32) -> (i32, i32) {
    %c0_i32 = arith.constant 0 : i32
    %c0_i32_0 = arith.constant 0 : i32
    return %arg0, %c0_i32 : i32, i32
  }
}

</mosaic_0001>

<sc_bundles>
// kernel: kernel.6.cloned.1.call-start
scs
__scs_entry_jumppad:
0x0: {  	(pc) =	sbr.rel $0x88, $3  }
0x1: {  	(tag) =	ssettag $0x0;
	lr =	simm.s32 $0x1  }
0x2: {  	[smem:$0x3F9C] =	sst lr;
	_ =	strace $0xD0000000  }
0x3: {  	_ = 	snop  }
0x4: {  	_ = 	snop  }
0x5: {  	_ = 	snop  }
0x6: {  	_ = 	snop  }
0x7: {  	_ = 	snop  }
__scs_overlays_trampoline_lowered:
0x8: {  	[smem:$0x3FAB] =	sst s0  }
0x9: {  	[smem:$0x3FAC] =	sst s1  }
0xa: {  	[smem:$0x3FAD] =	sst s2  }
0xb: {  	[smem:$0x3FAE] =	sst s3  }
0xc: {  	[smem:$0x3FAF] =	sst s4  }
0xd: {  	[smem:$0x3FB0] =	sst s5  }
0xe: {  	[smem:$0x3FB1] =	sst s6  }
0xf: {  	[smem:$0x3FB2] =	sst s7  }
0x10: {  	[smem:$0x3FB3] =	sst s8  }
0x11: {  	[smem:$0x3FB4] =	sst s9;
	s0 =	simm.s32 @!p0 $0x0  }
0x12: {  	s1 =	sld [smem:$0x3F9A];
	s0 =	simm.s32 @p0 $0x1  }
0x13: {  	[smem:$0x3FB5] =	sst s0;
	s0 =	simm.s32 @!p1 $0x0  }
0x14: {  	s2 =	sld [smem:$0x3F99];
	s0 =	simm.s32 @p1 $0x1  }
0x15: {  	[smem:$0x3FB6] =	sst s0;
	s0 =	simm.s32 @!p2 $0x0  }
0x16: {  	s3 =	sld [smem:$0x3FDB];
	s0 =	simm.s32 @p2 $0x1  }
0x17: {  	s4 =	simm.s32 $0x1BF5;
	[smem:$0x3FB8] =	sst s0  }
0x18: {  	s0 =	sld [smem:$0x3F9B];
	_ =	swait.ge [sflag:s4], $0x0  }
0x19: {  	s7 =	sld [smem:$0x3F9C]  }
0x1a: {  	s8 =	sadd.s32 $0xFFFFE003, lr  }
0x1b: {  	s9 =	sadd.s32 $0xFFFFFEF7, lr;
	s5 =	simm.s32 $0xFFFFFFFF;
	p2 =	slt.u32 s8, $0xFFFFF086  }
0x1c: {  	p1 =	slt.u32 s9, $0xF7A;
	s5 =	simm.s32 @!p2 $0x0  }
0x1d: {  	s5 =	simm.s32 @p1 $0x1;
	p0 =	seq.s32 s7, s2  }
0x1e: {  	s7 =	smul.u32 @!p0 $0xF7A, s2;
	p2 =	seq.s32 @!p0 s5, $0x0  }
0x1f: {  	s9 =	smul.u32 $0xF7A, s1;
	s8 =	simm.s32 @!p0 $0x1BF5;
	p2 =	por !p2, p0  }
0x20: {  	[sflag:s8] =	ssyncset.s32 @!p0 $0xFFFFF086;
	s6 =	sadd.s32 @!p0 s3, s7;
	s7 =	simm.s32 @!p0 $0x108  }
0x21: {  	s3 =	sadd.s32 s3, s9;
	s6 =	sadd.s32 @!p0 $0x88, s6;
	s7 =	simm.s32 @p2 $0x1082  }
0x22: {  	[simem:s7], [sflag:s8] =	dma.local @!p0 [hbm:s6], $0xF7A  }
0x23: {  	s9 =	sor.u32 $0xD0000000, s2;
	s6 =	simm.s32 $0x108;
	_ =	swait.ge @!p0 [sflag:s8], $0x0  }
0x24: {  	s3 =	sadd.s32 $0x88, s3;
	s6 =	simm.s32 @!p1 $0x1082;
	[sflag:s4] =	ssyncset.s32 $0xFFFFF086  }
0x25: {  	[simem:s6], [sflag:s4] =	dma.local [hbm:s3], $0xF7A  }
0x26: {  	[smem:$0x3F9C] =	sst s1;
	(tag) =	ssettag s2;
	_ =	strace s9  }
0x27: {  	s1 =	sld [smem:$0x3FAC]  }
0x28: {  	s2 =	sld [smem:$0x3FAD]  }
0x29: {  	s4 =	sld [smem:$0x3FAF]  }
0x2a: {  	p0 =	seq.s32 s5, $0x0;
	s5 =	sld [smem:$0x3FB0]  }
0x2b: {  	s6 =	sld [smem:$0x3FB1]  }
0x2c: {  	s7 =	sld [smem:$0x3FB2]  }
0x2d: {  	s3 =	simm.s32 $0x108;
	s8 =	sld [smem:$0x3FB3]  }
0x2e: {  	s3 =	simm.s32 @!p0 $0x1082;
	s9 =	sld [smem:$0x3FB4]  }
0x2f: {  	lr =	sadd.s32 s0, s3;
	s0 =	sld [smem:$0x3FAB]  }
0x30: {  	s3 =	sld [smem:$0x3FAE]  }
0x31: {  	[smem:$0x3FB7] =	sst s10  }
0x32: {  	s10 =	sld [smem:$0x3FB5];
	_ =	sdelay $0x3  }
0x33: {  	p0 =	seq.s32 s10, $0x1;
	s10 =	sld [smem:$0x3FB7];
	_ =	sdelay $0x3  }
0x34: {  	[smem:$0x3FB7] =	sst s10  }
0x35: {  	s10 =	sld [smem:$0x3FB6];
	_ =	sdelay $0x3  }
0x36: {  	p1 =	seq.s32 s10, $0x1;
	s10 =	sld [smem:$0x3FB7];
	_ =	sdelay $0x3  }
0x37: {  	[smem:$0x3FB7] =	sst s10  }
0x38: {  	s10 =	sld [smem:$0x3FB8]  }
0x39: {  	_ = 	snop;
	(pc) =	sbr.ind lr, $3  }
0x3a: {  	_ = 	snop  }
0x3b: {  	_ = 	snop  }
0x3c: {  	p2 =	seq.s32 s10, $0x1;
	s10 =	sld [smem:$0x3FB7]  }
0x3d: {  	_ =	shalt  }
0x3e: {  	_ =	shalt  }
0x3f: {  	_ =	shalt  }
0x40: {  	_ =	shalt  }
0x41: {  	_ =	shalt  }
0x42: {  	_ =	shalt  }
0x43: {  	_ =	shalt  }
0x44: {  	_ =	shalt  }
0x45: {  	_ =	shalt  }
0x46: {  	_ =	shalt  }
0x47: {  	_ =	shalt  }
0x48: {  	_ =	shalt  }
0x49: {  	_ =	shalt  }
0x4a: {  	_ =	shalt  }
0x4b: {  	_ =	shalt  }
0x4c: {  	_ =	shalt  }
0x4d: {  	_ =	shalt  }
0x4e: {  	_ =	shalt  }
0x4f: {  	_ =	shalt  }
0x50: {  	_ =	shalt  }
0x51: {  	_ =	shalt  }
0x52: {  	_ =	shalt  }
0x53: {  	_ =	shalt  }
0x54: {  	_ =	shalt  }
0x55: {  	_ =	shalt  }
0x56: {  	_ =	shalt  }
0x57: {  	_ =	shalt  }
0x58: {  	_ =	shalt  }
0x59: {  	_ =	shalt  }
0x5a: {  	_ =	shalt  }
0x5b: {  	_ =	shalt  }
0x5c: {  	_ =	shalt  }
0x5d: {  	_ =	shalt  }
0x5e: {  	_ =	shalt  }
0x5f: {  	_ =	shalt  }
0x60: {  	_ =	shalt  }
0x61: {  	_ =	shalt  }
0x62: {  	_ =	shalt  }
0x63: {  	_ =	shalt  }
0x64: {  	_ =	shalt  }
0x65: {  	_ =	shalt  }
0x66: {  	_ =	shalt  }
0x67: {  	_ =	shalt  }
0x68: {  	_ =	shalt  }
0x69: {  	_ =	shalt  }
0x6a: {  	_ =	shalt  }
0x6b: {  	_ =	shalt  }
0x6c: {  	_ =	shalt  }
0x6d: {  	_ =	shalt  }
0x6e: {  	_ =	shalt  }
0x6f: {  	_ =	shalt  }
0x70: {  	_ =	shalt  }
0x71: {  	_ =	shalt  }
0x72: {  	_ =	shalt  }
0x73: {  	_ =	shalt  }
0x74: {  	_ =	shalt  }
0x75: {  	_ =	shalt  }
0x76: {  	_ =	shalt  }
0x77: {  	_ =	shalt  }
0x78: {  	_ =	shalt  }
0x79: {  	_ =	shalt  }
0x7a: {  	_ =	shalt  }
0x7b: {  	_ =	shalt  }
0x7c: {  	_ =	shalt  }
0x7d: {  	_ =	shalt  }
0x7e: {  	_ =	shalt  }
0x7f: {  	_ =	shalt  }
0x80: {  	_ =	shalt  }
0x81: {  	_ =	shalt  }
0x82: {  	_ =	shalt  }
0x83: {  	_ =	shalt  }
0x84: {  	_ =	shalt  }
0x85: {  	_ =	shalt  }
0x86: {  	_ =	shalt  }
0x87: {  	_ =	shalt  }
.Lfunc_end0:
.L_simem_size_0:
called_computation_lowered:
.L_overlay_start_0:
0x88: {  	s2 =	sld [smem:$0x3FD9]  }
0x89: {  	s3 =	sld [smem:$0x3FFE];
	_ =	sdelay $0x1  }
0x8a: {  	s1 =	srdreg.scid  }
0x8b: {  	s0 =	sand.u32 $0x1, s1  }
0x8c: {  	s17 =	sshll.u32 s0, $0xA;
	s2 =	sadd.s32 s3, s2  }
0x8d: {  	s2 =	sadd.s32 s2, s17  }
0x8e: {  	[smem:$0x3FC3] =	sst s2  }
0x8f: {  	_ = 	snop  }
0x90: {  	s2 =	sld [smem:$0x3FC9];
	(tm) =	ssettm $0x1  }
0x91: {  	s18 =	sld [smem:$0x3FFB];
	_ =	sdelay $0x3  }
0x92: {  	_ =	strace s18  }
0x93: {  	s3 =	sld [smem:$0x3FFC];
	_ =	sdelay $0x3  }
0x94: {  	_ =	strace s3  }
0x95: {  	s3 =	sld [smem:$0x3FFD];
	_ =	sdelay $0x3  }
0x96: {  	_ =	strace s3  }
0x97: {  	_ =	strace $0x8FFFFFFF  }
0x98: {  	s19 =	sld [smem:$0x3FDB];
	_ =	sdelay $0x1  }
0x99: {  	s4 =	simm.s32 $_scs_section_size  }
0x9a: {  	s5 =	simm.s32 $_size__tile_overlayer_lowered;
	s6 =	simm.s32 $_tile_overlayer_lowered  }
0x9b: {  	s22 =	simm.s32 $0x1BFF;
	s21 =	sshll.u32 s6, $0x1;
	s3 =	sadd.s32 s4, s19  }
0x9c: {  	s7 =	simm.s32 $0x0;
	s20 =	sshll.u32 s5, $0x1;
	s5 =	sadd.s32 s21, s3  }
0x9d: {  	[timem:s7], [sflag:s22] =	dma.local [hbm:s5], s20  }
0x9e: {  	_ =	swait.ge [sflag:s22], s20  }
0x9f: {  	s4 =	ssub.s32 $0x0, s20;
	[sflag:s22] =	ssyncset.done $0x0  }
0xa0: {  	[sflag:s22] =	ssyncadd.s32 s4;
	_ =	sdelay $0x1  }
0xa1: {  	s23 =	simm.s32 $0x1B8B  }
0xa2: {  	_ =	swait.ge [sflag:s23], $0x1  }
0xa3: {  	[sflag:s23] =	ssyncset.done $0x0  }
0xa4: {  	s25 =	simm.s32 $0x1B8E;
	s24 =	sld [smem:$0x3FFE];
	[sflag:s23] =	ssyncadd.s32 $0xFFFFFFFF  }
0xa5: {  	s26 =	simm.s32 $execute0_lowered;
	[smem:$0x3FD2] =	sst s25  }
0xa6: {  	s5 =	sshll.u32 s26, $0x1;
	_ =	strace $0x80000046;
	[dreg:$0x1] =	wrdreg $0xFFFFFFFF  }
0xa7: {  	s28 =	simm.s32 $_size_execute0_lowered;
	s3 =	sadd.s32 s3, s5;
	[dreg:$0x0] =	wrdreg $0x0  }
0xa8: {  	s5 =	sshll.u32 s28, $0x1;
	[dreg:$0x2] =	wrdreg s3  }
0xa9: {  	[dreg:$0x3] =	wrdreg s5  }
0xaa: {  	[dreg:$0x4] =	wrdreg $0xC0  }
0xab: {  	_ =	task [dreg:s7], $0x5FFFF  }
0xac: {  	[dreg:$0x1] =	wrdreg $0xFFFFFFFF  }
0xad: {  	[dreg:$0x0] =	wrdreg $0x60  }
0xae: {  	[dreg:$0x2] =	wrdreg s2  }
0xaf: {  	[dreg:$0x3] =	wrdreg s24  }
0xb0: {  	[dreg:$0x4] =	wrdreg $0x9  }
0xb1: {  	_ =	task.clear_ibuf [dreg:s7], $0x5FFFF;
	_ =	strace $0x90000046  }
0xb2: {  	s29 =	simm.s32 $0x9;
	_ =	strace $0x80000048  }
0xb3: {  	_ =	swait.ge [sflag:s29], $0x1  }
0xb4: {  	[sflag:s29] =	ssyncadd.s32 $0xFFFFFFFF  }
0xb5: {  	_ =	strace $0x90000048  }
0xb6: {  	_ =	sfence  }
0xb7: {  	s30 =	sld [smem:$0x0];
	_ =	sdelay $0x2  }
0xb8: {  	s31 =	sshll.u32 s1, $0xD;
	s1 =	sshrl.u32 s1, $0x2  }
0xb9: {  	s3 =	sand.u32 $0x4000, s31;
	s1 =	sadd.s32 s1, s30  }
0xba: {  	s0 =	sor.u32 s3, s0;
	s1 =	sshll.u32 s1, $0x11  }
0xbb: {  	s0 =	sor.u32 s1, s0  }
0xbc: {  	s0 =	sadd.s32 $0x8F2B, s0  }
0xbd: {  	[sflag:s0] =	ssyncadd.remote.s32 $0x1  }
0xbe: {  	_ =	sfence.sel $0xFFFF  }
0xbf: {  	[dreg:$0x0] =	wrdreg $0xFFFFFFFF;
	(pc) =	sbr.abs _section_cstart, $3  }
0xc0: {  	[dreg:$0x1] =	wrdreg $0xFFFFFFFF  }
0xc1: {  	_ =	task.clear_ibuf [dreg:s7], $0x2FFFF;
	_ =	strace $0x9FFFFFFF  }
0xc2: {  	(tm) =	ssettm $0x7FFFFFFF  }
0xc3: {  	_ =	shalt  }
tec
execute0_lowered:
.L_overlay_start_1:
0x0: {  	(tag) =	ssettag $0x1  }
0x1: {  	s1 =	srdreg.scid;
	s0 =	rddreg [dreg:$0x0]  }
0x2: {  	s2 =	stileid.u32;
	s28 =	simm.s32 $0x2;
	s3 =	sand.u32 $0x1, s1  }
0x3: {  	s1 =	rddreg [dreg:$0x1];
	s4 =	sshll.u32 s2, $0x9;
	s2 =	simm.s32 $0x0  }
0x4: {  	s29 =	simm.s32 $0x4;
	s5 =	sshll.u32 s3, $0x8;
	[smem:$0x7FF] =	sst s2  }
0x5: {  	s6 =	sadd.s32 $0xC00, s1;
	s4 =	sor.u32 s5, s4;
	s5 =	sadd.s32 $0x800, s1  }
0x6: {  	_ =	strace $0x80000047;
	s7 =	sshrl.u32 s4, $0x3;
	s10 =	sshll.u32 s4, $0x7  }
0x7: {  	s9 =	sor.u32 $0x20, s4;
	s16 =	sor.u32 $0x40, s4;
	s8 =	sadd.s32 s5, s7  }
0x8: {  	s22 =	sor.u32 $0x60, s4;
	s7 =	sadd.s32 s6, s7;
	[dreg:$0x3] =	wrdreg s8  }
0x9: {  	s11 =	sadd.s32 s0, s10;
	s12 =	sshrl.u32 s9, $0x3;
	[dreg:$0x4] =	wrdreg s7  }
0xa: {  	s31 =	sor.u32 $0x80, s4;
	[dreg:$0x5] =	wrdreg s11;
	s13 =	sadd.s32 s5, s12  }
0xb: {  	s15 =	sshll.u32 s9, $0x7;
	s14 =	sadd.s32 s6, s12;
	[dreg:$0x6] =	wrdreg s13  }
0xc: {  	s18 =	sshrl.u32 s16, $0x3;
	s17 =	sadd.s32 s0, s15;
	[dreg:$0x7] =	wrdreg s14  }
0xd: {  	s21 =	sshll.u32 s16, $0x7;
	s19 =	sadd.s32 s5, s18;
	[dreg:$0x8] =	wrdreg s17  }
0xe: {  	s24 =	sshrl.u32 s22, $0x3;
	s20 =	sadd.s32 s6, s18;
	[dreg:$0x9] =	wrdreg s19  }
0xf: {  	s30 =	sshll.u32 s22, $0x7;
	s23 =	sadd.s32 s0, s21;
	[dreg:$0xa] =	wrdreg s20  }
0x10: {  	s25 =	sadd.s32 s5, s24;
	s26 =	sadd.s32 s6, s24;
	[dreg:$0xb] =	wrdreg s23  }
0x11: {  	s10 =	sadd.s32 s0, s30;
	s11 =	sshrl.u32 s31, $0x3;
	[dreg:$0xc] =	wrdreg s25  }
0x12: {  	s15 =	sor.u32 $0xA0, s4;
	s21 =	sor.u32 $0xC0, s4;
	[dreg:$0xd] =	wrdreg s26  }
0x13: {  	[dreg:$0xe] =	wrdreg s10;
	s12 =	sadd.s32 s5, s11;
	s13 =	sadd.s32 s6, s11  }
0x14: {  	s14 =	sshll.u32 s31, $0x7;
	s17 =	sshrl.u32 s15, $0x3;
	s10 =	ssub.s32 $0x2, s3  }
0x15: {  	s20 =	sshll.u32 s15, $0x7;
	s23 =	sshrl.u32 s21, $0x3;
	[dreg:$0xf] =	wrdreg s12  }
0x16: {  	s3 =	sadd.s32 $0x1000, s1;
	[dreg:$0x10] =	wrdreg s13;
	s16 =	sadd.s32 s0, s14  }
0x17: {  	s8 =	sshll.u32 s21, $0x7;
	s18 =	sadd.s32 s5, s17;
	[dreg:$0x11] =	wrdreg s16  }
0x18: {  	s25 =	sor.u32 $0xE0, s4;
	s19 =	sadd.s32 s6, s17;
	[dreg:$0x12] =	wrdreg s18  }
0x19: {  	s4 =	sadd.s32 $0x1100, s1;
	s22 =	sadd.s32 s0, s20;
	[dreg:$0x13] =	wrdreg s19  }
0x1a: {  	s24 =	sshrl.u32 s10, $0x1;
	s11 =	sadd.s32 s5, s23;
	[dreg:$0x14] =	wrdreg s22  }
0x1b: {  	s7 =	sadd.s32 s6, s23;
	s26 =	sadd.s32 s0, s8;
	[dreg:$0x15] =	wrdreg s11  }
0x1c: {  	s30 =	sshrl.u32 s25, $0x3;
	s31 =	sshll.u32 s25, $0x7;
	[dreg:$0x16] =	wrdreg s7  }
0x1d: {  	s8 =	simm.s32 $0x7;
	[dreg:$0x17] =	wrdreg s26;
	s5 =	sadd.s32 s5, s30  }
0x1e: {  	v2 =	vlaneseq.u32;
	s9 =	ssub.s32 s10, s24;
	s6 =	sadd.s32 s6, s30;
	[dreg:$0x18] =	wrdreg s5  }
0x1f: {  	vm0 =	vmmov $0xffff;
	v1 =	vshrl.u32 v2, $0x3;
	s0 =	sadd.s32 s0, s31;
	s5 =	sadd.s32 $0x1200, s1;
	[dreg:$0x19] =	wrdreg s6  }
0x20: {  	v0 =	vand.u32 $0x7, v2;
	v2 =	vor.u32 $0x8, v2;
	v1 =	vmul.u32 $0x8, v1;
	s6 =	sadd.s32 $0x1300, s1;
	[dreg:$0x1a] =	wrdreg s0;
	s1 =	smax.u32 s9, $0x1  }
.LBB2_1:
0x21: {  	[dreg:$0x1b] =	wrdreg s1  }
0x22: {  	s30 =	rddreg [dreg:$0x3]  }
0x23: {  	[tilespmem:s2], [sflag:$0x7] =	stream.linear.gather [hbm4b:s30+s2], $0x20, $0x38;
	[tilespmem:$0x10200] =	vst v63  }
0x24: {  	_ =	swait.ge [sflag:s8], $0x20  }
0x25: {  	[sflag:s8] =	ssyncset.done $0x0  }
0x26: {  	s0 =	simm.s32 $0x100;
	s12 =	rddreg [dreg:$0x4];
	[sflag:s8] =	ssyncadd.s32 $0xFFFFFFE0  }
0x27: {  	[tilespmem:s0], [sflag:$0x7] =	stream.linear.gather [hbm4b:s12+s2], $0x20, $0x38;
	[tilespmem:$0x10200] =	vst v63  }
0x28: {  	_ =	swait.ge [sflag:s8], $0x20  }
0x29: {  	[sflag:s8] =	ssyncset.done $0x0  }
0x2a: {  	s14 =	simm.s32 $0x200;
	s13 =	rddreg [dreg:$0x5];
	[sflag:s8] =	ssyncadd.s32 $0xFFFFFFE0  }
0x2b: {  	[tilespmem:s14], [sflag:$0x1] =	stream.linear.gather [hbm4b:s13+s2], $0x8000, $0x38;
	[tilespmem:$0x10200] =	vst v63  }
0x2c: {  	s15 =	simm.s32 $0x80;
	s9 =	rddreg [dreg:$0x6]  }
0x2d: {  	[tilespmem:s15], [sflag:$0x7] =	stream.linear.gather [hbm4b:s9+s2], $0x20, $0x38;
	[tilespmem:$0x10200] =	vst v63  }
0x2e: {  	_ =	swait.ge [sflag:s8], $0x20  }
0x2f: {  	[sflag:s8] =	ssyncset.done $0x0  }
0x30: {  	s17 =	simm.s32 $0x180;
	s16 =	rddreg [dreg:$0x7];
	[sflag:s8] =	ssyncadd.s32 $0xFFFFFFE0  }
0x31: {  	[tilespmem:s17], [sflag:$0x7] =	stream.linear.gather [hbm4b:s16+s2], $0x20, $0x38;
	[tilespmem:$0x10200] =	vst v63  }
0x32: {  	_ =	swait.ge [sflag:s8], $0x20  }
0x33: {  	s19 =	simm.s32 $0x8200;
	[sflag:s8] =	ssyncset.done $0x0  }
0x34: {  	s31 =	simm.s32 $0x1;
	s18 =	rddreg [dreg:$0x8];
	[sflag:s8] =	ssyncadd.s32 $0xFFFFFFE0  }
0x35: {  	[tilespmem:s19], [sflag:$0x2] =	stream.linear.gather [hbm4b:s18+s2], $0x8000, $0x38;
	[tilespmem:$0x10200] =	vst v63  }
0x36: {  	_ =	swait.ge [sflag:s31], $0x8000  }
0x37: {  	[sflag:s31] =	ssyncset.done $0x0  }
0x38: {  	[sflag:s31] =	ssyncadd.s32 $0xFFFF8000  }
0x39: {  	v3 =	vld [tilespmem:$0x0];
	_ =	sdelay $0x4  }
0x3a: {  	v4 =	vshll.u32 v3, $0x3  }
0x3b: {  	v3 =	vand.u32 $0x7, v3;
	v4 =	vand.u32 $0xFFFFFFC0, v4  }
0x3c: {  	v3 =	vor.u32 v3, v4  }
0x3d: {  	v4 =	vperm.xlane v3, v0;
	_ =	sdelay $0x1  }
0x3e: {  	v4 =	vadd.s32 v1, v4;
	_ =	sdelay $0x3  }
0x3f: {  	s7 =	simm.s32 $0x200  }
0x40: {  	[hbm4b:s3+s2] =	stream.indirect_vreg.scatter [tilespmem:s7], [sflag:$0x3], $0x80, v4, vm0, $0xb8;
	[tilespmem:$0x10200] =	vst v63  }
0x41: {  	s20 =	simm.s32 $0xA00;
	v3 =	vperm.xlane v3, v2  }
0x42: {  	[hbm4b:s4+s2] =	stream.indirect_vreg.scatter [tilespmem:s20], [sflag:$0x3], $0x80, v4, vm0, $0xb8;
	[tilespmem:$0x10200] =	vst v63  }
0x43: {  	s21 =	simm.s32 $0x1200;
	v3 =	vadd.s32 v1, v3  }
0x44: {  	[hbm4b:s5+s2] =	stream.indirect_vreg.scatter [tilespmem:s21], [sflag:$0x3], $0x80, v4, vm0, $0xb8;
	[tilespmem:$0x10200] =	vst v63  }
0x45: {  	s22 =	simm.s32 $0x1A00  }
0x46: {  	[hbm4b:s6+s2] =	stream.indirect_vreg.scatter [tilespmem:s22], [sflag:$0x3], $0x80, v4, vm0, $0xb8;
	[tilespmem:$0x10200] =	vst v63  }
0x47: {  	s24 =	simm.s32 $0x2200  }
0x48: {  	[hbm4b:s3+s2] =	stream.indirect_vreg.scatter [tilespmem:s24], [sflag:$0x3], $0x80, v3, vm0, $0xb8;
	[tilespmem:$0x10200] =	vst v63  }
0x49: {  	s25 =	simm.s32 $0x2A00  }
0x4a: {  	[hbm4b:s4+s2] =	stream.indirect_vreg.scatter [tilespmem:s25], [sflag:$0x3], $0x80, v3, vm0, $0xb8;
	[tilespmem:$0x10200] =	vst v63  }
0x4b: {  	s26 =	simm.s32 $0x3200  }
0x4c: {  	[hbm4b:s5+s2] =	stream.indirect_vreg.scatter [tilespmem:s26], [sflag:$0x3], $0x80, v3, vm0, $0xb8;
	[tilespmem:$0x10200] =	vst v63  }
0x4d: {  	s30 =	simm.s32 $0x3A00  }
0x4e: {  	[hbm4b:s6+s2] =	stream.indirect_vreg.scatter [tilespmem:s30], [sflag:$0x3], $0x80, v3, vm0, $0xb8;
	[tilespmem:$0x10200] =	vst v63  }
0x4f: {  	v3 =	vld [tilespmem:$0x10];
	_ =	sdelay $0x4  }
0x50: {  	v33 =	vshll.u32 v3, $0x3  }
0x51: {  	v3 =	vand.u32 $0x7, v3;
	v4 =	vand.u32 $0xFFFFFFC0, v33  }
0x52: {  	v3 =	vor.u32 v3, v4  }
0x53: {  	v4 =	vperm.xlane v3, v0;
	_ =	sdelay $0x1  }
0x54: {  	v4 =	vadd.s32 v1, v4;
	_ =	sdelay $0x3  }
0x55: {  	s14 =	simm.s32 $0x4200  }
0x56: {  	[hbm4b:s3+s2] =	stream.indirect_vreg.scatter [tilespmem:s14], [sflag:$0x3], $0x80, v4, vm0, $0xb8;
	[tilespmem:$0x10200] =	vst v63  }
0x57: {  	s18 =	simm.s32 $0x4A00;
	v3 =	vperm.xlane v3, v2  }
0x58: {  	[hbm4b:s4+s2] =	stream.indirect_vreg.scatter [tilespmem:s18], [sflag:$0x3], $0x80, v4, vm0, $0xb8;
	[tilespmem:$0x10200] =	vst v63  }
0x59: {  	s19 =	simm.s32 $0x5200;
	v3 =	vadd.s32 v1, v3  }
0x5a: {  	[hbm4b:s5+s2] =	stream.indirect_vreg.scatter [tilespmem:s19], [sflag:$0x3], $0x80, v4, vm0, $0xb8;
	[tilespmem:$0x10200] =	vst v63  }
0x5b: {  	s20 =	simm.s32 $0x5A00  }
0x5c: {  	[hbm4b:s6+s2] =	stream.indirect_vreg.scatter [tilespmem:s20], [sflag:$0x3], $0x80, v4, vm0, $0xb8;
	[tilespmem:$0x10200] =	vst v63  }
0x5d: {  	s21 =	simm.s32 $0x6200  }
0x5e: {  	[hbm4b:s3+s2] =	stream.indirect_vreg.scatter [tilespmem:s21], [sflag:$0x3], $0x80, v3, vm0, $0xb8;
	[tilespmem:$0x10200] =	vst v63  }
0x5f: {  	s22 =	simm.s32 $0x6A00  }
0x60: {  	[hbm4b:s4+s2] =	stream.indirect_vreg.scatter [tilespmem:s22], [sflag:$0x3], $0x80, v3, vm0, $0xb8;
	[tilespmem:$0x10200] =	vst v63  }
0x61: {  	s30 =	simm.s32 $0x7200  }
0x62: {  	[hbm4b:s5+s2] =	stream.indirect_vreg.scatter [tilespmem:s30], [sflag:$0x3], $0x80, v3, vm0, $0xb8;
	[tilespmem:$0x10200] =	vst v63  }
0x63: {  	s14 =	simm.s32 $0x7A00  }
0x64: {  	[hbm4b:s6+s2] =	stream.indirect_vreg.scatter [tilespmem:s14], [sflag:$0x3], $0x80, v3, vm0, $0xb8;
	[tilespmem:$0x10200] =	vst v63  }
0x65: {  	v3 =	vld [tilespmem:$0x100];
	_ =	sdelay $0x4  }
0x66: {  	v34 =	vshll.u32 v3, $0x3  }
0x67: {  	v3 =	vand.u32 $0x7, v3;
	v4 =	vand.u32 $0xFFFFFFC0, v34  }
0x68: {  	v3 =	vor.u32 v3, v4  }
0x69: {  	v4 =	vperm.xlane v3, v0;
	_ =	sdelay $0x1  }
0x6a: {  	v4 =	vadd.s32 v1, v4;
	_ =	sdelay $0x3  }
0x6b: {  	s7 =	simm.s32 $0x200  }
0x6c: {  	[hbm4b:s3+s2] =	stream.indirect_vreg.scatter [tilespmem:s7], [sflag:$0x5], $0x80, v4, vm0, $0xb8;
	[tilespmem:$0x10200] =	vst v63  }
0x6d: {  	s23 =	simm.s32 $0xA00;
	v3 =	vperm.xlane v3, v2  }
0x6e: {  	[hbm4b:s4+s2] =	stream.indirect_vreg.scatter [tilespmem:s23], [sflag:$0x5], $0x80, v4, vm0, $0xb8;
	[tilespmem:$0x10200] =	vst v63  }
0x6f: {  	s0 =	simm.s32 $0x1200;
	v3 =	vadd.s32 v1, v3  }
0x70: {  	[hbm4b:s5+s2] =	stream.indirect_vreg.scatter [tilespmem:s0], [sflag:$0x5], $0x80, v4, vm0, $0xb8;
	[tilespmem:$0x10200] =	vst v63  }
0x71: {  	s12 =	simm.s32 $0x1A00  }
0x72: {  	[hbm4b:s6+s2] =	stream.indirect_vreg.scatter [tilespmem:s12], [sflag:$0x5], $0x80, v4, vm0, $0xb8;
	[tilespmem:$0x10200] =	vst v63  }
0x73: {  	s15 =	simm.s32 $0x2200  }
0x74: {  	[hbm4b:s3+s2] =	stream.indirect_vreg.scatter [tilespmem:s15], [sflag:$0x5], $0x80, v3, vm0, $0xb8;
	[tilespmem:$0x10200] =	vst v63  }
0x75: {  	s16 =	simm.s32 $0x2A00  }
0x76: {  	[hbm4b:s4+s2] =	stream.indirect_vreg.scatter [tilespmem:s16], [sflag:$0x5], $0x80, v3, vm0, $0xb8;
	[tilespmem:$0x10200] =	vst v63  }
0x77: {  	s17 =	simm.s32 $0x3200  }
0x78: {  	[hbm4b:s5+s2] =	stream.indirect_vreg.scatter [tilespmem:s17], [sflag:$0x5], $0x80, v3, vm0, $0xb8;
	[tilespmem:$0x10200] =	vst v63  }
0x79: {  	s24 =	simm.s32 $0x3A00  }
0x7a: {  	[hbm4b:s6+s2] =	stream.indirect_vreg.scatter [tilespmem:s24], [sflag:$0x5], $0x80, v3, vm0, $0xb8;
	[tilespmem:$0x10200] =	vst v63  }
0x7b: {  	v3 =	vld [tilespmem:$0x110];
	_ =	sdelay $0x4  }
0x7c: {  	v35 =	vshll.u32 v3, $0x3  }
0x7d: {  	v3 =	vand.u32 $0x7, v3;
	v4 =	vand.u32 $0xFFFFFFC0, v35  }
0x7e: {  	v3 =	vor.u32 v3, v4  }
0x7f: {  	v4 =	vperm.xlane v3, v0;
	_ =	sdelay $0x1  }
0x80: {  	v4 =	vadd.s32 v1, v4;
	_ =	sdelay $0x3  }
0x81: {  	s25 =	simm.s32 $0x4200  }
0x82: {  	[hbm4b:s3+s2] =	stream.indirect_vreg.scatter [tilespmem:s25], [sflag:$0x5], $0x80, v4, vm0, $0xb8;
	[tilespmem:$0x10200] =	vst v63  }
0x83: {  	s26 =	simm.s32 $0x4A00;
	v3 =	vperm.xlane v3, v2  }
0x84: {  	[hbm4b:s4+s2] =	stream.indirect_vreg.scatter [tilespmem:s26], [sflag:$0x5], $0x80, v4, vm0, $0xb8;
	[tilespmem:$0x10200] =	vst v63  }
0x85: {  	s18 =	simm.s32 $0x5200;
	v3 =	vadd.s32 v1, v3  }
0x86: {  	[hbm4b:s5+s2] =	stream.indirect_vreg.scatter [tilespmem:s18], [sflag:$0x5], $0x80, v4, vm0, $0xb8;
	[tilespmem:$0x10200] =	vst v63  }
0x87: {  	s19 =	simm.s32 $0x5A00  }
0x88: {  	[hbm4b:s6+s2] =	stream.indirect_vreg.scatter [tilespmem:s19], [sflag:$0x5], $0x80, v4, vm0, $0xb8;
	[tilespmem:$0x10200] =	vst v63  }
0x89: {  	s20 =	simm.s32 $0x6200  }
0x8a: {  	[hbm4b:s3+s2] =	stream.indirect_vreg.scatter [tilespmem:s20], [sflag:$0x5], $0x80, v3, vm0, $0xb8;
	[tilespmem:$0x10200] =	vst v63  }
0x8b: {  	s21 =	simm.s32 $0x6A00  }
0x8c: {  	[hbm4b:s4+s2] =	stream.indirect_vreg.scatter [tilespmem:s21], [sflag:$0x5], $0x80, v3, vm0, $0xb8;
	[tilespmem:$0x10200] =	vst v63  }
0x8d: {  	s22 =	simm.s32 $0x7200  }
0x8e: {  	[hbm4b:s5+s2] =	stream.indirect_vreg.scatter [tilespmem:s22], [sflag:$0x5], $0x80, v3, vm0, $0xb8;
	[tilespmem:$0x10200] =	vst v63  }
0x8f: {  	s30 =	simm.s32 $0x7A00;
	s14 =	simm.s32 $0x3  }
0x90: {  	[hbm4b:s6+s2] =	stream.indirect_vreg.scatter [tilespmem:s30], [sflag:$0x5], $0x80, v3, vm0, $0xb8;
	[tilespmem:$0x10200] =	vst v63  }
0x91: {  	_ =	swait.ge [sflag:s14], $0x8000  }
0x92: {  	[sflag:s14] =	ssyncset.done $0x0  }
0x93: {  	s15 =	simm.s32 $0x5;
	[sflag:s14] =	ssyncadd.s32 $0xFFFF8000  }
0x94: {  	_ =	swait.ge [sflag:s15], $0x8000  }
0x95: {  	[sflag:s15] =	ssyncset.done $0x0  }
0x96: {  	s16 =	rddreg [dreg:$0x9];
	[sflag:s15] =	ssyncadd.s32 $0xFFFF8000  }
0x97: {  	[tilespmem:s2], [sflag:$0x7] =	stream.linear.gather [hbm4b:s16+s2], $0x20, $0x38;
	[tilespmem:$0x10200] =	vst v63  }
0x98: {  	_ =	swait.ge [sflag:s8], $0x20  }
0x99: {  	[sflag:s8] =	ssyncset.done $0x0  }
0x9a: {  	s1 =	simm.s32 $0x100;
	s17 =	rddreg [dreg:$0xa];
	[sflag:s8] =	ssyncadd.s32 $0xFFFFFFE0  }
0x9b: {  	[tilespmem:s1], [sflag:$0x7] =	stream.linear.gather [hbm4b:s17+s2], $0x20, $0x38;
	[tilespmem:$0x10200] =	vst v63  }
0x9c: {  	_ =	swait.ge [sflag:s8], $0x20  }
0x9d: {  	[sflag:s8] =	ssyncset.done $0x0  }
0x9e: {  	s18 =	rddreg [dreg:$0xb];
	[sflag:s8] =	ssyncadd.s32 $0xFFFFFFE0  }
0x9f: {  	[tilespmem:s7], [sflag:$0x1] =	stream.linear.gather [hbm4b:s18+s2], $0x8000, $0x38;
	[tilespmem:$0x10200] =	vst v63  }
0xa0: {  	_ =	swait.ge [sflag:s28], $0x8000  }
0xa1: {  	[sflag:s28] =	ssyncset.done $0x0  }
0xa2: {  	[sflag:s28] =	ssyncadd.s32 $0xFFFF8000  }
0xa3: {  	v3 =	vld [tilespmem:$0x80];
	_ =	sdelay $0x4  }
0xa4: {  	v36 =	vshll.u32 v3, $0x3  }
0xa5: {  	v3 =	vand.u32 $0x7, v3;
	v4 =	vand.u32 $0xFFFFFFC0, v36  }
0xa6: {  	v3 =	vor.u32 v3, v4  }
0xa7: {  	v4 =	vperm.xlane v3, v0;
	_ =	sdelay $0x1  }
0xa8: {  	v4 =	vadd.s32 v1, v4;
	_ =	sdelay $0x3  }
0xa9: {  	s13 =	simm.s32 $0x8200  }
0xaa: {  	[hbm4b:s3+s2] =	stream.indirect_vreg.scatter [tilespmem:s13], [sflag:$0x4], $0x80, v4, vm0, $0xb8;
	[tilespmem:$0x10200] =	vst v63  }
0xab: {  	s19 =	simm.s32 $0x8A00;
	v3 =	vperm.xlane v3, v2  }
0xac: {  	[hbm4b:s4+s2] =	stream.indirect_vreg.scatter [tilespmem:s19], [sflag:$0x4], $0x80, v4, vm0, $0xb8;
	[tilespmem:$0x10200] =	vst v63  }
0xad: {  	s20 =	simm.s32 $0x9200;
	v3 =	vadd.s32 v1, v3  }
0xae: {  	[hbm4b:s5+s2] =	stream.indirect_vreg.scatter [tilespmem:s20], [sflag:$0x4], $0x80, v4, vm0, $0xb8;
	[tilespmem:$0x10200] =	vst v63  }
0xaf: {  	s21 =	simm.s32 $0x9A00  }
0xb0: {  	[hbm4b:s6+s2] =	stream.indirect_vreg.scatter [tilespmem:s21], [sflag:$0x4], $0x80, v4, vm0, $0xb8;
	[tilespmem:$0x10200] =	vst v63  }
0xb1: {  	s22 =	simm.s32 $0xA200  }
0xb2: {  	[hbm4b:s3+s2] =	stream.indirect_vreg.scatter [tilespmem:s22], [sflag:$0x4], $0x80, v3, vm0, $0xb8;
	[tilespmem:$0x10200] =	vst v63  }
0xb3: {  	s23 =	simm.s32 $0xAA00  }
0xb4: {  	[hbm4b:s4+s2] =	stream.indirect_vreg.scatter [tilespmem:s23], [sflag:$0x4], $0x80, v3, vm0, $0xb8;
	[tilespmem:$0x10200] =	vst v63  }
0xb5: {  	s24 =	simm.s32 $0xB200  }
0xb6: {  	[hbm4b:s5+s2] =	stream.indirect_vreg.scatter [tilespmem:s24], [sflag:$0x4], $0x80, v3, vm0, $0xb8;
	[tilespmem:$0x10200] =	vst v63  }
0xb7: {  	s25 =	simm.s32 $0xBA00  }
0xb8: {  	[hbm4b:s6+s2] =	stream.indirect_vreg.scatter [tilespmem:s25], [sflag:$0x4], $0x80, v3, vm0, $0xb8;
	[tilespmem:$0x10200] =	vst v63  }
0xb9: {  	v3 =	vld [tilespmem:$0x90];
	_ =	sdelay $0x4  }
0xba: {  	v37 =	vshll.u32 v3, $0x3  }
0xbb: {  	v3 =	vand.u32 $0x7, v3;
	v4 =	vand.u32 $0xFFFFFFC0, v37  }
0xbc: {  	v3 =	vor.u32 v3, v4  }
0xbd: {  	v4 =	vperm.xlane v3, v0;
	_ =	sdelay $0x1  }
0xbe: {  	v4 =	vadd.s32 v1, v4;
	_ =	sdelay $0x3  }
0xbf: {  	s14 =	simm.s32 $0xC200  }
0xc0: {  	[hbm4b:s3+s2] =	stream.indirect_vreg.scatter [tilespmem:s14], [sflag:$0x4], $0x80, v4, vm0, $0xb8;
	[tilespmem:$0x10200] =	vst v63  }
0xc1: {  	s30 =	simm.s32 $0xCA00;
	v3 =	vperm.xlane v3, v2  }
0xc2: {  	[hbm4b:s4+s2] =	stream.indirect_vreg.scatter [tilespmem:s30], [sflag:$0x4], $0x80, v4, vm0, $0xb8;
	[tilespmem:$0x10200] =	vst v63  }
0xc3: {  	s17 =	simm.s32 $0xD200;
	v3 =	vadd.s32 v1, v3  }
0xc4: {  	[hbm4b:s5+s2] =	stream.indirect_vreg.scatter [tilespmem:s17], [sflag:$0x4], $0x80, v4, vm0, $0xb8;
	[tilespmem:$0x10200] =	vst v63  }
0xc5: {  	s20 =	simm.s32 $0xDA00  }
0xc6: {  	[hbm4b:s6+s2] =	stream.indirect_vreg.scatter [tilespmem:s20], [sflag:$0x4], $0x80, v4, vm0, $0xb8;
	[tilespmem:$0x10200] =	vst v63  }
0xc7: {  	s23 =	simm.s32 $0xE200  }
0xc8: {  	[hbm4b:s3+s2] =	stream.indirect_vreg.scatter [tilespmem:s23], [sflag:$0x4], $0x80, v3, vm0, $0xb8;
	[tilespmem:$0x10200] =	vst v63  }
0xc9: {  	s24 =	simm.s32 $0xEA00  }
0xca: {  	[hbm4b:s4+s2] =	stream.indirect_vreg.scatter [tilespmem:s24], [sflag:$0x4], $0x80, v3, vm0, $0xb8;
	[tilespmem:$0x10200] =	vst v63  }
0xcb: {  	s25 =	simm.s32 $0xF200  }
0xcc: {  	[hbm4b:s5+s2] =	stream.indirect_vreg.scatter [tilespmem:s25], [sflag:$0x4], $0x80, v3, vm0, $0xb8;
	[tilespmem:$0x10200] =	vst v63  }
0xcd: {  	s30 =	simm.s32 $0xFA00  }
0xce: {  	[hbm4b:s6+s2] =	stream.indirect_vreg.scatter [tilespmem:s30], [sflag:$0x4], $0x80, v3, vm0, $0xb8;
	[tilespmem:$0x10200] =	vst v63  }
0xcf: {  	v3 =	vld [tilespmem:$0x180];
	_ =	sdelay $0x4  }
0xd0: {  	v38 =	vshll.u32 v3, $0x3  }
0xd1: {  	v3 =	vand.u32 $0x7, v3;
	v4 =	vand.u32 $0xFFFFFFC0, v38  }
0xd2: {  	v3 =	vor.u32 v3, v4  }
0xd3: {  	v4 =	vperm.xlane v3, v0;
	_ =	sdelay $0x1  }
0xd4: {  	v4 =	vadd.s32 v1, v4;
	_ =	sdelay $0x4  }
0xd5: {  	[hbm4b:s3+s2] =	stream.indirect_vreg.scatter [tilespmem:s13], [sflag:$0x6], $0x80, v4, vm0, $0xb8;
	[tilespmem:$0x10200] =	vst v63  }
0xd6: {  	s7 =	simm.s32 $0x8A00;
	v3 =	vperm.xlane v3, v2  }
0xd7: {  	[hbm4b:s4+s2] =	stream.indirect_vreg.scatter [tilespmem:s7], [sflag:$0x6], $0x80, v4, vm0, $0xb8;
	[tilespmem:$0x10200] =	vst v63  }
0xd8: {  	s15 =	simm.s32 $0x9200;
	v3 =	vadd.s32 v1, v3  }
0xd9: {  	[hbm4b:s5+s2] =	stream.indirect_vreg.scatter [tilespmem:s15], [sflag:$0x6], $0x80, v4, vm0, $0xb8;
	[tilespmem:$0x10200] =	vst v63  }
0xda: {  	s9 =	simm.s32 $0x9A00  }
0xdb: {  	[hbm4b:s6+s2] =	stream.indirect_vreg.scatter [tilespmem:s9], [sflag:$0x6], $0x80, v4, vm0, $0xb8;
	[tilespmem:$0x10200] =	vst v63  }
0xdc: {  	s0 =	simm.s32 $0xA200  }
0xdd: {  	[hbm4b:s3+s2] =	stream.indirect_vreg.scatter [tilespmem:s0], [sflag:$0x6], $0x80, v3, vm0, $0xb8;
	[tilespmem:$0x10200] =	vst v63  }
0xde: {  	s1 =	simm.s32 $0xAA00  }
0xdf: {  	[hbm4b:s4+s2] =	stream.indirect_vreg.scatter [tilespmem:s1], [sflag:$0x6], $0x80, v3, vm0, $0xb8;
	[tilespmem:$0x10200] =	vst v63  }
0xe0: {  	s26 =	simm.s32 $0xB200  }
0xe1: {  	[hbm4b:s5+s2] =	stream.indirect_vreg.scatter [tilespmem:s26], [sflag:$0x6], $0x80, v3, vm0, $0xb8;
	[tilespmem:$0x10200] =	vst v63  }
0xe2: {  	s12 =	simm.s32 $0xBA00  }
0xe3: {  	[hbm4b:s6+s2] =	stream.indirect_vreg.scatter [tilespmem:s12], [sflag:$0x6], $0x80, v3, vm0, $0xb8;
	[tilespmem:$0x10200] =	vst v63  }
0xe4: {  	v3 =	vld [tilespmem:$0x190];
	_ =	sdelay $0x4  }
0xe5: {  	v39 =	vshll.u32 v3, $0x3  }
0xe6: {  	v3 =	vand.u32 $0x7, v3;
	v4 =	vand.u32 $0xFFFFFFC0, v39  }
0xe7: {  	v3 =	vor.u32 v3, v4  }
0xe8: {  	v4 =	vperm.xlane v3, v0;
	_ =	sdelay $0x1  }
0xe9: {  	v4 =	vadd.s32 v1, v4;
	_ =	sdelay $0x3  }
0xea: {  	s14 =	simm.s32 $0xC200  }
0xeb: {  	[hbm4b:s3+s2] =	stream.indirect_vreg.scatter [tilespmem:s14], [sflag:$0x6], $0x80, v4, vm0, $0xb8;
	[tilespmem:$0x10200] =	vst v63  }
0xec: {  	s16 =	simm.s32 $0xCA00;
	v3 =	vperm.xlane v3, v2  }
0xed: {  	[hbm4b:s4+s2] =	stream.indirect_vreg.scatter [tilespmem:s16], [sflag:$0x6], $0x80, v4, vm0, $0xb8;
	[tilespmem:$0x10200] =	vst v63  }
0xee: {  	s18 =	simm.s32 $0xD200;
	v3 =	vadd.s32 v1, v3  }
0xef: {  	[hbm4b:s5+s2] =	stream.indirect_vreg.scatter [tilespmem:s18], [sflag:$0x6], $0x80, v4, vm0, $0xb8;
	[tilespmem:$0x10200] =	vst v63  }
0xf0: {  	s21 =	simm.s32 $0xDA00  }
0xf1: {  	[hbm4b:s6+s2] =	stream.indirect_vreg.scatter [tilespmem:s21], [sflag:$0x6], $0x80, v4, vm0, $0xb8;
	[tilespmem:$0x10200] =	vst v63  }
0xf2: {  	s22 =	simm.s32 $0xE200  }
0xf3: {  	[hbm4b:s3+s2] =	stream.indirect_vreg.scatter [tilespmem:s22], [sflag:$0x6], $0x80, v3, vm0, $0xb8;
	[tilespmem:$0x10200] =	vst v63  }
0xf4: {  	s23 =	simm.s32 $0xEA00  }
0xf5: {  	[hbm4b:s4+s2] =	stream.indirect_vreg.scatter [tilespmem:s23], [sflag:$0x6], $0x80, v3, vm0, $0xb8;
	[tilespmem:$0x10200] =	vst v63  }
0xf6: {  	s24 =	simm.s32 $0xF200  }
0xf7: {  	[hbm4b:s5+s2] =	stream.indirect_vreg.scatter [tilespmem:s24], [sflag:$0x6], $0x80, v3, vm0, $0xb8;
	[tilespmem:$0x10200] =	vst v63  }
0xf8: {  	s25 =	simm.s32 $0xFA00  }
0xf9: {  	[hbm4b:s6+s2] =	stream.indirect_vreg.scatter [tilespmem:s25], [sflag:$0x6], $0x80, v3, vm0, $0xb8;
	[tilespmem:$0x10200] =	vst v63  }
0xfa: {  	_ =	swait.ge [sflag:s29], $0x8000  }
0xfb: {  	[sflag:s29] =	ssyncset.done $0x0  }
0xfc: {  	s30 =	simm.s32 $0x6;
	[sflag:s29] =	ssyncadd.s32 $0xFFFF8000  }
0xfd: {  	_ =	swait.ge [sflag:s30], $0x8000  }
0xfe: {  	[sflag:s30] =	ssyncset.done $0x0  }
0xff: {  	s10 =	simm.s32 $0x80;
	s15 =	rddreg [dreg:$0xc];
	[sflag:s30] =	ssyncadd.s32 $0xFFFF8000  }
0x100: {  	[tilespmem:s10], [sflag:$0x7] =	stream.linear.gather [hbm4b:s15+s2], $0x20, $0x38;
	[tilespmem:$0x10200] =	vst v63  }
0x101: {  	_ =	swait.ge [sflag:s8], $0x20  }
0x102: {  	[sflag:s8] =	ssyncset.done $0x0  }
0x103: {  	s11 =	simm.s32 $0x180;
	s16 =	rddreg [dreg:$0xd];
	[sflag:s8] =	ssyncadd.s32 $0xFFFFFFE0  }
0x104: {  	[tilespmem:s11], [sflag:$0x7] =	stream.linear.gather [hbm4b:s16+s2], $0x20, $0x38;
	[tilespmem:$0x10200] =	vst v63  }
0x105: {  	_ =	swait.ge [sflag:s8], $0x20  }
0x106: {  	[sflag:s8] =	ssyncset.done $0x0  }
0x107: {  	s17 =	rddreg [dreg:$0xe];
	[sflag:s8] =	ssyncadd.s32 $0xFFFFFFE0  }
0x108: {  	[tilespmem:s13], [sflag:$0x2] =	stream.linear.gather [hbm4b:s17+s2], $0x8000, $0x38;
	[tilespmem:$0x10200] =	vst v63  }
0x109: {  	_ =	swait.ge [sflag:s31], $0x8000  }
0x10a: {  	[sflag:s31] =	ssyncset.done $0x0  }
0x10b: {  	[sflag:s31] =	ssyncadd.s32 $0xFFFF8000  }
0x10c: {  	v3 =	vld [tilespmem:$0x0];
	_ =	sdelay $0x4  }
0x10d: {  	v40 =	vshll.u32 v3, $0x3  }
0x10e: {  	v3 =	vand.u32 $0x7, v3;
	v4 =	vand.u32 $0xFFFFFFC0, v40  }
0x10f: {  	v3 =	vor.u32 v3, v4  }
0x110: {  	v4 =	vperm.xlane v3, v0;
	_ =	sdelay $0x1  }
0x111: {  	v4 =	vadd.s32 v1, v4;
	_ =	sdelay $0x3  }
0x112: {  	s20 =	simm.s32 $0x200  }
0x113: {  	[hbm4b:s3+s2] =	stream.indirect_vreg.scatter [tilespmem:s20], [sflag:$0x3], $0x80, v4, vm0, $0xb8;
	[tilespmem:$0x10200] =	vst v63  }
0x114: {  	s17 =	simm.s32 $0xA00;
	v3 =	vperm.xlane v3, v2  }
0x115: {  	[hbm4b:s4+s2] =	stream.indirect_vreg.scatter [tilespmem:s17], [sflag:$0x3], $0x80, v4, vm0, $0xb8;
	[tilespmem:$0x10200] =	vst v63  }
0x116: {  	s21 =	simm.s32 $0x1200;
	v3 =	vadd.s32 v1, v3  }
0x117: {  	[hbm4b:s5+s2] =	stream.indirect_vreg.scatter [tilespmem:s21], [sflag:$0x3], $0x80, v4, vm0, $0xb8;
	[tilespmem:$0x10200] =	vst v63  }
0x118: {  	s9 =	simm.s32 $0x1A00  }
0x119: {  	[hbm4b:s6+s2] =	stream.indirect_vreg.scatter [tilespmem:s9], [sflag:$0x3], $0x80, v4, vm0, $0xb8;
	[tilespmem:$0x10200] =	vst v63  }
0x11a: {  	s10 =	simm.s32 $0x2200  }
0x11b: {  	[hbm4b:s3+s2] =	stream.indirect_vreg.scatter [tilespmem:s10], [sflag:$0x3], $0x80, v3, vm0, $0xb8;
	[tilespmem:$0x10200] =	vst v63  }
0x11c: {  	s14 =	simm.s32 $0x2A00  }
0x11d: {  	[hbm4b:s4+s2] =	stream.indirect_vreg.scatter [tilespmem:s14], [sflag:$0x3], $0x80, v3, vm0, $0xb8;
	[tilespmem:$0x10200] =	vst v63  }
0x11e: {  	s11 =	simm.s32 $0x3200  }
0x11f: {  	[hbm4b:s5+s2] =	stream.indirect_vreg.scatter [tilespmem:s11], [sflag:$0x3], $0x80, v3, vm0, $0xb8;
	[tilespmem:$0x10200] =	vst v63  }
0x120: {  	s7 =	simm.s32 $0x3A00  }
0x121: {  	[hbm4b:s6+s2] =	stream.indirect_vreg.scatter [tilespmem:s7], [sflag:$0x3], $0x80, v3, vm0, $0xb8;
	[tilespmem:$0x10200] =	vst v63  }
0x122: {  	v3 =	vld [tilespmem:$0x10];
	_ =	sdelay $0x4  }
0x123: {  	v41 =	vshll.u32 v3, $0x3  }
0x124: {  	v3 =	vand.u32 $0x7, v3;
	v4 =	vand.u32 $0xFFFFFFC0, v41  }
0x125: {  	v3 =	vor.u32 v3, v4  }
0x126: {  	v4 =	vperm.xlane v3, v0;
	_ =	sdelay $0x1  }
0x127: {  	v4 =	vadd.s32 v1, v4;
	_ =	sdelay $0x3  }
0x128: {  	s12 =	simm.s32 $0x4200  }
0x129: {  	[hbm4b:s3+s2] =	stream.indirect_vreg.scatter [tilespmem:s12], [sflag:$0x3], $0x80, v4, vm0, $0xb8;
	[tilespmem:$0x10200] =	vst v63  }
0x12a: {  	s13 =	simm.s32 $0x4A00;
	v3 =	vperm.xlane v3, v2  }
0x12b: {  	[hbm4b:s4+s2] =	stream.indirect_vreg.scatter [tilespmem:s13], [sflag:$0x3], $0x80, v4, vm0, $0xb8;
	[tilespmem:$0x10200] =	vst v63  }
0x12c: {  	s0 =	simm.s32 $0x5200;
	v3 =	vadd.s32 v1, v3  }
0x12d: {  	[hbm4b:s5+s2] =	stream.indirect_vreg.scatter [tilespmem:s0], [sflag:$0x3], $0x80, v4, vm0, $0xb8;
	[tilespmem:$0x10200] =	vst v63  }
0x12e: {  	s19 =	simm.s32 $0x5A00  }
0x12f: {  	[hbm4b:s6+s2] =	stream.indirect_vreg.scatter [tilespmem:s19], [sflag:$0x3], $0x80, v4, vm0, $0xb8;
	[tilespmem:$0x10200] =	vst v63  }
0x130: {  	s15 =	simm.s32 $0x6200  }
0x131: {  	[hbm4b:s3+s2] =	stream.indirect_vreg.scatter [tilespmem:s15], [sflag:$0x3], $0x80, v3, vm0, $0xb8;
	[tilespmem:$0x10200] =	vst v63  }
0x132: {  	s16 =	simm.s32 $0x6A00  }
0x133: {  	[hbm4b:s4+s2] =	stream.indirect_vreg.scatter [tilespmem:s16], [sflag:$0x3], $0x80, v3, vm0, $0xb8;
	[tilespmem:$0x10200] =	vst v63  }
0x134: {  	s1 =	simm.s32 $0x7200  }
0x135: {  	[hbm4b:s5+s2] =	stream.indirect_vreg.scatter [tilespmem:s1], [sflag:$0x3], $0x80, v3, vm0, $0xb8;
	[tilespmem:$0x10200] =	vst v63  }
0x136: {  	s18 =	simm.s32 $0x7A00  }
0x137: {  	[hbm4b:s6+s2] =	stream.indirect_vreg.scatter [tilespmem:s18], [sflag:$0x3], $0x80, v3, vm0, $0xb8;
	[tilespmem:$0x10200] =	vst v63  }
0x138: {  	v3 =	vld [tilespmem:$0x100];
	_ =	sdelay $0x4  }
0x139: {  	v42 =	vshll.u32 v3, $0x3  }
0x13a: {  	v3 =	vand.u32 $0x7, v3;
	v4 =	vand.u32 $0xFFFFFFC0, v42  }
0x13b: {  	v3 =	vor.u32 v3, v4  }
0x13c: {  	v4 =	vperm.xlane v3, v0;
	_ =	sdelay $0x1  }
0x13d: {  	v4 =	vadd.s32 v1, v4;
	_ =	sdelay $0x4  }
0x13e: {  	[hbm4b:s3+s2] =	stream.indirect_vreg.scatter [tilespmem:s20], [sflag:$0x5], $0x80, v4, vm0, $0xb8;
	[tilespmem:$0x10200] =	vst v63  }
0x13f: {  	v3 =	vperm.xlane v3, v2  }
0x140: {  	[hbm4b:s4+s2] =	stream.indirect_vreg.scatter [tilespmem:s17], [sflag:$0x5], $0x80, v4, vm0, $0xb8;
	[tilespmem:$0x10200] =	vst v63  }
0x141: {  	v3 =	vadd.s32 v1, v3  }
0x142: {  	[hbm4b:s5+s2] =	stream.indirect_vreg.scatter [tilespmem:s21], [sflag:$0x5], $0x80, v4, vm0, $0xb8;
	[tilespmem:$0x10200] =	vst v63  }
0x143: {  	_ = 	snop  }
0x144: {  	[hbm4b:s6+s2] =	stream.indirect_vreg.scatter [tilespmem:s9], [sflag:$0x5], $0x80, v4, vm0, $0xb8;
	[tilespmem:$0x10200] =	vst v63  }
0x145: {  	_ = 	snop  }
0x146: {  	[hbm4b:s3+s2] =	stream.indirect_vreg.scatter [tilespmem:s10], [sflag:$0x5], $0x80, v3, vm0, $0xb8;
	[tilespmem:$0x10200] =	vst v63  }
0x147: {  	_ = 	snop  }
0x148: {  	[hbm4b:s4+s2] =	stream.indirect_vreg.scatter [tilespmem:s14], [sflag:$0x5], $0x80, v3, vm0, $0xb8;
	[tilespmem:$0x10200] =	vst v63  }
0x149: {  	_ = 	snop  }
0x14a: {  	[hbm4b:s5+s2] =	stream.indirect_vreg.scatter [tilespmem:s11], [sflag:$0x5], $0x80, v3, vm0, $0xb8;
	[tilespmem:$0x10200] =	vst v63  }
0x14b: {  	_ = 	snop  }
0x14c: {  	[hbm4b:s6+s2] =	stream.indirect_vreg.scatter [tilespmem:s7], [sflag:$0x5], $0x80, v3, vm0, $0xb8;
	[tilespmem:$0x10200] =	vst v63  }
0x14d: {  	v3 =	vld [tilespmem:$0x110];
	_ =	sdelay $0x4  }
0x14e: {  	v43 =	vshll.u32 v3, $0x3  }
0x14f: {  	v3 =	vand.u32 $0x7, v3;
	v4 =	vand.u32 $0xFFFFFFC0, v43  }
0x150: {  	v3 =	vor.u32 v3, v4  }
0x151: {  	v4 =	vperm.xlane v3, v0;
	_ =	sdelay $0x1  }
0x152: {  	v4 =	vadd.s32 v1, v4;
	_ =	sdelay $0x4  }
0x153: {  	[hbm4b:s3+s2] =	stream.indirect_vreg.scatter [tilespmem:s12], [sflag:$0x5], $0x80, v4, vm0, $0xb8;
	[tilespmem:$0x10200] =	vst v63  }
0x154: {  	v3 =	vperm.xlane v3, v2  }
0x155: {  	[hbm4b:s4+s2] =	stream.indirect_vreg.scatter [tilespmem:s13], [sflag:$0x5], $0x80, v4, vm0, $0xb8;
	[tilespmem:$0x10200] =	vst v63  }
0x156: {  	v3 =	vadd.s32 v1, v3  }
0x157: {  	[hbm4b:s5+s2] =	stream.indirect_vreg.scatter [tilespmem:s0], [sflag:$0x5], $0x80, v4, vm0, $0xb8;
	[tilespmem:$0x10200] =	vst v63  }
0x158: {  	_ = 	snop  }
0x159: {  	[hbm4b:s6+s2] =	stream.indirect_vreg.scatter [tilespmem:s19], [sflag:$0x5], $0x80, v4, vm0, $0xb8;
	[tilespmem:$0x10200] =	vst v63  }
0x15a: {  	_ = 	snop  }
0x15b: {  	[hbm4b:s3+s2] =	stream.indirect_vreg.scatter [tilespmem:s15], [sflag:$0x5], $0x80, v3, vm0, $0xb8;
	[tilespmem:$0x10200] =	vst v63  }
0x15c: {  	_ = 	snop  }
0x15d: {  	[hbm4b:s4+s2] =	stream.indirect_vreg.scatter [tilespmem:s16], [sflag:$0x5], $0x80, v3, vm0, $0xb8;
	[tilespmem:$0x10200] =	vst v63  }
0x15e: {  	_ = 	snop  }
0x15f: {  	[hbm4b:s5+s2] =	stream.indirect_vreg.scatter [tilespmem:s1], [sflag:$0x5], $0x80, v3, vm0, $0xb8;
	[tilespmem:$0x10200] =	vst v63  }
0x160: {  	_ = 	snop  }
0x161: {  	[hbm4b:s6+s2] =	stream.indirect_vreg.scatter [tilespmem:s18], [sflag:$0x5], $0x80, v3, vm0, $0xb8;
	[tilespmem:$0x10200] =	vst v63  }
0x162: {  	s18 =	simm.s32 $0x3  }
0x163: {  	_ =	swait.ge [sflag:s18], $0x8000  }
0x164: {  	[sflag:s18] =	ssyncset.done $0x0  }
0x165: {  	s19 =	simm.s32 $0x5;
	[sflag:s18] =	ssyncadd.s32 $0xFFFF8000  }
0x166: {  	_ =	swait.ge [sflag:s19], $0x8000  }
0x167: {  	[sflag:s19] =	ssyncset.done $0x0  }
0x168: {  	s21 =	rddreg [dreg:$0xf];
	[sflag:s19] =	ssyncadd.s32 $0xFFFF8000  }
0x169: {  	[tilespmem:s2], [sflag:$0x7] =	stream.linear.gather [hbm4b:s21+s2], $0x20, $0x38;
	[tilespmem:$0x10200] =	vst v63  }
0x16a: {  	_ =	swait.ge [sflag:s8], $0x20  }
0x16b: {  	[sflag:s8] =	ssyncset.done $0x0  }
0x16c: {  	s1 =	simm.s32 $0x100;
	s0 =	rddreg [dreg:$0x10];
	[sflag:s8] =	ssyncadd.s32 $0xFFFFFFE0  }
0x16d: {  	[tilespmem:s1], [sflag:$0x7] =	stream.linear.gather [hbm4b:s0+s2], $0x20, $0x38;
	[tilespmem:$0x10200] =	vst v63  }
0x16e: {  	_ =	swait.ge [sflag:s8], $0x20  }
0x16f: {  	[sflag:s8] =	ssyncset.done $0x0  }
0x170: {  	s20 =	simm.s32 $0x200;
	s7 =	rddreg [dreg:$0x11];
	[sflag:s8] =	ssyncadd.s32 $0xFFFFFFE0  }
0x171: {  	[tilespmem:s20], [sflag:$0x1] =	stream.linear.gather [hbm4b:s7+s2], $0x8000, $0x38;
	[tilespmem:$0x10200] =	vst v63  }
0x172: {  	_ =	swait.ge [sflag:s28], $0x8000  }
0x173: {  	[sflag:s28] =	ssyncset.done $0x0  }
0x174: {  	[sflag:s28] =	ssyncadd.s32 $0xFFFF8000  }
0x175: {  	v3 =	vld [tilespmem:$0x80];
	_ =	sdelay $0x4  }
0x176: {  	v44 =	vshll.u32 v3, $0x3  }
0x177: {  	v3 =	vand.u32 $0x7, v3;
	v4 =	vand.u32 $0xFFFFFFC0, v44  }
0x178: {  	v3 =	vor.u32 v3, v4  }
0x179: {  	v4 =	vperm.xlane v3, v0;
	_ =	sdelay $0x1  }
0x17a: {  	v4 =	vadd.s32 v1, v4;
	_ =	sdelay $0x3  }
0x17b: {  	s9 =	simm.s32 $0x8200  }
0x17c: {  	[hbm4b:s3+s2] =	stream.indirect_vreg.scatter [tilespmem:s9], [sflag:$0x4], $0x80, v4, vm0, $0xb8;
	[tilespmem:$0x10200] =	vst v63  }
0x17d: {  	s15 =	simm.s32 $0x8A00;
	v3 =	vperm.xlane v3, v2  }
0x17e: {  	[hbm4b:s4+s2] =	stream.indirect_vreg.scatter [tilespmem:s15], [sflag:$0x4], $0x80, v4, vm0, $0xb8;
	[tilespmem:$0x10200] =	vst v63  }
0x17f: {  	s10 =	simm.s32 $0x9200;
	v3 =	vadd.s32 v1, v3  }
0x180: {  	[hbm4b:s5+s2] =	stream.indirect_vreg.scatter [tilespmem:s10], [sflag:$0x4], $0x80, v4, vm0, $0xb8;
	[tilespmem:$0x10200] =	vst v63  }
0x181: {  	s0 =	simm.s32 $0x9A00  }
0x182: {  	[hbm4b:s6+s2] =	stream.indirect_vreg.scatter [tilespmem:s0], [sflag:$0x4], $0x80, v4, vm0, $0xb8;
	[tilespmem:$0x10200] =	vst v63  }
0x183: {  	s1 =	simm.s32 $0xA200  }
0x184: {  	[hbm4b:s3+s2] =	stream.indirect_vreg.scatter [tilespmem:s1], [sflag:$0x4], $0x80, v3, vm0, $0xb8;
	[tilespmem:$0x10200] =	vst v63  }
0x185: {  	s7 =	simm.s32 $0xAA00  }
0x186: {  	[hbm4b:s4+s2] =	stream.indirect_vreg.scatter [tilespmem:s7], [sflag:$0x4], $0x80, v3, vm0, $0xb8;
	[tilespmem:$0x10200] =	vst v63  }
0x187: {  	_ = 	snop  }
0x188: {  	[hbm4b:s5+s2] =	stream.indirect_vreg.scatter [tilespmem:s26], [sflag:$0x4], $0x80, v3, vm0, $0xb8;
	[tilespmem:$0x10200] =	vst v63  }
0x189: {  	s12 =	simm.s32 $0xBA00  }
0x18a: {  	[hbm4b:s6+s2] =	stream.indirect_vreg.scatter [tilespmem:s12], [sflag:$0x4], $0x80, v3, vm0, $0xb8;
	[tilespmem:$0x10200] =	vst v63  }
0x18b: {  	v3 =	vld [tilespmem:$0x90];
	_ =	sdelay $0x4  }
0x18c: {  	v45 =	vshll.u32 v3, $0x3  }
0x18d: {  	v3 =	vand.u32 $0x7, v3;
	v4 =	vand.u32 $0xFFFFFFC0, v45  }
0x18e: {  	v3 =	vor.u32 v3, v4  }
0x18f: {  	v4 =	vperm.xlane v3, v0;
	_ =	sdelay $0x1  }
0x190: {  	v4 =	vadd.s32 v1, v4;
	_ =	sdelay $0x3  }
0x191: {  	s13 =	simm.s32 $0xC200  }
0x192: {  	[hbm4b:s3+s2] =	stream.indirect_vreg.scatter [tilespmem:s13], [sflag:$0x4], $0x80, v4, vm0, $0xb8;
	[tilespmem:$0x10200] =	vst v63  }
0x193: {  	s16 =	simm.s32 $0xCA00;
	v3 =	vperm.xlane v3, v2  }
0x194: {  	[hbm4b:s4+s2] =	stream.indirect_vreg.scatter [tilespmem:s16], [sflag:$0x4], $0x80, v4, vm0, $0xb8;
	[tilespmem:$0x10200] =	vst v63  }
0x195: {  	s18 =	simm.s32 $0xD200;
	v3 =	vadd.s32 v1, v3  }
0x196: {  	[hbm4b:s5+s2] =	stream.indirect_vreg.scatter [tilespmem:s18], [sflag:$0x4], $0x80, v4, vm0, $0xb8;
	[tilespmem:$0x10200] =	vst v63  }
0x197: {  	s19 =	simm.s32 $0xDA00  }
0x198: {  	[hbm4b:s6+s2] =	stream.indirect_vreg.scatter [tilespmem:s19], [sflag:$0x4], $0x80, v4, vm0, $0xb8;
	[tilespmem:$0x10200] =	vst v63  }
0x199: {  	_ = 	snop  }
0x19a: {  	[hbm4b:s3+s2] =	stream.indirect_vreg.scatter [tilespmem:s22], [sflag:$0x4], $0x80, v3, vm0, $0xb8;
	[tilespmem:$0x10200] =	vst v63  }
0x19b: {  	_ = 	snop  }
0x19c: {  	[hbm4b:s4+s2] =	stream.indirect_vreg.scatter [tilespmem:s23], [sflag:$0x4], $0x80, v3, vm0, $0xb8;
	[tilespmem:$0x10200] =	vst v63  }
0x19d: {  	_ = 	snop  }
0x19e: {  	[hbm4b:s5+s2] =	stream.indirect_vreg.scatter [tilespmem:s24], [sflag:$0x4], $0x80, v3, vm0, $0xb8;
	[tilespmem:$0x10200] =	vst v63  }
0x19f: {  	_ = 	snop  }
0x1a0: {  	[hbm4b:s6+s2] =	stream.indirect_vreg.scatter [tilespmem:s25], [sflag:$0x4], $0x80, v3, vm0, $0xb8;
	[tilespmem:$0x10200] =	vst v63  }
0x1a1: {  	v3 =	vld [tilespmem:$0x180];
	_ =	sdelay $0x4  }
0x1a2: {  	v46 =	vshll.u32 v3, $0x3  }
0x1a3: {  	v3 =	vand.u32 $0x7, v3;
	v4 =	vand.u32 $0xFFFFFFC0, v46  }
0x1a4: {  	v3 =	vor.u32 v3, v4  }
0x1a5: {  	v4 =	vperm.xlane v3, v0;
	_ =	sdelay $0x1  }
0x1a6: {  	v4 =	vadd.s32 v1, v4;
	_ =	sdelay $0x4  }
0x1a7: {  	[hbm4b:s3+s2] =	stream.indirect_vreg.scatter [tilespmem:s9], [sflag:$0x6], $0x80, v4, vm0, $0xb8;
	[tilespmem:$0x10200] =	vst v63  }
0x1a8: {  	v3 =	vperm.xlane v3, v2  }
0x1a9: {  	[hbm4b:s4+s2] =	stream.indirect_vreg.scatter [tilespmem:s15], [sflag:$0x6], $0x80, v4, vm0, $0xb8;
	[tilespmem:$0x10200] =	vst v63  }
0x1aa: {  	v3 =	vadd.s32 v1, v3  }
0x1ab: {  	[hbm4b:s5+s2] =	stream.indirect_vreg.scatter [tilespmem:s10], [sflag:$0x6], $0x80, v4, vm0, $0xb8;
	[tilespmem:$0x10200] =	vst v63  }
0x1ac: {  	_ = 	snop  }
0x1ad: {  	[hbm4b:s6+s2] =	stream.indirect_vreg.scatter [tilespmem:s0], [sflag:$0x6], $0x80, v4, vm0, $0xb8;
	[tilespmem:$0x10200] =	vst v63  }
0x1ae: {  	_ = 	snop  }
0x1af: {  	[hbm4b:s3+s2] =	stream.indirect_vreg.scatter [tilespmem:s1], [sflag:$0x6], $0x80, v3, vm0, $0xb8;
	[tilespmem:$0x10200] =	vst v63  }
0x1b0: {  	_ = 	snop  }
0x1b1: {  	[hbm4b:s4+s2] =	stream.indirect_vreg.scatter [tilespmem:s7], [sflag:$0x6], $0x80, v3, vm0, $0xb8;
	[tilespmem:$0x10200] =	vst v63  }
0x1b2: {  	_ = 	snop  }
0x1b3: {  	[hbm4b:s5+s2] =	stream.indirect_vreg.scatter [tilespmem:s26], [sflag:$0x6], $0x80, v3, vm0, $0xb8;
	[tilespmem:$0x10200] =	vst v63  }
0x1b4: {  	_ = 	snop  }
0x1b5: {  	[hbm4b:s6+s2] =	stream.indirect_vreg.scatter [tilespmem:s12], [sflag:$0x6], $0x80, v3, vm0, $0xb8;
	[tilespmem:$0x10200] =	vst v63  }
0x1b6: {  	v3 =	vld [tilespmem:$0x190];
	_ =	sdelay $0x4  }
0x1b7: {  	v47 =	vshll.u32 v3, $0x3  }
0x1b8: {  	v3 =	vand.u32 $0x7, v3;
	v4 =	vand.u32 $0xFFFFFFC0, v47  }
0x1b9: {  	v3 =	vor.u32 v3, v4  }
0x1ba: {  	v4 =	vperm.xlane v3, v0;
	_ =	sdelay $0x1  }
0x1bb: {  	v4 =	vadd.s32 v1, v4;
	_ =	sdelay $0x4  }
0x1bc: {  	[hbm4b:s3+s2] =	stream.indirect_vreg.scatter [tilespmem:s13], [sflag:$0x6], $0x80, v4, vm0, $0xb8;
	[tilespmem:$0x10200] =	vst v63  }
0x1bd: {  	v3 =	vperm.xlane v3, v2  }
0x1be: {  	[hbm4b:s4+s2] =	stream.indirect_vreg.scatter [tilespmem:s16], [sflag:$0x6], $0x80, v4, vm0, $0xb8;
	[tilespmem:$0x10200] =	vst v63  }
0x1bf: {  	v3 =	vadd.s32 v1, v3  }
0x1c0: {  	[hbm4b:s5+s2] =	stream.indirect_vreg.scatter [tilespmem:s18], [sflag:$0x6], $0x80, v4, vm0, $0xb8;
	[tilespmem:$0x10200] =	vst v63  }
0x1c1: {  	_ = 	snop  }
0x1c2: {  	[hbm4b:s6+s2] =	stream.indirect_vreg.scatter [tilespmem:s19], [sflag:$0x6], $0x80, v4, vm0, $0xb8;
	[tilespmem:$0x10200] =	vst v63  }
0x1c3: {  	_ = 	snop  }
0x1c4: {  	[hbm4b:s3+s2] =	stream.indirect_vreg.scatter [tilespmem:s22], [sflag:$0x6], $0x80, v3, vm0, $0xb8;
	[tilespmem:$0x10200] =	vst v63  }
0x1c5: {  	_ = 	snop  }
0x1c6: {  	[hbm4b:s4+s2] =	stream.indirect_vreg.scatter [tilespmem:s23], [sflag:$0x6], $0x80, v3, vm0, $0xb8;
	[tilespmem:$0x10200] =	vst v63  }
0x1c7: {  	_ = 	snop  }
0x1c8: {  	[hbm4b:s5+s2] =	stream.indirect_vreg.scatter [tilespmem:s24], [sflag:$0x6], $0x80, v3, vm0, $0xb8;
	[tilespmem:$0x10200] =	vst v63  }
0x1c9: {  	_ = 	snop  }
0x1ca: {  	[hbm4b:s6+s2] =	stream.indirect_vreg.scatter [tilespmem:s25], [sflag:$0x6], $0x80, v3, vm0, $0xb8;
	[tilespmem:$0x10200] =	vst v63  }
0x1cb: {  	_ =	swait.ge [sflag:s29], $0x8000  }
0x1cc: {  	[sflag:s29] =	ssyncset.done $0x0  }
0x1cd: {  	[sflag:s29] =	ssyncadd.s32 $0xFFFF8000  }
0x1ce: {  	_ =	swait.ge [sflag:s30], $0x8000  }
0x1cf: {  	[sflag:s30] =	ssyncset.done $0x0  }
0x1d0: {  	s12 =	simm.s32 $0x80;
	s10 =	rddreg [dreg:$0x12];
	[sflag:s30] =	ssyncadd.s32 $0xFFFF8000  }
0x1d1: {  	[tilespmem:s12], [sflag:$0x7] =	stream.linear.gather [hbm4b:s10+s2], $0x20, $0x38;
	[tilespmem:$0x10200] =	vst v63  }
0x1d2: {  	_ =	swait.ge [sflag:s8], $0x20  }
0x1d3: {  	[sflag:s8] =	ssyncset.done $0x0  }
0x1d4: {  	s15 =	simm.s32 $0x180;
	s13 =	rddreg [dreg:$0x13];
	[sflag:s8] =	ssyncadd.s32 $0xFFFFFFE0  }
0x1d5: {  	[tilespmem:s15], [sflag:$0x7] =	stream.linear.gather [hbm4b:s13+s2], $0x20, $0x38;
	[tilespmem:$0x10200] =	vst v63  }
0x1d6: {  	_ =	swait.ge [sflag:s8], $0x20  }
0x1d7: {  	[sflag:s8] =	ssyncset.done $0x0  }
0x1d8: {  	s21 =	simm.s32 $0x8200;
	s16 =	rddreg [dreg:$0x14];
	[sflag:s8] =	ssyncadd.s32 $0xFFFFFFE0  }
0x1d9: {  	[tilespmem:s21], [sflag:$0x2] =	stream.linear.gather [hbm4b:s16+s2], $0x8000, $0x38;
	[tilespmem:$0x10200] =	vst v63  }
0x1da: {  	_ =	swait.ge [sflag:s31], $0x8000  }
0x1db: {  	[sflag:s31] =	ssyncset.done $0x0  }
0x1dc: {  	[sflag:s31] =	ssyncadd.s32 $0xFFFF8000  }
0x1dd: {  	v3 =	vld [tilespmem:$0x0];
	_ =	sdelay $0x4  }
0x1de: {  	v48 =	vshll.u32 v3, $0x3  }
0x1df: {  	v3 =	vand.u32 $0x7, v3;
	v4 =	vand.u32 $0xFFFFFFC0, v48  }
0x1e0: {  	v3 =	vor.u32 v3, v4  }
0x1e1: {  	v4 =	vperm.xlane v3, v0;
	_ =	sdelay $0x1  }
0x1e2: {  	v4 =	vadd.s32 v1, v4;
	_ =	sdelay $0x4  }
0x1e3: {  	[hbm4b:s3+s2] =	stream.indirect_vreg.scatter [tilespmem:s20], [sflag:$0x3], $0x80, v4, vm0, $0xb8;
	[tilespmem:$0x10200] =	vst v63  }
0x1e4: {  	s18 =	simm.s32 $0xA00;
	v3 =	vperm.xlane v3, v2  }
0x1e5: {  	[hbm4b:s4+s2] =	stream.indirect_vreg.scatter [tilespmem:s18], [sflag:$0x3], $0x80, v4, vm0, $0xb8;
	[tilespmem:$0x10200] =	vst v63  }
0x1e6: {  	s19 =	simm.s32 $0x1200;
	v3 =	vadd.s32 v1, v3  }
0x1e7: {  	[hbm4b:s5+s2] =	stream.indirect_vreg.scatter [tilespmem:s19], [sflag:$0x3], $0x80, v4, vm0, $0xb8;
	[tilespmem:$0x10200] =	vst v63  }
0x1e8: {  	s17 =	simm.s32 $0x1A00  }
0x1e9: {  	[hbm4b:s6+s2] =	stream.indirect_vreg.scatter [tilespmem:s17], [sflag:$0x3], $0x80, v4, vm0, $0xb8;
	[tilespmem:$0x10200] =	vst v63  }
0x1ea: {  	s21 =	simm.s32 $0x2200  }
0x1eb: {  	[hbm4b:s3+s2] =	stream.indirect_vreg.scatter [tilespmem:s21], [sflag:$0x3], $0x80, v3, vm0, $0xb8;
	[tilespmem:$0x10200] =	vst v63  }
0x1ec: {  	s0 =	simm.s32 $0x2A00  }
0x1ed: {  	[hbm4b:s4+s2] =	stream.indirect_vreg.scatter [tilespmem:s0], [sflag:$0x3], $0x80, v3, vm0, $0xb8;
	[tilespmem:$0x10200] =	vst v63  }
0x1ee: {  	s14 =	simm.s32 $0x3200  }
0x1ef: {  	[hbm4b:s5+s2] =	stream.indirect_vreg.scatter [tilespmem:s14], [sflag:$0x3], $0x80, v3, vm0, $0xb8;
	[tilespmem:$0x10200] =	vst v63  }
0x1f0: {  	s7 =	simm.s32 $0x3A00  }
0x1f1: {  	[hbm4b:s6+s2] =	stream.indirect_vreg.scatter [tilespmem:s7], [sflag:$0x3], $0x80, v3, vm0, $0xb8;
	[tilespmem:$0x10200] =	vst v63  }
0x1f2: {  	v3 =	vld [tilespmem:$0x10];
	_ =	sdelay $0x4  }
0x1f3: {  	v49 =	vshll.u32 v3, $0x3  }
0x1f4: {  	v3 =	vand.u32 $0x7, v3;
	v4 =	vand.u32 $0xFFFFFFC0, v49  }
0x1f5: {  	v3 =	vor.u32 v3, v4  }
0x1f6: {  	v4 =	vperm.xlane v3, v0;
	_ =	sdelay $0x1  }
0x1f7: {  	v4 =	vadd.s32 v1, v4;
	_ =	sdelay $0x3  }
0x1f8: {  	s11 =	simm.s32 $0x4200  }
0x1f9: {  	[hbm4b:s3+s2] =	stream.indirect_vreg.scatter [tilespmem:s11], [sflag:$0x3], $0x80, v4, vm0, $0xb8;
	[tilespmem:$0x10200] =	vst v63  }
0x1fa: {  	s12 =	simm.s32 $0x4A00;
	v3 =	vperm.xlane v3, v2  }
0x1fb: {  	[hbm4b:s4+s2] =	stream.indirect_vreg.scatter [tilespmem:s12], [sflag:$0x3], $0x80, v4, vm0, $0xb8;
	[tilespmem:$0x10200] =	vst v63  }
0x1fc: {  	s15 =	simm.s32 $0x5200;
	v3 =	vadd.s32 v1, v3  }
0x1fd: {  	[hbm4b:s5+s2] =	stream.indirect_vreg.scatter [tilespmem:s15], [sflag:$0x3], $0x80, v4, vm0, $0xb8;
	[tilespmem:$0x10200] =	vst v63  }
0x1fe: {  	s22 =	simm.s32 $0x5A00  }
0x1ff: {  	[hbm4b:s6+s2] =	stream.indirect_vreg.scatter [tilespmem:s22], [sflag:$0x3], $0x80, v4, vm0, $0xb8;
	[tilespmem:$0x10200] =	vst v63  }
0x200: {  	s23 =	simm.s32 $0x6200  }
0x201: {  	[hbm4b:s3+s2] =	stream.indirect_vreg.scatter [tilespmem:s23], [sflag:$0x3], $0x80, v3, vm0, $0xb8;
	[tilespmem:$0x10200] =	vst v63  }
0x202: {  	s24 =	simm.s32 $0x6A00  }
0x203: {  	[hbm4b:s4+s2] =	stream.indirect_vreg.scatter [tilespmem:s24], [sflag:$0x3], $0x80, v3, vm0, $0xb8;
	[tilespmem:$0x10200] =	vst v63  }
0x204: {  	s25 =	simm.s32 $0x7200  }
0x205: {  	[hbm4b:s5+s2] =	stream.indirect_vreg.scatter [tilespmem:s25], [sflag:$0x3], $0x80, v3, vm0, $0xb8;
	[tilespmem:$0x10200] =	vst v63  }
0x206: {  	s26 =	simm.s32 $0x7A00  }
0x207: {  	[hbm4b:s6+s2] =	stream.indirect_vreg.scatter [tilespmem:s26], [sflag:$0x3], $0x80, v3, vm0, $0xb8;
	[tilespmem:$0x10200] =	vst v63  }
0x208: {  	v3 =	vld [tilespmem:$0x100];
	_ =	sdelay $0x4  }
0x209: {  	v50 =	vshll.u32 v3, $0x3  }
0x20a: {  	v3 =	vand.u32 $0x7, v3;
	v4 =	vand.u32 $0xFFFFFFC0, v50  }
0x20b: {  	v3 =	vor.u32 v3, v4  }
0x20c: {  	v4 =	vperm.xlane v3, v0;
	_ =	sdelay $0x1  }
0x20d: {  	v4 =	vadd.s32 v1, v4;
	_ =	sdelay $0x4  }
0x20e: {  	[hbm4b:s3+s2] =	stream.indirect_vreg.scatter [tilespmem:s20], [sflag:$0x5], $0x80, v4, vm0, $0xb8;
	[tilespmem:$0x10200] =	vst v63  }
0x20f: {  	v3 =	vperm.xlane v3, v2  }
0x210: {  	[hbm4b:s4+s2] =	stream.indirect_vreg.scatter [tilespmem:s18], [sflag:$0x5], $0x80, v4, vm0, $0xb8;
	[tilespmem:$0x10200] =	vst v63  }
0x211: {  	v3 =	vadd.s32 v1, v3  }
0x212: {  	[hbm4b:s5+s2] =	stream.indirect_vreg.scatter [tilespmem:s19], [sflag:$0x5], $0x80, v4, vm0, $0xb8;
	[tilespmem:$0x10200] =	vst v63  }
0x213: {  	_ = 	snop  }
0x214: {  	[hbm4b:s6+s2] =	stream.indirect_vreg.scatter [tilespmem:s17], [sflag:$0x5], $0x80, v4, vm0, $0xb8;
	[tilespmem:$0x10200] =	vst v63  }
0x215: {  	_ = 	snop  }
0x216: {  	[hbm4b:s3+s2] =	stream.indirect_vreg.scatter [tilespmem:s21], [sflag:$0x5], $0x80, v3, vm0, $0xb8;
	[tilespmem:$0x10200] =	vst v63  }
0x217: {  	_ = 	snop  }
0x218: {  	[hbm4b:s4+s2] =	stream.indirect_vreg.scatter [tilespmem:s0], [sflag:$0x5], $0x80, v3, vm0, $0xb8;
	[tilespmem:$0x10200] =	vst v63  }
0x219: {  	_ = 	snop  }
0x21a: {  	[hbm4b:s5+s2] =	stream.indirect_vreg.scatter [tilespmem:s14], [sflag:$0x5], $0x80, v3, vm0, $0xb8;
	[tilespmem:$0x10200] =	vst v63  }
0x21b: {  	_ = 	snop  }
0x21c: {  	[hbm4b:s6+s2] =	stream.indirect_vreg.scatter [tilespmem:s7], [sflag:$0x5], $0x80, v3, vm0, $0xb8;
	[tilespmem:$0x10200] =	vst v63  }
0x21d: {  	v3 =	vld [tilespmem:$0x110];
	_ =	sdelay $0x4  }
0x21e: {  	v51 =	vshll.u32 v3, $0x3  }
0x21f: {  	v3 =	vand.u32 $0x7, v3;
	v4 =	vand.u32 $0xFFFFFFC0, v51  }
0x220: {  	v3 =	vor.u32 v3, v4  }
0x221: {  	v4 =	vperm.xlane v3, v0;
	_ =	sdelay $0x1  }
0x222: {  	v4 =	vadd.s32 v1, v4;
	_ =	sdelay $0x4  }
0x223: {  	[hbm4b:s3+s2] =	stream.indirect_vreg.scatter [tilespmem:s11], [sflag:$0x5], $0x80, v4, vm0, $0xb8;
	[tilespmem:$0x10200] =	vst v63  }
0x224: {  	v3 =	vperm.xlane v3, v2  }
0x225: {  	[hbm4b:s4+s2] =	stream.indirect_vreg.scatter [tilespmem:s12], [sflag:$0x5], $0x80, v4, vm0, $0xb8;
	[tilespmem:$0x10200] =	vst v63  }
0x226: {  	v3 =	vadd.s32 v1, v3  }
0x227: {  	[hbm4b:s5+s2] =	stream.indirect_vreg.scatter [tilespmem:s15], [sflag:$0x5], $0x80, v4, vm0, $0xb8;
	[tilespmem:$0x10200] =	vst v63  }
0x228: {  	_ = 	snop  }
0x229: {  	[hbm4b:s6+s2] =	stream.indirect_vreg.scatter [tilespmem:s22], [sflag:$0x5], $0x80, v4, vm0, $0xb8;
	[tilespmem:$0x10200] =	vst v63  }
0x22a: {  	_ = 	snop  }
0x22b: {  	[hbm4b:s3+s2] =	stream.indirect_vreg.scatter [tilespmem:s23], [sflag:$0x5], $0x80, v3, vm0, $0xb8;
	[tilespmem:$0x10200] =	vst v63  }
0x22c: {  	_ = 	snop  }
0x22d: {  	[hbm4b:s4+s2] =	stream.indirect_vreg.scatter [tilespmem:s24], [sflag:$0x5], $0x80, v3, vm0, $0xb8;
	[tilespmem:$0x10200] =	vst v63  }
0x22e: {  	_ = 	snop  }
0x22f: {  	[hbm4b:s5+s2] =	stream.indirect_vreg.scatter [tilespmem:s25], [sflag:$0x5], $0x80, v3, vm0, $0xb8;
	[tilespmem:$0x10200] =	vst v63  }
0x230: {  	s22 =	simm.s32 $0x3  }
0x231: {  	[hbm4b:s6+s2] =	stream.indirect_vreg.scatter [tilespmem:s26], [sflag:$0x5], $0x80, v3, vm0, $0xb8;
	[tilespmem:$0x10200] =	vst v63  }
0x232: {  	_ =	swait.ge [sflag:s22], $0x8000  }
0x233: {  	[sflag:s22] =	ssyncset.done $0x0  }
0x234: {  	s23 =	simm.s32 $0x5;
	[sflag:s22] =	ssyncadd.s32 $0xFFFF8000  }
0x235: {  	_ =	swait.ge [sflag:s23], $0x8000  }
0x236: {  	[sflag:s23] =	ssyncset.done $0x0  }
0x237: {  	s24 =	rddreg [dreg:$0x15];
	[sflag:s23] =	ssyncadd.s32 $0xFFFF8000  }
0x238: {  	[tilespmem:s2], [sflag:$0x7] =	stream.linear.gather [hbm4b:s24+s2], $0x20, $0x38;
	[tilespmem:$0x10200] =	vst v63  }
0x239: {  	_ =	swait.ge [sflag:s8], $0x20  }
0x23a: {  	[sflag:s8] =	ssyncset.done $0x0  }
0x23b: {  	s26 =	simm.s32 $0x100;
	s25 =	rddreg [dreg:$0x16];
	[sflag:s8] =	ssyncadd.s32 $0xFFFFFFE0  }
0x23c: {  	[tilespmem:s26], [sflag:$0x7] =	stream.linear.gather [hbm4b:s25+s2], $0x20, $0x38;
	[tilespmem:$0x10200] =	vst v63  }
0x23d: {  	_ =	swait.ge [sflag:s8], $0x20  }
0x23e: {  	[sflag:s8] =	ssyncset.done $0x0  }
0x23f: {  	s1 =	rddreg [dreg:$0x17];
	[sflag:s8] =	ssyncadd.s32 $0xFFFFFFE0  }
0x240: {  	[tilespmem:s20], [sflag:$0x1] =	stream.linear.gather [hbm4b:s1+s2], $0x8000, $0x38;
	[tilespmem:$0x10200] =	vst v63  }
0x241: {  	_ =	swait.ge [sflag:s28], $0x8000  }
0x242: {  	[sflag:s28] =	ssyncset.done $0x0  }
0x243: {  	[sflag:s28] =	ssyncadd.s32 $0xFFFF8000  }
0x244: {  	v3 =	vld [tilespmem:$0x80];
	_ =	sdelay $0x4  }
0x245: {  	v52 =	vshll.u32 v3, $0x3  }
0x246: {  	v3 =	vand.u32 $0x7, v3;
	v4 =	vand.u32 $0xFFFFFFC0, v52  }
0x247: {  	v3 =	vor.u32 v3, v4  }
0x248: {  	v4 =	vperm.xlane v3, v0;
	_ =	sdelay $0x1  }
0x249: {  	v4 =	vadd.s32 v1, v4;
	_ =	sdelay $0x3  }
0x24a: {  	s7 =	simm.s32 $0x8200  }
0x24b: {  	[hbm4b:s3+s2] =	stream.indirect_vreg.scatter [tilespmem:s7], [sflag:$0x4], $0x80, v4, vm0, $0xb8;
	[tilespmem:$0x10200] =	vst v63  }
0x24c: {  	s9 =	simm.s32 $0x8A00;
	v3 =	vperm.xlane v3, v2  }
0x24d: {  	[hbm4b:s4+s2] =	stream.indirect_vreg.scatter [tilespmem:s9], [sflag:$0x4], $0x80, v4, vm0, $0xb8;
	[tilespmem:$0x10200] =	vst v63  }
0x24e: {  	s10 =	simm.s32 $0x9200;
	v3 =	vadd.s32 v1, v3  }
0x24f: {  	[hbm4b:s5+s2] =	stream.indirect_vreg.scatter [tilespmem:s10], [sflag:$0x4], $0x80, v4, vm0, $0xb8;
	[tilespmem:$0x10200] =	vst v63  }
0x250: {  	s11 =	simm.s32 $0x9A00  }
0x251: {  	[hbm4b:s6+s2] =	stream.indirect_vreg.scatter [tilespmem:s11], [sflag:$0x4], $0x80, v4, vm0, $0xb8;
	[tilespmem:$0x10200] =	vst v63  }
0x252: {  	s12 =	simm.s32 $0xA200  }
0x253: {  	[hbm4b:s3+s2] =	stream.indirect_vreg.scatter [tilespmem:s12], [sflag:$0x4], $0x80, v3, vm0, $0xb8;
	[tilespmem:$0x10200] =	vst v63  }
0x254: {  	s14 =	simm.s32 $0xAA00  }
0x255: {  	[hbm4b:s4+s2] =	stream.indirect_vreg.scatter [tilespmem:s14], [sflag:$0x4], $0x80, v3, vm0, $0xb8;
	[tilespmem:$0x10200] =	vst v63  }
0x256: {  	s15 =	simm.s32 $0xB200  }
0x257: {  	[hbm4b:s5+s2] =	stream.indirect_vreg.scatter [tilespmem:s15], [sflag:$0x4], $0x80, v3, vm0, $0xb8;
	[tilespmem:$0x10200] =	vst v63  }
0x258: {  	s18 =	simm.s32 $0xBA00  }
0x259: {  	[hbm4b:s6+s2] =	stream.indirect_vreg.scatter [tilespmem:s18], [sflag:$0x4], $0x80, v3, vm0, $0xb8;
	[tilespmem:$0x10200] =	vst v63  }
0x25a: {  	v3 =	vld [tilespmem:$0x90];
	_ =	sdelay $0x4  }
0x25b: {  	v53 =	vshll.u32 v3, $0x3  }
0x25c: {  	v3 =	vand.u32 $0x7, v3;
	v4 =	vand.u32 $0xFFFFFFC0, v53  }
0x25d: {  	v3 =	vor.u32 v3, v4  }
0x25e: {  	v4 =	vperm.xlane v3, v0;
	_ =	sdelay $0x1  }
0x25f: {  	v4 =	vadd.s32 v1, v4;
	_ =	sdelay $0x3  }
0x260: {  	s19 =	simm.s32 $0xC200  }
0x261: {  	[hbm4b:s3+s2] =	stream.indirect_vreg.scatter [tilespmem:s19], [sflag:$0x4], $0x80, v4, vm0, $0xb8;
	[tilespmem:$0x10200] =	vst v63  }
0x262: {  	s22 =	simm.s32 $0xCA00;
	v3 =	vperm.xlane v3, v2  }
0x263: {  	[hbm4b:s4+s2] =	stream.indirect_vreg.scatter [tilespmem:s22], [sflag:$0x4], $0x80, v4, vm0, $0xb8;
	[tilespmem:$0x10200] =	vst v63  }
0x264: {  	s23 =	simm.s32 $0xD200;
	v3 =	vadd.s32 v1, v3  }
0x265: {  	[hbm4b:s5+s2] =	stream.indirect_vreg.scatter [tilespmem:s23], [sflag:$0x4], $0x80, v4, vm0, $0xb8;
	[tilespmem:$0x10200] =	vst v63  }
0x266: {  	s24 =	simm.s32 $0xDA00  }
0x267: {  	[hbm4b:s6+s2] =	stream.indirect_vreg.scatter [tilespmem:s24], [sflag:$0x4], $0x80, v4, vm0, $0xb8;
	[tilespmem:$0x10200] =	vst v63  }
0x268: {  	s25 =	simm.s32 $0xE200  }
0x269: {  	[hbm4b:s3+s2] =	stream.indirect_vreg.scatter [tilespmem:s25], [sflag:$0x4], $0x80, v3, vm0, $0xb8;
	[tilespmem:$0x10200] =	vst v63  }
0x26a: {  	s26 =	simm.s32 $0xEA00  }
0x26b: {  	[hbm4b:s4+s2] =	stream.indirect_vreg.scatter [tilespmem:s26], [sflag:$0x4], $0x80, v3, vm0, $0xb8;
	[tilespmem:$0x10200] =	vst v63  }
0x26c: {  	s13 =	simm.s32 $0xF200  }
0x26d: {  	[hbm4b:s5+s2] =	stream.indirect_vreg.scatter [tilespmem:s13], [sflag:$0x4], $0x80, v3, vm0, $0xb8;
	[tilespmem:$0x10200] =	vst v63  }
0x26e: {  	s16 =	simm.s32 $0xFA00  }
0x26f: {  	[hbm4b:s6+s2] =	stream.indirect_vreg.scatter [tilespmem:s16], [sflag:$0x4], $0x80, v3, vm0, $0xb8;
	[tilespmem:$0x10200] =	vst v63  }
0x270: {  	v3 =	vld [tilespmem:$0x180];
	_ =	sdelay $0x4  }
0x271: {  	v54 =	vshll.u32 v3, $0x3  }
0x272: {  	v3 =	vand.u32 $0x7, v3;
	v4 =	vand.u32 $0xFFFFFFC0, v54  }
0x273: {  	v3 =	vor.u32 v3, v4  }
0x274: {  	v4 =	vperm.xlane v3, v0;
	_ =	sdelay $0x1  }
0x275: {  	v4 =	vadd.s32 v1, v4;
	_ =	sdelay $0x4  }
0x276: {  	[hbm4b:s3+s2] =	stream.indirect_vreg.scatter [tilespmem:s7], [sflag:$0x6], $0x80, v4, vm0, $0xb8;
	[tilespmem:$0x10200] =	vst v63  }
0x277: {  	v3 =	vperm.xlane v3, v2  }
0x278: {  	[hbm4b:s4+s2] =	stream.indirect_vreg.scatter [tilespmem:s9], [sflag:$0x6], $0x80, v4, vm0, $0xb8;
	[tilespmem:$0x10200] =	vst v63  }
0x279: {  	v3 =	vadd.s32 v1, v3  }
0x27a: {  	[hbm4b:s5+s2] =	stream.indirect_vreg.scatter [tilespmem:s10], [sflag:$0x6], $0x80, v4, vm0, $0xb8;
	[tilespmem:$0x10200] =	vst v63  }
0x27b: {  	_ = 	snop  }
0x27c: {  	[hbm4b:s6+s2] =	stream.indirect_vreg.scatter [tilespmem:s11], [sflag:$0x6], $0x80, v4, vm0, $0xb8;
	[tilespmem:$0x10200] =	vst v63  }
0x27d: {  	_ = 	snop  }
0x27e: {  	[hbm4b:s3+s2] =	stream.indirect_vreg.scatter [tilespmem:s12], [sflag:$0x6], $0x80, v3, vm0, $0xb8;
	[tilespmem:$0x10200] =	vst v63  }
0x27f: {  	_ = 	snop  }
0x280: {  	[hbm4b:s4+s2] =	stream.indirect_vreg.scatter [tilespmem:s14], [sflag:$0x6], $0x80, v3, vm0, $0xb8;
	[tilespmem:$0x10200] =	vst v63  }
0x281: {  	_ = 	snop  }
0x282: {  	[hbm4b:s5+s2] =	stream.indirect_vreg.scatter [tilespmem:s15], [sflag:$0x6], $0x80, v3, vm0, $0xb8;
	[tilespmem:$0x10200] =	vst v63  }
0x283: {  	_ = 	snop  }
0x284: {  	[hbm4b:s6+s2] =	stream.indirect_vreg.scatter [tilespmem:s18], [sflag:$0x6], $0x80, v3, vm0, $0xb8;
	[tilespmem:$0x10200] =	vst v63  }
0x285: {  	v3 =	vld [tilespmem:$0x190];
	_ =	sdelay $0x4  }
0x286: {  	v55 =	vshll.u32 v3, $0x3  }
0x287: {  	v3 =	vand.u32 $0x7, v3;
	v4 =	vand.u32 $0xFFFFFFC0, v55  }
0x288: {  	v3 =	vor.u32 v3, v4  }
0x289: {  	v4 =	vperm.xlane v3, v0;
	_ =	sdelay $0x1  }
0x28a: {  	v4 =	vadd.s32 v1, v4;
	_ =	sdelay $0x4  }
0x28b: {  	[hbm4b:s3+s2] =	stream.indirect_vreg.scatter [tilespmem:s19], [sflag:$0x6], $0x80, v4, vm0, $0xb8;
	[tilespmem:$0x10200] =	vst v63  }
0x28c: {  	v3 =	vperm.xlane v3, v2  }
0x28d: {  	[hbm4b:s4+s2] =	stream.indirect_vreg.scatter [tilespmem:s22], [sflag:$0x6], $0x80, v4, vm0, $0xb8;
	[tilespmem:$0x10200] =	vst v63  }
0x28e: {  	v3 =	vadd.s32 v1, v3  }
0x28f: {  	[hbm4b:s5+s2] =	stream.indirect_vreg.scatter [tilespmem:s23], [sflag:$0x6], $0x80, v4, vm0, $0xb8;
	[tilespmem:$0x10200] =	vst v63  }
0x290: {  	_ = 	snop  }
0x291: {  	[hbm4b:s6+s2] =	stream.indirect_vreg.scatter [tilespmem:s24], [sflag:$0x6], $0x80, v4, vm0, $0xb8;
	[tilespmem:$0x10200] =	vst v63  }
0x292: {  	_ = 	snop  }
0x293: {  	[hbm4b:s3+s2] =	stream.indirect_vreg.scatter [tilespmem:s25], [sflag:$0x6], $0x80, v3, vm0, $0xb8;
	[tilespmem:$0x10200] =	vst v63  }
0x294: {  	_ = 	snop  }
0x295: {  	[hbm4b:s4+s2] =	stream.indirect_vreg.scatter [tilespmem:s26], [sflag:$0x6], $0x80, v3, vm0, $0xb8;
	[tilespmem:$0x10200] =	vst v63  }
0x296: {  	_ = 	snop  }
0x297: {  	[hbm4b:s5+s2] =	stream.indirect_vreg.scatter [tilespmem:s13], [sflag:$0x6], $0x80, v3, vm0, $0xb8;
	[tilespmem:$0x10200] =	vst v63  }
0x298: {  	_ = 	snop  }
0x299: {  	[hbm4b:s6+s2] =	stream.indirect_vreg.scatter [tilespmem:s16], [sflag:$0x6], $0x80, v3, vm0, $0xb8;
	[tilespmem:$0x10200] =	vst v63  }
0x29a: {  	_ =	swait.ge [sflag:s29], $0x8000  }
0x29b: {  	[sflag:s29] =	ssyncset.done $0x0  }
0x29c: {  	[sflag:s29] =	ssyncadd.s32 $0xFFFF8000  }
0x29d: {  	_ =	swait.ge [sflag:s30], $0x8000  }
0x29e: {  	[sflag:s30] =	ssyncset.done $0x0  }
0x29f: {  	s19 =	simm.s32 $0x80;
	s18 =	rddreg [dreg:$0x18];
	[sflag:s30] =	ssyncadd.s32 $0xFFFF8000  }
0x2a0: {  	[tilespmem:s19], [sflag:$0x7] =	stream.linear.gather [hbm4b:s18+s2], $0x20, $0x38;
	[tilespmem:$0x10200] =	vst v63  }
0x2a1: {  	_ =	swait.ge [sflag:s8], $0x20  }
0x2a2: {  	[sflag:s8] =	ssyncset.done $0x0  }
0x2a3: {  	s7 =	simm.s32 $0x180;
	s0 =	rddreg [dreg:$0x19];
	[sflag:s8] =	ssyncadd.s32 $0xFFFFFFE0  }
0x2a4: {  	[tilespmem:s7], [sflag:$0x7] =	stream.linear.gather [hbm4b:s0+s2], $0x20, $0x38;
	[tilespmem:$0x10200] =	vst v63  }
0x2a5: {  	_ =	swait.ge [sflag:s8], $0x20  }
0x2a6: {  	[sflag:s8] =	ssyncset.done $0x0  }
0x2a7: {  	s17 =	simm.s32 $0x8200;
	s10 =	rddreg [dreg:$0x1a];
	[sflag:s8] =	ssyncadd.s32 $0xFFFFFFE0  }
0x2a8: {  	[tilespmem:s17], [sflag:$0x2] =	stream.linear.gather [hbm4b:s10+s2], $0x8000, $0x38;
	[tilespmem:$0x10200] =	vst v63  }
0x2a9: {  	_ =	swait.ge [sflag:s31], $0x8000  }
0x2aa: {  	[sflag:s31] =	ssyncset.done $0x0  }
0x2ab: {  	[sflag:s31] =	ssyncadd.s32 $0xFFFF8000  }
0x2ac: {  	v3 =	vld [tilespmem:$0x0];
	_ =	sdelay $0x4  }
0x2ad: {  	v56 =	vshll.u32 v3, $0x3  }
0x2ae: {  	v3 =	vand.u32 $0x7, v3;
	v4 =	vand.u32 $0xFFFFFFC0, v56  }
0x2af: {  	v3 =	vor.u32 v3, v4  }
0x2b0: {  	v4 =	vperm.xlane v3, v0;
	_ =	sdelay $0x1  }
0x2b1: {  	v4 =	vadd.s32 v1, v4;
	_ =	sdelay $0x4  }
0x2b2: {  	[hbm4b:s3+s2] =	stream.indirect_vreg.scatter [tilespmem:s20], [sflag:$0x3], $0x80, v4, vm0, $0xb8;
	[tilespmem:$0x10200] =	vst v63  }
0x2b3: {  	s17 =	simm.s32 $0xA00;
	v3 =	vperm.xlane v3, v2  }
0x2b4: {  	[hbm4b:s4+s2] =	stream.indirect_vreg.scatter [tilespmem:s17], [sflag:$0x3], $0x80, v4, vm0, $0xb8;
	[tilespmem:$0x10200] =	vst v63  }
0x2b5: {  	s13 =	simm.s32 $0x1200;
	v3 =	vadd.s32 v1, v3  }
0x2b6: {  	[hbm4b:s5+s2] =	stream.indirect_vreg.scatter [tilespmem:s13], [sflag:$0x3], $0x80, v4, vm0, $0xb8;
	[tilespmem:$0x10200] =	vst v63  }
0x2b7: {  	s31 =	simm.s32 $0x1A00  }
0x2b8: {  	[hbm4b:s6+s2] =	stream.indirect_vreg.scatter [tilespmem:s31], [sflag:$0x3], $0x80, v4, vm0, $0xb8;
	[tilespmem:$0x10200] =	vst v63  }
0x2b9: {  	s1 =	simm.s32 $0x2200  }
0x2ba: {  	[hbm4b:s3+s2] =	stream.indirect_vreg.scatter [tilespmem:s1], [sflag:$0x3], $0x80, v3, vm0, $0xb8;
	[tilespmem:$0x10200] =	vst v63  }
0x2bb: {  	s15 =	simm.s32 $0x2A00  }
0x2bc: {  	[hbm4b:s4+s2] =	stream.indirect_vreg.scatter [tilespmem:s15], [sflag:$0x3], $0x80, v3, vm0, $0xb8;
	[tilespmem:$0x10200] =	vst v63  }
0x2bd: {  	s7 =	simm.s32 $0x3200  }
0x2be: {  	[hbm4b:s5+s2] =	stream.indirect_vreg.scatter [tilespmem:s7], [sflag:$0x3], $0x80, v3, vm0, $0xb8;
	[tilespmem:$0x10200] =	vst v63  }
0x2bf: {  	s11 =	simm.s32 $0x3A00  }
0x2c0: {  	[hbm4b:s6+s2] =	stream.indirect_vreg.scatter [tilespmem:s11], [sflag:$0x3], $0x80, v3, vm0, $0xb8;
	[tilespmem:$0x10200] =	vst v63  }
0x2c1: {  	v3 =	vld [tilespmem:$0x10];
	_ =	sdelay $0x4  }
0x2c2: {  	v57 =	vshll.u32 v3, $0x3  }
0x2c3: {  	v3 =	vand.u32 $0x7, v3;
	v4 =	vand.u32 $0xFFFFFFC0, v57  }
0x2c4: {  	v3 =	vor.u32 v3, v4  }
0x2c5: {  	v4 =	vperm.xlane v3, v0;
	_ =	sdelay $0x1  }
0x2c6: {  	v4 =	vadd.s32 v1, v4;
	_ =	sdelay $0x3  }
0x2c7: {  	s0 =	simm.s32 $0x4200  }
0x2c8: {  	[hbm4b:s3+s2] =	stream.indirect_vreg.scatter [tilespmem:s0], [sflag:$0x3], $0x80, v4, vm0, $0xb8;
	[tilespmem:$0x10200] =	vst v63  }
0x2c9: {  	s9 =	simm.s32 $0x4A00;
	v3 =	vperm.xlane v3, v2  }
0x2ca: {  	[hbm4b:s4+s2] =	stream.indirect_vreg.scatter [tilespmem:s9], [sflag:$0x3], $0x80, v4, vm0, $0xb8;
	[tilespmem:$0x10200] =	vst v63  }
0x2cb: {  	s10 =	simm.s32 $0x5200;
	v3 =	vadd.s32 v1, v3  }
0x2cc: {  	[hbm4b:s5+s2] =	stream.indirect_vreg.scatter [tilespmem:s10], [sflag:$0x3], $0x80, v4, vm0, $0xb8;
	[tilespmem:$0x10200] =	vst v63  }
0x2cd: {  	s12 =	simm.s32 $0x5A00  }
0x2ce: {  	[hbm4b:s6+s2] =	stream.indirect_vreg.scatter [tilespmem:s12], [sflag:$0x3], $0x80, v4, vm0, $0xb8;
	[tilespmem:$0x10200] =	vst v63  }
0x2cf: {  	s14 =	simm.s32 $0x6200  }
0x2d0: {  	[hbm4b:s3+s2] =	stream.indirect_vreg.scatter [tilespmem:s14], [sflag:$0x3], $0x80, v3, vm0, $0xb8;
	[tilespmem:$0x10200] =	vst v63  }
0x2d1: {  	s16 =	simm.s32 $0x6A00  }
0x2d2: {  	[hbm4b:s4+s2] =	stream.indirect_vreg.scatter [tilespmem:s16], [sflag:$0x3], $0x80, v3, vm0, $0xb8;
	[tilespmem:$0x10200] =	vst v63  }
0x2d3: {  	s19 =	simm.s32 $0x7200  }
0x2d4: {  	[hbm4b:s5+s2] =	stream.indirect_vreg.scatter [tilespmem:s19], [sflag:$0x3], $0x80, v3, vm0, $0xb8;
	[tilespmem:$0x10200] =	vst v63  }
0x2d5: {  	s18 =	simm.s32 $0x7A00  }
0x2d6: {  	[hbm4b:s6+s2] =	stream.indirect_vreg.scatter [tilespmem:s18], [sflag:$0x3], $0x80, v3, vm0, $0xb8;
	[tilespmem:$0x10200] =	vst v63  }
0x2d7: {  	v3 =	vld [tilespmem:$0x100];
	_ =	sdelay $0x4  }
0x2d8: {  	v58 =	vshll.u32 v3, $0x3  }
0x2d9: {  	v3 =	vand.u32 $0x7, v3;
	v4 =	vand.u32 $0xFFFFFFC0, v58  }
0x2da: {  	v3 =	vor.u32 v3, v4  }
0x2db: {  	v4 =	vperm.xlane v3, v0;
	_ =	sdelay $0x1  }
0x2dc: {  	v4 =	vadd.s32 v1, v4;
	_ =	sdelay $0x4  }
0x2dd: {  	[hbm4b:s3+s2] =	stream.indirect_vreg.scatter [tilespmem:s20], [sflag:$0x5], $0x80, v4, vm0, $0xb8;
	[tilespmem:$0x10200] =	vst v63  }
0x2de: {  	v3 =	vperm.xlane v3, v2  }
0x2df: {  	[hbm4b:s4+s2] =	stream.indirect_vreg.scatter [tilespmem:s17], [sflag:$0x5], $0x80, v4, vm0, $0xb8;
	[tilespmem:$0x10200] =	vst v63  }
0x2e0: {  	v3 =	vadd.s32 v1, v3  }
0x2e1: {  	[hbm4b:s5+s2] =	stream.indirect_vreg.scatter [tilespmem:s13], [sflag:$0x5], $0x80, v4, vm0, $0xb8;
	[tilespmem:$0x10200] =	vst v63  }
0x2e2: {  	_ = 	snop  }
0x2e3: {  	[hbm4b:s6+s2] =	stream.indirect_vreg.scatter [tilespmem:s31], [sflag:$0x5], $0x80, v4, vm0, $0xb8;
	[tilespmem:$0x10200] =	vst v63  }
0x2e4: {  	_ = 	snop  }
0x2e5: {  	[hbm4b:s3+s2] =	stream.indirect_vreg.scatter [tilespmem:s1], [sflag:$0x5], $0x80, v3, vm0, $0xb8;
	[tilespmem:$0x10200] =	vst v63  }
0x2e6: {  	_ = 	snop  }
0x2e7: {  	[hbm4b:s4+s2] =	stream.indirect_vreg.scatter [tilespmem:s15], [sflag:$0x5], $0x80, v3, vm0, $0xb8;
	[tilespmem:$0x10200] =	vst v63  }
0x2e8: {  	_ = 	snop  }
0x2e9: {  	[hbm4b:s5+s2] =	stream.indirect_vreg.scatter [tilespmem:s7], [sflag:$0x5], $0x80, v3, vm0, $0xb8;
	[tilespmem:$0x10200] =	vst v63  }
0x2ea: {  	_ = 	snop  }
0x2eb: {  	[hbm4b:s6+s2] =	stream.indirect_vreg.scatter [tilespmem:s11], [sflag:$0x5], $0x80, v3, vm0, $0xb8;
	[tilespmem:$0x10200] =	vst v63  }
0x2ec: {  	v3 =	vld [tilespmem:$0x110];
	_ =	sdelay $0x4  }
0x2ed: {  	v59 =	vshll.u32 v3, $0x3  }
0x2ee: {  	v3 =	vand.u32 $0x7, v3;
	v4 =	vand.u32 $0xFFFFFFC0, v59  }
0x2ef: {  	v3 =	vor.u32 v3, v4  }
0x2f0: {  	v4 =	vperm.xlane v3, v0;
	_ =	sdelay $0x1  }
0x2f1: {  	v4 =	vadd.s32 v1, v4;
	_ =	sdelay $0x4  }
0x2f2: {  	[hbm4b:s3+s2] =	stream.indirect_vreg.scatter [tilespmem:s0], [sflag:$0x5], $0x80, v4, vm0, $0xb8;
	[tilespmem:$0x10200] =	vst v63  }
0x2f3: {  	v3 =	vperm.xlane v3, v2  }
0x2f4: {  	[hbm4b:s4+s2] =	stream.indirect_vreg.scatter [tilespmem:s9], [sflag:$0x5], $0x80, v4, vm0, $0xb8;
	[tilespmem:$0x10200] =	vst v63  }
0x2f5: {  	v3 =	vadd.s32 v1, v3  }
0x2f6: {  	[hbm4b:s5+s2] =	stream.indirect_vreg.scatter [tilespmem:s10], [sflag:$0x5], $0x80, v4, vm0, $0xb8;
	[tilespmem:$0x10200] =	vst v63  }
0x2f7: {  	_ = 	snop  }
0x2f8: {  	[hbm4b:s6+s2] =	stream.indirect_vreg.scatter [tilespmem:s12], [sflag:$0x5], $0x80, v4, vm0, $0xb8;
	[tilespmem:$0x10200] =	vst v63  }
0x2f9: {  	_ = 	snop  }
0x2fa: {  	[hbm4b:s3+s2] =	stream.indirect_vreg.scatter [tilespmem:s14], [sflag:$0x5], $0x80, v3, vm0, $0xb8;
	[tilespmem:$0x10200] =	vst v63  }
0x2fb: {  	_ = 	snop  }
0x2fc: {  	[hbm4b:s4+s2] =	stream.indirect_vreg.scatter [tilespmem:s16], [sflag:$0x5], $0x80, v3, vm0, $0xb8;
	[tilespmem:$0x10200] =	vst v63  }
0x2fd: {  	_ = 	snop  }
0x2fe: {  	[hbm4b:s5+s2] =	stream.indirect_vreg.scatter [tilespmem:s19], [sflag:$0x5], $0x80, v3, vm0, $0xb8;
	[tilespmem:$0x10200] =	vst v63  }
0x2ff: {  	_ = 	snop  }
0x300: {  	[hbm4b:s6+s2] =	stream.indirect_vreg.scatter [tilespmem:s18], [sflag:$0x5], $0x80, v3, vm0, $0xb8;
	[tilespmem:$0x10200] =	vst v63  }
0x301: {  	_ =	swait.ge [sflag:s28], $0x8000  }
0x302: {  	[sflag:s28] =	ssyncset.done $0x0  }
0x303: {  	[sflag:s28] =	ssyncadd.s32 $0xFFFF8000  }
0x304: {  	v3 =	vld [tilespmem:$0x80];
	_ =	sdelay $0x4  }
0x305: {  	v60 =	vshll.u32 v3, $0x3  }
0x306: {  	v3 =	vand.u32 $0x7, v3;
	v4 =	vand.u32 $0xFFFFFFC0, v60  }
0x307: {  	v3 =	vor.u32 v3, v4  }
0x308: {  	v4 =	vperm.xlane v3, v0;
	_ =	sdelay $0x1  }
0x309: {  	v4 =	vadd.s32 v1, v4;
	_ =	sdelay $0x3  }
0x30a: {  	s11 =	simm.s32 $0x8200  }
0x30b: {  	[hbm4b:s3+s2] =	stream.indirect_vreg.scatter [tilespmem:s11], [sflag:$0x4], $0x80, v4, vm0, $0xb8;
	[tilespmem:$0x10200] =	vst v63  }
0x30c: {  	s12 =	simm.s32 $0x8A00;
	v3 =	vperm.xlane v3, v2  }
0x30d: {  	[hbm4b:s4+s2] =	stream.indirect_vreg.scatter [tilespmem:s12], [sflag:$0x4], $0x80, v4, vm0, $0xb8;
	[tilespmem:$0x10200] =	vst v63  }
0x30e: {  	s13 =	simm.s32 $0x9200;
	v3 =	vadd.s32 v1, v3  }
0x30f: {  	[hbm4b:s5+s2] =	stream.indirect_vreg.scatter [tilespmem:s13], [sflag:$0x4], $0x80, v4, vm0, $0xb8;
	[tilespmem:$0x10200] =	vst v63  }
0x310: {  	s14 =	simm.s32 $0x9A00  }
0x311: {  	[hbm4b:s6+s2] =	stream.indirect_vreg.scatter [tilespmem:s14], [sflag:$0x4], $0x80, v4, vm0, $0xb8;
	[tilespmem:$0x10200] =	vst v63  }
0x312: {  	s15 =	simm.s32 $0xA200  }
0x313: {  	[hbm4b:s3+s2] =	stream.indirect_vreg.scatter [tilespmem:s15], [sflag:$0x4], $0x80, v3, vm0, $0xb8;
	[tilespmem:$0x10200] =	vst v63  }
0x314: {  	s16 =	simm.s32 $0xAA00  }
0x315: {  	[hbm4b:s4+s2] =	stream.indirect_vreg.scatter [tilespmem:s16], [sflag:$0x4], $0x80, v3, vm0, $0xb8;
	[tilespmem:$0x10200] =	vst v63  }
0x316: {  	s17 =	simm.s32 $0xB200  }
0x317: {  	[hbm4b:s5+s2] =	stream.indirect_vreg.scatter [tilespmem:s17], [sflag:$0x4], $0x80, v3, vm0, $0xb8;
	[tilespmem:$0x10200] =	vst v63  }
0x318: {  	s21 =	simm.s32 $0xBA00  }
0x319: {  	[hbm4b:s6+s2] =	stream.indirect_vreg.scatter [tilespmem:s21], [sflag:$0x4], $0x80, v3, vm0, $0xb8;
	[tilespmem:$0x10200] =	vst v63  }
0x31a: {  	v3 =	vld [tilespmem:$0x90];
	_ =	sdelay $0x4  }
0x31b: {  	v61 =	vshll.u32 v3, $0x3  }
0x31c: {  	v3 =	vand.u32 $0x7, v3;
	v4 =	vand.u32 $0xFFFFFFC0, v61  }
0x31d: {  	v3 =	vor.u32 v3, v4  }
0x31e: {  	v4 =	vperm.xlane v3, v0;
	_ =	sdelay $0x1  }
0x31f: {  	v4 =	vadd.s32 v1, v4;
	_ =	sdelay $0x3  }
0x320: {  	s18 =	simm.s32 $0xC200  }
0x321: {  	[hbm4b:s3+s2] =	stream.indirect_vreg.scatter [tilespmem:s18], [sflag:$0x4], $0x80, v4, vm0, $0xb8;
	[tilespmem:$0x10200] =	vst v63  }
0x322: {  	s19 =	simm.s32 $0xCA00;
	v3 =	vperm.xlane v3, v2  }
0x323: {  	[hbm4b:s4+s2] =	stream.indirect_vreg.scatter [tilespmem:s19], [sflag:$0x4], $0x80, v4, vm0, $0xb8;
	[tilespmem:$0x10200] =	vst v63  }
0x324: {  	s22 =	simm.s32 $0xD200;
	v3 =	vadd.s32 v1, v3  }
0x325: {  	[hbm4b:s5+s2] =	stream.indirect_vreg.scatter [tilespmem:s22], [sflag:$0x4], $0x80, v4, vm0, $0xb8;
	[tilespmem:$0x10200] =	vst v63  }
0x326: {  	s23 =	simm.s32 $0xDA00  }
0x327: {  	[hbm4b:s6+s2] =	stream.indirect_vreg.scatter [tilespmem:s23], [sflag:$0x4], $0x80, v4, vm0, $0xb8;
	[tilespmem:$0x10200] =	vst v63  }
0x328: {  	s24 =	simm.s32 $0xE200  }
0x329: {  	[hbm4b:s3+s2] =	stream.indirect_vreg.scatter [tilespmem:s24], [sflag:$0x4], $0x80, v3, vm0, $0xb8;
	[tilespmem:$0x10200] =	vst v63  }
0x32a: {  	s25 =	simm.s32 $0xEA00  }
0x32b: {  	[hbm4b:s4+s2] =	stream.indirect_vreg.scatter [tilespmem:s25], [sflag:$0x4], $0x80, v3, vm0, $0xb8;
	[tilespmem:$0x10200] =	vst v63  }
0x32c: {  	s26 =	simm.s32 $0xF200  }
0x32d: {  	[hbm4b:s5+s2] =	stream.indirect_vreg.scatter [tilespmem:s26], [sflag:$0x4], $0x80, v3, vm0, $0xb8;
	[tilespmem:$0x10200] =	vst v63  }
0x32e: {  	s20 =	simm.s32 $0xFA00  }
0x32f: {  	[hbm4b:s6+s2] =	stream.indirect_vreg.scatter [tilespmem:s20], [sflag:$0x4], $0x80, v3, vm0, $0xb8;
	[tilespmem:$0x10200] =	vst v63  }
0x330: {  	_ =	swait.ge [sflag:s29], $0x8000  }
0x331: {  	[sflag:s29] =	ssyncset.done $0x0  }
0x332: {  	[sflag:s29] =	ssyncadd.s32 $0xFFFF8000  }
0x333: {  	v3 =	vld [tilespmem:$0x180];
	_ =	sdelay $0x4  }
0x334: {  	v62 =	vshll.u32 v3, $0x3  }
0x335: {  	v3 =	vand.u32 $0x7, v3;
	v4 =	vand.u32 $0xFFFFFFC0, v62  }
0x336: {  	v3 =	vor.u32 v3, v4  }
0x337: {  	v4 =	vperm.xlane v3, v0;
	_ =	sdelay $0x1  }
0x338: {  	v4 =	vadd.s32 v1, v4;
	_ =	sdelay $0x4  }
0x339: {  	[hbm4b:s3+s2] =	stream.indirect_vreg.scatter [tilespmem:s11], [sflag:$0x6], $0x80, v4, vm0, $0xb8;
	[tilespmem:$0x10200] =	vst v63  }
0x33a: {  	v3 =	vperm.xlane v3, v2  }
0x33b: {  	[hbm4b:s4+s2] =	stream.indirect_vreg.scatter [tilespmem:s12], [sflag:$0x6], $0x80, v4, vm0, $0xb8;
	[tilespmem:$0x10200] =	vst v63  }
0x33c: {  	v3 =	vadd.s32 v1, v3  }
0x33d: {  	[hbm4b:s5+s2] =	stream.indirect_vreg.scatter [tilespmem:s13], [sflag:$0x6], $0x80, v4, vm0, $0xb8;
	[tilespmem:$0x10200] =	vst v63  }
0x33e: {  	_ = 	snop  }
0x33f: {  	[hbm4b:s6+s2] =	stream.indirect_vreg.scatter [tilespmem:s14], [sflag:$0x6], $0x80, v4, vm0, $0xb8;
	[tilespmem:$0x10200] =	vst v63  }
0x340: {  	_ = 	snop  }
0x341: {  	[hbm4b:s3+s2] =	stream.indirect_vreg.scatter [tilespmem:s15], [sflag:$0x6], $0x80, v3, vm0, $0xb8;
	[tilespmem:$0x10200] =	vst v63  }
0x342: {  	_ = 	snop  }
0x343: {  	[hbm4b:s4+s2] =	stream.indirect_vreg.scatter [tilespmem:s16], [sflag:$0x6], $0x80, v3, vm0, $0xb8;
	[tilespmem:$0x10200] =	vst v63  }
0x344: {  	_ = 	snop  }
0x345: {  	[hbm4b:s5+s2] =	stream.indirect_vreg.scatter [tilespmem:s17], [sflag:$0x6], $0x80, v3, vm0, $0xb8;
	[tilespmem:$0x10200] =	vst v63  }
0x346: {  	_ = 	snop  }
0x347: {  	[hbm4b:s6+s2] =	stream.indirect_vreg.scatter [tilespmem:s21], [sflag:$0x6], $0x80, v3, vm0, $0xb8;
	[tilespmem:$0x10200] =	vst v63  }
0x348: {  	v3 =	vld [tilespmem:$0x190];
	_ =	sdelay $0x4  }
0x349: {  	v63 =	vshll.u32 v3, $0x3  }
0x34a: {  	v3 =	vand.u32 $0x7, v3;
	v4 =	vand.u32 $0xFFFFFFC0, v63  }
0x34b: {  	v3 =	vor.u32 v3, v4  }
0x34c: {  	v4 =	vperm.xlane v3, v0;
	_ =	sdelay $0x1  }
0x34d: {  	v4 =	vadd.s32 v1, v4;
	_ =	sdelay $0x4  }
0x34e: {  	[hbm4b:s3+s2] =	stream.indirect_vreg.scatter [tilespmem:s18], [sflag:$0x6], $0x80, v4, vm0, $0xb8;
	[tilespmem:$0x10200] =	vst v63  }
0x34f: {  	v3 =	vperm.xlane v3, v2  }
0x350: {  	[hbm4b:s4+s2] =	stream.indirect_vreg.scatter [tilespmem:s19], [sflag:$0x6], $0x80, v4, vm0, $0xb8;
	[tilespmem:$0x10200] =	vst v63  }
0x351: {  	v3 =	vadd.s32 v1, v3  }
0x352: {  	[hbm4b:s5+s2] =	stream.indirect_vreg.scatter [tilespmem:s22], [sflag:$0x6], $0x80, v4, vm0, $0xb8;
	[tilespmem:$0x10200] =	vst v63  }
0x353: {  	_ = 	snop  }
0x354: {  	[hbm4b:s6+s2] =	stream.indirect_vreg.scatter [tilespmem:s23], [sflag:$0x6], $0x80, v4, vm0, $0xb8;
	[tilespmem:$0x10200] =	vst v63  }
0x355: {  	_ = 	snop  }
0x356: {  	[hbm4b:s3+s2] =	stream.indirect_vreg.scatter [tilespmem:s24], [sflag:$0x6], $0x80, v3, vm0, $0xb8;
	[tilespmem:$0x10200] =	vst v63  }
0x357: {  	_ = 	snop  }
0x358: {  	[hbm4b:s4+s2] =	stream.indirect_vreg.scatter [tilespmem:s25], [sflag:$0x6], $0x80, v3, vm0, $0xb8;
	[tilespmem:$0x10200] =	vst v63  }
0x359: {  	_ = 	snop  }
0x35a: {  	[hbm4b:s5+s2] =	stream.indirect_vreg.scatter [tilespmem:s26], [sflag:$0x6], $0x80, v3, vm0, $0xb8;
	[tilespmem:$0x10200] =	vst v63  }
0x35b: {  	_ = 	snop  }
0x35c: {  	[hbm4b:s6+s2] =	stream.indirect_vreg.scatter [tilespmem:s20], [sflag:$0x6], $0x80, v3, vm0, $0xb8;
	[tilespmem:$0x10200] =	vst v63  }
0x35d: {  	_ =	swait.ge [sflag:s30], $0x8000  }
0x35e: {  	[sflag:s30] =	ssyncset.done $0x0  }
0x35f: {  	s25 =	simm.s32 $0x3;
	[sflag:s30] =	ssyncadd.s32 $0xFFFF8000  }
0x360: {  	_ =	swait.ge [sflag:s25], $0x8000  }
0x361: {  	s26 =	rddreg [dreg:$0x1b]  }
0x362: {  	p0 =	sne.s32 s26, $0x1  }
.Ltmp0:
0x363: {  	[sflag:s25] =	ssyncset.done $0x0;
	(pc) =	sbr.rel @p0 .LBB2_1-.Ltmp0, $4  }
0x364: {  	s30 =	simm.s32 $0x5;
	[sflag:s25] =	ssyncadd.s32 $0xFFFF8000  }
0x365: {  	_ =	swait.ge [sflag:s30], $0x8000  }
0x366: {  	s31 =	simm.s32 $0x5;
	[sflag:s30] =	ssyncset.done $0x0  }
0x367: {  	s1 =	sadd.s32 $0xFFFFFFFF, s26;
	[sflag:s31] =	ssyncadd.s32 $0xFFFF8000  }
0x368: {  	_ =	sfence.sel $0x180000  }
0x369: {  	[bflag:$0x0] =	sbarrier.arrive $0xFFFF  }
0x36a: {  	_ =	strace $0x90000047  }
0x36b: {  	s0 =	stileid.u32;
	[bflag:$0x2] =	sbarrier.arrive $0xFFFF  }
0x36c: {  	p0 =	sne.s32 s0, $0x0;
	s0 =	rddreg [dreg:$0x2]  }
0x36d: {  	s0 =	sadd.s32 @!p0 $0x100000, s0  }
0x36e: {  	[sflag:s0] =	ssyncadd.tile.s32 @!p0 $0x1;
	_ =	shalt  }
.Lfunc_end2:
_tile_overlayer_lowered:
.L_overlay_start_2:
0x36f: {  	(tag) =	ssettag $0x2  }
0x370: {  	s0 =	rddreg [dreg:$0x0];
	s2 =	stileid.u32  }
0x371: {  	s1 =	rddreg [dreg:$0x1];
	p0 =	sne.s32 s2, $0x0  }
0x372: {  	s3 =	rddreg [dreg:$0x2];
	[bflag:$0x3] =	sbarrier.arrive $0xFFFF;
	s2 =	simm.s32 @!p0 $0x1C07  }
0x373: {  	[timem:s3], [sflag:s2] =	dma.local @!p0 [hbm:s0], s1  }
0x374: {  	s0 =	simm.s32 @!p0 $0x7  }
0x375: {  	_ =	swait.ge @!p0 [sflag:s0], s1  }
0x376: {  	s1 =	ssub.s32 @!p0 $0x0, s1;
	[sflag:s0] =	ssyncset.done @!p0 $0x0  }
0x377: {  	[sflag:s0] =	ssyncadd.s32 @!p0 s1  }
0x378: {  	[bflag:$0x3] =	sbarrier.arrive $0xFFFF  }
0x379: {  	_ =	shalt  }

// kernel: kernel.9.cloned.1.call-start
scs
__scs_entry_jumppad:
0x0: {  	(pc) =	sbr.rel $0x88, $3  }
0x1: {  	(tag) =	ssettag $0x0;
	lr =	simm.s32 $0x1  }
0x2: {  	[smem:$0x3F9C] =	sst lr;
	_ =	strace $0xD0000000  }
0x3: {  	_ = 	snop  }
0x4: {  	_ = 	snop  }
0x5: {  	_ = 	snop  }
0x6: {  	_ = 	snop  }
0x7: {  	_ = 	snop  }
__scs_overlays_trampoline_lowered:
0x8: {  	[smem:$0x3FAB] =	sst s0  }
0x9: {  	[smem:$0x3FAC] =	sst s1  }
0xa: {  	[smem:$0x3FAD] =	sst s2  }
0xb: {  	[smem:$0x3FAE] =	sst s3  }
0xc: {  	[smem:$0x3FAF] =	sst s4  }
0xd: {  	[smem:$0x3FB0] =	sst s5  }
0xe: {  	[smem:$0x3FB1] =	sst s6  }
0xf: {  	[smem:$0x3FB2] =	sst s7  }
0x10: {  	[smem:$0x3FB3] =	sst s8  }
0x11: {  	[smem:$0x3FB4] =	sst s9;
	s0 =	simm.s32 @!p0 $0x0  }
0x12: {  	s1 =	sld [smem:$0x3F9A];
	s0 =	simm.s32 @p0 $0x1  }
0x13: {  	[smem:$0x3FB5] =	sst s0;
	s0 =	simm.s32 @!p1 $0x0  }
0x14: {  	s2 =	sld [smem:$0x3F99];
	s0 =	simm.s32 @p1 $0x1  }
0x15: {  	[smem:$0x3FB6] =	sst s0;
	s0 =	simm.s32 @!p2 $0x0  }
0x16: {  	s3 =	sld [smem:$0x3FDB];
	s0 =	simm.s32 @p2 $0x1  }
0x17: {  	s4 =	simm.s32 $0x1BF5;
	[smem:$0x3FB8] =	sst s0  }
0x18: {  	s0 =	sld [smem:$0x3F9B];
	_ =	swait.ge [sflag:s4], $0x0  }
0x19: {  	s7 =	sld [smem:$0x3F9C]  }
0x1a: {  	s8 =	sadd.s32 $0xFFFFE003, lr  }
0x1b: {  	s9 =	sadd.s32 $0xFFFFFEF7, lr;
	s5 =	simm.s32 $0xFFFFFFFF;
	p2 =	slt.u32 s8, $0xFFFFF086  }
0x1c: {  	p1 =	slt.u32 s9, $0xF7A;
	s5 =	simm.s32 @!p2 $0x0  }
0x1d: {  	s5 =	simm.s32 @p1 $0x1;
	p0 =	seq.s32 s7, s2  }
0x1e: {  	s7 =	smul.u32 @!p0 $0xF7A, s2;
	p2 =	seq.s32 @!p0 s5, $0x0  }
0x1f: {  	s9 =	smul.u32 $0xF7A, s1;
	s8 =	simm.s32 @!p0 $0x1BF5;
	p2 =	por !p2, p0  }
0x20: {  	[sflag:s8] =	ssyncset.s32 @!p0 $0xFFFFF086;
	s6 =	sadd.s32 @!p0 s3, s7;
	s7 =	simm.s32 @!p0 $0x108  }
0x21: {  	s3 =	sadd.s32 s3, s9;
	s6 =	sadd.s32 @!p0 $0x88, s6;
	s7 =	simm.s32 @p2 $0x1082  }
0x22: {  	[simem:s7], [sflag:s8] =	dma.local @!p0 [hbm:s6], $0xF7A  }
0x23: {  	s9 =	sor.u32 $0xD0000000, s2;
	s6 =	simm.s32 $0x108;
	_ =	swait.ge @!p0 [sflag:s8], $0x0  }
0x24: {  	s3 =	sadd.s32 $0x88, s3;
	s6 =	simm.s32 @!p1 $0x1082;
	[sflag:s4] =	ssyncset.s32 $0xFFFFF086  }
0x25: {  	[simem:s6], [sflag:s4] =	dma.local [hbm:s3], $0xF7A  }
0x26: {  	[smem:$0x3F9C] =	sst s1;
	(tag) =	ssettag s2;
	_ =	strace s9  }
0x27: {  	s1 =	sld [smem:$0x3FAC]  }
0x28: {  	s2 =	sld [smem:$0x3FAD]  }
0x29: {  	s4 =	sld [smem:$0x3FAF]  }
0x2a: {  	p0 =	seq.s32 s5, $0x0;
	s5 =	sld [smem:$0x3FB0]  }
0x2b: {  	s6 =	sld [smem:$0x3FB1]  }
0x2c: {  	s7 =	sld [smem:$0x3FB2]  }
0x2d: {  	s3 =	simm.s32 $0x108;
	s8 =	sld [smem:$0x3FB3]  }
0x2e: {  	s3 =	simm.s32 @!p0 $0x1082;
	s9 =	sld [smem:$0x3FB4]  }
0x2f: {  	lr =	sadd.s32 s0, s3;
	s0 =	sld [smem:$0x3FAB]  }
0x30: {  	s3 =	sld [smem:$0x3FAE]  }
0x31: {  	[smem:$0x3FB7] =	sst s10  }
0x32: {  	s10 =	sld [smem:$0x3FB5];
	_ =	sdelay $0x3  }
0x33: {  	p0 =	seq.s32 s10, $0x1;
	s10 =	sld [smem:$0x3FB7];
	_ =	sdelay $0x3  }
0x34: {  	[smem:$0x3FB7] =	sst s10  }
0x35: {  	s10 =	sld [smem:$0x3FB6];
	_ =	sdelay $0x3  }
0x36: {  	p1 =	seq.s32 s10, $0x1;
	s10 =	sld [smem:$0x3FB7];
	_ =	sdelay $0x3  }
0x37: {  	[smem:$0x3FB7] =	sst s10  }
0x38: {  	s10 =	sld [smem:$0x3FB8]  }
0x39: {  	_ = 	snop;
	(pc) =	sbr.ind lr, $3  }
0x3a: {  	_ = 	snop  }
0x3b: {  	_ = 	snop  }
0x3c: {  	p2 =	seq.s32 s10, $0x1;
	s10 =	sld [smem:$0x3FB7]  }
0x3d: {  	_ =	shalt  }
0x3e: {  	_ =	shalt  }
0x3f: {  	_ =	shalt  }
0x40: {  	_ =	shalt  }
0x41: {  	_ =	shalt  }
0x42: {  	_ =	shalt  }
0x43: {  	_ =	shalt  }
0x44: {  	_ =	shalt  }
0x45: {  	_ =	shalt  }
0x46: {  	_ =	shalt  }
0x47: {  	_ =	shalt  }
0x48: {  	_ =	shalt  }
0x49: {  	_ =	shalt  }
0x4a: {  	_ =	shalt  }
0x4b: {  	_ =	shalt  }
0x4c: {  	_ =	shalt  }
0x4d: {  	_ =	shalt  }
0x4e: {  	_ =	shalt  }
0x4f: {  	_ =	shalt  }
0x50: {  	_ =	shalt  }
0x51: {  	_ =	shalt  }
0x52: {  	_ =	shalt  }
0x53: {  	_ =	shalt  }
0x54: {  	_ =	shalt  }
0x55: {  	_ =	shalt  }
0x56: {  	_ =	shalt  }
0x57: {  	_ =	shalt  }
0x58: {  	_ =	shalt  }
0x59: {  	_ =	shalt  }
0x5a: {  	_ =	shalt  }
0x5b: {  	_ =	shalt  }
0x5c: {  	_ =	shalt  }
0x5d: {  	_ =	shalt  }
0x5e: {  	_ =	shalt  }
0x5f: {  	_ =	shalt  }
0x60: {  	_ =	shalt  }
0x61: {  	_ =	shalt  }
0x62: {  	_ =	shalt  }
0x63: {  	_ =	shalt  }
0x64: {  	_ =	shalt  }
0x65: {  	_ =	shalt  }
0x66: {  	_ =	shalt  }
0x67: {  	_ =	shalt  }
0x68: {  	_ =	shalt  }
0x69: {  	_ =	shalt  }
0x6a: {  	_ =	shalt  }
0x6b: {  	_ =	shalt  }
0x6c: {  	_ =	shalt  }
0x6d: {  	_ =	shalt  }
0x6e: {  	_ =	shalt  }
0x6f: {  	_ =	shalt  }
0x70: {  	_ =	shalt  }
0x71: {  	_ =	shalt  }
0x72: {  	_ =	shalt  }
0x73: {  	_ =	shalt  }
0x74: {  	_ =	shalt  }
0x75: {  	_ =	shalt  }
0x76: {  	_ =	shalt  }
0x77: {  	_ =	shalt  }
0x78: {  	_ =	shalt  }
0x79: {  	_ =	shalt  }
0x7a: {  	_ =	shalt  }
0x7b: {  	_ =	shalt  }
0x7c: {  	_ =	shalt  }
0x7d: {  	_ =	shalt  }
0x7e: {  	_ =	shalt  }
0x7f: {  	_ =	shalt  }
0x80: {  	_ =	shalt  }
0x81: {  	_ =	shalt  }
0x82: {  	_ =	shalt  }
0x83: {  	_ =	shalt  }
0x84: {  	_ =	shalt  }
0x85: {  	_ =	shalt  }
0x86: {  	_ =	shalt  }
0x87: {  	_ =	shalt  }
.Lfunc_end0:
.L_simem_size_0:
called_computation.1_lowered:
.L_overlay_start_0:
0x88: {  	s2 =	sld [smem:$0x3FD9]  }
0x89: {  	s3 =	sld [smem:$0x3FFE];
	_ =	sdelay $0x1  }
0x8a: {  	s1 =	srdreg.scid  }
0x8b: {  	s0 =	sand.u32 $0x1, s1  }
0x8c: {  	s17 =	sshll.u32 s0, $0xA;
	s2 =	sadd.s32 s3, s2  }
0x8d: {  	s2 =	sadd.s32 s2, s17  }
0x8e: {  	[smem:$0x3FC3] =	sst s2  }
0x8f: {  	_ = 	snop  }
0x90: {  	s2 =	sld [smem:$0x3FD0];
	(tm) =	ssettm $0x1  }
0x91: {  	s18 =	sld [smem:$0x3FFB];
	_ =	sdelay $0x3  }
0x92: {  	_ =	strace s18  }
0x93: {  	s3 =	sld [smem:$0x3FFC];
	_ =	sdelay $0x3  }
0x94: {  	_ =	strace s3  }
0x95: {  	s3 =	sld [smem:$0x3FFD];
	_ =	sdelay $0x3  }
0x96: {  	_ =	strace s3  }
0x97: {  	_ =	strace $0x8FFFFFFF  }
0x98: {  	s19 =	sld [smem:$0x3FDB];
	_ =	sdelay $0x1  }
0x99: {  	s4 =	simm.s32 $_scs_section_size  }
0x9a: {  	s5 =	simm.s32 $_size__tile_overlayer_lowered;
	s6 =	simm.s32 $_tile_overlayer_lowered  }
0x9b: {  	s22 =	simm.s32 $0x1BFF;
	s21 =	sshll.u32 s6, $0x1;
	s3 =	sadd.s32 s4, s19  }
0x9c: {  	s7 =	simm.s32 $0x0;
	s20 =	sshll.u32 s5, $0x1;
	s5 =	sadd.s32 s21, s3  }
0x9d: {  	[timem:s7], [sflag:s22] =	dma.local [hbm:s5], s20  }
0x9e: {  	_ =	swait.ge [sflag:s22], s20  }
0x9f: {  	s4 =	ssub.s32 $0x0, s20;
	[sflag:s22] =	ssyncset.done $0x0  }
0xa0: {  	[sflag:s22] =	ssyncadd.s32 s4;
	_ =	sdelay $0x1  }
0xa1: {  	s23 =	simm.s32 $0x1B8B  }
0xa2: {  	_ =	swait.ge [sflag:s23], $0x1  }
0xa3: {  	[sflag:s23] =	ssyncset.done $0x0  }
0xa4: {  	s25 =	simm.s32 $0x1B8E;
	s24 =	sld [smem:$0x3FFE];
	[sflag:s23] =	ssyncadd.s32 $0xFFFFFFFF  }
0xa5: {  	s26 =	simm.s32 $execute0_lowered;
	[smem:$0x3FD2] =	sst s25  }
0xa6: {  	s5 =	sshll.u32 s26, $0x1;
	_ =	strace $0x80000049;
	[dreg:$0x1] =	wrdreg $0xFFFFFFFF  }
0xa7: {  	s28 =	simm.s32 $_size_execute0_lowered;
	s3 =	sadd.s32 s3, s5;
	[dreg:$0x0] =	wrdreg $0x0  }
0xa8: {  	s5 =	sshll.u32 s28, $0x1;
	[dreg:$0x2] =	wrdreg s3  }
0xa9: {  	[dreg:$0x3] =	wrdreg s5  }
0xaa: {  	[dreg:$0x4] =	wrdreg $0xC0  }
0xab: {  	_ =	task [dreg:s7], $0x5FFFF  }
0xac: {  	[dreg:$0x1] =	wrdreg $0xFFFFFFFF  }
0xad: {  	[dreg:$0x0] =	wrdreg $0x60  }
0xae: {  	[dreg:$0x2] =	wrdreg s24  }
0xaf: {  	[dreg:$0x3] =	wrdreg s2  }
0xb0: {  	[dreg:$0x4] =	wrdreg $0x9  }
0xb1: {  	_ =	task.clear_ibuf [dreg:s7], $0x5FFFF;
	_ =	strace $0x90000049  }
0xb2: {  	s29 =	simm.s32 $0x9;
	_ =	strace $0x8000004B  }
0xb3: {  	_ =	swait.ge [sflag:s29], $0x1  }
0xb4: {  	[sflag:s29] =	ssyncadd.s32 $0xFFFFFFFF  }
0xb5: {  	_ =	strace $0x9000004B  }
0xb6: {  	_ =	sfence  }
0xb7: {  	s30 =	sld [smem:$0x0];
	_ =	sdelay $0x2  }
0xb8: {  	s31 =	sshll.u32 s1, $0xD;
	s1 =	sshrl.u32 s1, $0x2  }
0xb9: {  	s3 =	sand.u32 $0x4000, s31;
	s1 =	sadd.s32 s1, s30  }
0xba: {  	s0 =	sor.u32 s3, s0;
	s1 =	sshll.u32 s1, $0x11  }
0xbb: {  	s0 =	sor.u32 s1, s0  }
0xbc: {  	s0 =	sadd.s32 $0x8F2B, s0  }
0xbd: {  	[sflag:s0] =	ssyncadd.remote.s32 $0x1  }
0xbe: {  	_ =	sfence.sel $0xFFFF  }
0xbf: {  	[dreg:$0x0] =	wrdreg $0xFFFFFFFF;
	(pc) =	sbr.abs _section_cstart, $3  }
0xc0: {  	[dreg:$0x1] =	wrdreg $0xFFFFFFFF  }
0xc1: {  	_ =	task.clear_ibuf [dreg:s7], $0x2FFFF;
	_ =	strace $0x9FFFFFFF  }
0xc2: {  	(tm) =	ssettm $0x7FFFFFFF  }
0xc3: {  	_ =	shalt  }
tec
execute0_lowered:
.L_overlay_start_1:
0x0: {  	(tag) =	ssettag $0x1  }
0x1: {  	s0 =	rddreg [dreg:$0x0]  }
0x2: {  	s1 =	rddreg [dreg:$0x1];
	s2 =	srdreg.scid  }
0x3: {  	s3 =	stileid.u32;
	s6 =	sand.u32 $0x1, s2;
	s2 =	simm.s32 $0x0  }
0x4: {  	s3 =	sshll.u32 s3, $0xA;
	s5 =	sadd.s32 $0x800, s0;
	s4 =	sshll.u32 s6, $0x9  }
0x5: {  	[smem:$0x7FF] =	sst s2;
	s6 =	ssub.s32 $0x2, s6;
	s4 =	sor.u32 s4, s3  }
0x6: {  	_ =	strace $0x8000004A;
	s3 =	sshrl.u32 s4, $0x3;
	s7 =	sor.u32 $0x20, s4  }
0x7: {  	s17 =	sshll.u32 s4, $0x7;
	s19 =	sor.u32 $0x40, s4;
	s9 =	sor.u32 $0x60, s4  }
0x8: {  	s26 =	sor.u32 $0x80, s4;
	s31 =	sor.u32 $0xA0, s4;
	s13 =	sor.u32 $0xC0, s4  }
0x9: {  	s3 =	sadd.s32 s1, s3;
	s8 =	sshrl.u32 s7, $0x3;
	s18 =	sadd.s32 s5, s17  }
0xa: {  	s20 =	sshrl.u32 s19, $0x3;
	s7 =	sshll.u32 s7, $0x7;
	s22 =	sshrl.u32 s9, $0x3  }
0xb: {  	s24 =	sshll.u32 s19, $0x7;
	s28 =	sshrl.u32 s26, $0x3;
	s29 =	sshll.u32 s9, $0x7  }
0xc: {  	s10 =	sshrl.u32 s31, $0x3;
	s14 =	sshrl.u32 s13, $0x3;
	[dreg:$0x3] =	wrdreg s3  }
0xd: {  	s15 =	sshll.u32 s31, $0x7;
	s16 =	sadd.s32 s1, s8;
	[dreg:$0x5] =	wrdreg s18  }
0xe: {  	s31 =	sor.u32 $0x160, s4;
	s3 =	sadd.s32 s1, s20;
	[dreg:$0x4] =	wrdreg s16  }
0xf: {  	s21 =	sadd.s32 s5, s7;
	s23 =	sadd.s32 s1, s22;
	[dreg:$0x6] =	wrdreg s3  }
0x10: {  	s25 =	sadd.s32 s5, s24;
	s8 =	sadd.s32 s5, s29;
	[dreg:$0x7] =	wrdreg s21  }
0x11: {  	s11 =	sadd.s32 s1, s10;
	s7 =	sshll.u32 s26, $0x7;
	[dreg:$0x8] =	wrdreg s23  }
0x12: {  	s17 =	sadd.s32 s5, s15;
	s20 =	sor.u32 $0x100, s4;
	[dreg:$0x9] =	wrdreg s25  }
0x13: {  	s10 =	sor.u32 $0x120, s4;
	s26 =	sor.u32 $0x140, s4;
	[dreg:$0xb] =	wrdreg s8  }
0x14: {  	s15 =	sshrl.u32 s6, $0x1;
	s3 =	sadd.s32 s1, s28;
	[dreg:$0xc] =	wrdreg s11  }
0x15: {  	s12 =	sadd.s32 s5, s7;
	s16 =	sor.u32 $0xE0, s4;
	[dreg:$0xf] =	wrdreg s17  }
0x16: {  	s7 =	sshll.u32 s13, $0x7;
	s21 =	sshrl.u32 s20, $0x3;
	s23 =	sshrl.u32 s10, $0x3  }
0x17: {  	s8 =	sshll.u32 s20, $0x7;
	s28 =	sshrl.u32 s26, $0x3;
	s29 =	sshll.u32 s10, $0x7  }
0x18: {  	s11 =	sshrl.u32 s31, $0x3;
	s10 =	sshll.u32 s31, $0x7;
	[dreg:$0xa] =	wrdreg s3  }
0x19: {  	[dreg:$0xd] =	wrdreg s12;
	s3 =	sadd.s32 s1, s14;
	s18 =	sshrl.u32 s16, $0x3  }
0x1a: {  	s7 =	sadd.s32 s5, s7;
	s9 =	sshll.u32 s16, $0x7;
	[dreg:$0xe] =	wrdreg s3  }
0x1b: {  	s24 =	sadd.s32 s1, s23;
	s25 =	sadd.s32 s5, s8;
	[dreg:$0x11] =	wrdreg s7  }
0x1c: {  	s12 =	sadd.s32 s1, s11;
	s8 =	sshll.u32 s26, $0x7;
	[dreg:$0x14] =	wrdreg s24  }
0x1d: {  	s14 =	sor.u32 $0x180, s4;
	s11 =	sor.u32 $0x1A0, s4;
	[dreg:$0x15] =	wrdreg s25  }
0x1e: {  	s17 =	sadd.s32 s5, s10;
	s19 =	sadd.s32 s1, s18;
	[dreg:$0x18] =	wrdreg s12  }
0x1f: {  	s3 =	sadd.s32 $0x2E1000, s0;
	s7 =	sadd.s32 s1, s21;
	[dreg:$0x1b] =	wrdreg s17  }
0x20: {  	s22 =	sadd.s32 s5, s9;
	s9 =	sadd.s32 s5, s29;
	[dreg:$0x10] =	wrdreg s19  }
0x21: {  	s13 =	sadd.s32 s5, s8;
	s16 =	sshrl.u32 s14, $0x3;
	[dreg:$0x12] =	wrdreg s7  }
0x22: {  	s18 =	sshrl.u32 s11, $0x3;
	s8 =	sshll.u32 s14, $0x7;
	[dreg:$0x13] =	wrdreg s22  }
0x23: {  	s21 =	sor.u32 $0x1C0, s4;
	s23 =	sshll.u32 s11, $0x7;
	[dreg:$0x17] =	wrdreg s9  }
0x24: {  	s4 =	sor.u32 $0x1E0, s4;
	s7 =	sadd.s32 s1, s28;
	[dreg:$0x19] =	wrdreg s13  }
0x25: {  	s19 =	sadd.s32 s1, s18;
	s20 =	sadd.s32 s5, s8;
	s9 =	ssub.s32 s6, s15  }
0x26: {  	s22 =	sshrl.u32 s21, $0x3;
	s24 =	sadd.s32 s5, s23;
	s25 =	sshrl.u32 s4, $0x3  }
0x27: {  	s26 =	sshll.u32 s21, $0x7;
	s29 =	sshll.u32 s4, $0x7;
	[dreg:$0x16] =	wrdreg s7  }
0x28: {  	s4 =	sadd.s32 $0x2E1100, s0;
	s8 =	simm.s32 $0x5;
	[dreg:$0x1c] =	wrdreg s19  }
0x29: {  	s21 =	simm.s32 $0x2;
	s7 =	sadd.s32 s1, s16;
	[dreg:$0x1d] =	wrdreg s20  }
0x2a: {  	s6 =	sadd.s32 s1, s22;
	[dreg:$0x1f] =	wrdreg s24;
	s1 =	sadd.s32 s1, s25  }
0x2b: {  	s28 =	sadd.s32 s5, s26;
	s31 =	sadd.s32 s5, s29;
	[dreg:$0x1a] =	wrdreg s7  }
0x2c: {  	s5 =	sadd.s32 $0x2E1200, s0;
	s30 =	smax.u32 s9, $0x1;
	[dreg:$0x1e] =	wrdreg s6  }
0x2d: {  	v2 =	vlaneseq.u32;
	s9 =	simm.s32 $0x100;
	s26 =	simm.s32 $0x8100;
	[smem:$0x7FB] =	sst s1  }
0x2e: {  	vm0 =	vmmov $0xffff;
	v1 =	vshrl.u32 v2, $0x3;
	s19 =	simm.s32 $0x1;
	s20 =	simm.s32 $0x3;
	[smem:$0x7FC] =	sst s28  }
0x2f: {  	v0 =	vand.u32 $0x7, v2;
	v2 =	vor.u32 $0x8, v2;
	v1 =	vmul.u32 $0x8, v1;
	s22 =	simm.s32 $0x4;
	s6 =	sadd.s32 $0x2E1300, s0;
	[smem:$0x7FD] =	sst s31  }
.LBB2_1:
0x30: {  	s23 =	rddreg [dreg:$0x3]  }
0x31: {  	[tilespmem:s2], [sflag:$0x5] =	stream.linear.gather [hbm4b:s23+s2], $0x20, $0x38;
	[tilespmem:$0x10100] =	vst v63  }
0x32: {  	_ =	swait.ge [sflag:s8], $0x20  }
0x33: {  	[sflag:s8] =	ssyncset.done $0x0  }
0x34: {  	[sflag:s8] =	ssyncadd.s32 $0xFFFFFFE0  }
0x35: {  	v3 =	vld [tilespmem:$0x0];
	_ =	sdelay $0x4  }
0x36: {  	v4 =	vshll.u32 v3, $0x3  }
0x37: {  	v3 =	vand.u32 $0x7, v3;
	v4 =	vand.u32 $0xFFFFFFC0, v4  }
0x38: {  	v3 =	vor.u32 v3, v4  }
0x39: {  	v4 =	vperm.xlane v3, v0;
	_ =	sdelay $0x1  }
0x3a: {  	v4 =	vadd.s32 v1, v4;
	_ =	sdelay $0x4  }
0x3b: {  	[tilespmem:s9], [sflag:$0x1] =	stream.indirect_vreg.gather [hbm4b:s3+s2], $0x80, v4, vm0, $0xb8;
	[tilespmem:$0x10100] =	vst v63  }
0x3c: {  	s0 =	simm.s32 $0x900;
	v3 =	vperm.xlane v3, v2  }
0x3d: {  	[tilespmem:s0], [sflag:$0x1] =	stream.indirect_vreg.gather [hbm4b:s4+s2], $0x80, v4, vm0, $0xb8;
	[tilespmem:$0x10100] =	vst v63  }
0x3e: {  	s24 =	simm.s32 $0x1100;
	v3 =	vadd.s32 v1, v3  }
0x3f: {  	[tilespmem:s24], [sflag:$0x1] =	stream.indirect_vreg.gather [hbm4b:s5+s2], $0x80, v4, vm0, $0xb8;
	[tilespmem:$0x10100] =	vst v63  }
0x40: {  	s25 =	simm.s32 $0x1900  }
0x41: {  	[tilespmem:s25], [sflag:$0x1] =	stream.indirect_vreg.gather [hbm4b:s6+s2], $0x80, v4, vm0, $0xb8;
	[tilespmem:$0x10100] =	vst v63  }
0x42: {  	s28 =	simm.s32 $0x2100  }
0x43: {  	[tilespmem:s28], [sflag:$0x1] =	stream.indirect_vreg.gather [hbm4b:s3+s2], $0x80, v3, vm0, $0xb8;
	[tilespmem:$0x10100] =	vst v63  }
0x44: {  	s29 =	simm.s32 $0x2900  }
0x45: {  	[tilespmem:s29], [sflag:$0x1] =	stream.indirect_vreg.gather [hbm4b:s4+s2], $0x80, v3, vm0, $0xb8;
	[tilespmem:$0x10100] =	vst v63  }
0x46: {  	s31 =	simm.s32 $0x3100  }
0x47: {  	[tilespmem:s31], [sflag:$0x1] =	stream.indirect_vreg.gather [hbm4b:s5+s2], $0x80, v3, vm0, $0xb8;
	[tilespmem:$0x10100] =	vst v63  }
0x48: {  	s10 =	simm.s32 $0x3900  }
0x49: {  	[tilespmem:s10], [sflag:$0x1] =	stream.indirect_vreg.gather [hbm4b:s6+s2], $0x80, v3, vm0, $0xb8;
	[tilespmem:$0x10100] =	vst v63  }
0x4a: {  	v3 =	vld [tilespmem:$0x10];
	_ =	sdelay $0x4  }
0x4b: {  	v33 =	vshll.u32 v3, $0x3  }
0x4c: {  	v3 =	vand.u32 $0x7, v3;
	v4 =	vand.u32 $0xFFFFFFC0, v33  }
0x4d: {  	v3 =	vor.u32 v3, v4  }
0x4e: {  	v4 =	vperm.xlane v3, v0;
	_ =	sdelay $0x1  }
0x4f: {  	v4 =	vadd.s32 v1, v4;
	_ =	sdelay $0x3  }
0x50: {  	s11 =	simm.s32 $0x4100  }
0x51: {  	[tilespmem:s11], [sflag:$0x1] =	stream.indirect_vreg.gather [hbm4b:s3+s2], $0x80, v4, vm0, $0xb8;
	[tilespmem:$0x10100] =	vst v63  }
0x52: {  	s12 =	simm.s32 $0x4900;
	v3 =	vperm.xlane v3, v2  }
0x53: {  	[tilespmem:s12], [sflag:$0x1] =	stream.indirect_vreg.gather [hbm4b:s4+s2], $0x80, v4, vm0, $0xb8;
	[tilespmem:$0x10100] =	vst v63  }
0x54: {  	s13 =	simm.s32 $0x5100;
	v3 =	vadd.s32 v1, v3  }
0x55: {  	[tilespmem:s13], [sflag:$0x1] =	stream.indirect_vreg.gather [hbm4b:s5+s2], $0x80, v4, vm0, $0xb8;
	[tilespmem:$0x10100] =	vst v63  }
0x56: {  	s14 =	simm.s32 $0x5900  }
0x57: {  	[tilespmem:s14], [sflag:$0x1] =	stream.indirect_vreg.gather [hbm4b:s6+s2], $0x80, v4, vm0, $0xb8;
	[tilespmem:$0x10100] =	vst v63  }
0x58: {  	s15 =	simm.s32 $0x6100  }
0x59: {  	[tilespmem:s15], [sflag:$0x1] =	stream.indirect_vreg.gather [hbm4b:s3+s2], $0x80, v3, vm0, $0xb8;
	[tilespmem:$0x10100] =	vst v63  }
0x5a: {  	s16 =	simm.s32 $0x6900  }
0x5b: {  	[tilespmem:s16], [sflag:$0x1] =	stream.indirect_vreg.gather [hbm4b:s4+s2], $0x80, v3, vm0, $0xb8;
	[tilespmem:$0x10100] =	vst v63  }
0x5c: {  	s23 =	simm.s32 $0x7100  }
0x5d: {  	[tilespmem:s23], [sflag:$0x1] =	stream.indirect_vreg.gather [hbm4b:s5+s2], $0x80, v3, vm0, $0xb8;
	[tilespmem:$0x10100] =	vst v63  }
0x5e: {  	s28 =	simm.s32 $0x7900  }
0x5f: {  	[tilespmem:s28], [sflag:$0x1] =	stream.indirect_vreg.gather [hbm4b:s6+s2], $0x80, v3, vm0, $0xb8;
	[tilespmem:$0x10100] =	vst v63  }
0x60: {  	s25 =	rddreg [dreg:$0x4];
	s29 =	simm.s32 $0x80  }
0x61: {  	[tilespmem:s29], [sflag:$0x5] =	stream.linear.gather [hbm4b:s25+s2], $0x20, $0x38;
	[tilespmem:$0x10100] =	vst v63  }
0x62: {  	_ =	swait.ge [sflag:s8], $0x20  }
0x63: {  	[sflag:s8] =	ssyncset.done $0x0  }
0x64: {  	[sflag:s8] =	ssyncadd.s32 $0xFFFFFFE0  }
0x65: {  	v3 =	vld [tilespmem:$0x80];
	_ =	sdelay $0x4  }
0x66: {  	v34 =	vshll.u32 v3, $0x3  }
0x67: {  	v3 =	vand.u32 $0x7, v3;
	v4 =	vand.u32 $0xFFFFFFC0, v34  }
0x68: {  	v3 =	vor.u32 v3, v4  }
0x69: {  	v4 =	vperm.xlane v3, v0;
	_ =	sdelay $0x1  }
0x6a: {  	v4 =	vadd.s32 v1, v4;
	_ =	sdelay $0x4  }
0x6b: {  	[tilespmem:s26], [sflag:$0x2] =	stream.indirect_vreg.gather [hbm4b:s3+s2], $0x80, v4, vm0, $0xb8;
	[tilespmem:$0x10100] =	vst v63  }
0x6c: {  	s31 =	simm.s32 $0x8900;
	v3 =	vperm.xlane v3, v2  }
0x6d: {  	[tilespmem:s31], [sflag:$0x2] =	stream.indirect_vreg.gather [hbm4b:s4+s2], $0x80, v4, vm0, $0xb8;
	[tilespmem:$0x10100] =	vst v63  }
0x6e: {  	s10 =	simm.s32 $0x9100;
	v3 =	vadd.s32 v1, v3  }
0x6f: {  	[tilespmem:s10], [sflag:$0x2] =	stream.indirect_vreg.gather [hbm4b:s5+s2], $0x80, v4, vm0, $0xb8;
	[tilespmem:$0x10100] =	vst v63  }
0x70: {  	s11 =	simm.s32 $0x9900  }
0x71: {  	[tilespmem:s11], [sflag:$0x2] =	stream.indirect_vreg.gather [hbm4b:s6+s2], $0x80, v4, vm0, $0xb8;
	[tilespmem:$0x10100] =	vst v63  }
0x72: {  	s12 =	simm.s32 $0xA100  }
0x73: {  	[tilespmem:s12], [sflag:$0x2] =	stream.indirect_vreg.gather [hbm4b:s3+s2], $0x80, v3, vm0, $0xb8;
	[tilespmem:$0x10100] =	vst v63  }
0x74: {  	s14 =	simm.s32 $0xA900  }
0x75: {  	[tilespmem:s14], [sflag:$0x2] =	stream.indirect_vreg.gather [hbm4b:s4+s2], $0x80, v3, vm0, $0xb8;
	[tilespmem:$0x10100] =	vst v63  }
0x76: {  	s15 =	simm.s32 $0xB100  }
0x77: {  	[tilespmem:s15], [sflag:$0x2] =	stream.indirect_vreg.gather [hbm4b:s5+s2], $0x80, v3, vm0, $0xb8;
	[tilespmem:$0x10100] =	vst v63  }
0x78: {  	s16 =	simm.s32 $0xB900  }
0x79: {  	[tilespmem:s16], [sflag:$0x2] =	stream.indirect_vreg.gather [hbm4b:s6+s2], $0x80, v3, vm0, $0xb8;
	[tilespmem:$0x10100] =	vst v63  }
0x7a: {  	v3 =	vld [tilespmem:$0x90];
	_ =	sdelay $0x4  }
0x7b: {  	v35 =	vshll.u32 v3, $0x3  }
0x7c: {  	v3 =	vand.u32 $0x7, v3;
	v4 =	vand.u32 $0xFFFFFFC0, v35  }
0x7d: {  	v3 =	vor.u32 v3, v4  }
0x7e: {  	v4 =	vperm.xlane v3, v0;
	_ =	sdelay $0x1  }
0x7f: {  	v4 =	vadd.s32 v1, v4;
	_ =	sdelay $0x3  }
0x80: {  	s25 =	simm.s32 $0xC100  }
0x81: {  	[tilespmem:s25], [sflag:$0x2] =	stream.indirect_vreg.gather [hbm4b:s3+s2], $0x80, v4, vm0, $0xb8;
	[tilespmem:$0x10100] =	vst v63  }
0x82: {  	s28 =	simm.s32 $0xC900;
	v3 =	vperm.xlane v3, v2  }
0x83: {  	[tilespmem:s28], [sflag:$0x2] =	stream.indirect_vreg.gather [hbm4b:s4+s2], $0x80, v4, vm0, $0xb8;
	[tilespmem:$0x10100] =	vst v63  }
0x84: {  	s29 =	simm.s32 $0xD100;
	v3 =	vadd.s32 v1, v3  }
0x85: {  	[tilespmem:s29], [sflag:$0x2] =	stream.indirect_vreg.gather [hbm4b:s5+s2], $0x80, v4, vm0, $0xb8;
	[tilespmem:$0x10100] =	vst v63  }
0x86: {  	s0 =	simm.s32 $0xD900  }
0x87: {  	[tilespmem:s0], [sflag:$0x2] =	stream.indirect_vreg.gather [hbm4b:s6+s2], $0x80, v4, vm0, $0xb8;
	[tilespmem:$0x10100] =	vst v63  }
0x88: {  	s11 =	simm.s32 $0xE100  }
0x89: {  	[tilespmem:s11], [sflag:$0x2] =	stream.indirect_vreg.gather [hbm4b:s3+s2], $0x80, v3, vm0, $0xb8;
	[tilespmem:$0x10100] =	vst v63  }
0x8a: {  	s15 =	simm.s32 $0xE900  }
0x8b: {  	[tilespmem:s15], [sflag:$0x2] =	stream.indirect_vreg.gather [hbm4b:s4+s2], $0x80, v3, vm0, $0xb8;
	[tilespmem:$0x10100] =	vst v63  }
0x8c: {  	s16 =	simm.s32 $0xF100  }
0x8d: {  	[tilespmem:s16], [sflag:$0x2] =	stream.indirect_vreg.gather [hbm4b:s5+s2], $0x80, v3, vm0, $0xb8;
	[tilespmem:$0x10100] =	vst v63  }
0x8e: {  	s25 =	simm.s32 $0xF900  }
0x8f: {  	[tilespmem:s25], [sflag:$0x2] =	stream.indirect_vreg.gather [hbm4b:s6+s2], $0x80, v3, vm0, $0xb8;
	[tilespmem:$0x10100] =	vst v63  }
0x90: {  	_ =	swait.ge [sflag:s19], $0x8000  }
0x91: {  	[sflag:s19] =	ssyncset.done $0x0  }
0x92: {  	s28 =	rddreg [dreg:$0x5];
	[sflag:s19] =	ssyncadd.s32 $0xFFFF8000  }
0x93: {  	[hbm4b:s28+s2] =	stream.linear.scatter [tilespmem:s9], [sflag:$0x3], $0x8000, $0x38;
	[tilespmem:$0x10100] =	vst v63  }
0x94: {  	_ =	swait.ge [sflag:s20], $0x8000  }
0x95: {  	[sflag:s20] =	ssyncset.done $0x0  }
0x96: {  	s29 =	rddreg [dreg:$0x6];
	[sflag:s20] =	ssyncadd.s32 $0xFFFF8000  }
0x97: {  	[tilespmem:s2], [sflag:$0x5] =	stream.linear.gather [hbm4b:s29+s2], $0x20, $0x38;
	[tilespmem:$0x10100] =	vst v63  }
0x98: {  	_ =	swait.ge [sflag:s8], $0x20  }
0x99: {  	[sflag:s8] =	ssyncset.done $0x0  }
0x9a: {  	[sflag:s8] =	ssyncadd.s32 $0xFFFFFFE0  }
0x9b: {  	v3 =	vld [tilespmem:$0x0];
	_ =	sdelay $0x4  }
0x9c: {  	v36 =	vshll.u32 v3, $0x3  }
0x9d: {  	v3 =	vand.u32 $0x7, v3;
	v4 =	vand.u32 $0xFFFFFFC0, v36  }
0x9e: {  	v3 =	vor.u32 v3, v4  }
0x9f: {  	v4 =	vperm.xlane v3, v0;
	_ =	sdelay $0x1  }
0xa0: {  	v4 =	vadd.s32 v1, v4;
	_ =	sdelay $0x4  }
0xa1: {  	[tilespmem:s9], [sflag:$0x1] =	stream.indirect_vreg.gather [hbm4b:s3+s2], $0x80, v4, vm0, $0xb8;
	[tilespmem:$0x10100] =	vst v63  }
0xa2: {  	s7 =	simm.s32 $0x900;
	v3 =	vperm.xlane v3, v2  }
0xa3: {  	[tilespmem:s7], [sflag:$0x1] =	stream.indirect_vreg.gather [hbm4b:s4+s2], $0x80, v4, vm0, $0xb8;
	[tilespmem:$0x10100] =	vst v63  }
0xa4: {  	s1 =	simm.s32 $0x1100;
	v3 =	vadd.s32 v1, v3  }
0xa5: {  	[tilespmem:s1], [sflag:$0x1] =	stream.indirect_vreg.gather [hbm4b:s5+s2], $0x80, v4, vm0, $0xb8;
	[tilespmem:$0x10100] =	vst v63  }
0xa6: {  	s1 =	simm.s32 $0x1900  }
0xa7: {  	[tilespmem:s1], [sflag:$0x1] =	stream.indirect_vreg.gather [hbm4b:s6+s2], $0x80, v4, vm0, $0xb8;
	[tilespmem:$0x10100] =	vst v63  }
0xa8: {  	s7 =	simm.s32 $0x2100  }
0xa9: {  	[tilespmem:s7], [sflag:$0x1] =	stream.indirect_vreg.gather [hbm4b:s3+s2], $0x80, v3, vm0, $0xb8;
	[tilespmem:$0x10100] =	vst v63  }
0xaa: {  	s15 =	simm.s32 $0x2900  }
0xab: {  	[tilespmem:s15], [sflag:$0x1] =	stream.indirect_vreg.gather [hbm4b:s4+s2], $0x80, v3, vm0, $0xb8;
	[tilespmem:$0x10100] =	vst v63  }
0xac: {  	s16 =	simm.s32 $0x3100  }
0xad: {  	[tilespmem:s16], [sflag:$0x1] =	stream.indirect_vreg.gather [hbm4b:s5+s2], $0x80, v3, vm0, $0xb8;
	[tilespmem:$0x10100] =	vst v63  }
0xae: {  	s17 =	simm.s32 $0x3900  }
0xaf: {  	[tilespmem:s17], [sflag:$0x1] =	stream.indirect_vreg.gather [hbm4b:s6+s2], $0x80, v3, vm0, $0xb8;
	[tilespmem:$0x10100] =	vst v63  }
0xb0: {  	v3 =	vld [tilespmem:$0x10];
	_ =	sdelay $0x4  }
0xb1: {  	v37 =	vshll.u32 v3, $0x3  }
0xb2: {  	v3 =	vand.u32 $0x7, v3;
	v4 =	vand.u32 $0xFFFFFFC0, v37  }
0xb3: {  	v3 =	vor.u32 v3, v4  }
0xb4: {  	v4 =	vperm.xlane v3, v0;
	_ =	sdelay $0x1  }
0xb5: {  	v4 =	vadd.s32 v1, v4;
	_ =	sdelay $0x3  }
0xb6: {  	s18 =	simm.s32 $0x4100  }
0xb7: {  	[tilespmem:s18], [sflag:$0x1] =	stream.indirect_vreg.gather [hbm4b:s3+s2], $0x80, v4, vm0, $0xb8;
	[tilespmem:$0x10100] =	vst v63  }
0xb8: {  	s24 =	simm.s32 $0x4900;
	v3 =	vperm.xlane v3, v2  }
0xb9: {  	[tilespmem:s24], [sflag:$0x1] =	stream.indirect_vreg.gather [hbm4b:s4+s2], $0x80, v4, vm0, $0xb8;
	[tilespmem:$0x10100] =	vst v63  }
0xba: {  	s17 =	simm.s32 $0x5100;
	v3 =	vadd.s32 v1, v3  }
0xbb: {  	[tilespmem:s17], [sflag:$0x1] =	stream.indirect_vreg.gather [hbm4b:s5+s2], $0x80, v4, vm0, $0xb8;
	[tilespmem:$0x10100] =	vst v63  }
0xbc: {  	s18 =	simm.s32 $0x5900  }
0xbd: {  	[tilespmem:s18], [sflag:$0x1] =	stream.indirect_vreg.gather [hbm4b:s6+s2], $0x80, v4, vm0, $0xb8;
	[tilespmem:$0x10100] =	vst v63  }
0xbe: {  	s24 =	simm.s32 $0x6100  }
0xbf: {  	[tilespmem:s24], [sflag:$0x1] =	stream.indirect_vreg.gather [hbm4b:s3+s2], $0x80, v3, vm0, $0xb8;
	[tilespmem:$0x10100] =	vst v63  }
0xc0: {  	s25 =	simm.s32 $0x6900  }
0xc1: {  	[tilespmem:s25], [sflag:$0x1] =	stream.indirect_vreg.gather [hbm4b:s4+s2], $0x80, v3, vm0, $0xb8;
	[tilespmem:$0x10100] =	vst v63  }
0xc2: {  	s28 =	simm.s32 $0x7100  }
0xc3: {  	[tilespmem:s28], [sflag:$0x1] =	stream.indirect_vreg.gather [hbm4b:s5+s2], $0x80, v3, vm0, $0xb8;
	[tilespmem:$0x10100] =	vst v63  }
0xc4: {  	s29 =	simm.s32 $0x7900  }
0xc5: {  	[tilespmem:s29], [sflag:$0x1] =	stream.indirect_vreg.gather [hbm4b:s6+s2], $0x80, v3, vm0, $0xb8;
	[tilespmem:$0x10100] =	vst v63  }
0xc6: {  	_ =	swait.ge [sflag:s21], $0x8000  }
0xc7: {  	[sflag:s21] =	ssyncset.done $0x0  }
0xc8: {  	s0 =	rddreg [dreg:$0x7];
	[sflag:s21] =	ssyncadd.s32 $0xFFFF8000  }
0xc9: {  	[hbm4b:s0+s2] =	stream.linear.scatter [tilespmem:s26], [sflag:$0x4], $0x8000, $0x38;
	[tilespmem:$0x10100] =	vst v63  }
0xca: {  	_ =	swait.ge [sflag:s22], $0x8000  }
0xcb: {  	[sflag:s22] =	ssyncset.done $0x0  }
0xcc: {  	s0 =	simm.s32 $0x80;
	s23 =	rddreg [dreg:$0x8];
	[sflag:s22] =	ssyncadd.s32 $0xFFFF8000  }
0xcd: {  	[tilespmem:s0], [sflag:$0x5] =	stream.linear.gather [hbm4b:s23+s2], $0x20, $0x38;
	[tilespmem:$0x10100] =	vst v63  }
0xce: {  	_ =	swait.ge [sflag:s8], $0x20  }
0xcf: {  	[sflag:s8] =	ssyncset.done $0x0  }
0xd0: {  	[sflag:s8] =	ssyncadd.s32 $0xFFFFFFE0  }
0xd1: {  	v3 =	vld [tilespmem:$0x80];
	_ =	sdelay $0x4  }
0xd2: {  	v38 =	vshll.u32 v3, $0x3  }
0xd3: {  	v3 =	vand.u32 $0x7, v3;
	v4 =	vand.u32 $0xFFFFFFC0, v38  }
0xd4: {  	v3 =	vor.u32 v3, v4  }
0xd5: {  	v4 =	vperm.xlane v3, v0;
	_ =	sdelay $0x1  }
0xd6: {  	v4 =	vadd.s32 v1, v4;
	_ =	sdelay $0x4  }
0xd7: {  	[tilespmem:s26], [sflag:$0x2] =	stream.indirect_vreg.gather [hbm4b:s3+s2], $0x80, v4, vm0, $0xb8;
	[tilespmem:$0x10100] =	vst v63  }
0xd8: {  	s13 =	simm.s32 $0x8900;
	v3 =	vperm.xlane v3, v2  }
0xd9: {  	[tilespmem:s13], [sflag:$0x2] =	stream.indirect_vreg.gather [hbm4b:s4+s2], $0x80, v4, vm0, $0xb8;
	[tilespmem:$0x10100] =	vst v63  }
0xda: {  	s31 =	simm.s32 $0x9100;
	v3 =	vadd.s32 v1, v3  }
0xdb: {  	[tilespmem:s31], [sflag:$0x2] =	stream.indirect_vreg.gather [hbm4b:s5+s2], $0x80, v4, vm0, $0xb8;
	[tilespmem:$0x10100] =	vst v63  }
0xdc: {  	s31 =	simm.s32 $0x9900  }
0xdd: {  	[tilespmem:s31], [sflag:$0x2] =	stream.indirect_vreg.gather [hbm4b:s6+s2], $0x80, v4, vm0, $0xb8;
	[tilespmem:$0x10100] =	vst v63  }
0xde: {  	s23 =	simm.s32 $0xA100  }
0xdf: {  	[tilespmem:s23], [sflag:$0x2] =	stream.indirect_vreg.gather [hbm4b:s3+s2], $0x80, v3, vm0, $0xb8;
	[tilespmem:$0x10100] =	vst v63  }
0xe0: {  	s23 =	simm.s32 $0xA900  }
0xe1: {  	[tilespmem:s23], [sflag:$0x2] =	stream.indirect_vreg.gather [hbm4b:s4+s2], $0x80, v3, vm0, $0xb8;
	[tilespmem:$0x10100] =	vst v63  }
0xe2: {  	s23 =	simm.s32 $0xB100  }
0xe3: {  	[tilespmem:s23], [sflag:$0x2] =	stream.indirect_vreg.gather [hbm4b:s5+s2], $0x80, v3, vm0, $0xb8;
	[tilespmem:$0x10100] =	vst v63  }
0xe4: {  	s12 =	simm.s32 $0xB900  }
0xe5: {  	[tilespmem:s12], [sflag:$0x2] =	stream.indirect_vreg.gather [hbm4b:s6+s2], $0x80, v3, vm0, $0xb8;
	[tilespmem:$0x10100] =	vst v63  }
0xe6: {  	v3 =	vld [tilespmem:$0x90];
	_ =	sdelay $0x4  }
0xe7: {  	v39 =	vshll.u32 v3, $0x3  }
0xe8: {  	v3 =	vand.u32 $0x7, v3;
	v4 =	vand.u32 $0xFFFFFFC0, v39  }
0xe9: {  	v3 =	vor.u32 v3, v4  }
0xea: {  	v4 =	vperm.xlane v3, v0;
	_ =	sdelay $0x1  }
0xeb: {  	v4 =	vadd.s32 v1, v4;
	_ =	sdelay $0x3  }
0xec: {  	s14 =	simm.s32 $0xC100  }
0xed: {  	[tilespmem:s14], [sflag:$0x2] =	stream.indirect_vreg.gather [hbm4b:s3+s2], $0x80, v4, vm0, $0xb8;
	[tilespmem:$0x10100] =	vst v63  }
0xee: {  	s10 =	simm.s32 $0xC900;
	v3 =	vperm.xlane v3, v2  }
0xef: {  	[tilespmem:s10], [sflag:$0x2] =	stream.indirect_vreg.gather [hbm4b:s4+s2], $0x80, v4, vm0, $0xb8;
	[tilespmem:$0x10100] =	vst v63  }
0xf0: {  	s23 =	simm.s32 $0xD100;
	v3 =	vadd.s32 v1, v3  }
0xf1: {  	[tilespmem:s23], [sflag:$0x2] =	stream.indirect_vreg.gather [hbm4b:s5+s2], $0x80, v4, vm0, $0xb8;
	[tilespmem:$0x10100] =	vst v63  }
0xf2: {  	s12 =	simm.s32 $0xD900  }
0xf3: {  	[tilespmem:s12], [sflag:$0x2] =	stream.indirect_vreg.gather [hbm4b:s6+s2], $0x80, v4, vm0, $0xb8;
	[tilespmem:$0x10100] =	vst v63  }
0xf4: {  	s23 =	simm.s32 $0xE100  }
0xf5: {  	[tilespmem:s23], [sflag:$0x2] =	stream.indirect_vreg.gather [hbm4b:s3+s2], $0x80, v3, vm0, $0xb8;
	[tilespmem:$0x10100] =	vst v63  }
0xf6: {  	s23 =	simm.s32 $0xE900  }
0xf7: {  	[tilespmem:s23], [sflag:$0x2] =	stream.indirect_vreg.gather [hbm4b:s4+s2], $0x80, v3, vm0, $0xb8;
	[tilespmem:$0x10100] =	vst v63  }
0xf8: {  	s23 =	simm.s32 $0xF100  }
0xf9: {  	[tilespmem:s23], [sflag:$0x2] =	stream.indirect_vreg.gather [hbm4b:s5+s2], $0x80, v3, vm0, $0xb8;
	[tilespmem:$0x10100] =	vst v63  }
0xfa: {  	s11 =	simm.s32 $0xF900  }
0xfb: {  	[tilespmem:s11], [sflag:$0x2] =	stream.indirect_vreg.gather [hbm4b:s6+s2], $0x80, v3, vm0, $0xb8;
	[tilespmem:$0x10100] =	vst v63  }
0xfc: {  	_ =	swait.ge [sflag:s19], $0x8000  }
0xfd: {  	[sflag:s19] =	ssyncset.done $0x0  }
0xfe: {  	s23 =	rddreg [dreg:$0x9];
	[sflag:s19] =	ssyncadd.s32 $0xFFFF8000  }
0xff: {  	[hbm4b:s23+s2] =	stream.linear.scatter [tilespmem:s9], [sflag:$0x3], $0x8000, $0x38;
	[tilespmem:$0x10100] =	vst v63  }
0x100: {  	_ =	swait.ge [sflag:s20], $0x8000  }
0x101: {  	[sflag:s20] =	ssyncset.done $0x0  }
0x102: {  	s23 =	rddreg [dreg:$0xa];
	[sflag:s20] =	ssyncadd.s32 $0xFFFF8000  }
0x103: {  	[tilespmem:s2], [sflag:$0x5] =	stream.linear.gather [hbm4b:s23+s2], $0x20, $0x38;
	[tilespmem:$0x10100] =	vst v63  }
0x104: {  	_ =	swait.ge [sflag:s8], $0x20  }
0x105: {  	[sflag:s8] =	ssyncset.done $0x0  }
0x106: {  	[sflag:s8] =	ssyncadd.s32 $0xFFFFFFE0  }
0x107: {  	v3 =	vld [tilespmem:$0x0];
	_ =	sdelay $0x4  }
0x108: {  	v40 =	vshll.u32 v3, $0x3  }
0x109: {  	v3 =	vand.u32 $0x7, v3;
	v4 =	vand.u32 $0xFFFFFFC0, v40  }
0x10a: {  	v3 =	vor.u32 v3, v4  }
0x10b: {  	v4 =	vperm.xlane v3, v0;
	_ =	sdelay $0x1  }
0x10c: {  	v4 =	vadd.s32 v1, v4;
	_ =	sdelay $0x4  }
0x10d: {  	[tilespmem:s9], [sflag:$0x1] =	stream.indirect_vreg.gather [hbm4b:s3+s2], $0x80, v4, vm0, $0xb8;
	[tilespmem:$0x10100] =	vst v63  }
0x10e: {  	s23 =	simm.s32 $0x900;
	v3 =	vperm.xlane v3, v2  }
0x10f: {  	[tilespmem:s23], [sflag:$0x1] =	stream.indirect_vreg.gather [hbm4b:s4+s2], $0x80, v4, vm0, $0xb8;
	[tilespmem:$0x10100] =	vst v63  }
0x110: {  	v3 =	vadd.s32 v1, v3;
	s23 =	simm.s32 $0x1100  }
0x111: {  	[tilespmem:s23], [sflag:$0x1] =	stream.indirect_vreg.gather [hbm4b:s5+s2], $0x80, v4, vm0, $0xb8;
	[tilespmem:$0x10100] =	vst v63  }
0x112: {  	_ = 	snop  }
0x113: {  	[tilespmem:s1], [sflag:$0x1] =	stream.indirect_vreg.gather [hbm4b:s6+s2], $0x80, v4, vm0, $0xb8;
	[tilespmem:$0x10100] =	vst v63  }
0x114: {  	_ = 	snop  }
0x115: {  	[tilespmem:s7], [sflag:$0x1] =	stream.indirect_vreg.gather [hbm4b:s3+s2], $0x80, v3, vm0, $0xb8;
	[tilespmem:$0x10100] =	vst v63  }
0x116: {  	_ = 	snop  }
0x117: {  	[tilespmem:s15], [sflag:$0x1] =	stream.indirect_vreg.gather [hbm4b:s4+s2], $0x80, v3, vm0, $0xb8;
	[tilespmem:$0x10100] =	vst v63  }
0x118: {  	_ = 	snop  }
0x119: {  	[tilespmem:s16], [sflag:$0x1] =	stream.indirect_vreg.gather [hbm4b:s5+s2], $0x80, v3, vm0, $0xb8;
	[tilespmem:$0x10100] =	vst v63  }
0x11a: {  	s23 =	simm.s32 $0x3900  }
0x11b: {  	[tilespmem:s23], [sflag:$0x1] =	stream.indirect_vreg.gather [hbm4b:s6+s2], $0x80, v3, vm0, $0xb8;
	[tilespmem:$0x10100] =	vst v63  }
0x11c: {  	v3 =	vld [tilespmem:$0x10];
	_ =	sdelay $0x4  }
0x11d: {  	v41 =	vshll.u32 v3, $0x3  }
0x11e: {  	v3 =	vand.u32 $0x7, v3;
	v4 =	vand.u32 $0xFFFFFFC0, v41  }
0x11f: {  	v3 =	vor.u32 v3, v4  }
0x120: {  	v4 =	vperm.xlane v3, v0;
	_ =	sdelay $0x1  }
0x121: {  	v4 =	vadd.s32 v1, v4;
	_ =	sdelay $0x3  }
0x122: {  	s23 =	simm.s32 $0x4100  }
0x123: {  	[tilespmem:s23], [sflag:$0x1] =	stream.indirect_vreg.gather [hbm4b:s3+s2], $0x80, v4, vm0, $0xb8;
	[tilespmem:$0x10100] =	vst v63  }
0x124: {  	v3 =	vperm.xlane v3, v2;
	s23 =	simm.s32 $0x4900  }
0x125: {  	[tilespmem:s23], [sflag:$0x1] =	stream.indirect_vreg.gather [hbm4b:s4+s2], $0x80, v4, vm0, $0xb8;
	[tilespmem:$0x10100] =	vst v63  }
0x126: {  	v3 =	vadd.s32 v1, v3  }
0x127: {  	[tilespmem:s17], [sflag:$0x1] =	stream.indirect_vreg.gather [hbm4b:s5+s2], $0x80, v4, vm0, $0xb8;
	[tilespmem:$0x10100] =	vst v63  }
0x128: {  	_ = 	snop  }
0x129: {  	[tilespmem:s18], [sflag:$0x1] =	stream.indirect_vreg.gather [hbm4b:s6+s2], $0x80, v4, vm0, $0xb8;
	[tilespmem:$0x10100] =	vst v63  }
0x12a: {  	_ = 	snop  }
0x12b: {  	[tilespmem:s24], [sflag:$0x1] =	stream.indirect_vreg.gather [hbm4b:s3+s2], $0x80, v3, vm0, $0xb8;
	[tilespmem:$0x10100] =	vst v63  }
0x12c: {  	_ = 	snop  }
0x12d: {  	[tilespmem:s25], [sflag:$0x1] =	stream.indirect_vreg.gather [hbm4b:s4+s2], $0x80, v3, vm0, $0xb8;
	[tilespmem:$0x10100] =	vst v63  }
0x12e: {  	_ = 	snop  }
0x12f: {  	[tilespmem:s28], [sflag:$0x1] =	stream.indirect_vreg.gather [hbm4b:s5+s2], $0x80, v3, vm0, $0xb8;
	[tilespmem:$0x10100] =	vst v63  }
0x130: {  	_ = 	snop  }
0x131: {  	[tilespmem:s29], [sflag:$0x1] =	stream.indirect_vreg.gather [hbm4b:s6+s2], $0x80, v3, vm0, $0xb8;
	[tilespmem:$0x10100] =	vst v63  }
0x132: {  	_ =	swait.ge [sflag:s21], $0x8000  }
0x133: {  	[sflag:s21] =	ssyncset.done $0x0  }
0x134: {  	s23 =	rddreg [dreg:$0xb];
	[sflag:s21] =	ssyncadd.s32 $0xFFFF8000  }
0x135: {  	[hbm4b:s23+s2] =	stream.linear.scatter [tilespmem:s26], [sflag:$0x4], $0x8000, $0x38;
	[tilespmem:$0x10100] =	vst v63  }
0x136: {  	_ =	swait.ge [sflag:s22], $0x8000  }
0x137: {  	[sflag:s22] =	ssyncset.done $0x0  }
0x138: {  	s23 =	rddreg [dreg:$0xc];
	[sflag:s22] =	ssyncadd.s32 $0xFFFF8000  }
0x139: {  	[tilespmem:s0], [sflag:$0x5] =	stream.linear.gather [hbm4b:s23+s2], $0x20, $0x38;
	[tilespmem:$0x10100] =	vst v63  }
0x13a: {  	_ =	swait.ge [sflag:s8], $0x20  }
0x13b: {  	[sflag:s8] =	ssyncset.done $0x0  }
0x13c: {  	[sflag:s8] =	ssyncadd.s32 $0xFFFFFFE0  }
0x13d: {  	v3 =	vld [tilespmem:$0x80];
	_ =	sdelay $0x4  }
0x13e: {  	v42 =	vshll.u32 v3, $0x3  }
0x13f: {  	v3 =	vand.u32 $0x7, v3;
	v4 =	vand.u32 $0xFFFFFFC0, v42  }
0x140: {  	v3 =	vor.u32 v3, v4  }
0x141: {  	v4 =	vperm.xlane v3, v0;
	_ =	sdelay $0x1  }
0x142: {  	v4 =	vadd.s32 v1, v4;
	_ =	sdelay $0x4  }
0x143: {  	[tilespmem:s26], [sflag:$0x2] =	stream.indirect_vreg.gather [hbm4b:s3+s2], $0x80, v4, vm0, $0xb8;
	[tilespmem:$0x10100] =	vst v63  }
0x144: {  	s23 =	simm.s32 $0x8900;
	v3 =	vperm.xlane v3, v2  }
0x145: {  	[tilespmem:s23], [sflag:$0x2] =	stream.indirect_vreg.gather [hbm4b:s4+s2], $0x80, v4, vm0, $0xb8;
	[tilespmem:$0x10100] =	vst v63  }
0x146: {  	s13 =	simm.s32 $0x9100;
	v3 =	vadd.s32 v1, v3  }
0x147: {  	[tilespmem:s13], [sflag:$0x2] =	stream.indirect_vreg.gather [hbm4b:s5+s2], $0x80, v4, vm0, $0xb8;
	[tilespmem:$0x10100] =	vst v63  }
0x148: {  	s31 =	simm.s32 $0x9900  }
0x149: {  	[tilespmem:s31], [sflag:$0x2] =	stream.indirect_vreg.gather [hbm4b:s6+s2], $0x80, v4, vm0, $0xb8;
	[tilespmem:$0x10100] =	vst v63  }
0x14a: {  	s23 =	simm.s32 $0xA100  }
0x14b: {  	[tilespmem:s23], [sflag:$0x2] =	stream.indirect_vreg.gather [hbm4b:s3+s2], $0x80, v3, vm0, $0xb8;
	[tilespmem:$0x10100] =	vst v63  }
0x14c: {  	s23 =	simm.s32 $0xA900  }
0x14d: {  	[tilespmem:s23], [sflag:$0x2] =	stream.indirect_vreg.gather [hbm4b:s4+s2], $0x80, v3, vm0, $0xb8;
	[tilespmem:$0x10100] =	vst v63  }
0x14e: {  	s23 =	simm.s32 $0xB100  }
0x14f: {  	[tilespmem:s23], [sflag:$0x2] =	stream.indirect_vreg.gather [hbm4b:s5+s2], $0x80, v3, vm0, $0xb8;
	[tilespmem:$0x10100] =	vst v63  }
0x150: {  	s23 =	simm.s32 $0xB900  }
0x151: {  	[tilespmem:s23], [sflag:$0x2] =	stream.indirect_vreg.gather [hbm4b:s6+s2], $0x80, v3, vm0, $0xb8;
	[tilespmem:$0x10100] =	vst v63  }
0x152: {  	v3 =	vld [tilespmem:$0x90];
	_ =	sdelay $0x4  }
0x153: {  	v43 =	vshll.u32 v3, $0x3  }
0x154: {  	v3 =	vand.u32 $0x7, v3;
	v4 =	vand.u32 $0xFFFFFFC0, v43  }
0x155: {  	v3 =	vor.u32 v3, v4  }
0x156: {  	v4 =	vperm.xlane v3, v0;
	_ =	sdelay $0x1  }
0x157: {  	v4 =	vadd.s32 v1, v4;
	_ =	sdelay $0x3  }
0x158: {  	s23 =	simm.s32 $0xC100  }
0x159: {  	[tilespmem:s23], [sflag:$0x2] =	stream.indirect_vreg.gather [hbm4b:s3+s2], $0x80, v4, vm0, $0xb8;
	[tilespmem:$0x10100] =	vst v63  }
0x15a: {  	v3 =	vperm.xlane v3, v2;
	s23 =	simm.s32 $0xC900  }
0x15b: {  	[tilespmem:s23], [sflag:$0x2] =	stream.indirect_vreg.gather [hbm4b:s4+s2], $0x80, v4, vm0, $0xb8;
	[tilespmem:$0x10100] =	vst v63  }
0x15c: {  	s14 =	simm.s32 $0xD100;
	v3 =	vadd.s32 v1, v3  }
0x15d: {  	[tilespmem:s14], [sflag:$0x2] =	stream.indirect_vreg.gather [hbm4b:s5+s2], $0x80, v4, vm0, $0xb8;
	[tilespmem:$0x10100] =	vst v63  }
0x15e: {  	s10 =	simm.s32 $0xD900  }
0x15f: {  	[tilespmem:s10], [sflag:$0x2] =	stream.indirect_vreg.gather [hbm4b:s6+s2], $0x80, v4, vm0, $0xb8;
	[tilespmem:$0x10100] =	vst v63  }
0x160: {  	s12 =	simm.s32 $0xE100  }
0x161: {  	[tilespmem:s12], [sflag:$0x2] =	stream.indirect_vreg.gather [hbm4b:s3+s2], $0x80, v3, vm0, $0xb8;
	[tilespmem:$0x10100] =	vst v63  }
0x162: {  	s23 =	simm.s32 $0xE900  }
0x163: {  	[tilespmem:s23], [sflag:$0x2] =	stream.indirect_vreg.gather [hbm4b:s4+s2], $0x80, v3, vm0, $0xb8;
	[tilespmem:$0x10100] =	vst v63  }
0x164: {  	s23 =	simm.s32 $0xF100  }
0x165: {  	[tilespmem:s23], [sflag:$0x2] =	stream.indirect_vreg.gather [hbm4b:s5+s2], $0x80, v3, vm0, $0xb8;
	[tilespmem:$0x10100] =	vst v63  }
0x166: {  	s11 =	simm.s32 $0xF900  }
0x167: {  	[tilespmem:s11], [sflag:$0x2] =	stream.indirect_vreg.gather [hbm4b:s6+s2], $0x80, v3, vm0, $0xb8;
	[tilespmem:$0x10100] =	vst v63  }
0x168: {  	_ =	swait.ge [sflag:s19], $0x8000  }
0x169: {  	[sflag:s19] =	ssyncset.done $0x0  }
0x16a: {  	s23 =	rddreg [dreg:$0xd];
	[sflag:s19] =	ssyncadd.s32 $0xFFFF8000  }
0x16b: {  	[hbm4b:s23+s2] =	stream.linear.scatter [tilespmem:s9], [sflag:$0x3], $0x8000, $0x38;
	[tilespmem:$0x10100] =	vst v63  }
0x16c: {  	_ =	swait.ge [sflag:s20], $0x8000  }
0x16d: {  	[sflag:s20] =	ssyncset.done $0x0  }
0x16e: {  	s23 =	rddreg [dreg:$0xe];
	[sflag:s20] =	ssyncadd.s32 $0xFFFF8000  }
0x16f: {  	[tilespmem:s2], [sflag:$0x5] =	stream.linear.gather [hbm4b:s23+s2], $0x20, $0x38;
	[tilespmem:$0x10100] =	vst v63  }
0x170: {  	_ =	swait.ge [sflag:s8], $0x20  }
0x171: {  	[sflag:s8] =	ssyncset.done $0x0  }
0x172: {  	[sflag:s8] =	ssyncadd.s32 $0xFFFFFFE0  }
0x173: {  	v3 =	vld [tilespmem:$0x0];
	_ =	sdelay $0x4  }
0x174: {  	v44 =	vshll.u32 v3, $0x3  }
0x175: {  	v3 =	vand.u32 $0x7, v3;
	v4 =	vand.u32 $0xFFFFFFC0, v44  }
0x176: {  	v3 =	vor.u32 v3, v4  }
0x177: {  	v4 =	vperm.xlane v3, v0;
	_ =	sdelay $0x1  }
0x178: {  	v4 =	vadd.s32 v1, v4;
	_ =	sdelay $0x4  }
0x179: {  	[tilespmem:s9], [sflag:$0x1] =	stream.indirect_vreg.gather [hbm4b:s3+s2], $0x80, v4, vm0, $0xb8;
	[tilespmem:$0x10100] =	vst v63  }
0x17a: {  	s23 =	simm.s32 $0x900;
	v3 =	vperm.xlane v3, v2  }
0x17b: {  	[tilespmem:s23], [sflag:$0x1] =	stream.indirect_vreg.gather [hbm4b:s4+s2], $0x80, v4, vm0, $0xb8;
	[tilespmem:$0x10100] =	vst v63  }
0x17c: {  	v3 =	vadd.s32 v1, v3;
	s23 =	simm.s32 $0x1100  }
0x17d: {  	[tilespmem:s23], [sflag:$0x1] =	stream.indirect_vreg.gather [hbm4b:s5+s2], $0x80, v4, vm0, $0xb8;
	[tilespmem:$0x10100] =	vst v63  }
0x17e: {  	s1 =	simm.s32 $0x1900  }
0x17f: {  	[tilespmem:s1], [sflag:$0x1] =	stream.indirect_vreg.gather [hbm4b:s6+s2], $0x80, v4, vm0, $0xb8;
	[tilespmem:$0x10100] =	vst v63  }
0x180: {  	s7 =	simm.s32 $0x2100  }
0x181: {  	[tilespmem:s7], [sflag:$0x1] =	stream.indirect_vreg.gather [hbm4b:s3+s2], $0x80, v3, vm0, $0xb8;
	[tilespmem:$0x10100] =	vst v63  }
0x182: {  	s15 =	simm.s32 $0x2900  }
0x183: {  	[tilespmem:s15], [sflag:$0x1] =	stream.indirect_vreg.gather [hbm4b:s4+s2], $0x80, v3, vm0, $0xb8;
	[tilespmem:$0x10100] =	vst v63  }
0x184: {  	s16 =	simm.s32 $0x3100  }
0x185: {  	[tilespmem:s16], [sflag:$0x1] =	stream.indirect_vreg.gather [hbm4b:s5+s2], $0x80, v3, vm0, $0xb8;
	[tilespmem:$0x10100] =	vst v63  }
0x186: {  	s23 =	simm.s32 $0x3900  }
0x187: {  	[tilespmem:s23], [sflag:$0x1] =	stream.indirect_vreg.gather [hbm4b:s6+s2], $0x80, v3, vm0, $0xb8;
	[tilespmem:$0x10100] =	vst v63  }
0x188: {  	v3 =	vld [tilespmem:$0x10];
	_ =	sdelay $0x4  }
0x189: {  	v45 =	vshll.u32 v3, $0x3  }
0x18a: {  	v3 =	vand.u32 $0x7, v3;
	v4 =	vand.u32 $0xFFFFFFC0, v45  }
0x18b: {  	v3 =	vor.u32 v3, v4  }
0x18c: {  	v4 =	vperm.xlane v3, v0;
	_ =	sdelay $0x1  }
0x18d: {  	v4 =	vadd.s32 v1, v4;
	_ =	sdelay $0x3  }
0x18e: {  	s23 =	simm.s32 $0x4100  }
0x18f: {  	[tilespmem:s23], [sflag:$0x1] =	stream.indirect_vreg.gather [hbm4b:s3+s2], $0x80, v4, vm0, $0xb8;
	[tilespmem:$0x10100] =	vst v63  }
0x190: {  	v3 =	vperm.xlane v3, v2;
	s23 =	simm.s32 $0x4900  }
0x191: {  	[tilespmem:s23], [sflag:$0x1] =	stream.indirect_vreg.gather [hbm4b:s4+s2], $0x80, v4, vm0, $0xb8;
	[tilespmem:$0x10100] =	vst v63  }
0x192: {  	s17 =	simm.s32 $0x5100;
	v3 =	vadd.s32 v1, v3  }
0x193: {  	[tilespmem:s17], [sflag:$0x1] =	stream.indirect_vreg.gather [hbm4b:s5+s2], $0x80, v4, vm0, $0xb8;
	[tilespmem:$0x10100] =	vst v63  }
0x194: {  	s18 =	simm.s32 $0x5900  }
0x195: {  	[tilespmem:s18], [sflag:$0x1] =	stream.indirect_vreg.gather [hbm4b:s6+s2], $0x80, v4, vm0, $0xb8;
	[tilespmem:$0x10100] =	vst v63  }
0x196: {  	s24 =	simm.s32 $0x6100  }
0x197: {  	[tilespmem:s24], [sflag:$0x1] =	stream.indirect_vreg.gather [hbm4b:s3+s2], $0x80, v3, vm0, $0xb8;
	[tilespmem:$0x10100] =	vst v63  }
0x198: {  	s25 =	simm.s32 $0x6900  }
0x199: {  	[tilespmem:s25], [sflag:$0x1] =	stream.indirect_vreg.gather [hbm4b:s4+s2], $0x80, v3, vm0, $0xb8;
	[tilespmem:$0x10100] =	vst v63  }
0x19a: {  	s28 =	simm.s32 $0x7100  }
0x19b: {  	[tilespmem:s28], [sflag:$0x1] =	stream.indirect_vreg.gather [hbm4b:s5+s2], $0x80, v3, vm0, $0xb8;
	[tilespmem:$0x10100] =	vst v63  }
0x19c: {  	s29 =	simm.s32 $0x7900  }
0x19d: {  	[tilespmem:s29], [sflag:$0x1] =	stream.indirect_vreg.gather [hbm4b:s6+s2], $0x80, v3, vm0, $0xb8;
	[tilespmem:$0x10100] =	vst v63  }
0x19e: {  	_ =	swait.ge [sflag:s21], $0x8000  }
0x19f: {  	[sflag:s21] =	ssyncset.done $0x0  }
0x1a0: {  	s15 =	rddreg [dreg:$0xf];
	[sflag:s21] =	ssyncadd.s32 $0xFFFF8000  }
0x1a1: {  	[hbm4b:s15+s2] =	stream.linear.scatter [tilespmem:s26], [sflag:$0x4], $0x8000, $0x38;
	[tilespmem:$0x10100] =	vst v63  }
0x1a2: {  	_ =	swait.ge [sflag:s22], $0x8000  }
0x1a3: {  	[sflag:s22] =	ssyncset.done $0x0  }
0x1a4: {  	s0 =	simm.s32 $0x80;
	s15 =	rddreg [dreg:$0x10];
	[sflag:s22] =	ssyncadd.s32 $0xFFFF8000  }
0x1a5: {  	[tilespmem:s0], [sflag:$0x5] =	stream.linear.gather [hbm4b:s15+s2], $0x20, $0x38;
	[tilespmem:$0x10100] =	vst v63  }
0x1a6: {  	_ =	swait.ge [sflag:s8], $0x20  }
0x1a7: {  	[sflag:s8] =	ssyncset.done $0x0  }
0x1a8: {  	[sflag:s8] =	ssyncadd.s32 $0xFFFFFFE0  }
0x1a9: {  	v3 =	vld [tilespmem:$0x80];
	_ =	sdelay $0x4  }
0x1aa: {  	v46 =	vshll.u32 v3, $0x3  }
0x1ab: {  	v3 =	vand.u32 $0x7, v3;
	v4 =	vand.u32 $0xFFFFFFC0, v46  }
0x1ac: {  	v3 =	vor.u32 v3, v4  }
0x1ad: {  	v4 =	vperm.xlane v3, v0;
	_ =	sdelay $0x1  }
0x1ae: {  	v4 =	vadd.s32 v1, v4;
	_ =	sdelay $0x4  }
0x1af: {  	[tilespmem:s26], [sflag:$0x2] =	stream.indirect_vreg.gather [hbm4b:s3+s2], $0x80, v4, vm0, $0xb8;
	[tilespmem:$0x10100] =	vst v63  }
0x1b0: {  	s23 =	simm.s32 $0x8900;
	v3 =	vperm.xlane v3, v2  }
0x1b1: {  	[tilespmem:s23], [sflag:$0x2] =	stream.indirect_vreg.gather [hbm4b:s4+s2], $0x80, v4, vm0, $0xb8;
	[tilespmem:$0x10100] =	vst v63  }
0x1b2: {  	s13 =	simm.s32 $0x9100;
	v3 =	vadd.s32 v1, v3  }
0x1b3: {  	[tilespmem:s13], [sflag:$0x2] =	stream.indirect_vreg.gather [hbm4b:s5+s2], $0x80, v4, vm0, $0xb8;
	[tilespmem:$0x10100] =	vst v63  }
0x1b4: {  	s31 =	simm.s32 $0x9900  }
0x1b5: {  	[tilespmem:s31], [sflag:$0x2] =	stream.indirect_vreg.gather [hbm4b:s6+s2], $0x80, v4, vm0, $0xb8;
	[tilespmem:$0x10100] =	vst v63  }
0x1b6: {  	s31 =	simm.s32 $0xA100  }
0x1b7: {  	[tilespmem:s31], [sflag:$0x2] =	stream.indirect_vreg.gather [hbm4b:s3+s2], $0x80, v3, vm0, $0xb8;
	[tilespmem:$0x10100] =	vst v63  }
0x1b8: {  	s23 =	simm.s32 $0xA900  }
0x1b9: {  	[tilespmem:s23], [sflag:$0x2] =	stream.indirect_vreg.gather [hbm4b:s4+s2], $0x80, v3, vm0, $0xb8;
	[tilespmem:$0x10100] =	vst v63  }
0x1ba: {  	s23 =	simm.s32 $0xB100  }
0x1bb: {  	[tilespmem:s23], [sflag:$0x2] =	stream.indirect_vreg.gather [hbm4b:s5+s2], $0x80, v3, vm0, $0xb8;
	[tilespmem:$0x10100] =	vst v63  }
0x1bc: {  	s23 =	simm.s32 $0xB900  }
0x1bd: {  	[tilespmem:s23], [sflag:$0x2] =	stream.indirect_vreg.gather [hbm4b:s6+s2], $0x80, v3, vm0, $0xb8;
	[tilespmem:$0x10100] =	vst v63  }
0x1be: {  	v3 =	vld [tilespmem:$0x90];
	_ =	sdelay $0x4  }
0x1bf: {  	v47 =	vshll.u32 v3, $0x3  }
0x1c0: {  	v3 =	vand.u32 $0x7, v3;
	v4 =	vand.u32 $0xFFFFFFC0, v47  }
0x1c1: {  	v3 =	vor.u32 v3, v4  }
0x1c2: {  	v4 =	vperm.xlane v3, v0;
	_ =	sdelay $0x1  }
0x1c3: {  	v4 =	vadd.s32 v1, v4;
	_ =	sdelay $0x3  }
0x1c4: {  	s23 =	simm.s32 $0xC100  }
0x1c5: {  	[tilespmem:s23], [sflag:$0x2] =	stream.indirect_vreg.gather [hbm4b:s3+s2], $0x80, v4, vm0, $0xb8;
	[tilespmem:$0x10100] =	vst v63  }
0x1c6: {  	v3 =	vperm.xlane v3, v2;
	s23 =	simm.s32 $0xC900  }
0x1c7: {  	[tilespmem:s23], [sflag:$0x2] =	stream.indirect_vreg.gather [hbm4b:s4+s2], $0x80, v4, vm0, $0xb8;
	[tilespmem:$0x10100] =	vst v63  }
0x1c8: {  	v3 =	vadd.s32 v1, v3;
	s23 =	simm.s32 $0xD100  }
0x1c9: {  	[tilespmem:s23], [sflag:$0x2] =	stream.indirect_vreg.gather [hbm4b:s5+s2], $0x80, v4, vm0, $0xb8;
	[tilespmem:$0x10100] =	vst v63  }
0x1ca: {  	s14 =	simm.s32 $0xD900  }
0x1cb: {  	[tilespmem:s14], [sflag:$0x2] =	stream.indirect_vreg.gather [hbm4b:s6+s2], $0x80, v4, vm0, $0xb8;
	[tilespmem:$0x10100] =	vst v63  }
0x1cc: {  	s10 =	simm.s32 $0xE100  }
0x1cd: {  	[tilespmem:s10], [sflag:$0x2] =	stream.indirect_vreg.gather [hbm4b:s3+s2], $0x80, v3, vm0, $0xb8;
	[tilespmem:$0x10100] =	vst v63  }
0x1ce: {  	s12 =	simm.s32 $0xE900  }
0x1cf: {  	[tilespmem:s12], [sflag:$0x2] =	stream.indirect_vreg.gather [hbm4b:s4+s2], $0x80, v3, vm0, $0xb8;
	[tilespmem:$0x10100] =	vst v63  }
0x1d0: {  	s23 =	simm.s32 $0xF100  }
0x1d1: {  	[tilespmem:s23], [sflag:$0x2] =	stream.indirect_vreg.gather [hbm4b:s5+s2], $0x80, v3, vm0, $0xb8;
	[tilespmem:$0x10100] =	vst v63  }
0x1d2: {  	s11 =	simm.s32 $0xF900  }
0x1d3: {  	[tilespmem:s11], [sflag:$0x2] =	stream.indirect_vreg.gather [hbm4b:s6+s2], $0x80, v3, vm0, $0xb8;
	[tilespmem:$0x10100] =	vst v63  }
0x1d4: {  	_ =	swait.ge [sflag:s19], $0x8000  }
0x1d5: {  	[sflag:s19] =	ssyncset.done $0x0  }
0x1d6: {  	s23 =	rddreg [dreg:$0x11];
	[sflag:s19] =	ssyncadd.s32 $0xFFFF8000  }
0x1d7: {  	[hbm4b:s23+s2] =	stream.linear.scatter [tilespmem:s9], [sflag:$0x3], $0x8000, $0x38;
	[tilespmem:$0x10100] =	vst v63  }
0x1d8: {  	_ =	swait.ge [sflag:s20], $0x8000  }
0x1d9: {  	[sflag:s20] =	ssyncset.done $0x0  }
0x1da: {  	s23 =	rddreg [dreg:$0x12];
	[sflag:s20] =	ssyncadd.s32 $0xFFFF8000  }
0x1db: {  	[tilespmem:s2], [sflag:$0x5] =	stream.linear.gather [hbm4b:s23+s2], $0x20, $0x38;
	[tilespmem:$0x10100] =	vst v63  }
0x1dc: {  	_ =	swait.ge [sflag:s8], $0x20  }
0x1dd: {  	[sflag:s8] =	ssyncset.done $0x0  }
0x1de: {  	[sflag:s8] =	ssyncadd.s32 $0xFFFFFFE0  }
0x1df: {  	v3 =	vld [tilespmem:$0x0];
	_ =	sdelay $0x4  }
0x1e0: {  	v48 =	vshll.u32 v3, $0x3  }
0x1e1: {  	v3 =	vand.u32 $0x7, v3;
	v4 =	vand.u32 $0xFFFFFFC0, v48  }
0x1e2: {  	v3 =	vor.u32 v3, v4  }
0x1e3: {  	v4 =	vperm.xlane v3, v0;
	_ =	sdelay $0x1  }
0x1e4: {  	v4 =	vadd.s32 v1, v4;
	_ =	sdelay $0x4  }
0x1e5: {  	[tilespmem:s9], [sflag:$0x1] =	stream.indirect_vreg.gather [hbm4b:s3+s2], $0x80, v4, vm0, $0xb8;
	[tilespmem:$0x10100] =	vst v63  }
0x1e6: {  	s23 =	simm.s32 $0x900;
	v3 =	vperm.xlane v3, v2  }
0x1e7: {  	[tilespmem:s23], [sflag:$0x1] =	stream.indirect_vreg.gather [hbm4b:s4+s2], $0x80, v4, vm0, $0xb8;
	[tilespmem:$0x10100] =	vst v63  }
0x1e8: {  	v3 =	vadd.s32 v1, v3;
	s23 =	simm.s32 $0x1100  }
0x1e9: {  	[tilespmem:s23], [sflag:$0x1] =	stream.indirect_vreg.gather [hbm4b:s5+s2], $0x80, v4, vm0, $0xb8;
	[tilespmem:$0x10100] =	vst v63  }
0x1ea: {  	s23 =	simm.s32 $0x1900  }
0x1eb: {  	[tilespmem:s23], [sflag:$0x1] =	stream.indirect_vreg.gather [hbm4b:s6+s2], $0x80, v4, vm0, $0xb8;
	[tilespmem:$0x10100] =	vst v63  }
0x1ec: {  	s7 =	simm.s32 $0x2100  }
0x1ed: {  	[tilespmem:s7], [sflag:$0x1] =	stream.indirect_vreg.gather [hbm4b:s3+s2], $0x80, v3, vm0, $0xb8;
	[tilespmem:$0x10100] =	vst v63  }
0x1ee: {  	s1 =	simm.s32 $0x2900  }
0x1ef: {  	[tilespmem:s1], [sflag:$0x1] =	stream.indirect_vreg.gather [hbm4b:s4+s2], $0x80, v3, vm0, $0xb8;
	[tilespmem:$0x10100] =	vst v63  }
0x1f0: {  	s16 =	simm.s32 $0x3100  }
0x1f1: {  	[tilespmem:s16], [sflag:$0x1] =	stream.indirect_vreg.gather [hbm4b:s5+s2], $0x80, v3, vm0, $0xb8;
	[tilespmem:$0x10100] =	vst v63  }
0x1f2: {  	s23 =	simm.s32 $0x3900  }
0x1f3: {  	[tilespmem:s23], [sflag:$0x1] =	stream.indirect_vreg.gather [hbm4b:s6+s2], $0x80, v3, vm0, $0xb8;
	[tilespmem:$0x10100] =	vst v63  }
0x1f4: {  	v3 =	vld [tilespmem:$0x10];
	_ =	sdelay $0x4  }
0x1f5: {  	v49 =	vshll.u32 v3, $0x3  }
0x1f6: {  	v3 =	vand.u32 $0x7, v3;
	v4 =	vand.u32 $0xFFFFFFC0, v49  }
0x1f7: {  	v3 =	vor.u32 v3, v4  }
0x1f8: {  	v4 =	vperm.xlane v3, v0;
	_ =	sdelay $0x1  }
0x1f9: {  	v4 =	vadd.s32 v1, v4;
	_ =	sdelay $0x3  }
0x1fa: {  	s23 =	simm.s32 $0x4100  }
0x1fb: {  	[tilespmem:s23], [sflag:$0x1] =	stream.indirect_vreg.gather [hbm4b:s3+s2], $0x80, v4, vm0, $0xb8;
	[tilespmem:$0x10100] =	vst v63  }
0x1fc: {  	v3 =	vperm.xlane v3, v2;
	s23 =	simm.s32 $0x4900  }
0x1fd: {  	[tilespmem:s23], [sflag:$0x1] =	stream.indirect_vreg.gather [hbm4b:s4+s2], $0x80, v4, vm0, $0xb8;
	[tilespmem:$0x10100] =	vst v63  }
0x1fe: {  	s17 =	simm.s32 $0x5100;
	v3 =	vadd.s32 v1, v3  }
0x1ff: {  	[tilespmem:s17], [sflag:$0x1] =	stream.indirect_vreg.gather [hbm4b:s5+s2], $0x80, v4, vm0, $0xb8;
	[tilespmem:$0x10100] =	vst v63  }
0x200: {  	s18 =	simm.s32 $0x5900  }
0x201: {  	[tilespmem:s18], [sflag:$0x1] =	stream.indirect_vreg.gather [hbm4b:s6+s2], $0x80, v4, vm0, $0xb8;
	[tilespmem:$0x10100] =	vst v63  }
0x202: {  	s24 =	simm.s32 $0x6100  }
0x203: {  	[tilespmem:s24], [sflag:$0x1] =	stream.indirect_vreg.gather [hbm4b:s3+s2], $0x80, v3, vm0, $0xb8;
	[tilespmem:$0x10100] =	vst v63  }
0x204: {  	s25 =	simm.s32 $0x6900  }
0x205: {  	[tilespmem:s25], [sflag:$0x1] =	stream.indirect_vreg.gather [hbm4b:s4+s2], $0x80, v3, vm0, $0xb8;
	[tilespmem:$0x10100] =	vst v63  }
0x206: {  	s28 =	simm.s32 $0x7100  }
0x207: {  	[tilespmem:s28], [sflag:$0x1] =	stream.indirect_vreg.gather [hbm4b:s5+s2], $0x80, v3, vm0, $0xb8;
	[tilespmem:$0x10100] =	vst v63  }
0x208: {  	s29 =	simm.s32 $0x7900  }
0x209: {  	[tilespmem:s29], [sflag:$0x1] =	stream.indirect_vreg.gather [hbm4b:s6+s2], $0x80, v3, vm0, $0xb8;
	[tilespmem:$0x10100] =	vst v63  }
0x20a: {  	_ =	swait.ge [sflag:s21], $0x8000  }
0x20b: {  	[sflag:s21] =	ssyncset.done $0x0  }
0x20c: {  	s1 =	rddreg [dreg:$0x13];
	[sflag:s21] =	ssyncadd.s32 $0xFFFF8000  }
0x20d: {  	[hbm4b:s1+s2] =	stream.linear.scatter [tilespmem:s26], [sflag:$0x4], $0x8000, $0x38;
	[tilespmem:$0x10100] =	vst v63  }
0x20e: {  	_ =	swait.ge [sflag:s22], $0x8000  }
0x20f: {  	[sflag:s22] =	ssyncset.done $0x0  }
0x210: {  	s0 =	simm.s32 $0x80;
	s1 =	rddreg [dreg:$0x14];
	[sflag:s22] =	ssyncadd.s32 $0xFFFF8000  }
0x211: {  	[tilespmem:s0], [sflag:$0x5] =	stream.linear.gather [hbm4b:s1+s2], $0x20, $0x38;
	[tilespmem:$0x10100] =	vst v63  }
0x212: {  	_ =	swait.ge [sflag:s8], $0x20  }
0x213: {  	[sflag:s8] =	ssyncset.done $0x0  }
0x214: {  	[sflag:s8] =	ssyncadd.s32 $0xFFFFFFE0  }
0x215: {  	v3 =	vld [tilespmem:$0x80];
	_ =	sdelay $0x4  }
0x216: {  	v50 =	vshll.u32 v3, $0x3  }
0x217: {  	v3 =	vand.u32 $0x7, v3;
	v4 =	vand.u32 $0xFFFFFFC0, v50  }
0x218: {  	v3 =	vor.u32 v3, v4  }
0x219: {  	v4 =	vperm.xlane v3, v0;
	_ =	sdelay $0x1  }
0x21a: {  	v4 =	vadd.s32 v1, v4;
	_ =	sdelay $0x4  }
0x21b: {  	[tilespmem:s26], [sflag:$0x2] =	stream.indirect_vreg.gather [hbm4b:s3+s2], $0x80, v4, vm0, $0xb8;
	[tilespmem:$0x10100] =	vst v63  }
0x21c: {  	s23 =	simm.s32 $0x8900;
	v3 =	vperm.xlane v3, v2  }
0x21d: {  	[tilespmem:s23], [sflag:$0x2] =	stream.indirect_vreg.gather [hbm4b:s4+s2], $0x80, v4, vm0, $0xb8;
	[tilespmem:$0x10100] =	vst v63  }
0x21e: {  	s13 =	simm.s32 $0x9100;
	v3 =	vadd.s32 v1, v3  }
0x21f: {  	[tilespmem:s13], [sflag:$0x2] =	stream.indirect_vreg.gather [hbm4b:s5+s2], $0x80, v4, vm0, $0xb8;
	[tilespmem:$0x10100] =	vst v63  }
0x220: {  	s15 =	simm.s32 $0x9900  }
0x221: {  	[tilespmem:s15], [sflag:$0x2] =	stream.indirect_vreg.gather [hbm4b:s6+s2], $0x80, v4, vm0, $0xb8;
	[tilespmem:$0x10100] =	vst v63  }
0x222: {  	s31 =	simm.s32 $0xA100  }
0x223: {  	[tilespmem:s31], [sflag:$0x2] =	stream.indirect_vreg.gather [hbm4b:s3+s2], $0x80, v3, vm0, $0xb8;
	[tilespmem:$0x10100] =	vst v63  }
0x224: {  	s31 =	simm.s32 $0xA900  }
0x225: {  	[tilespmem:s31], [sflag:$0x2] =	stream.indirect_vreg.gather [hbm4b:s4+s2], $0x80, v3, vm0, $0xb8;
	[tilespmem:$0x10100] =	vst v63  }
0x226: {  	s23 =	simm.s32 $0xB100  }
0x227: {  	[tilespmem:s23], [sflag:$0x2] =	stream.indirect_vreg.gather [hbm4b:s5+s2], $0x80, v3, vm0, $0xb8;
	[tilespmem:$0x10100] =	vst v63  }
0x228: {  	s23 =	simm.s32 $0xB900  }
0x229: {  	[tilespmem:s23], [sflag:$0x2] =	stream.indirect_vreg.gather [hbm4b:s6+s2], $0x80, v3, vm0, $0xb8;
	[tilespmem:$0x10100] =	vst v63  }
0x22a: {  	v3 =	vld [tilespmem:$0x90];
	_ =	sdelay $0x4  }
0x22b: {  	v51 =	vshll.u32 v3, $0x3  }
0x22c: {  	v3 =	vand.u32 $0x7, v3;
	v4 =	vand.u32 $0xFFFFFFC0, v51  }
0x22d: {  	v3 =	vor.u32 v3, v4  }
0x22e: {  	v4 =	vperm.xlane v3, v0;
	_ =	sdelay $0x1  }
0x22f: {  	v4 =	vadd.s32 v1, v4;
	_ =	sdelay $0x3  }
0x230: {  	s23 =	simm.s32 $0xC100  }
0x231: {  	[tilespmem:s23], [sflag:$0x2] =	stream.indirect_vreg.gather [hbm4b:s3+s2], $0x80, v4, vm0, $0xb8;
	[tilespmem:$0x10100] =	vst v63  }
0x232: {  	v3 =	vperm.xlane v3, v2;
	s23 =	simm.s32 $0xC900  }
0x233: {  	[tilespmem:s23], [sflag:$0x2] =	stream.indirect_vreg.gather [hbm4b:s4+s2], $0x80, v4, vm0, $0xb8;
	[tilespmem:$0x10100] =	vst v63  }
0x234: {  	v3 =	vadd.s32 v1, v3;
	s23 =	simm.s32 $0xD100  }
0x235: {  	[tilespmem:s23], [sflag:$0x2] =	stream.indirect_vreg.gather [hbm4b:s5+s2], $0x80, v4, vm0, $0xb8;
	[tilespmem:$0x10100] =	vst v63  }
0x236: {  	s14 =	simm.s32 $0xD900  }
0x237: {  	[tilespmem:s14], [sflag:$0x2] =	stream.indirect_vreg.gather [hbm4b:s6+s2], $0x80, v4, vm0, $0xb8;
	[tilespmem:$0x10100] =	vst v63  }
0x238: {  	s10 =	simm.s32 $0xE100  }
0x239: {  	[tilespmem:s10], [sflag:$0x2] =	stream.indirect_vreg.gather [hbm4b:s3+s2], $0x80, v3, vm0, $0xb8;
	[tilespmem:$0x10100] =	vst v63  }
0x23a: {  	s12 =	simm.s32 $0xE900  }
0x23b: {  	[tilespmem:s12], [sflag:$0x2] =	stream.indirect_vreg.gather [hbm4b:s4+s2], $0x80, v3, vm0, $0xb8;
	[tilespmem:$0x10100] =	vst v63  }
0x23c: {  	s23 =	simm.s32 $0xF100  }
0x23d: {  	[tilespmem:s23], [sflag:$0x2] =	stream.indirect_vreg.gather [hbm4b:s5+s2], $0x80, v3, vm0, $0xb8;
	[tilespmem:$0x10100] =	vst v63  }
0x23e: {  	s11 =	simm.s32 $0xF900  }
0x23f: {  	[tilespmem:s11], [sflag:$0x2] =	stream.indirect_vreg.gather [hbm4b:s6+s2], $0x80, v3, vm0, $0xb8;
	[tilespmem:$0x10100] =	vst v63  }
0x240: {  	_ =	swait.ge [sflag:s19], $0x8000  }
0x241: {  	[sflag:s19] =	ssyncset.done $0x0  }
0x242: {  	s23 =	rddreg [dreg:$0x15];
	[sflag:s19] =	ssyncadd.s32 $0xFFFF8000  }
0x243: {  	[hbm4b:s23+s2] =	stream.linear.scatter [tilespmem:s9], [sflag:$0x3], $0x8000, $0x38;
	[tilespmem:$0x10100] =	vst v63  }
0x244: {  	_ =	swait.ge [sflag:s20], $0x8000  }
0x245: {  	[sflag:s20] =	ssyncset.done $0x0  }
0x246: {  	s23 =	rddreg [dreg:$0x16];
	[sflag:s20] =	ssyncadd.s32 $0xFFFF8000  }
0x247: {  	[tilespmem:s2], [sflag:$0x5] =	stream.linear.gather [hbm4b:s23+s2], $0x20, $0x38;
	[tilespmem:$0x10100] =	vst v63  }
0x248: {  	_ =	swait.ge [sflag:s8], $0x20  }
0x249: {  	[sflag:s8] =	ssyncset.done $0x0  }
0x24a: {  	[sflag:s8] =	ssyncadd.s32 $0xFFFFFFE0  }
0x24b: {  	v3 =	vld [tilespmem:$0x0];
	_ =	sdelay $0x4  }
0x24c: {  	v52 =	vshll.u32 v3, $0x3  }
0x24d: {  	v3 =	vand.u32 $0x7, v3;
	v4 =	vand.u32 $0xFFFFFFC0, v52  }
0x24e: {  	v3 =	vor.u32 v3, v4  }
0x24f: {  	v4 =	vperm.xlane v3, v0;
	_ =	sdelay $0x1  }
0x250: {  	v4 =	vadd.s32 v1, v4;
	_ =	sdelay $0x4  }
0x251: {  	[tilespmem:s9], [sflag:$0x1] =	stream.indirect_vreg.gather [hbm4b:s3+s2], $0x80, v4, vm0, $0xb8;
	[tilespmem:$0x10100] =	vst v63  }
0x252: {  	s23 =	simm.s32 $0x900;
	v3 =	vperm.xlane v3, v2  }
0x253: {  	[tilespmem:s23], [sflag:$0x1] =	stream.indirect_vreg.gather [hbm4b:s4+s2], $0x80, v4, vm0, $0xb8;
	[tilespmem:$0x10100] =	vst v63  }
0x254: {  	v3 =	vadd.s32 v1, v3;
	s23 =	simm.s32 $0x1100  }
0x255: {  	[tilespmem:s23], [sflag:$0x1] =	stream.indirect_vreg.gather [hbm4b:s5+s2], $0x80, v4, vm0, $0xb8;
	[tilespmem:$0x10100] =	vst v63  }
0x256: {  	s23 =	simm.s32 $0x1900  }
0x257: {  	[tilespmem:s23], [sflag:$0x1] =	stream.indirect_vreg.gather [hbm4b:s6+s2], $0x80, v4, vm0, $0xb8;
	[tilespmem:$0x10100] =	vst v63  }
0x258: {  	s23 =	simm.s32 $0x2100  }
0x259: {  	[tilespmem:s23], [sflag:$0x1] =	stream.indirect_vreg.gather [hbm4b:s3+s2], $0x80, v3, vm0, $0xb8;
	[tilespmem:$0x10100] =	vst v63  }
0x25a: {  	s7 =	simm.s32 $0x2900  }
0x25b: {  	[tilespmem:s7], [sflag:$0x1] =	stream.indirect_vreg.gather [hbm4b:s4+s2], $0x80, v3, vm0, $0xb8;
	[tilespmem:$0x10100] =	vst v63  }
0x25c: {  	s16 =	simm.s32 $0x3100  }
0x25d: {  	[tilespmem:s16], [sflag:$0x1] =	stream.indirect_vreg.gather [hbm4b:s5+s2], $0x80, v3, vm0, $0xb8;
	[tilespmem:$0x10100] =	vst v63  }
0x25e: {  	s23 =	simm.s32 $0x3900  }
0x25f: {  	[tilespmem:s23], [sflag:$0x1] =	stream.indirect_vreg.gather [hbm4b:s6+s2], $0x80, v3, vm0, $0xb8;
	[tilespmem:$0x10100] =	vst v63  }
0x260: {  	v3 =	vld [tilespmem:$0x10];
	_ =	sdelay $0x4  }
0x261: {  	v53 =	vshll.u32 v3, $0x3  }
0x262: {  	v3 =	vand.u32 $0x7, v3;
	v4 =	vand.u32 $0xFFFFFFC0, v53  }
0x263: {  	v3 =	vor.u32 v3, v4  }
0x264: {  	v4 =	vperm.xlane v3, v0;
	_ =	sdelay $0x1  }
0x265: {  	v4 =	vadd.s32 v1, v4;
	_ =	sdelay $0x3  }
0x266: {  	s16 =	simm.s32 $0x4100  }
0x267: {  	[tilespmem:s16], [sflag:$0x1] =	stream.indirect_vreg.gather [hbm4b:s3+s2], $0x80, v4, vm0, $0xb8;
	[tilespmem:$0x10100] =	vst v63  }
0x268: {  	s23 =	simm.s32 $0x4900;
	v3 =	vperm.xlane v3, v2  }
0x269: {  	[tilespmem:s23], [sflag:$0x1] =	stream.indirect_vreg.gather [hbm4b:s4+s2], $0x80, v4, vm0, $0xb8;
	[tilespmem:$0x10100] =	vst v63  }
0x26a: {  	s17 =	simm.s32 $0x5100;
	v3 =	vadd.s32 v1, v3  }
0x26b: {  	[tilespmem:s17], [sflag:$0x1] =	stream.indirect_vreg.gather [hbm4b:s5+s2], $0x80, v4, vm0, $0xb8;
	[tilespmem:$0x10100] =	vst v63  }
0x26c: {  	s18 =	simm.s32 $0x5900  }
0x26d: {  	[tilespmem:s18], [sflag:$0x1] =	stream.indirect_vreg.gather [hbm4b:s6+s2], $0x80, v4, vm0, $0xb8;
	[tilespmem:$0x10100] =	vst v63  }
0x26e: {  	s24 =	simm.s32 $0x6100  }
0x26f: {  	[tilespmem:s24], [sflag:$0x1] =	stream.indirect_vreg.gather [hbm4b:s3+s2], $0x80, v3, vm0, $0xb8;
	[tilespmem:$0x10100] =	vst v63  }
0x270: {  	s25 =	simm.s32 $0x6900  }
0x271: {  	[tilespmem:s25], [sflag:$0x1] =	stream.indirect_vreg.gather [hbm4b:s4+s2], $0x80, v3, vm0, $0xb8;
	[tilespmem:$0x10100] =	vst v63  }
0x272: {  	s28 =	simm.s32 $0x7100  }
0x273: {  	[tilespmem:s28], [sflag:$0x1] =	stream.indirect_vreg.gather [hbm4b:s5+s2], $0x80, v3, vm0, $0xb8;
	[tilespmem:$0x10100] =	vst v63  }
0x274: {  	s29 =	simm.s32 $0x7900  }
0x275: {  	[tilespmem:s29], [sflag:$0x1] =	stream.indirect_vreg.gather [hbm4b:s6+s2], $0x80, v3, vm0, $0xb8;
	[tilespmem:$0x10100] =	vst v63  }
0x276: {  	_ =	swait.ge [sflag:s21], $0x8000  }
0x277: {  	[sflag:s21] =	ssyncset.done $0x0  }
0x278: {  	s7 =	rddreg [dreg:$0x17];
	[sflag:s21] =	ssyncadd.s32 $0xFFFF8000  }
0x279: {  	[hbm4b:s7+s2] =	stream.linear.scatter [tilespmem:s26], [sflag:$0x4], $0x8000, $0x38;
	[tilespmem:$0x10100] =	vst v63  }
0x27a: {  	_ =	swait.ge [sflag:s22], $0x8000  }
0x27b: {  	[sflag:s22] =	ssyncset.done $0x0  }
0x27c: {  	s0 =	simm.s32 $0x80;
	s16 =	rddreg [dreg:$0x18];
	[sflag:s22] =	ssyncadd.s32 $0xFFFF8000  }
0x27d: {  	[tilespmem:s0], [sflag:$0x5] =	stream.linear.gather [hbm4b:s16+s2], $0x20, $0x38;
	[tilespmem:$0x10100] =	vst v63  }
0x27e: {  	_ =	swait.ge [sflag:s8], $0x20  }
0x27f: {  	[sflag:s8] =	ssyncset.done $0x0  }
0x280: {  	[sflag:s8] =	ssyncadd.s32 $0xFFFFFFE0  }
0x281: {  	v3 =	vld [tilespmem:$0x80];
	_ =	sdelay $0x4  }
0x282: {  	v54 =	vshll.u32 v3, $0x3  }
0x283: {  	v3 =	vand.u32 $0x7, v3;
	v4 =	vand.u32 $0xFFFFFFC0, v54  }
0x284: {  	v3 =	vor.u32 v3, v4  }
0x285: {  	v4 =	vperm.xlane v3, v0;
	_ =	sdelay $0x1  }
0x286: {  	v4 =	vadd.s32 v1, v4;
	_ =	sdelay $0x4  }
0x287: {  	[tilespmem:s26], [sflag:$0x2] =	stream.indirect_vreg.gather [hbm4b:s3+s2], $0x80, v4, vm0, $0xb8;
	[tilespmem:$0x10100] =	vst v63  }
0x288: {  	s23 =	simm.s32 $0x8900;
	v3 =	vperm.xlane v3, v2  }
0x289: {  	[tilespmem:s23], [sflag:$0x2] =	stream.indirect_vreg.gather [hbm4b:s4+s2], $0x80, v4, vm0, $0xb8;
	[tilespmem:$0x10100] =	vst v63  }
0x28a: {  	s1 =	simm.s32 $0x9100;
	v3 =	vadd.s32 v1, v3  }
0x28b: {  	[tilespmem:s1], [sflag:$0x2] =	stream.indirect_vreg.gather [hbm4b:s5+s2], $0x80, v4, vm0, $0xb8;
	[tilespmem:$0x10100] =	vst v63  }
0x28c: {  	s13 =	simm.s32 $0x9900  }
0x28d: {  	[tilespmem:s13], [sflag:$0x2] =	stream.indirect_vreg.gather [hbm4b:s6+s2], $0x80, v4, vm0, $0xb8;
	[tilespmem:$0x10100] =	vst v63  }
0x28e: {  	s15 =	simm.s32 $0xA100  }
0x28f: {  	[tilespmem:s15], [sflag:$0x2] =	stream.indirect_vreg.gather [hbm4b:s3+s2], $0x80, v3, vm0, $0xb8;
	[tilespmem:$0x10100] =	vst v63  }
0x290: {  	s31 =	simm.s32 $0xA900  }
0x291: {  	[tilespmem:s31], [sflag:$0x2] =	stream.indirect_vreg.gather [hbm4b:s4+s2], $0x80, v3, vm0, $0xb8;
	[tilespmem:$0x10100] =	vst v63  }
0x292: {  	s7 =	simm.s32 $0xB100  }
0x293: {  	[tilespmem:s7], [sflag:$0x2] =	stream.indirect_vreg.gather [hbm4b:s5+s2], $0x80, v3, vm0, $0xb8;
	[tilespmem:$0x10100] =	vst v63  }
0x294: {  	s23 =	simm.s32 $0xB900  }
0x295: {  	[tilespmem:s23], [sflag:$0x2] =	stream.indirect_vreg.gather [hbm4b:s6+s2], $0x80, v3, vm0, $0xb8;
	[tilespmem:$0x10100] =	vst v63  }
0x296: {  	v3 =	vld [tilespmem:$0x90];
	_ =	sdelay $0x4  }
0x297: {  	v55 =	vshll.u32 v3, $0x3  }
0x298: {  	v3 =	vand.u32 $0x7, v3;
	v4 =	vand.u32 $0xFFFFFFC0, v55  }
0x299: {  	v3 =	vor.u32 v3, v4  }
0x29a: {  	v4 =	vperm.xlane v3, v0;
	_ =	sdelay $0x1  }
0x29b: {  	v4 =	vadd.s32 v1, v4;
	_ =	sdelay $0x3  }
0x29c: {  	s7 =	simm.s32 $0xC100  }
0x29d: {  	[tilespmem:s7], [sflag:$0x2] =	stream.indirect_vreg.gather [hbm4b:s3+s2], $0x80, v4, vm0, $0xb8;
	[tilespmem:$0x10100] =	vst v63  }
0x29e: {  	s23 =	simm.s32 $0xC900;
	v3 =	vperm.xlane v3, v2  }
0x29f: {  	[tilespmem:s23], [sflag:$0x2] =	stream.indirect_vreg.gather [hbm4b:s4+s2], $0x80, v4, vm0, $0xb8;
	[tilespmem:$0x10100] =	vst v63  }
0x2a0: {  	v3 =	vadd.s32 v1, v3;
	s7 =	simm.s32 $0xD100  }
0x2a1: {  	[tilespmem:s7], [sflag:$0x2] =	stream.indirect_vreg.gather [hbm4b:s5+s2], $0x80, v4, vm0, $0xb8;
	[tilespmem:$0x10100] =	vst v63  }
0x2a2: {  	s14 =	simm.s32 $0xD900  }
0x2a3: {  	[tilespmem:s14], [sflag:$0x2] =	stream.indirect_vreg.gather [hbm4b:s6+s2], $0x80, v4, vm0, $0xb8;
	[tilespmem:$0x10100] =	vst v63  }
0x2a4: {  	s10 =	simm.s32 $0xE100  }
0x2a5: {  	[tilespmem:s10], [sflag:$0x2] =	stream.indirect_vreg.gather [hbm4b:s3+s2], $0x80, v3, vm0, $0xb8;
	[tilespmem:$0x10100] =	vst v63  }
0x2a6: {  	s12 =	simm.s32 $0xE900  }
0x2a7: {  	[tilespmem:s12], [sflag:$0x2] =	stream.indirect_vreg.gather [hbm4b:s4+s2], $0x80, v3, vm0, $0xb8;
	[tilespmem:$0x10100] =	vst v63  }
0x2a8: {  	s10 =	simm.s32 $0xF100  }
0x2a9: {  	[tilespmem:s10], [sflag:$0x2] =	stream.indirect_vreg.gather [hbm4b:s5+s2], $0x80, v3, vm0, $0xb8;
	[tilespmem:$0x10100] =	vst v63  }
0x2aa: {  	s11 =	simm.s32 $0xF900  }
0x2ab: {  	[tilespmem:s11], [sflag:$0x2] =	stream.indirect_vreg.gather [hbm4b:s6+s2], $0x80, v3, vm0, $0xb8;
	[tilespmem:$0x10100] =	vst v63  }
0x2ac: {  	_ =	swait.ge [sflag:s19], $0x8000  }
0x2ad: {  	[sflag:s19] =	ssyncset.done $0x0  }
0x2ae: {  	s12 =	rddreg [dreg:$0x19];
	[sflag:s19] =	ssyncadd.s32 $0xFFFF8000  }
0x2af: {  	[hbm4b:s12+s2] =	stream.linear.scatter [tilespmem:s9], [sflag:$0x3], $0x8000, $0x38;
	[tilespmem:$0x10100] =	vst v63  }
0x2b0: {  	_ =	swait.ge [sflag:s20], $0x8000  }
0x2b1: {  	[sflag:s20] =	ssyncset.done $0x0  }
0x2b2: {  	s14 =	rddreg [dreg:$0x1a];
	[sflag:s20] =	ssyncadd.s32 $0xFFFF8000  }
0x2b3: {  	[tilespmem:s2], [sflag:$0x5] =	stream.linear.gather [hbm4b:s14+s2], $0x20, $0x38;
	[tilespmem:$0x10100] =	vst v63  }
0x2b4: {  	_ =	swait.ge [sflag:s8], $0x20  }
0x2b5: {  	[sflag:s8] =	ssyncset.done $0x0  }
0x2b6: {  	[sflag:s8] =	ssyncadd.s32 $0xFFFFFFE0  }
0x2b7: {  	v3 =	vld [tilespmem:$0x0];
	_ =	sdelay $0x4  }
0x2b8: {  	v56 =	vshll.u32 v3, $0x3  }
0x2b9: {  	v3 =	vand.u32 $0x7, v3;
	v4 =	vand.u32 $0xFFFFFFC0, v56  }
0x2ba: {  	v3 =	vor.u32 v3, v4  }
0x2bb: {  	v4 =	vperm.xlane v3, v0;
	_ =	sdelay $0x1  }
0x2bc: {  	v4 =	vadd.s32 v1, v4;
	_ =	sdelay $0x4  }
0x2bd: {  	[tilespmem:s9], [sflag:$0x1] =	stream.indirect_vreg.gather [hbm4b:s3+s2], $0x80, v4, vm0, $0xb8;
	[tilespmem:$0x10100] =	vst v63  }
0x2be: {  	s23 =	simm.s32 $0x900;
	v3 =	vperm.xlane v3, v2  }
0x2bf: {  	[tilespmem:s23], [sflag:$0x1] =	stream.indirect_vreg.gather [hbm4b:s4+s2], $0x80, v4, vm0, $0xb8;
	[tilespmem:$0x10100] =	vst v63  }
0x2c0: {  	s7 =	simm.s32 $0x1100;
	v3 =	vadd.s32 v1, v3  }
0x2c1: {  	[tilespmem:s7], [sflag:$0x1] =	stream.indirect_vreg.gather [hbm4b:s5+s2], $0x80, v4, vm0, $0xb8;
	[tilespmem:$0x10100] =	vst v63  }
0x2c2: {  	s10 =	simm.s32 $0x1900  }
0x2c3: {  	[tilespmem:s10], [sflag:$0x1] =	stream.indirect_vreg.gather [hbm4b:s6+s2], $0x80, v4, vm0, $0xb8;
	[tilespmem:$0x10100] =	vst v63  }
0x2c4: {  	s11 =	simm.s32 $0x2100  }
0x2c5: {  	[tilespmem:s11], [sflag:$0x1] =	stream.indirect_vreg.gather [hbm4b:s3+s2], $0x80, v3, vm0, $0xb8;
	[tilespmem:$0x10100] =	vst v63  }
0x2c6: {  	s12 =	simm.s32 $0x2900  }
0x2c7: {  	[tilespmem:s12], [sflag:$0x1] =	stream.indirect_vreg.gather [hbm4b:s4+s2], $0x80, v3, vm0, $0xb8;
	[tilespmem:$0x10100] =	vst v63  }
0x2c8: {  	s14 =	simm.s32 $0x3100  }
0x2c9: {  	[tilespmem:s14], [sflag:$0x1] =	stream.indirect_vreg.gather [hbm4b:s5+s2], $0x80, v3, vm0, $0xb8;
	[tilespmem:$0x10100] =	vst v63  }
0x2ca: {  	s23 =	simm.s32 $0x3900  }
0x2cb: {  	[tilespmem:s23], [sflag:$0x1] =	stream.indirect_vreg.gather [hbm4b:s6+s2], $0x80, v3, vm0, $0xb8;
	[tilespmem:$0x10100] =	vst v63  }
0x2cc: {  	v3 =	vld [tilespmem:$0x10];
	_ =	sdelay $0x4  }
0x2cd: {  	v57 =	vshll.u32 v3, $0x3  }
0x2ce: {  	v3 =	vand.u32 $0x7, v3;
	v4 =	vand.u32 $0xFFFFFFC0, v57  }
0x2cf: {  	v3 =	vor.u32 v3, v4  }
0x2d0: {  	v4 =	vperm.xlane v3, v0;
	_ =	sdelay $0x1  }
0x2d1: {  	v4 =	vadd.s32 v1, v4;
	_ =	sdelay $0x3  }
0x2d2: {  	s14 =	simm.s32 $0x4100  }
0x2d3: {  	[tilespmem:s14], [sflag:$0x1] =	stream.indirect_vreg.gather [hbm4b:s3+s2], $0x80, v4, vm0, $0xb8;
	[tilespmem:$0x10100] =	vst v63  }
0x2d4: {  	s23 =	simm.s32 $0x4900;
	v3 =	vperm.xlane v3, v2  }
0x2d5: {  	[tilespmem:s23], [sflag:$0x1] =	stream.indirect_vreg.gather [hbm4b:s4+s2], $0x80, v4, vm0, $0xb8;
	[tilespmem:$0x10100] =	vst v63  }
0x2d6: {  	s17 =	simm.s32 $0x5100;
	v3 =	vadd.s32 v1, v3  }
0x2d7: {  	[tilespmem:s17], [sflag:$0x1] =	stream.indirect_vreg.gather [hbm4b:s5+s2], $0x80, v4, vm0, $0xb8;
	[tilespmem:$0x10100] =	vst v63  }
0x2d8: {  	s18 =	simm.s32 $0x5900  }
0x2d9: {  	[tilespmem:s18], [sflag:$0x1] =	stream.indirect_vreg.gather [hbm4b:s6+s2], $0x80, v4, vm0, $0xb8;
	[tilespmem:$0x10100] =	vst v63  }
0x2da: {  	s24 =	simm.s32 $0x6100  }
0x2db: {  	[tilespmem:s24], [sflag:$0x1] =	stream.indirect_vreg.gather [hbm4b:s3+s2], $0x80, v3, vm0, $0xb8;
	[tilespmem:$0x10100] =	vst v63  }
0x2dc: {  	s25 =	simm.s32 $0x6900  }
0x2dd: {  	[tilespmem:s25], [sflag:$0x1] =	stream.indirect_vreg.gather [hbm4b:s4+s2], $0x80, v3, vm0, $0xb8;
	[tilespmem:$0x10100] =	vst v63  }
0x2de: {  	s28 =	simm.s32 $0x7100  }
0x2df: {  	[tilespmem:s28], [sflag:$0x1] =	stream.indirect_vreg.gather [hbm4b:s5+s2], $0x80, v3, vm0, $0xb8;
	[tilespmem:$0x10100] =	vst v63  }
0x2e0: {  	s29 =	simm.s32 $0x7900  }
0x2e1: {  	[tilespmem:s29], [sflag:$0x1] =	stream.indirect_vreg.gather [hbm4b:s6+s2], $0x80, v3, vm0, $0xb8;
	[tilespmem:$0x10100] =	vst v63  }
0x2e2: {  	_ =	swait.ge [sflag:s21], $0x8000  }
0x2e3: {  	[sflag:s21] =	ssyncset.done $0x0  }
0x2e4: {  	s29 =	rddreg [dreg:$0x1b];
	[sflag:s21] =	ssyncadd.s32 $0xFFFF8000  }
0x2e5: {  	[hbm4b:s29+s2] =	stream.linear.scatter [tilespmem:s26], [sflag:$0x4], $0x8000, $0x38;
	[tilespmem:$0x10100] =	vst v63  }
0x2e6: {  	_ =	swait.ge [sflag:s22], $0x8000  }
0x2e7: {  	[sflag:s22] =	ssyncset.done $0x0  }
0x2e8: {  	s0 =	simm.s32 $0x80;
	s11 =	rddreg [dreg:$0x1c];
	[sflag:s22] =	ssyncadd.s32 $0xFFFF8000  }
0x2e9: {  	[tilespmem:s0], [sflag:$0x5] =	stream.linear.gather [hbm4b:s11+s2], $0x20, $0x38;
	[tilespmem:$0x10100] =	vst v63  }
0x2ea: {  	_ =	swait.ge [sflag:s8], $0x20  }
0x2eb: {  	[sflag:s8] =	ssyncset.done $0x0  }
0x2ec: {  	[sflag:s8] =	ssyncadd.s32 $0xFFFFFFE0  }
0x2ed: {  	v3 =	vld [tilespmem:$0x80];
	_ =	sdelay $0x4  }
0x2ee: {  	v58 =	vshll.u32 v3, $0x3  }
0x2ef: {  	v3 =	vand.u32 $0x7, v3;
	v4 =	vand.u32 $0xFFFFFFC0, v58  }
0x2f0: {  	v3 =	vor.u32 v3, v4  }
0x2f1: {  	v4 =	vperm.xlane v3, v0;
	_ =	sdelay $0x1  }
0x2f2: {  	v4 =	vadd.s32 v1, v4;
	_ =	sdelay $0x4  }
0x2f3: {  	[tilespmem:s26], [sflag:$0x2] =	stream.indirect_vreg.gather [hbm4b:s3+s2], $0x80, v4, vm0, $0xb8;
	[tilespmem:$0x10100] =	vst v63  }
0x2f4: {  	s23 =	simm.s32 $0x8900;
	v3 =	vperm.xlane v3, v2  }
0x2f5: {  	[tilespmem:s23], [sflag:$0x2] =	stream.indirect_vreg.gather [hbm4b:s4+s2], $0x80, v4, vm0, $0xb8;
	[tilespmem:$0x10100] =	vst v63  }
0x2f6: {  	s16 =	simm.s32 $0x9100;
	v3 =	vadd.s32 v1, v3  }
0x2f7: {  	[tilespmem:s16], [sflag:$0x2] =	stream.indirect_vreg.gather [hbm4b:s5+s2], $0x80, v4, vm0, $0xb8;
	[tilespmem:$0x10100] =	vst v63  }
0x2f8: {  	s13 =	simm.s32 $0x9900  }
0x2f9: {  	[tilespmem:s13], [sflag:$0x2] =	stream.indirect_vreg.gather [hbm4b:s6+s2], $0x80, v4, vm0, $0xb8;
	[tilespmem:$0x10100] =	vst v63  }
0x2fa: {  	s15 =	simm.s32 $0xA100  }
0x2fb: {  	[tilespmem:s15], [sflag:$0x2] =	stream.indirect_vreg.gather [hbm4b:s3+s2], $0x80, v3, vm0, $0xb8;
	[tilespmem:$0x10100] =	vst v63  }
0x2fc: {  	s31 =	simm.s32 $0xA900  }
0x2fd: {  	[tilespmem:s31], [sflag:$0x2] =	stream.indirect_vreg.gather [hbm4b:s4+s2], $0x80, v3, vm0, $0xb8;
	[tilespmem:$0x10100] =	vst v63  }
0x2fe: {  	s29 =	simm.s32 $0xB100  }
0x2ff: {  	[tilespmem:s29], [sflag:$0x2] =	stream.indirect_vreg.gather [hbm4b:s5+s2], $0x80, v3, vm0, $0xb8;
	[tilespmem:$0x10100] =	vst v63  }
0x300: {  	s31 =	simm.s32 $0xB900  }
0x301: {  	[tilespmem:s31], [sflag:$0x2] =	stream.indirect_vreg.gather [hbm4b:s6+s2], $0x80, v3, vm0, $0xb8;
	[tilespmem:$0x10100] =	vst v63  }
0x302: {  	v3 =	vld [tilespmem:$0x90];
	_ =	sdelay $0x4  }
0x303: {  	v59 =	vshll.u32 v3, $0x3  }
0x304: {  	v3 =	vand.u32 $0x7, v3;
	v4 =	vand.u32 $0xFFFFFFC0, v59  }
0x305: {  	v3 =	vor.u32 v3, v4  }
0x306: {  	v4 =	vperm.xlane v3, v0;
	_ =	sdelay $0x1  }
0x307: {  	v4 =	vadd.s32 v1, v4;
	_ =	sdelay $0x3  }
0x308: {  	s31 =	simm.s32 $0xC100  }
0x309: {  	[tilespmem:s31], [sflag:$0x2] =	stream.indirect_vreg.gather [hbm4b:s3+s2], $0x80, v4, vm0, $0xb8;
	[tilespmem:$0x10100] =	vst v63  }
0x30a: {  	v3 =	vperm.xlane v3, v2;
	s31 =	simm.s32 $0xC900  }
0x30b: {  	[tilespmem:s31], [sflag:$0x2] =	stream.indirect_vreg.gather [hbm4b:s4+s2], $0x80, v4, vm0, $0xb8;
	[tilespmem:$0x10100] =	vst v63  }
0x30c: {  	v3 =	vadd.s32 v1, v3;
	s31 =	simm.s32 $0xD100  }
0x30d: {  	[tilespmem:s31], [sflag:$0x2] =	stream.indirect_vreg.gather [hbm4b:s5+s2], $0x80, v4, vm0, $0xb8;
	[tilespmem:$0x10100] =	vst v63  }
0x30e: {  	s31 =	simm.s32 $0xD900  }
0x30f: {  	[tilespmem:s31], [sflag:$0x2] =	stream.indirect_vreg.gather [hbm4b:s6+s2], $0x80, v4, vm0, $0xb8;
	[tilespmem:$0x10100] =	vst v63  }
0x310: {  	s23 =	simm.s32 $0xE100  }
0x311: {  	[tilespmem:s23], [sflag:$0x2] =	stream.indirect_vreg.gather [hbm4b:s3+s2], $0x80, v3, vm0, $0xb8;
	[tilespmem:$0x10100] =	vst v63  }
0x312: {  	s23 =	simm.s32 $0xE900  }
0x313: {  	[tilespmem:s23], [sflag:$0x2] =	stream.indirect_vreg.gather [hbm4b:s4+s2], $0x80, v3, vm0, $0xb8;
	[tilespmem:$0x10100] =	vst v63  }
0x314: {  	s23 =	simm.s32 $0xF100  }
0x315: {  	[tilespmem:s23], [sflag:$0x2] =	stream.indirect_vreg.gather [hbm4b:s5+s2], $0x80, v3, vm0, $0xb8;
	[tilespmem:$0x10100] =	vst v63  }
0x316: {  	s23 =	simm.s32 $0xF900  }
0x317: {  	[tilespmem:s23], [sflag:$0x2] =	stream.indirect_vreg.gather [hbm4b:s6+s2], $0x80, v3, vm0, $0xb8;
	[tilespmem:$0x10100] =	vst v63  }
0x318: {  	_ =	swait.ge [sflag:s19], $0x8000  }
0x319: {  	[sflag:s19] =	ssyncset.done $0x0  }
0x31a: {  	s23 =	rddreg [dreg:$0x1d];
	[sflag:s19] =	ssyncadd.s32 $0xFFFF8000  }
0x31b: {  	[hbm4b:s23+s2] =	stream.linear.scatter [tilespmem:s9], [sflag:$0x3], $0x8000, $0x38;
	[tilespmem:$0x10100] =	vst v63  }
0x31c: {  	_ =	swait.ge [sflag:s20], $0x8000  }
0x31d: {  	[sflag:s20] =	ssyncset.done $0x0  }
0x31e: {  	s23 =	rddreg [dreg:$0x1e];
	[sflag:s20] =	ssyncadd.s32 $0xFFFF8000  }
0x31f: {  	[tilespmem:s2], [sflag:$0x5] =	stream.linear.gather [hbm4b:s23+s2], $0x20, $0x38;
	[tilespmem:$0x10100] =	vst v63  }
0x320: {  	_ =	swait.ge [sflag:s8], $0x20  }
0x321: {  	[sflag:s8] =	ssyncset.done $0x0  }
0x322: {  	[sflag:s8] =	ssyncadd.s32 $0xFFFFFFE0  }
0x323: {  	v3 =	vld [tilespmem:$0x0];
	_ =	sdelay $0x4  }
0x324: {  	v60 =	vshll.u32 v3, $0x3  }
0x325: {  	v3 =	vand.u32 $0x7, v3;
	v4 =	vand.u32 $0xFFFFFFC0, v60  }
0x326: {  	v3 =	vor.u32 v3, v4  }
0x327: {  	v4 =	vperm.xlane v3, v0;
	_ =	sdelay $0x1  }
0x328: {  	v4 =	vadd.s32 v1, v4;
	_ =	sdelay $0x4  }
0x329: {  	[tilespmem:s9], [sflag:$0x1] =	stream.indirect_vreg.gather [hbm4b:s3+s2], $0x80, v4, vm0, $0xb8;
	[tilespmem:$0x10100] =	vst v63  }
0x32a: {  	s23 =	simm.s32 $0x900;
	v3 =	vperm.xlane v3, v2  }
0x32b: {  	[tilespmem:s23], [sflag:$0x1] =	stream.indirect_vreg.gather [hbm4b:s4+s2], $0x80, v4, vm0, $0xb8;
	[tilespmem:$0x10100] =	vst v63  }
0x32c: {  	v3 =	vadd.s32 v1, v3;
	s23 =	simm.s32 $0x1100  }
0x32d: {  	[tilespmem:s23], [sflag:$0x1] =	stream.indirect_vreg.gather [hbm4b:s5+s2], $0x80, v4, vm0, $0xb8;
	[tilespmem:$0x10100] =	vst v63  }
0x32e: {  	s1 =	simm.s32 $0x1900  }
0x32f: {  	[tilespmem:s1], [sflag:$0x1] =	stream.indirect_vreg.gather [hbm4b:s6+s2], $0x80, v4, vm0, $0xb8;
	[tilespmem:$0x10100] =	vst v63  }
0x330: {  	s7 =	simm.s32 $0x2100  }
0x331: {  	[tilespmem:s7], [sflag:$0x1] =	stream.indirect_vreg.gather [hbm4b:s3+s2], $0x80, v3, vm0, $0xb8;
	[tilespmem:$0x10100] =	vst v63  }
0x332: {  	s10 =	simm.s32 $0x2900  }
0x333: {  	[tilespmem:s10], [sflag:$0x1] =	stream.indirect_vreg.gather [hbm4b:s4+s2], $0x80, v3, vm0, $0xb8;
	[tilespmem:$0x10100] =	vst v63  }
0x334: {  	s12 =	simm.s32 $0x3100  }
0x335: {  	[tilespmem:s12], [sflag:$0x1] =	stream.indirect_vreg.gather [hbm4b:s5+s2], $0x80, v3, vm0, $0xb8;
	[tilespmem:$0x10100] =	vst v63  }
0x336: {  	s12 =	simm.s32 $0x3900  }
0x337: {  	[tilespmem:s12], [sflag:$0x1] =	stream.indirect_vreg.gather [hbm4b:s6+s2], $0x80, v3, vm0, $0xb8;
	[tilespmem:$0x10100] =	vst v63  }
0x338: {  	v3 =	vld [tilespmem:$0x10];
	_ =	sdelay $0x4  }
0x339: {  	v61 =	vshll.u32 v3, $0x3  }
0x33a: {  	v3 =	vand.u32 $0x7, v3;
	v4 =	vand.u32 $0xFFFFFFC0, v61  }
0x33b: {  	v3 =	vor.u32 v3, v4  }
0x33c: {  	v4 =	vperm.xlane v3, v0;
	_ =	sdelay $0x1  }
0x33d: {  	v4 =	vadd.s32 v1, v4;
	_ =	sdelay $0x3  }
0x33e: {  	s23 =	simm.s32 $0x4100  }
0x33f: {  	[tilespmem:s23], [sflag:$0x1] =	stream.indirect_vreg.gather [hbm4b:s3+s2], $0x80, v4, vm0, $0xb8;
	[tilespmem:$0x10100] =	vst v63  }
0x340: {  	s7 =	simm.s32 $0x4900;
	v3 =	vperm.xlane v3, v2  }
0x341: {  	[tilespmem:s7], [sflag:$0x1] =	stream.indirect_vreg.gather [hbm4b:s4+s2], $0x80, v4, vm0, $0xb8;
	[tilespmem:$0x10100] =	vst v63  }
0x342: {  	s14 =	simm.s32 $0x5100;
	v3 =	vadd.s32 v1, v3  }
0x343: {  	[tilespmem:s14], [sflag:$0x1] =	stream.indirect_vreg.gather [hbm4b:s5+s2], $0x80, v4, vm0, $0xb8;
	[tilespmem:$0x10100] =	vst v63  }
0x344: {  	s17 =	simm.s32 $0x5900  }
0x345: {  	[tilespmem:s17], [sflag:$0x1] =	stream.indirect_vreg.gather [hbm4b:s6+s2], $0x80, v4, vm0, $0xb8;
	[tilespmem:$0x10100] =	vst v63  }
0x346: {  	s18 =	simm.s32 $0x6100  }
0x347: {  	[tilespmem:s18], [sflag:$0x1] =	stream.indirect_vreg.gather [hbm4b:s3+s2], $0x80, v3, vm0, $0xb8;
	[tilespmem:$0x10100] =	vst v63  }
0x348: {  	s24 =	simm.s32 $0x6900  }
0x349: {  	[tilespmem:s24], [sflag:$0x1] =	stream.indirect_vreg.gather [hbm4b:s4+s2], $0x80, v3, vm0, $0xb8;
	[tilespmem:$0x10100] =	vst v63  }
0x34a: {  	s25 =	simm.s32 $0x7100  }
0x34b: {  	[tilespmem:s25], [sflag:$0x1] =	stream.indirect_vreg.gather [hbm4b:s5+s2], $0x80, v3, vm0, $0xb8;
	[tilespmem:$0x10100] =	vst v63  }
0x34c: {  	s28 =	simm.s32 $0x7900  }
0x34d: {  	[tilespmem:s28], [sflag:$0x1] =	stream.indirect_vreg.gather [hbm4b:s6+s2], $0x80, v3, vm0, $0xb8;
	[tilespmem:$0x10100] =	vst v63  }
0x34e: {  	_ =	swait.ge [sflag:s21], $0x8000  }
0x34f: {  	[sflag:s21] =	ssyncset.done $0x0  }
0x350: {  	s10 =	rddreg [dreg:$0x1f];
	[sflag:s21] =	ssyncadd.s32 $0xFFFF8000  }
0x351: {  	[hbm4b:s10+s2] =	stream.linear.scatter [tilespmem:s26], [sflag:$0x4], $0x8000, $0x38;
	[tilespmem:$0x10100] =	vst v63  }
0x352: {  	_ =	swait.ge [sflag:s22], $0x8000  }
0x353: {  	s12 =	sld [smem:$0x7FB]  }
0x354: {  	[sflag:s22] =	ssyncset.done $0x0  }
0x355: {  	s11 =	simm.s32 $0x80;
	[sflag:s22] =	ssyncadd.s32 $0xFFFF8000  }
0x356: {  	[tilespmem:s11], [sflag:$0x5] =	stream.linear.gather [hbm4b:s12+s2], $0x20, $0x38;
	[tilespmem:$0x10100] =	vst v63  }
0x357: {  	_ =	swait.ge [sflag:s8], $0x20  }
0x358: {  	[sflag:s8] =	ssyncset.done $0x0  }
0x359: {  	[sflag:s8] =	ssyncadd.s32 $0xFFFFFFE0  }
0x35a: {  	v3 =	vld [tilespmem:$0x80];
	_ =	sdelay $0x4  }
0x35b: {  	v62 =	vshll.u32 v3, $0x3  }
0x35c: {  	v3 =	vand.u32 $0x7, v3;
	v4 =	vand.u32 $0xFFFFFFC0, v62  }
0x35d: {  	v3 =	vor.u32 v3, v4  }
0x35e: {  	v4 =	vperm.xlane v3, v0;
	_ =	sdelay $0x1  }
0x35f: {  	v4 =	vadd.s32 v1, v4;
	_ =	sdelay $0x4  }
0x360: {  	[tilespmem:s26], [sflag:$0x2] =	stream.indirect_vreg.gather [hbm4b:s3+s2], $0x80, v4, vm0, $0xb8;
	[tilespmem:$0x10100] =	vst v63  }
0x361: {  	s14 =	simm.s32 $0x8900;
	v3 =	vperm.xlane v3, v2  }
0x362: {  	[tilespmem:s14], [sflag:$0x2] =	stream.indirect_vreg.gather [hbm4b:s4+s2], $0x80, v4, vm0, $0xb8;
	[tilespmem:$0x10100] =	vst v63  }
0x363: {  	s0 =	simm.s32 $0x9100;
	v3 =	vadd.s32 v1, v3  }
0x364: {  	[tilespmem:s0], [sflag:$0x2] =	stream.indirect_vreg.gather [hbm4b:s5+s2], $0x80, v4, vm0, $0xb8;
	[tilespmem:$0x10100] =	vst v63  }
0x365: {  	s16 =	simm.s32 $0x9900  }
0x366: {  	[tilespmem:s16], [sflag:$0x2] =	stream.indirect_vreg.gather [hbm4b:s6+s2], $0x80, v4, vm0, $0xb8;
	[tilespmem:$0x10100] =	vst v63  }
0x367: {  	s13 =	simm.s32 $0xA100  }
0x368: {  	[tilespmem:s13], [sflag:$0x2] =	stream.indirect_vreg.gather [hbm4b:s3+s2], $0x80, v3, vm0, $0xb8;
	[tilespmem:$0x10100] =	vst v63  }
0x369: {  	s15 =	simm.s32 $0xA900  }
0x36a: {  	[tilespmem:s15], [sflag:$0x2] =	stream.indirect_vreg.gather [hbm4b:s4+s2], $0x80, v3, vm0, $0xb8;
	[tilespmem:$0x10100] =	vst v63  }
0x36b: {  	s29 =	simm.s32 $0xB100  }
0x36c: {  	[tilespmem:s29], [sflag:$0x2] =	stream.indirect_vreg.gather [hbm4b:s5+s2], $0x80, v3, vm0, $0xb8;
	[tilespmem:$0x10100] =	vst v63  }
0x36d: {  	s15 =	simm.s32 $0xB900  }
0x36e: {  	[tilespmem:s15], [sflag:$0x2] =	stream.indirect_vreg.gather [hbm4b:s6+s2], $0x80, v3, vm0, $0xb8;
	[tilespmem:$0x10100] =	vst v63  }
0x36f: {  	v3 =	vld [tilespmem:$0x90];
	_ =	sdelay $0x4  }
0x370: {  	v63 =	vshll.u32 v3, $0x3  }
0x371: {  	v3 =	vand.u32 $0x7, v3;
	v4 =	vand.u32 $0xFFFFFFC0, v63  }
0x372: {  	v3 =	vor.u32 v3, v4  }
0x373: {  	v4 =	vperm.xlane v3, v0;
	_ =	sdelay $0x1  }
0x374: {  	v4 =	vadd.s32 v1, v4;
	_ =	sdelay $0x3  }
0x375: {  	s16 =	simm.s32 $0xC100  }
0x376: {  	[tilespmem:s16], [sflag:$0x2] =	stream.indirect_vreg.gather [hbm4b:s3+s2], $0x80, v4, vm0, $0xb8;
	[tilespmem:$0x10100] =	vst v63  }
0x377: {  	s17 =	simm.s32 $0xC900;
	v3 =	vperm.xlane v3, v2  }
0x378: {  	[tilespmem:s17], [sflag:$0x2] =	stream.indirect_vreg.gather [hbm4b:s4+s2], $0x80, v4, vm0, $0xb8;
	[tilespmem:$0x10100] =	vst v63  }
0x379: {  	s18 =	simm.s32 $0xD100;
	v3 =	vadd.s32 v1, v3  }
0x37a: {  	[tilespmem:s18], [sflag:$0x2] =	stream.indirect_vreg.gather [hbm4b:s5+s2], $0x80, v4, vm0, $0xb8;
	[tilespmem:$0x10100] =	vst v63  }
0x37b: {  	s31 =	simm.s32 $0xD900  }
0x37c: {  	[tilespmem:s31], [sflag:$0x2] =	stream.indirect_vreg.gather [hbm4b:s6+s2], $0x80, v4, vm0, $0xb8;
	[tilespmem:$0x10100] =	vst v63  }
0x37d: {  	s23 =	simm.s32 $0xE100  }
0x37e: {  	[tilespmem:s23], [sflag:$0x2] =	stream.indirect_vreg.gather [hbm4b:s3+s2], $0x80, v3, vm0, $0xb8;
	[tilespmem:$0x10100] =	vst v63  }
0x37f: {  	s24 =	simm.s32 $0xE900  }
0x380: {  	[tilespmem:s24], [sflag:$0x2] =	stream.indirect_vreg.gather [hbm4b:s4+s2], $0x80, v3, vm0, $0xb8;
	[tilespmem:$0x10100] =	vst v63  }
0x381: {  	s25 =	simm.s32 $0xF100  }
0x382: {  	[tilespmem:s25], [sflag:$0x2] =	stream.indirect_vreg.gather [hbm4b:s5+s2], $0x80, v3, vm0, $0xb8;
	[tilespmem:$0x10100] =	vst v63  }
0x383: {  	s28 =	simm.s32 $0xF900  }
0x384: {  	[tilespmem:s28], [sflag:$0x2] =	stream.indirect_vreg.gather [hbm4b:s6+s2], $0x80, v3, vm0, $0xb8;
	[tilespmem:$0x10100] =	vst v63  }
0x385: {  	_ =	swait.ge [sflag:s19], $0x8000  }
0x386: {  	s29 =	sld [smem:$0x7FC]  }
0x387: {  	[sflag:s19] =	ssyncset.done $0x0  }
0x388: {  	[sflag:s19] =	ssyncadd.s32 $0xFFFF8000  }
0x389: {  	[hbm4b:s29+s2] =	stream.linear.scatter [tilespmem:s9], [sflag:$0x3], $0x8000, $0x38;
	[tilespmem:$0x10100] =	vst v63  }
0x38a: {  	_ =	swait.ge [sflag:s21], $0x8000  }
0x38b: {  	s31 =	sld [smem:$0x7FD]  }
0x38c: {  	[sflag:s21] =	ssyncset.done $0x0  }
0x38d: {  	[sflag:s21] =	ssyncadd.s32 $0xFFFF8000  }
0x38e: {  	[hbm4b:s31+s2] =	stream.linear.scatter [tilespmem:s26], [sflag:$0x5], $0x8000, $0x38;
	[tilespmem:$0x10100] =	vst v63  }
0x38f: {  	p0 =	sne.s32 s30, $0x1;
	_ =	swait.ge [sflag:s8], $0x8000  }
.Ltmp0:
0x390: {  	[sflag:s8] =	ssyncset.done $0x0;
	(pc) =	sbr.rel @p0 .LBB2_1-.Ltmp0, $4  }
0x391: {  	[sflag:s8] =	ssyncadd.s32 $0xFFFF8000  }
0x392: {  	_ =	swait.ge [sflag:s20], $0x8000  }
0x393: {  	[sflag:s20] =	ssyncset.done $0x0  }
0x394: {  	s30 =	sadd.s32 $0xFFFFFFFF, s30;
	[sflag:s20] =	ssyncadd.s32 $0xFFFF8000  }
0x395: {  	_ =	sfence.sel $0x180000  }
0x396: {  	[bflag:$0x0] =	sbarrier.arrive $0xFFFF  }
0x397: {  	_ =	strace $0x9000004A  }
0x398: {  	s0 =	stileid.u32;
	[bflag:$0x2] =	sbarrier.arrive $0xFFFF  }
0x399: {  	p0 =	sne.s32 s0, $0x0;
	s0 =	rddreg [dreg:$0x2]  }
0x39a: {  	s0 =	sadd.s32 @!p0 $0x100000, s0  }
0x39b: {  	[sflag:s0] =	ssyncadd.tile.s32 @!p0 $0x1;
	_ =	shalt  }
.Lfunc_end2:
_tile_overlayer_lowered:
.L_overlay_start_2:
0x39c: {  	(tag) =	ssettag $0x2  }
0x39d: {  	s0 =	rddreg [dreg:$0x0];
	s2 =	stileid.u32  }
0x39e: {  	s1 =	rddreg [dreg:$0x1];
	p0 =	sne.s32 s2, $0x0  }
0x39f: {  	s3 =	rddreg [dreg:$0x2];
	[bflag:$0x3] =	sbarrier.arrive $0xFFFF;
	s2 =	simm.s32 @!p0 $0x1C05  }
0x3a0: {  	[timem:s3], [sflag:s2] =	dma.local @!p0 [hbm:s0], s1  }
0x3a1: {  	s0 =	simm.s32 @!p0 $0x5  }
0x3a2: {  	_ =	swait.ge @!p0 [sflag:s0], s1  }
0x3a3: {  	s1 =	ssub.s32 @!p0 $0x0, s1;
	[sflag:s0] =	ssyncset.done @!p0 $0x0  }
0x3a4: {  	[sflag:s0] =	ssyncadd.s32 @!p0 s1  }
0x3a5: {  	[bflag:$0x3] =	sbarrier.arrive $0xFFFF  }
0x3a6: {  	_ =	shalt  }

</sc_bundles>
